<compile_context>
chip_gen: v7x
topology: tpu7x:2x2x1
jax: 0.10.2.dev20260603
libtpu: 0.0.44.dev20260713+nightly
codegen_flags: <defaults>
</compile_context>

<pallas_src>
import jax
import jax.numpy as jnp
from jax import lax
from jax.experimental import pallas as pl
from jax.experimental.pallas import tpu as pltpu
from jax.experimental.pallas import tpu_sc as plsc

_N = 10000
_C = 128
_H = 32
_K = 43
_EPS = 1e-5



def _fc1_body(feat_ref, w_ref, g_ref, b_ref, out_ref):
    f = feat_ref[...]
    w = w_ref[...]
    xw = lax.dot_general(f, w, (((1,), (1,)), ((), ())),
                         preferred_element_type=jnp.float32)
    s = jnp.sum(f, axis=0, keepdims=True)
    mean = lax.dot_general(s, w, (((1,), (1,)), ((), ()))) / _N
    gram = lax.dot_general(f, f, (((0,), (0,)), ((), ())),
                           preferred_element_type=jnp.float32)
    m = lax.dot_general(w, gram, (((1,), (0,)), ((), ())),
                        preferred_element_type=jnp.float32)
    q = (jnp.sum(m * w, axis=1) / _N)[None, :]
    var = q - mean * mean
    scale = g_ref[...] * lax.rsqrt(var + _EPS)
    shift = b_ref[...] - mean * scale
    out_ref[...] = jnp.maximum(xw * scale + shift, 0.0)


def _fc1(feat, w1, g1, b1):
    return pl.pallas_call(
        _fc1_body,
        out_shape=jax.ShapeDtypeStruct((_N, _C), jnp.float32),
    )(feat, w1, g1, b1)



_NW = 32
_ECH = 128
_NSL = 5
_PSL = _N // _NSL
_ESL = _PSL * _H
_NCHS = _ESL // _ECH
_NCHW = _NCHS // _NW
_LEFT = _NCHS - _NCHW * _NW


def _sc_gather_body(xt_ref, ct_ref, idx_ref, nf_ref, np_ref,
                    idx0, idx1, rows0, rows1, crows0, crows1,
                    semf0, semf1, semc0, semc1):
    cid = lax.axis_index("c")
    sid = lax.axis_index("s")
    wid = sid * 2 + cid

    def fire(j, idx_v, rows_v, crows_v, semf, semc):
        base = (j * _NW + wid) * _ECH
        pltpu.sync_copy(idx_ref.at[pl.ds(base, _ECH)], idx_v)
        pltpu.async_copy(xt_ref.at[idx_v], rows_v, semf)
        pltpu.async_copy(ct_ref.at[idx_v], crows_v, semc)

    def drain(j, idx_v, rows_v, crows_v, semf, semc):
        base = (j * _NW + wid) * _ECH
        pltpu.make_async_copy(xt_ref.at[idx_v], rows_v, semf).wait()
        pltpu.make_async_copy(ct_ref.at[idx_v], crows_v, semc).wait()
        pltpu.sync_copy(rows_v, nf_ref.at[pl.ds(base, _ECH)])
        pltpu.sync_copy(crows_v, np_ref.at[pl.ds(base, _ECH)])

    fire(0, idx0, rows0, crows0, semf0, semc0)

    def step(jp, carry):
        j1 = 2 * jp + 1
        j2 = 2 * jp + 2

        @pl.when(j1 < _NCHW)
        def _():
            fire(j1, idx1, rows1, crows1, semf1, semc1)

        drain(2 * jp, idx0, rows0, crows0, semf0, semc0)

        @pl.when(j2 < _NCHW)
        def _():
            fire(j2, idx0, rows0, crows0, semf0, semc0)

        @pl.when(j1 < _NCHW)
        def _():
            drain(j1, idx1, rows1, crows1, semf1, semc1)

        return carry

    lax.fori_loop(0, (_NCHW + 1) // 2, step, 0)

    @pl.when(wid < _LEFT)
    def _():
        fire(_NCHW, idx0, rows0, crows0, semf0, semc0)
        drain(_NCHW, idx0, rows0, crows0, semf0, semc0)


def _sc_gather_both(x1, coordpad128, idx_slice):
    k = pl.kernel(
        _sc_gather_body,
        out_type=[jax.ShapeDtypeStruct((_ESL, _C), jnp.float32),
                  jax.ShapeDtypeStruct((_ESL, 128), jnp.float32)],
        mesh=plsc.VectorSubcoreMesh(core_axis_name="c", subcore_axis_name="s"),
        scratch_types=[pltpu.VMEM((_ECH,), jnp.int32),
                       pltpu.VMEM((_ECH,), jnp.int32),
                       pltpu.VMEM((_ECH, _C), jnp.float32),
                       pltpu.VMEM((_ECH, _C), jnp.float32),
                       pltpu.VMEM((_ECH, 128), jnp.float32),
                       pltpu.VMEM((_ECH, 128), jnp.float32),
                       pltpu.SemaphoreType.DMA,
                       pltpu.SemaphoreType.DMA,
                       pltpu.SemaphoreType.DMA,
                       pltpu.SemaphoreType.DMA],
    )
    return k(x1, coordpad128, idx_slice)



_P = 200
_E = _P * _H
_NB = _N // _P


def _conv_body(nf_ref, np_ref, cp_ref, kpt_ref, w_ref, out_ref):
    npos = np_ref[...][:, 0:16]
    ctr = cp_ref[...]
    rel = (npos.reshape(_P, _H, 16) - ctr.reshape(_P, 1, 16)).reshape(_E, 16)
    kpt = kpt_ref[...]
    rn2 = jnp.sum(rel * rel, axis=1, keepdims=True)
    dotp = lax.dot_general(rel, kpt, (((1,), (0,)), ((), ())),
                           precision=lax.Precision.HIGHEST,
                           preferred_element_type=jnp.float32)
    kn2 = jnp.sum(kpt * kpt, axis=0, keepdims=True)
    sq = jnp.maximum(rn2 - 2.0 * dotp + kn2, 0.0)
    infl = jnp.maximum(1.0 - jnp.sqrt(sq), 0.0)
    coeff = lax.dot_general(infl.astype(jnp.bfloat16), w_ref[...],
                            (((1,), (0,)), ((), ())),
                            preferred_element_type=jnp.float32)
    prod = coeff * nf_ref[...]
    out_ref[...] = jnp.sum(prod.reshape(_P, _H, _C), axis=1)


def _conv(nf, npos, coord_slice, kpt, wb):
    return pl.pallas_call(
        _conv_body,
        grid=(_PSL // _P,),
        in_specs=[
            pl.BlockSpec((_E, _C), lambda i: (i, 0)),
            pl.BlockSpec((_E, 128), lambda i: (i, 0)),
            pl.BlockSpec((_P, 16), lambda i: (i, 0)),
            pl.BlockSpec((16, _K), lambda i: (0, 0)),
            pl.BlockSpec((_K, _C), lambda i: (0, 0)),
        ],
        out_specs=pl.BlockSpec((_P, _C), lambda i: (i, 0)),
        out_shape=jax.ShapeDtypeStruct((_PSL, _C), jnp.float32),
    )(nf, npos, coord_slice, kpt, wb)




def _tail_body(y0_ref, y1_ref, y2_ref, y3_ref, y4_ref, feat_ref, w_ref,
               g2_ref, b2_ref, g3_ref, b3_ref, out_ref):
    y0 = jnp.concatenate([y0_ref[...], y1_ref[...], y2_ref[...],
                          y3_ref[...], y4_ref[...]], axis=0)
    mean2 = jnp.mean(y0, axis=0, keepdims=True)
    var2 = jnp.mean(y0 * y0, axis=0, keepdims=True) - mean2 * mean2
    y = jnp.maximum((y0 - mean2) * lax.rsqrt(var2 + _EPS) * g2_ref[...]
                    + b2_ref[...], 0.0)
    w = w_ref[...]
    z = lax.dot_general(y, w, (((1,), (1,)), ((), ())),
                        preferred_element_type=jnp.float32)
    s3 = jnp.sum(y, axis=0, keepdims=True)
    mean3 = lax.dot_general(s3, w, (((1,), (1,)), ((), ()))) / _N
    gram = lax.dot_general(y, y, (((0,), (0,)), ((), ())),
                           preferred_element_type=jnp.float32)
    m = lax.dot_general(w, gram, (((1,), (0,)), ((), ())),
                        preferred_element_type=jnp.float32)
    q = (jnp.sum(m * w, axis=1) / _N)[None, :]
    var3 = q - mean3 * mean3
    scale = g3_ref[...] * lax.rsqrt(var3 + _EPS)
    shift = b3_ref[...] - mean3 * scale
    out_ref[...] = jnp.maximum(feat_ref[...] + z * scale + shift, 0.0)


def _tail(ys, feat, w3, g2, b2, g3, b3):
    return pl.pallas_call(
        _tail_body,
        out_shape=jax.ShapeDtypeStruct((_N, _C), jnp.float32),
    )(*ys, feat, w3, g2, b2, g3, b3)




def kernel(coord, feat, offset, reference_index, W_fc1, W_fc3,
           kernel_points, conv_weights,
           gamma1, beta1, gamma2, beta2, gamma3, beta3):
    coordpad = jnp.pad(coord, ((0, 0), (0, 13)))
    coordpad128 = jnp.pad(coord, ((0, 0), (0, 125)))
    kpt = jnp.pad(kernel_points, ((0, 0), (0, 13))).T
    idx_flat = reference_index.reshape(-1)
    wb = conv_weights.astype(jnp.bfloat16)

    x1 = _fc1(feat, W_fc1, gamma1.reshape(1, -1), beta1.reshape(1, -1))
    ys = []
    for s in range(_NSL):
        idx_s = idx_flat[s * _ESL:(s + 1) * _ESL]
        nf_s, np_s = _sc_gather_both(x1, coordpad128, idx_s)
        ys.append(_conv(nf_s, np_s,
                        coordpad[s * _PSL:(s + 1) * _PSL], kpt, wb))
    x = _tail(ys, feat, W_fc3, gamma2.reshape(1, -1), beta2.reshape(1, -1),
              gamma3.reshape(1, -1), beta3.reshape(1, -1))
    return (coord, x, offset)

# --- scband reference (transcript-rebuilt; emitter-appended) ---
"""Pipeline reference for scband-block-3822520893918 (READ-ONLY COPY).

The authoritative reference and input builder live on the scoring server;
editing this copy changes nothing except your own understanding.
"""

import jax, jax.numpy as jnp
import numpy as np

N = 10000
C = 128
H = 32
K = 43  # sum(shell_sizes) = 1 + 14 + 28
SIGMA = 1.0


def batch_norm(x, gamma, beta, eps=1e-5):
    # PointBatchNorm / nn.BatchNorm1d in training mode on [B*N, C]
    mean = jnp.mean(x, axis=0)
    var = jnp.var(x, axis=0)
    return gamma * (x - mean) / jnp.sqrt(var + eps) + beta


def setup_inputs(seed: int = 0) -> dict:
    key = jax.random.key(seed)
    ks = jax.random.split(key, 10)
    coord = jax.random.uniform(ks[0], (N, 3), dtype=jnp.float32) * 2.0
    feat = jax.random.normal(ks[1], (N, C), dtype=jnp.float32)
    offset = jnp.array([N], dtype=jnp.int32)
    reference_index = jax.random.randint(ks[2], (N, H), 0, N, dtype=jnp.int32)
    # kernel point disposition: shells [1, 14, 28] at radii [0, 0.5, 1.0] * radius
    kp0 = jnp.zeros((1, 3), dtype=jnp.float32)
    d1 = jax.random.normal(ks[3], (14, 3), dtype=jnp.float32)
    kp1 = d1 / jnp.linalg.norm(d1, axis=1, keepdims=True) * (0.5 * SIGMA)
    d2 = jax.random.normal(ks[4], (28, 3), dtype=jnp.float32)
    kp2 = d2 / jnp.linalg.norm(d2, axis=1, keepdims=True) * (1.0 * SIGMA)
    kernel_points = jnp.concatenate([kp0, kp1, kp2], axis=0)  # [K, 3]
    conv_weights = jax.random.normal(ks[5], (K, C), dtype=jnp.float32) / np.sqrt(K)
    W_fc1 = jax.random.normal(ks[6], (C, C), dtype=jnp.float32) / np.sqrt(C)
    W_fc3 = jax.random.normal(ks[7], (C, C), dtype=jnp.float32) / np.sqrt(C)
    gamma1 = jnp.ones((C,), dtype=jnp.float32)
    beta1 = jnp.zeros((C,), dtype=jnp.float32)
    gamma2 = jnp.ones((C,), dtype=jnp.float32)
    beta2 = jnp.zeros((C,), dtype=jnp.float32)
    gamma3 = jnp.ones((C,), dtype=jnp.float32)
    beta3 = jnp.zeros((C,), dtype=jnp.float32)
    return {
        'coord': coord, 'feat': feat, 'offset': offset,
        'reference_index': reference_index,
        'W_fc1': W_fc1, 'W_fc3': W_fc3,
        'kernel_points': kernel_points, 'conv_weights': conv_weights,
        'gamma1': gamma1, 'beta1': beta1,
        'gamma2': gamma2, 'beta2': beta2,
        'gamma3': gamma3, 'beta3': beta3,
    }


def kpconvd(coord, x, reference_index, kernel_points, conv_weights):
    # depthwise kernel-point convolution (KPConvD, Cmid=0, linear influence)
    neighb_pos = coord[reference_index]                    # [N, H, 3] gather
    rel = neighb_pos - coord[:, None, :]                   # [N, H, 3]
    diff = rel[:, :, None, :] - kernel_points[None, None, :, :]  # [N, H, K, 3]
    sq_dist = jnp.sum(diff * diff, axis=-1)                # [N, H, K]
    influence = jnp.maximum(1.0 - jnp.sqrt(sq_dist) / SIGMA, 0.0)  # linear influence
    neighb_feats = x[reference_index]                      # [N, H, C] gather
    agg = jnp.einsum('nhk,nhc->nkc', influence, neighb_feats)     # [N, K, C]
    out = jnp.einsum('nkc,kc->nc', agg, conv_weights)      # depthwise combine
    return out


def reference(coord, feat, offset, reference_index, W_fc1, W_fc3,
              kernel_points, conv_weights,
              gamma1, beta1, gamma2, beta2, gamma3, beta3):
    identity = feat
    x = feat @ W_fc1.T
    x = jax.nn.relu(batch_norm(x, gamma1, beta1))
    x = kpconvd(coord, x, reference_index, kernel_points, conv_weights)
    x = jax.nn.relu(batch_norm(x, gamma2, beta2))
    x = batch_norm(x @ W_fc3.T, gamma3, beta3)
    x = jax.nn.relu(identity + x)
    return (coord, x, offset)


if False:  # reference __main__ guard neutralized (emitter)
    out = reference(**setup_inputs())
    print(out[1].shape)

if __name__ == "__main__":
    import jax
    _d = setup_inputs()
    print(jax.jit(kernel)(*tuple(_d.values())))

</pallas_src>

<mosaic_0001>
#map = affine_map<(d0, d1) -> (0, 0)>
#map1 = affine_map<(d0, d1) -> (0)>
module attributes {stable_mosaic.version = 14 : i64} {
  func.func @_sc_gather_body(%arg0: i32, %arg1: i32, %arg2: memref<10000x128xf32, #tpu.memory_space<hbm>>, %arg3: memref<10000x128xf32, #tpu.memory_space<hbm>>, %arg4: memref<64000xi32, #tpu.memory_space<hbm>>, %arg5: memref<64000x128xf32, #tpu.memory_space<hbm>>, %arg6: memref<64000x128xf32, #tpu.memory_space<hbm>>, %arg7: memref<128xi32, #tpu.memory_space<vmem>>, %arg8: memref<128xi32, #tpu.memory_space<vmem>>, %arg9: memref<128x128xf32, #tpu.memory_space<vmem>>, %arg10: memref<128x128xf32, #tpu.memory_space<vmem>>, %arg11: memref<128x128xf32, #tpu.memory_space<vmem>>, %arg12: memref<128x128xf32, #tpu.memory_space<vmem>>, %arg13: memref<!tpu.dma_semaphore, #tpu.memory_space<semaphore_mem>>, %arg14: memref<!tpu.dma_semaphore, #tpu.memory_space<semaphore_mem>>, %arg15: memref<!tpu.dma_semaphore, #tpu.memory_space<semaphore_mem>>, %arg16: memref<!tpu.dma_semaphore, #tpu.memory_space<semaphore_mem>>) attributes {dimension_semantics = [#tpu.dimension_semantics<core_parallel>, #tpu.dimension_semantics<subcore_parallel>], iteration_bounds = array<i64: 2, 16>, scalar_prefetch = 0 : i64, scratch_operands = 10 : i64, tpu.core_type = #tpu.core_type<sc_vector_subcore>, window_params = [{transform_indices = #map}, {transform_indices = #map}, {transform_indices = #map1}, {transform_indices = #map}, {transform_indices = #map}]} {
    %mul3A = arith.constant 2 : i32
    %mul3A_0 = arith.muli %arg1, %mul3A : i32
    %add3A = arith.addi %mul3A_0, %arg0 : i32
    %add3A_1 = arith.constant 0 : i32
    %add3A_2 = arith.addi %add3A_1, %add3A : i32
    %mul3A_3 = arith.constant 128 : i32
    %mul3A_4 = arith.muli %add3A_2, %mul3A_3 : i32
    "tpu.region"() ({
      %run_scoped3A = tpu.sem_alloc : memref<!tpu.dma_semaphore, #tpu.memory_space<semaphore_mem>>
      %dma_start3A_17 = tpu.memref_slice %arg4[%mul3A_4] : memref<64000xi32, #tpu.memory_space<hbm>> -> memref<128xi32, #tpu.memory_space<hbm>>
      %dma_start3A_18 = tpu.memref_slice %arg4[%mul3A_4] : memref<64000xi32, #tpu.memory_space<hbm>> -> memref<128xi32, #tpu.memory_space<hbm>>
      tpu.enqueue_dma source(%dma_start3A_18 : memref<128xi32, #tpu.memory_space<hbm>>) target(%arg7 : memref<128xi32, #tpu.memory_space<vmem>>) target_semaphore(%run_scoped3A : memref<!tpu.dma_semaphore, #tpu.memory_space<semaphore_mem>>)
      %dma_wait3A = tpu.memref_slice %arg4[%mul3A_4] : memref<64000xi32, #tpu.memory_space<hbm>> -> memref<128xi32, #tpu.memory_space<hbm>>
      %dma_wait3A_19 = tpu.memref_slice %arg4[%mul3A_4] : memref<64000xi32, #tpu.memory_space<hbm>> -> memref<128xi32, #tpu.memory_space<hbm>>
      tpu.wait_dma2 semaphore(%run_scoped3A : memref<!tpu.dma_semaphore, #tpu.memory_space<semaphore_mem>>) src(%dma_wait3A_19 : memref<128xi32, #tpu.memory_space<hbm>>) dst(%arg7 : memref<128xi32, #tpu.memory_space<vmem>>)
      tpu.yield
    }) : () -> ()
    %dma_start3A = arith.constant 0 : i32
    %dma_start3A_5 = arith.constant 0 : i32
    %dma_start3A_6 = tpu.memref_slice %arg2[%dma_start3A, %dma_start3A_5] : memref<10000x128xf32, #tpu.memory_space<hbm>> -> memref<10000x128xf32, #tpu.memory_space<hbm>>
    tpu.enqueue_indirect_dma source(%dma_start3A_6 : memref<10000x128xf32, #tpu.memory_space<hbm>>) target(%arg9 : memref<128x128xf32, #tpu.memory_space<vmem>>) offsets(%arg7 : memref<128xi32, #tpu.memory_space<vmem>>) semaphore(%arg13 : memref<!tpu.dma_semaphore, #tpu.memory_space<semaphore_mem>>)
    %dma_start3A_7 = arith.constant 0 : i32
    %dma_start3A_8 = arith.constant 0 : i32
    %dma_start3A_9 = tpu.memref_slice %arg3[%dma_start3A_7, %dma_start3A_8] : memref<10000x128xf32, #tpu.memory_space<hbm>> -> memref<10000x128xf32, #tpu.memory_space<hbm>>
    tpu.enqueue_indirect_dma source(%dma_start3A_9 : memref<10000x128xf32, #tpu.memory_space<hbm>>) target(%arg11 : memref<128x128xf32, #tpu.memory_space<vmem>>) offsets(%arg7 : memref<128xi32, #tpu.memory_space<vmem>>) semaphore(%arg15 : memref<!tpu.dma_semaphore, #tpu.memory_space<semaphore_mem>>)
    %scan3A = arith.constant 0 : i32
    %scan3A_10 = arith.constant 0 : i32
    %scan3A_11 = arith.constant 8 : i32
    %scan3A_12 = arith.addi %scan3A_10, %scan3A_11 : i32
    %scan3A_13 = arith.constant 1 : i32
    scf.for %scan3A_17 = %scan3A_10 to %scan3A_12 step %scan3A_13  : i32 {
      %mul3A_18 = arith.constant 2 : i32
      %mul3A_19 = arith.muli %mul3A_18, %scan3A_17 : i32
      %add3A_20 = arith.constant 1 : i32
      %add3A_21 = arith.addi %mul3A_19, %add3A_20 : i32
      %mul3A_22 = arith.constant 2 : i32
      %mul3A_23 = arith.muli %mul3A_22, %scan3A_17 : i32
      %add3A_24 = arith.constant 2 : i32
      %add3A_25 = arith.addi %mul3A_23, %add3A_24 : i32
      %lt3A_26 = arith.constant 15 : i32
      %lt3A_27 = arith.cmpi slt, %add3A_21, %lt3A_26 : i32
      %convert_element_type3A_28 = arith.extui %lt3A_27 : i1 to i32
      %cond3A_29 = arith.constant 0 : i32
      %cond3A_30 = arith.cmpi ne, %convert_element_type3A_28, %cond3A_29 : i32
      scf.if %cond3A_30 {
        %mul3A_53 = arith.constant 32 : i32
        %mul3A_54 = arith.muli %add3A_21, %mul3A_53 : i32
        %add3A_55 = arith.addi %mul3A_54, %add3A : i32
        %mul3A_56 = arith.constant 128 : i32
        %mul3A_57 = arith.muli %add3A_55, %mul3A_56 : i32
        "tpu.region"() ({
          %run_scoped3A = tpu.sem_alloc : memref<!tpu.dma_semaphore, #tpu.memory_space<semaphore_mem>>
          %dma_start3A_64 = tpu.memref_slice %arg4[%mul3A_57] : memref<64000xi32, #tpu.memory_space<hbm>> -> memref<128xi32, #tpu.memory_space<hbm>>
          %dma_start3A_65 = tpu.memref_slice %arg4[%mul3A_57] : memref<64000xi32, #tpu.memory_space<hbm>> -> memref<128xi32, #tpu.memory_space<hbm>>
          tpu.enqueue_dma source(%dma_start3A_65 : memref<128xi32, #tpu.memory_space<hbm>>) target(%arg8 : memref<128xi32, #tpu.memory_space<vmem>>) target_semaphore(%run_scoped3A : memref<!tpu.dma_semaphore, #tpu.memory_space<semaphore_mem>>)
          %dma_wait3A_66 = tpu.memref_slice %arg4[%mul3A_57] : memref<64000xi32, #tpu.memory_space<hbm>> -> memref<128xi32, #tpu.memory_space<hbm>>
          %dma_wait3A_67 = tpu.memref_slice %arg4[%mul3A_57] : memref<64000xi32, #tpu.memory_space<hbm>> -> memref<128xi32, #tpu.memory_space<hbm>>
          tpu.wait_dma2 semaphore(%run_scoped3A : memref<!tpu.dma_semaphore, #tpu.memory_space<semaphore_mem>>) src(%dma_wait3A_67 : memref<128xi32, #tpu.memory_space<hbm>>) dst(%arg8 : memref<128xi32, #tpu.memory_space<vmem>>)
          tpu.yield
        }) : () -> ()
        %dma_start3A_58 = arith.constant 0 : i32
        %dma_start3A_59 = arith.constant 0 : i32
        %dma_start3A_60 = tpu.memref_slice %arg2[%dma_start3A_58, %dma_start3A_59] : memref<10000x128xf32, #tpu.memory_space<hbm>> -> memref<10000x128xf32, #tpu.memory_space<hbm>>
        tpu.enqueue_indirect_dma source(%dma_start3A_60 : memref<10000x128xf32, #tpu.memory_space<hbm>>) target(%arg10 : memref<128x128xf32, #tpu.memory_space<vmem>>) offsets(%arg8 : memref<128xi32, #tpu.memory_space<vmem>>) semaphore(%arg14 : memref<!tpu.dma_semaphore, #tpu.memory_space<semaphore_mem>>)
        %dma_start3A_61 = arith.constant 0 : i32
        %dma_start3A_62 = arith.constant 0 : i32
        %dma_start3A_63 = tpu.memref_slice %arg3[%dma_start3A_61, %dma_start3A_62] : memref<10000x128xf32, #tpu.memory_space<hbm>> -> memref<10000x128xf32, #tpu.memory_space<hbm>>
        tpu.enqueue_indirect_dma source(%dma_start3A_63 : memref<10000x128xf32, #tpu.memory_space<hbm>>) target(%arg12 : memref<128x128xf32, #tpu.memory_space<vmem>>) offsets(%arg8 : memref<128xi32, #tpu.memory_space<vmem>>) semaphore(%arg16 : memref<!tpu.dma_semaphore, #tpu.memory_space<semaphore_mem>>)
      } else {
      }
      %mul3A_31 = arith.constant 2 : i32
      %mul3A_32 = arith.muli %mul3A_31, %scan3A_17 : i32
      %mul3A_33 = arith.constant 32 : i32
      %mul3A_34 = arith.muli %mul3A_32, %mul3A_33 : i32
      %add3A_35 = arith.addi %mul3A_34, %add3A : i32
      %mul3A_36 = arith.constant 128 : i32
      %mul3A_37 = arith.muli %add3A_35, %mul3A_36 : i32
      %dma_wait3A = arith.constant 0 : i32
      %dma_wait3A_38 = arith.constant 0 : i32
      %dma_wait3A_39 = tpu.memref_slice %arg2[%dma_wait3A, %dma_wait3A_38] : memref<10000x128xf32, #tpu.memory_space<hbm>> -> memref<10000x128xf32, #tpu.memory_space<hbm>>
      tpu.wait_indirect_dma semaphore(%arg13 : memref<!tpu.dma_semaphore, #tpu.memory_space<semaphore_mem>>) src(%dma_wait3A_39 : memref<10000x128xf32, #tpu.memory_space<hbm>>) dst(%arg9 : memref<128x128xf32, #tpu.memory_space<vmem>>)
      %dma_wait3A_40 = arith.constant 0 : i32
      %dma_wait3A_41 = arith.constant 0 : i32
      %dma_wait3A_42 = tpu.memref_slice %arg3[%dma_wait3A_40, %dma_wait3A_41] : memref<10000x128xf32, #tpu.memory_space<hbm>> -> memref<10000x128xf32, #tpu.memory_space<hbm>>
      tpu.wait_indirect_dma semaphore(%arg15 : memref<!tpu.dma_semaphore, #tpu.memory_space<semaphore_mem>>) src(%dma_wait3A_42 : memref<10000x128xf32, #tpu.memory_space<hbm>>) dst(%arg11 : memref<128x128xf32, #tpu.memory_space<vmem>>)
      "tpu.region"() ({
        %run_scoped3A = tpu.sem_alloc : memref<!tpu.dma_semaphore, #tpu.memory_space<semaphore_mem>>
        %dma_start3A_53 = arith.constant 0 : i32
        %dma_start3A_54 = tpu.memref_slice %arg5[%mul3A_37, %dma_start3A_53] : memref<64000x128xf32, #tpu.memory_space<hbm>> -> memref<128x128xf32, #tpu.memory_space<hbm>>
        %dma_start3A_55 = arith.constant 0 : i32
        %dma_start3A_56 = tpu.memref_slice %arg5[%mul3A_37, %dma_start3A_55] : memref<64000x128xf32, #tpu.memory_space<hbm>> -> memref<128x128xf32, #tpu.memory_space<hbm>>
        tpu.enqueue_dma source(%arg9 : memref<128x128xf32, #tpu.memory_space<vmem>>) target(%dma_start3A_56 : memref<128x128xf32, #tpu.memory_space<hbm>>) target_semaphore(%run_scoped3A : memref<!tpu.dma_semaphore, #tpu.memory_space<semaphore_mem>>)
        %dma_wait3A_57 = arith.constant 0 : i32
        %dma_wait3A_58 = tpu.memref_slice %arg5[%mul3A_37, %dma_wait3A_57] : memref<64000x128xf32, #tpu.memory_space<hbm>> -> memref<128x128xf32, #tpu.memory_space<hbm>>
        %dma_wait3A_59 = arith.constant 0 : i32
        %dma_wait3A_60 = tpu.memref_slice %arg5[%mul3A_37, %dma_wait3A_59] : memref<64000x128xf32, #tpu.memory_space<hbm>> -> memref<128x128xf32, #tpu.memory_space<hbm>>
        tpu.wait_dma2 semaphore(%run_scoped3A : memref<!tpu.dma_semaphore, #tpu.memory_space<semaphore_mem>>) src(%arg9 : memref<128x128xf32, #tpu.memory_space<vmem>>) dst(%dma_wait3A_60 : memref<128x128xf32, #tpu.memory_space<hbm>>)
        tpu.yield
      }) : () -> ()
      "tpu.region"() ({
        %run_scoped3A = tpu.sem_alloc : memref<!tpu.dma_semaphore, #tpu.memory_space<semaphore_mem>>
        %dma_start3A_53 = arith.constant 0 : i32
        %dma_start3A_54 = tpu.memref_slice %arg6[%mul3A_37, %dma_start3A_53] : memref<64000x128xf32, #tpu.memory_space<hbm>> -> memref<128x128xf32, #tpu.memory_space<hbm>>
        %dma_start3A_55 = arith.constant 0 : i32
        %dma_start3A_56 = tpu.memref_slice %arg6[%mul3A_37, %dma_start3A_55] : memref<64000x128xf32, #tpu.memory_space<hbm>> -> memref<128x128xf32, #tpu.memory_space<hbm>>
        tpu.enqueue_dma source(%arg11 : memref<128x128xf32, #tpu.memory_space<vmem>>) target(%dma_start3A_56 : memref<128x128xf32, #tpu.memory_space<hbm>>) target_semaphore(%run_scoped3A : memref<!tpu.dma_semaphore, #tpu.memory_space<semaphore_mem>>)
        %dma_wait3A_57 = arith.constant 0 : i32
        %dma_wait3A_58 = tpu.memref_slice %arg6[%mul3A_37, %dma_wait3A_57] : memref<64000x128xf32, #tpu.memory_space<hbm>> -> memref<128x128xf32, #tpu.memory_space<hbm>>
        %dma_wait3A_59 = arith.constant 0 : i32
        %dma_wait3A_60 = tpu.memref_slice %arg6[%mul3A_37, %dma_wait3A_59] : memref<64000x128xf32, #tpu.memory_space<hbm>> -> memref<128x128xf32, #tpu.memory_space<hbm>>
        tpu.wait_dma2 semaphore(%run_scoped3A : memref<!tpu.dma_semaphore, #tpu.memory_space<semaphore_mem>>) src(%arg11 : memref<128x128xf32, #tpu.memory_space<vmem>>) dst(%dma_wait3A_60 : memref<128x128xf32, #tpu.memory_space<hbm>>)
        tpu.yield
      }) : () -> ()
      %lt3A_43 = arith.constant 15 : i32
      %lt3A_44 = arith.cmpi slt, %add3A_25, %lt3A_43 : i32
      %convert_element_type3A_45 = arith.extui %lt3A_44 : i1 to i32
      %cond3A_46 = arith.constant 0 : i32
      %cond3A_47 = arith.cmpi ne, %convert_element_type3A_45, %cond3A_46 : i32
      scf.if %cond3A_47 {
        %mul3A_53 = arith.constant 32 : i32
        %mul3A_54 = arith.muli %add3A_25, %mul3A_53 : i32
        %add3A_55 = arith.addi %mul3A_54, %add3A : i32
        %mul3A_56 = arith.constant 128 : i32
        %mul3A_57 = arith.muli %add3A_55, %mul3A_56 : i32
        "tpu.region"() ({
          %run_scoped3A = tpu.sem_alloc : memref<!tpu.dma_semaphore, #tpu.memory_space<semaphore_mem>>
          %dma_start3A_64 = tpu.memref_slice %arg4[%mul3A_57] : memref<64000xi32, #tpu.memory_space<hbm>> -> memref<128xi32, #tpu.memory_space<hbm>>
          %dma_start3A_65 = tpu.memref_slice %arg4[%mul3A_57] : memref<64000xi32, #tpu.memory_space<hbm>> -> memref<128xi32, #tpu.memory_space<hbm>>
          tpu.enqueue_dma source(%dma_start3A_65 : memref<128xi32, #tpu.memory_space<hbm>>) target(%arg7 : memref<128xi32, #tpu.memory_space<vmem>>) target_semaphore(%run_scoped3A : memref<!tpu.dma_semaphore, #tpu.memory_space<semaphore_mem>>)
          %dma_wait3A_66 = tpu.memref_slice %arg4[%mul3A_57] : memref<64000xi32, #tpu.memory_space<hbm>> -> memref<128xi32, #tpu.memory_space<hbm>>
          %dma_wait3A_67 = tpu.memref_slice %arg4[%mul3A_57] : memref<64000xi32, #tpu.memory_space<hbm>> -> memref<128xi32, #tpu.memory_space<hbm>>
          tpu.wait_dma2 semaphore(%run_scoped3A : memref<!tpu.dma_semaphore, #tpu.memory_space<semaphore_mem>>) src(%dma_wait3A_67 : memref<128xi32, #tpu.memory_space<hbm>>) dst(%arg7 : memref<128xi32, #tpu.memory_space<vmem>>)
          tpu.yield
        }) : () -> ()
        %dma_start3A_58 = arith.constant 0 : i32
        %dma_start3A_59 = arith.constant 0 : i32
        %dma_start3A_60 = tpu.memref_slice %arg2[%dma_start3A_58, %dma_start3A_59] : memref<10000x128xf32, #tpu.memory_space<hbm>> -> memref<10000x128xf32, #tpu.memory_space<hbm>>
        tpu.enqueue_indirect_dma source(%dma_start3A_60 : memref<10000x128xf32, #tpu.memory_space<hbm>>) target(%arg9 : memref<128x128xf32, #tpu.memory_space<vmem>>) offsets(%arg7 : memref<128xi32, #tpu.memory_space<vmem>>) semaphore(%arg13 : memref<!tpu.dma_semaphore, #tpu.memory_space<semaphore_mem>>)
        %dma_start3A_61 = arith.constant 0 : i32
        %dma_start3A_62 = arith.constant 0 : i32
        %dma_start3A_63 = tpu.memref_slice %arg3[%dma_start3A_61, %dma_start3A_62] : memref<10000x128xf32, #tpu.memory_space<hbm>> -> memref<10000x128xf32, #tpu.memory_space<hbm>>
        tpu.enqueue_indirect_dma source(%dma_start3A_63 : memref<10000x128xf32, #tpu.memory_space<hbm>>) target(%arg11 : memref<128x128xf32, #tpu.memory_space<vmem>>) offsets(%arg7 : memref<128xi32, #tpu.memory_space<vmem>>) semaphore(%arg15 : memref<!tpu.dma_semaphore, #tpu.memory_space<semaphore_mem>>)
      } else {
      }
      %lt3A_48 = arith.constant 15 : i32
      %lt3A_49 = arith.cmpi slt, %add3A_21, %lt3A_48 : i32
      %convert_element_type3A_50 = arith.extui %lt3A_49 : i1 to i32
      %cond3A_51 = arith.constant 0 : i32
      %cond3A_52 = arith.cmpi ne, %convert_element_type3A_50, %cond3A_51 : i32
      scf.if %cond3A_52 {
        %mul3A_53 = arith.constant 32 : i32
        %mul3A_54 = arith.muli %add3A_21, %mul3A_53 : i32
        %add3A_55 = arith.addi %mul3A_54, %add3A : i32
        %mul3A_56 = arith.constant 128 : i32
        %mul3A_57 = arith.muli %add3A_55, %mul3A_56 : i32
        %dma_wait3A_58 = arith.constant 0 : i32
        %dma_wait3A_59 = arith.constant 0 : i32
        %dma_wait3A_60 = tpu.memref_slice %arg2[%dma_wait3A_58, %dma_wait3A_59] : memref<10000x128xf32, #tpu.memory_space<hbm>> -> memref<10000x128xf32, #tpu.memory_space<hbm>>
        tpu.wait_indirect_dma semaphore(%arg14 : memref<!tpu.dma_semaphore, #tpu.memory_space<semaphore_mem>>) src(%dma_wait3A_60 : memref<10000x128xf32, #tpu.memory_space<hbm>>) dst(%arg10 : memref<128x128xf32, #tpu.memory_space<vmem>>)
        %dma_wait3A_61 = arith.constant 0 : i32
        %dma_wait3A_62 = arith.constant 0 : i32
        %dma_wait3A_63 = tpu.memref_slice %arg3[%dma_wait3A_61, %dma_wait3A_62] : memref<10000x128xf32, #tpu.memory_space<hbm>> -> memref<10000x128xf32, #tpu.memory_space<hbm>>
        tpu.wait_indirect_dma semaphore(%arg16 : memref<!tpu.dma_semaphore, #tpu.memory_space<semaphore_mem>>) src(%dma_wait3A_63 : memref<10000x128xf32, #tpu.memory_space<hbm>>) dst(%arg12 : memref<128x128xf32, #tpu.memory_space<vmem>>)
        "tpu.region"() ({
          %run_scoped3A = tpu.sem_alloc : memref<!tpu.dma_semaphore, #tpu.memory_space<semaphore_mem>>
          %dma_start3A_64 = arith.constant 0 : i32
          %dma_start3A_65 = tpu.memref_slice %arg5[%mul3A_57, %dma_start3A_64] : memref<64000x128xf32, #tpu.memory_space<hbm>> -> memref<128x128xf32, #tpu.memory_space<hbm>>
          %dma_start3A_66 = arith.constant 0 : i32
          %dma_start3A_67 = tpu.memref_slice %arg5[%mul3A_57, %dma_start3A_66] : memref<64000x128xf32, #tpu.memory_space<hbm>> -> memref<128x128xf32, #tpu.memory_space<hbm>>
          tpu.enqueue_dma source(%arg10 : memref<128x128xf32, #tpu.memory_space<vmem>>) target(%dma_start3A_67 : memref<128x128xf32, #tpu.memory_space<hbm>>) target_semaphore(%run_scoped3A : memref<!tpu.dma_semaphore, #tpu.memory_space<semaphore_mem>>)
          %dma_wait3A_68 = arith.constant 0 : i32
          %dma_wait3A_69 = tpu.memref_slice %arg5[%mul3A_57, %dma_wait3A_68] : memref<64000x128xf32, #tpu.memory_space<hbm>> -> memref<128x128xf32, #tpu.memory_space<hbm>>
          %dma_wait3A_70 = arith.constant 0 : i32
          %dma_wait3A_71 = tpu.memref_slice %arg5[%mul3A_57, %dma_wait3A_70] : memref<64000x128xf32, #tpu.memory_space<hbm>> -> memref<128x128xf32, #tpu.memory_space<hbm>>
          tpu.wait_dma2 semaphore(%run_scoped3A : memref<!tpu.dma_semaphore, #tpu.memory_space<semaphore_mem>>) src(%arg10 : memref<128x128xf32, #tpu.memory_space<vmem>>) dst(%dma_wait3A_71 : memref<128x128xf32, #tpu.memory_space<hbm>>)
          tpu.yield
        }) : () -> ()
        "tpu.region"() ({
          %run_scoped3A = tpu.sem_alloc : memref<!tpu.dma_semaphore, #tpu.memory_space<semaphore_mem>>
          %dma_start3A_64 = arith.constant 0 : i32
          %dma_start3A_65 = tpu.memref_slice %arg6[%mul3A_57, %dma_start3A_64] : memref<64000x128xf32, #tpu.memory_space<hbm>> -> memref<128x128xf32, #tpu.memory_space<hbm>>
          %dma_start3A_66 = arith.constant 0 : i32
          %dma_start3A_67 = tpu.memref_slice %arg6[%mul3A_57, %dma_start3A_66] : memref<64000x128xf32, #tpu.memory_space<hbm>> -> memref<128x128xf32, #tpu.memory_space<hbm>>
          tpu.enqueue_dma source(%arg12 : memref<128x128xf32, #tpu.memory_space<vmem>>) target(%dma_start3A_67 : memref<128x128xf32, #tpu.memory_space<hbm>>) target_semaphore(%run_scoped3A : memref<!tpu.dma_semaphore, #tpu.memory_space<semaphore_mem>>)
          %dma_wait3A_68 = arith.constant 0 : i32
          %dma_wait3A_69 = tpu.memref_slice %arg6[%mul3A_57, %dma_wait3A_68] : memref<64000x128xf32, #tpu.memory_space<hbm>> -> memref<128x128xf32, #tpu.memory_space<hbm>>
          %dma_wait3A_70 = arith.constant 0 : i32
          %dma_wait3A_71 = tpu.memref_slice %arg6[%mul3A_57, %dma_wait3A_70] : memref<64000x128xf32, #tpu.memory_space<hbm>> -> memref<128x128xf32, #tpu.memory_space<hbm>>
          tpu.wait_dma2 semaphore(%run_scoped3A : memref<!tpu.dma_semaphore, #tpu.memory_space<semaphore_mem>>) src(%arg12 : memref<128x128xf32, #tpu.memory_space<vmem>>) dst(%dma_wait3A_71 : memref<128x128xf32, #tpu.memory_space<hbm>>)
          tpu.yield
        }) : () -> ()
      } else {
      }
    }
    %scan3A_14 = arith.constant 8 : i32
    %lt3A = arith.constant 20 : i32
    %lt3A_15 = arith.cmpi slt, %add3A, %lt3A : i32
    %convert_element_type3A = arith.extui %lt3A_15 : i1 to i32
    %cond3A = arith.constant 0 : i32
    %cond3A_16 = arith.cmpi ne, %convert_element_type3A, %cond3A : i32
    scf.if %cond3A_16 {
      %add3A_17 = arith.constant 480 : i32
      %add3A_18 = arith.addi %add3A_17, %add3A : i32
      %mul3A_19 = arith.constant 128 : i32
      %mul3A_20 = arith.muli %add3A_18, %mul3A_19 : i32
      "tpu.region"() ({
        %run_scoped3A = tpu.sem_alloc : memref<!tpu.dma_semaphore, #tpu.memory_space<semaphore_mem>>
        %dma_start3A_36 = tpu.memref_slice %arg4[%mul3A_20] : memref<64000xi32, #tpu.memory_space<hbm>> -> memref<128xi32, #tpu.memory_space<hbm>>
        %dma_start3A_37 = tpu.memref_slice %arg4[%mul3A_20] : memref<64000xi32, #tpu.memory_space<hbm>> -> memref<128xi32, #tpu.memory_space<hbm>>
        tpu.enqueue_dma source(%dma_start3A_37 : memref<128xi32, #tpu.memory_space<hbm>>) target(%arg7 : memref<128xi32, #tpu.memory_space<vmem>>) target_semaphore(%run_scoped3A : memref<!tpu.dma_semaphore, #tpu.memory_space<semaphore_mem>>)
        %dma_wait3A_38 = tpu.memref_slice %arg4[%mul3A_20] : memref<64000xi32, #tpu.memory_space<hbm>> -> memref<128xi32, #tpu.memory_space<hbm>>
        %dma_wait3A_39 = tpu.memref_slice %arg4[%mul3A_20] : memref<64000xi32, #tpu.memory_space<hbm>> -> memref<128xi32, #tpu.memory_space<hbm>>
        tpu.wait_dma2 semaphore(%run_scoped3A : memref<!tpu.dma_semaphore, #tpu.memory_space<semaphore_mem>>) src(%dma_wait3A_39 : memref<128xi32, #tpu.memory_space<hbm>>) dst(%arg7 : memref<128xi32, #tpu.memory_space<vmem>>)
        tpu.yield
      }) : () -> ()
      %dma_start3A_21 = arith.constant 0 : i32
      %dma_start3A_22 = arith.constant 0 : i32
      %dma_start3A_23 = tpu.memref_slice %arg2[%dma_start3A_21, %dma_start3A_22] : memref<10000x128xf32, #tpu.memory_space<hbm>> -> memref<10000x128xf32, #tpu.memory_space<hbm>>
      tpu.enqueue_indirect_dma source(%dma_start3A_23 : memref<10000x128xf32, #tpu.memory_space<hbm>>) target(%arg9 : memref<128x128xf32, #tpu.memory_space<vmem>>) offsets(%arg7 : memref<128xi32, #tpu.memory_space<vmem>>) semaphore(%arg13 : memref<!tpu.dma_semaphore, #tpu.memory_space<semaphore_mem>>)
      %dma_start3A_24 = arith.constant 0 : i32
      %dma_start3A_25 = arith.constant 0 : i32
      %dma_start3A_26 = tpu.memref_slice %arg3[%dma_start3A_24, %dma_start3A_25] : memref<10000x128xf32, #tpu.memory_space<hbm>> -> memref<10000x128xf32, #tpu.memory_space<hbm>>
      tpu.enqueue_indirect_dma source(%dma_start3A_26 : memref<10000x128xf32, #tpu.memory_space<hbm>>) target(%arg11 : memref<128x128xf32, #tpu.memory_space<vmem>>) offsets(%arg7 : memref<128xi32, #tpu.memory_space<vmem>>) semaphore(%arg15 : memref<!tpu.dma_semaphore, #tpu.memory_space<semaphore_mem>>)
      %add3A_27 = arith.constant 480 : i32
      %add3A_28 = arith.addi %add3A_27, %add3A : i32
      %mul3A_29 = arith.constant 128 : i32
      %mul3A_30 = arith.muli %add3A_28, %mul3A_29 : i32
      %dma_wait3A = arith.constant 0 : i32
      %dma_wait3A_31 = arith.constant 0 : i32
      %dma_wait3A_32 = tpu.memref_slice %arg2[%dma_wait3A, %dma_wait3A_31] : memref<10000x128xf32, #tpu.memory_space<hbm>> -> memref<10000x128xf32, #tpu.memory_space<hbm>>
      tpu.wait_indirect_dma semaphore(%arg13 : memref<!tpu.dma_semaphore, #tpu.memory_space<semaphore_mem>>) src(%dma_wait3A_32 : memref<10000x128xf32, #tpu.memory_space<hbm>>) dst(%arg9 : memref<128x128xf32, #tpu.memory_space<vmem>>)
      %dma_wait3A_33 = arith.constant 0 : i32
      %dma_wait3A_34 = arith.constant 0 : i32
      %dma_wait3A_35 = tpu.memref_slice %arg3[%dma_wait3A_33, %dma_wait3A_34] : memref<10000x128xf32, #tpu.memory_space<hbm>> -> memref<10000x128xf32, #tpu.memory_space<hbm>>
      tpu.wait_indirect_dma semaphore(%arg15 : memref<!tpu.dma_semaphore, #tpu.memory_space<semaphore_mem>>) src(%dma_wait3A_35 : memref<10000x128xf32, #tpu.memory_space<hbm>>) dst(%arg11 : memref<128x128xf32, #tpu.memory_space<vmem>>)
      "tpu.region"() ({
        %run_scoped3A = tpu.sem_alloc : memref<!tpu.dma_semaphore, #tpu.memory_space<semaphore_mem>>
        %dma_start3A_36 = arith.constant 0 : i32
        %dma_start3A_37 = tpu.memref_slice %arg5[%mul3A_30, %dma_start3A_36] : memref<64000x128xf32, #tpu.memory_space<hbm>> -> memref<128x128xf32, #tpu.memory_space<hbm>>
        %dma_start3A_38 = arith.constant 0 : i32
        %dma_start3A_39 = tpu.memref_slice %arg5[%mul3A_30, %dma_start3A_38] : memref<64000x128xf32, #tpu.memory_space<hbm>> -> memref<128x128xf32, #tpu.memory_space<hbm>>
        tpu.enqueue_dma source(%arg9 : memref<128x128xf32, #tpu.memory_space<vmem>>) target(%dma_start3A_39 : memref<128x128xf32, #tpu.memory_space<hbm>>) target_semaphore(%run_scoped3A : memref<!tpu.dma_semaphore, #tpu.memory_space<semaphore_mem>>)
        %dma_wait3A_40 = arith.constant 0 : i32
        %dma_wait3A_41 = tpu.memref_slice %arg5[%mul3A_30, %dma_wait3A_40] : memref<64000x128xf32, #tpu.memory_space<hbm>> -> memref<128x128xf32, #tpu.memory_space<hbm>>
        %dma_wait3A_42 = arith.constant 0 : i32
        %dma_wait3A_43 = tpu.memref_slice %arg5[%mul3A_30, %dma_wait3A_42] : memref<64000x128xf32, #tpu.memory_space<hbm>> -> memref<128x128xf32, #tpu.memory_space<hbm>>
        tpu.wait_dma2 semaphore(%run_scoped3A : memref<!tpu.dma_semaphore, #tpu.memory_space<semaphore_mem>>) src(%arg9 : memref<128x128xf32, #tpu.memory_space<vmem>>) dst(%dma_wait3A_43 : memref<128x128xf32, #tpu.memory_space<hbm>>)
        tpu.yield
      }) : () -> ()
      "tpu.region"() ({
        %run_scoped3A = tpu.sem_alloc : memref<!tpu.dma_semaphore, #tpu.memory_space<semaphore_mem>>
        %dma_start3A_36 = arith.constant 0 : i32
        %dma_start3A_37 = tpu.memref_slice %arg6[%mul3A_30, %dma_start3A_36] : memref<64000x128xf32, #tpu.memory_space<hbm>> -> memref<128x128xf32, #tpu.memory_space<hbm>>
        %dma_start3A_38 = arith.constant 0 : i32
        %dma_start3A_39 = tpu.memref_slice %arg6[%mul3A_30, %dma_start3A_38] : memref<64000x128xf32, #tpu.memory_space<hbm>> -> memref<128x128xf32, #tpu.memory_space<hbm>>
        tpu.enqueue_dma source(%arg11 : memref<128x128xf32, #tpu.memory_space<vmem>>) target(%dma_start3A_39 : memref<128x128xf32, #tpu.memory_space<hbm>>) target_semaphore(%run_scoped3A : memref<!tpu.dma_semaphore, #tpu.memory_space<semaphore_mem>>)
        %dma_wait3A_40 = arith.constant 0 : i32
        %dma_wait3A_41 = tpu.memref_slice %arg6[%mul3A_30, %dma_wait3A_40] : memref<64000x128xf32, #tpu.memory_space<hbm>> -> memref<128x128xf32, #tpu.memory_space<hbm>>
        %dma_wait3A_42 = arith.constant 0 : i32
        %dma_wait3A_43 = tpu.memref_slice %arg6[%mul3A_30, %dma_wait3A_42] : memref<64000x128xf32, #tpu.memory_space<hbm>> -> memref<128x128xf32, #tpu.memory_space<hbm>>
        tpu.wait_dma2 semaphore(%run_scoped3A : memref<!tpu.dma_semaphore, #tpu.memory_space<semaphore_mem>>) src(%arg11 : memref<128x128xf32, #tpu.memory_space<vmem>>) dst(%dma_wait3A_43 : memref<128x128xf32, #tpu.memory_space<hbm>>)
        tpu.yield
      }) : () -> ()
    } else {
    }
    return
  }
}

#map = affine_map<(d0, d1) -> (0, 0)>
#map1 = affine_map<(d0, d1) -> (0)>
module attributes {stable_mosaic.version = 14 : i64} {
  func.func @_sc_gather_body(%arg0: i32, %arg1: i32, %arg2: memref<10000x128xf32, #tpu.memory_space<hbm>>, %arg3: memref<10000x128xf32, #tpu.memory_space<hbm>>, %arg4: memref<64000xi32, #tpu.memory_space<hbm>>, %arg5: memref<64000x128xf32, #tpu.memory_space<hbm>>, %arg6: memref<64000x128xf32, #tpu.memory_space<hbm>>, %arg7: memref<128xi32, #tpu.memory_space<vmem>>, %arg8: memref<128xi32, #tpu.memory_space<vmem>>, %arg9: memref<128x128xf32, #tpu.memory_space<vmem>>, %arg10: memref<128x128xf32, #tpu.memory_space<vmem>>, %arg11: memref<128x128xf32, #tpu.memory_space<vmem>>, %arg12: memref<128x128xf32, #tpu.memory_space<vmem>>, %arg13: memref<!tpu.dma_semaphore, #tpu.memory_space<semaphore_mem>>, %arg14: memref<!tpu.dma_semaphore, #tpu.memory_space<semaphore_mem>>, %arg15: memref<!tpu.dma_semaphore, #tpu.memory_space<semaphore_mem>>, %arg16: memref<!tpu.dma_semaphore, #tpu.memory_space<semaphore_mem>>) attributes {dimension_semantics = [#tpu.dimension_semantics<core_parallel>, #tpu.dimension_semantics<subcore_parallel>], iteration_bounds = array<i64: 2, 16>, scalar_prefetch = 0 : i64, scratch_operands = 10 : i64, tpu.core_type = #tpu.core_type<sc_vector_subcore>, window_params = [{transform_indices = #map}, {transform_indices = #map}, {transform_indices = #map1}, {transform_indices = #map}, {transform_indices = #map}]} {
    %mul3A = arith.constant 2 : i32
    %mul3A_0 = arith.muli %arg1, %mul3A : i32
    %add3A = arith.addi %mul3A_0, %arg0 : i32
    %add3A_1 = arith.constant 0 : i32
    %add3A_2 = arith.addi %add3A_1, %add3A : i32
    %mul3A_3 = arith.constant 128 : i32
    %mul3A_4 = arith.muli %add3A_2, %mul3A_3 : i32
    "tpu.region"() ({
      %run_scoped3A = tpu.sem_alloc : memref<!tpu.dma_semaphore, #tpu.memory_space<semaphore_mem>>
      %dma_start3A_17 = tpu.memref_slice %arg4[%mul3A_4] : memref<64000xi32, #tpu.memory_space<hbm>> -> memref<128xi32, #tpu.memory_space<hbm>>
      %dma_start3A_18 = tpu.memref_slice %arg4[%mul3A_4] : memref<64000xi32, #tpu.memory_space<hbm>> -> memref<128xi32, #tpu.memory_space<hbm>>
      tpu.enqueue_dma source(%dma_start3A_18 : memref<128xi32, #tpu.memory_space<hbm>>) target(%arg7 : memref<128xi32, #tpu.memory_space<vmem>>) target_semaphore(%run_scoped3A : memref<!tpu.dma_semaphore, #tpu.memory_space<semaphore_mem>>)
      %dma_wait3A = tpu.memref_slice %arg4[%mul3A_4] : memref<64000xi32, #tpu.memory_space<hbm>> -> memref<128xi32, #tpu.memory_space<hbm>>
      %dma_wait3A_19 = tpu.memref_slice %arg4[%mul3A_4] : memref<64000xi32, #tpu.memory_space<hbm>> -> memref<128xi32, #tpu.memory_space<hbm>>
      tpu.wait_dma2 semaphore(%run_scoped3A : memref<!tpu.dma_semaphore, #tpu.memory_space<semaphore_mem>>) src(%dma_wait3A_19 : memref<128xi32, #tpu.memory_space<hbm>>) dst(%arg7 : memref<128xi32, #tpu.memory_space<vmem>>)
      tpu.yield
    }) : () -> ()
    %dma_start3A = arith.constant 0 : i32
    %dma_start3A_5 = arith.constant 0 : i32
    %dma_start3A_6 = tpu.memref_slice %arg2[%dma_start3A, %dma_start3A_5] : memref<10000x128xf32, #tpu.memory_space<hbm>> -> memref<10000x128xf32, #tpu.memory_space<hbm>>
    tpu.enqueue_indirect_dma source(%dma_start3A_6 : memref<10000x128xf32, #tpu.memory_space<hbm>>) target(%arg9 : memref<128x128xf32, #tpu.memory_space<vmem>>) offsets(%arg7 : memref<128xi32, #tpu.memory_space<vmem>>) semaphore(%arg13 : memref<!tpu.dma_semaphore, #tpu.memory_space<semaphore_mem>>)
    %dma_start3A_7 = arith.constant 0 : i32
    %dma_start3A_8 = arith.constant 0 : i32
    %dma_start3A_9 = tpu.memref_slice %arg3[%dma_start3A_7, %dma_start3A_8] : memref<10000x128xf32, #tpu.memory_space<hbm>> -> memref<10000x128xf32, #tpu.memory_space<hbm>>
    tpu.enqueue_indirect_dma source(%dma_start3A_9 : memref<10000x128xf32, #tpu.memory_space<hbm>>) target(%arg11 : memref<128x128xf32, #tpu.memory_space<vmem>>) offsets(%arg7 : memref<128xi32, #tpu.memory_space<vmem>>) semaphore(%arg15 : memref<!tpu.dma_semaphore, #tpu.memory_space<semaphore_mem>>)
    %scan3A = arith.constant 0 : i32
    %scan3A_10 = arith.constant 0 : i32
    %scan3A_11 = arith.constant 8 : i32
    %scan3A_12 = arith.addi %scan3A_10, %scan3A_11 : i32
    %scan3A_13 = arith.constant 1 : i32
    scf.for %scan3A_17 = %scan3A_10 to %scan3A_12 step %scan3A_13  : i32 {
      %mul3A_18 = arith.constant 2 : i32
      %mul3A_19 = arith.muli %mul3A_18, %scan3A_17 : i32
      %add3A_20 = arith.constant 1 : i32
      %add3A_21 = arith.addi %mul3A_19, %add3A_20 : i32
      %mul3A_22 = arith.constant 2 : i32
      %mul3A_23 = arith.muli %mul3A_22, %scan3A_17 : i32
      %add3A_24 = arith.constant 2 : i32
      %add3A_25 = arith.addi %mul3A_23, %add3A_24 : i32
      %lt3A_26 = arith.constant 15 : i32
      %lt3A_27 = arith.cmpi slt, %add3A_21, %lt3A_26 : i32
      %convert_element_type3A_28 = arith.extui %lt3A_27 : i1 to i32
      %cond3A_29 = arith.constant 0 : i32
      %cond3A_30 = arith.cmpi ne, %convert_element_type3A_28, %cond3A_29 : i32
      scf.if %cond3A_30 {
        %mul3A_53 = arith.constant 32 : i32
        %mul3A_54 = arith.muli %add3A_21, %mul3A_53 : i32
        %add3A_55 = arith.addi %mul3A_54, %add3A : i32
        %mul3A_56 = arith.constant 128 : i32
        %mul3A_57 = arith.muli %add3A_55, %mul3A_56 : i32
        "tpu.region"() ({
          %run_scoped3A = tpu.sem_alloc : memref<!tpu.dma_semaphore, #tpu.memory_space<semaphore_mem>>
          %dma_start3A_64 = tpu.memref_slice %arg4[%mul3A_57] : memref<64000xi32, #tpu.memory_space<hbm>> -> memref<128xi32, #tpu.memory_space<hbm>>
          %dma_start3A_65 = tpu.memref_slice %arg4[%mul3A_57] : memref<64000xi32, #tpu.memory_space<hbm>> -> memref<128xi32, #tpu.memory_space<hbm>>
          tpu.enqueue_dma source(%dma_start3A_65 : memref<128xi32, #tpu.memory_space<hbm>>) target(%arg8 : memref<128xi32, #tpu.memory_space<vmem>>) target_semaphore(%run_scoped3A : memref<!tpu.dma_semaphore, #tpu.memory_space<semaphore_mem>>)
          %dma_wait3A_66 = tpu.memref_slice %arg4[%mul3A_57] : memref<64000xi32, #tpu.memory_space<hbm>> -> memref<128xi32, #tpu.memory_space<hbm>>
          %dma_wait3A_67 = tpu.memref_slice %arg4[%mul3A_57] : memref<64000xi32, #tpu.memory_space<hbm>> -> memref<128xi32, #tpu.memory_space<hbm>>
          tpu.wait_dma2 semaphore(%run_scoped3A : memref<!tpu.dma_semaphore, #tpu.memory_space<semaphore_mem>>) src(%dma_wait3A_67 : memref<128xi32, #tpu.memory_space<hbm>>) dst(%arg8 : memref<128xi32, #tpu.memory_space<vmem>>)
          tpu.yield
        }) : () -> ()
        %dma_start3A_58 = arith.constant 0 : i32
        %dma_start3A_59 = arith.constant 0 : i32
        %dma_start3A_60 = tpu.memref_slice %arg2[%dma_start3A_58, %dma_start3A_59] : memref<10000x128xf32, #tpu.memory_space<hbm>> -> memref<10000x128xf32, #tpu.memory_space<hbm>>
        tpu.enqueue_indirect_dma source(%dma_start3A_60 : memref<10000x128xf32, #tpu.memory_space<hbm>>) target(%arg10 : memref<128x128xf32, #tpu.memory_space<vmem>>) offsets(%arg8 : memref<128xi32, #tpu.memory_space<vmem>>) semaphore(%arg14 : memref<!tpu.dma_semaphore, #tpu.memory_space<semaphore_mem>>)
        %dma_start3A_61 = arith.constant 0 : i32
        %dma_start3A_62 = arith.constant 0 : i32
        %dma_start3A_63 = tpu.memref_slice %arg3[%dma_start3A_61, %dma_start3A_62] : memref<10000x128xf32, #tpu.memory_space<hbm>> -> memref<10000x128xf32, #tpu.memory_space<hbm>>
        tpu.enqueue_indirect_dma source(%dma_start3A_63 : memref<10000x128xf32, #tpu.memory_space<hbm>>) target(%arg12 : memref<128x128xf32, #tpu.memory_space<vmem>>) offsets(%arg8 : memref<128xi32, #tpu.memory_space<vmem>>) semaphore(%arg16 : memref<!tpu.dma_semaphore, #tpu.memory_space<semaphore_mem>>)
      } else {
      }
      %mul3A_31 = arith.constant 2 : i32
      %mul3A_32 = arith.muli %mul3A_31, %scan3A_17 : i32
      %mul3A_33 = arith.constant 32 : i32
      %mul3A_34 = arith.muli %mul3A_32, %mul3A_33 : i32
      %add3A_35 = arith.addi %mul3A_34, %add3A : i32
      %mul3A_36 = arith.constant 128 : i32
      %mul3A_37 = arith.muli %add3A_35, %mul3A_36 : i32
      %dma_wait3A = arith.constant 0 : i32
      %dma_wait3A_38 = arith.constant 0 : i32
      %dma_wait3A_39 = tpu.memref_slice %arg2[%dma_wait3A, %dma_wait3A_38] : memref<10000x128xf32, #tpu.memory_space<hbm>> -> memref<10000x128xf32, #tpu.memory_space<hbm>>
      tpu.wait_indirect_dma semaphore(%arg13 : memref<!tpu.dma_semaphore, #tpu.memory_space<semaphore_mem>>) src(%dma_wait3A_39 : memref<10000x128xf32, #tpu.memory_space<hbm>>) dst(%arg9 : memref<128x128xf32, #tpu.memory_space<vmem>>)
      %dma_wait3A_40 = arith.constant 0 : i32
      %dma_wait3A_41 = arith.constant 0 : i32
      %dma_wait3A_42 = tpu.memref_slice %arg3[%dma_wait3A_40, %dma_wait3A_41] : memref<10000x128xf32, #tpu.memory_space<hbm>> -> memref<10000x128xf32, #tpu.memory_space<hbm>>
      tpu.wait_indirect_dma semaphore(%arg15 : memref<!tpu.dma_semaphore, #tpu.memory_space<semaphore_mem>>) src(%dma_wait3A_42 : memref<10000x128xf32, #tpu.memory_space<hbm>>) dst(%arg11 : memref<128x128xf32, #tpu.memory_space<vmem>>)
      "tpu.region"() ({
        %run_scoped3A = tpu.sem_alloc : memref<!tpu.dma_semaphore, #tpu.memory_space<semaphore_mem>>
        %dma_start3A_53 = arith.constant 0 : i32
        %dma_start3A_54 = tpu.memref_slice %arg5[%mul3A_37, %dma_start3A_53] : memref<64000x128xf32, #tpu.memory_space<hbm>> -> memref<128x128xf32, #tpu.memory_space<hbm>>
        %dma_start3A_55 = arith.constant 0 : i32
        %dma_start3A_56 = tpu.memref_slice %arg5[%mul3A_37, %dma_start3A_55] : memref<64000x128xf32, #tpu.memory_space<hbm>> -> memref<128x128xf32, #tpu.memory_space<hbm>>
        tpu.enqueue_dma source(%arg9 : memref<128x128xf32, #tpu.memory_space<vmem>>) target(%dma_start3A_56 : memref<128x128xf32, #tpu.memory_space<hbm>>) target_semaphore(%run_scoped3A : memref<!tpu.dma_semaphore, #tpu.memory_space<semaphore_mem>>)
        %dma_wait3A_57 = arith.constant 0 : i32
        %dma_wait3A_58 = tpu.memref_slice %arg5[%mul3A_37, %dma_wait3A_57] : memref<64000x128xf32, #tpu.memory_space<hbm>> -> memref<128x128xf32, #tpu.memory_space<hbm>>
        %dma_wait3A_59 = arith.constant 0 : i32
        %dma_wait3A_60 = tpu.memref_slice %arg5[%mul3A_37, %dma_wait3A_59] : memref<64000x128xf32, #tpu.memory_space<hbm>> -> memref<128x128xf32, #tpu.memory_space<hbm>>
        tpu.wait_dma2 semaphore(%run_scoped3A : memref<!tpu.dma_semaphore, #tpu.memory_space<semaphore_mem>>) src(%arg9 : memref<128x128xf32, #tpu.memory_space<vmem>>) dst(%dma_wait3A_60 : memref<128x128xf32, #tpu.memory_space<hbm>>)
        tpu.yield
      }) : () -> ()
      "tpu.region"() ({
        %run_scoped3A = tpu.sem_alloc : memref<!tpu.dma_semaphore, #tpu.memory_space<semaphore_mem>>
        %dma_start3A_53 = arith.constant 0 : i32
        %dma_start3A_54 = tpu.memref_slice %arg6[%mul3A_37, %dma_start3A_53] : memref<64000x128xf32, #tpu.memory_space<hbm>> -> memref<128x128xf32, #tpu.memory_space<hbm>>
        %dma_start3A_55 = arith.constant 0 : i32
        %dma_start3A_56 = tpu.memref_slice %arg6[%mul3A_37, %dma_start3A_55] : memref<64000x128xf32, #tpu.memory_space<hbm>> -> memref<128x128xf32, #tpu.memory_space<hbm>>
        tpu.enqueue_dma source(%arg11 : memref<128x128xf32, #tpu.memory_space<vmem>>) target(%dma_start3A_56 : memref<128x128xf32, #tpu.memory_space<hbm>>) target_semaphore(%run_scoped3A : memref<!tpu.dma_semaphore, #tpu.memory_space<semaphore_mem>>)
        %dma_wait3A_57 = arith.constant 0 : i32
        %dma_wait3A_58 = tpu.memref_slice %arg6[%mul3A_37, %dma_wait3A_57] : memref<64000x128xf32, #tpu.memory_space<hbm>> -> memref<128x128xf32, #tpu.memory_space<hbm>>
        %dma_wait3A_59 = arith.constant 0 : i32
        %dma_wait3A_60 = tpu.memref_slice %arg6[%mul3A_37, %dma_wait3A_59] : memref<64000x128xf32, #tpu.memory_space<hbm>> -> memref<128x128xf32, #tpu.memory_space<hbm>>
        tpu.wait_dma2 semaphore(%run_scoped3A : memref<!tpu.dma_semaphore, #tpu.memory_space<semaphore_mem>>) src(%arg11 : memref<128x128xf32, #tpu.memory_space<vmem>>) dst(%dma_wait3A_60 : memref<128x128xf32, #tpu.memory_space<hbm>>)
        tpu.yield
      }) : () -> ()
      %lt3A_43 = arith.constant 15 : i32
      %lt3A_44 = arith.cmpi slt, %add3A_25, %lt3A_43 : i32
      %convert_element_type3A_45 = arith.extui %lt3A_44 : i1 to i32
      %cond3A_46 = arith.constant 0 : i32
      %cond3A_47 = arith.cmpi ne, %convert_element_type3A_45, %cond3A_46 : i32
      scf.if %cond3A_47 {
        %mul3A_53 = arith.constant 32 : i32
        %mul3A_54 = arith.muli %add3A_25, %mul3A_53 : i32
        %add3A_55 = arith.addi %mul3A_54, %add3A : i32
        %mul3A_56 = arith.constant 128 : i32
        %mul3A_57 = arith.muli %add3A_55, %mul3A_56 : i32
        "tpu.region"() ({
          %run_scoped3A = tpu.sem_alloc : memref<!tpu.dma_semaphore, #tpu.memory_space<semaphore_mem>>
          %dma_start3A_64 = tpu.memref_slice %arg4[%mul3A_57] : memref<64000xi32, #tpu.memory_space<hbm>> -> memref<128xi32, #tpu.memory_space<hbm>>
          %dma_start3A_65 = tpu.memref_slice %arg4[%mul3A_57] : memref<64000xi32, #tpu.memory_space<hbm>> -> memref<128xi32, #tpu.memory_space<hbm>>
          tpu.enqueue_dma source(%dma_start3A_65 : memref<128xi32, #tpu.memory_space<hbm>>) target(%arg7 : memref<128xi32, #tpu.memory_space<vmem>>) target_semaphore(%run_scoped3A : memref<!tpu.dma_semaphore, #tpu.memory_space<semaphore_mem>>)
          %dma_wait3A_66 = tpu.memref_slice %arg4[%mul3A_57] : memref<64000xi32, #tpu.memory_space<hbm>> -> memref<128xi32, #tpu.memory_space<hbm>>
          %dma_wait3A_67 = tpu.memref_slice %arg4[%mul3A_57] : memref<64000xi32, #tpu.memory_space<hbm>> -> memref<128xi32, #tpu.memory_space<hbm>>
          tpu.wait_dma2 semaphore(%run_scoped3A : memref<!tpu.dma_semaphore, #tpu.memory_space<semaphore_mem>>) src(%dma_wait3A_67 : memref<128xi32, #tpu.memory_space<hbm>>) dst(%arg7 : memref<128xi32, #tpu.memory_space<vmem>>)
          tpu.yield
        }) : () -> ()
        %dma_start3A_58 = arith.constant 0 : i32
        %dma_start3A_59 = arith.constant 0 : i32
        %dma_start3A_60 = tpu.memref_slice %arg2[%dma_start3A_58, %dma_start3A_59] : memref<10000x128xf32, #tpu.memory_space<hbm>> -> memref<10000x128xf32, #tpu.memory_space<hbm>>
        tpu.enqueue_indirect_dma source(%dma_start3A_60 : memref<10000x128xf32, #tpu.memory_space<hbm>>) target(%arg9 : memref<128x128xf32, #tpu.memory_space<vmem>>) offsets(%arg7 : memref<128xi32, #tpu.memory_space<vmem>>) semaphore(%arg13 : memref<!tpu.dma_semaphore, #tpu.memory_space<semaphore_mem>>)
        %dma_start3A_61 = arith.constant 0 : i32
        %dma_start3A_62 = arith.constant 0 : i32
        %dma_start3A_63 = tpu.memref_slice %arg3[%dma_start3A_61, %dma_start3A_62] : memref<10000x128xf32, #tpu.memory_space<hbm>> -> memref<10000x128xf32, #tpu.memory_space<hbm>>
        tpu.enqueue_indirect_dma source(%dma_start3A_63 : memref<10000x128xf32, #tpu.memory_space<hbm>>) target(%arg11 : memref<128x128xf32, #tpu.memory_space<vmem>>) offsets(%arg7 : memref<128xi32, #tpu.memory_space<vmem>>) semaphore(%arg15 : memref<!tpu.dma_semaphore, #tpu.memory_space<semaphore_mem>>)
      } else {
      }
      %lt3A_48 = arith.constant 15 : i32
      %lt3A_49 = arith.cmpi slt, %add3A_21, %lt3A_48 : i32
      %convert_element_type3A_50 = arith.extui %lt3A_49 : i1 to i32
      %cond3A_51 = arith.constant 0 : i32
      %cond3A_52 = arith.cmpi ne, %convert_element_type3A_50, %cond3A_51 : i32
      scf.if %cond3A_52 {
        %mul3A_53 = arith.constant 32 : i32
        %mul3A_54 = arith.muli %add3A_21, %mul3A_53 : i32
        %add3A_55 = arith.addi %mul3A_54, %add3A : i32
        %mul3A_56 = arith.constant 128 : i32
        %mul3A_57 = arith.muli %add3A_55, %mul3A_56 : i32
        %dma_wait3A_58 = arith.constant 0 : i32
        %dma_wait3A_59 = arith.constant 0 : i32
        %dma_wait3A_60 = tpu.memref_slice %arg2[%dma_wait3A_58, %dma_wait3A_59] : memref<10000x128xf32, #tpu.memory_space<hbm>> -> memref<10000x128xf32, #tpu.memory_space<hbm>>
        tpu.wait_indirect_dma semaphore(%arg14 : memref<!tpu.dma_semaphore, #tpu.memory_space<semaphore_mem>>) src(%dma_wait3A_60 : memref<10000x128xf32, #tpu.memory_space<hbm>>) dst(%arg10 : memref<128x128xf32, #tpu.memory_space<vmem>>)
        %dma_wait3A_61 = arith.constant 0 : i32
        %dma_wait3A_62 = arith.constant 0 : i32
        %dma_wait3A_63 = tpu.memref_slice %arg3[%dma_wait3A_61, %dma_wait3A_62] : memref<10000x128xf32, #tpu.memory_space<hbm>> -> memref<10000x128xf32, #tpu.memory_space<hbm>>
        tpu.wait_indirect_dma semaphore(%arg16 : memref<!tpu.dma_semaphore, #tpu.memory_space<semaphore_mem>>) src(%dma_wait3A_63 : memref<10000x128xf32, #tpu.memory_space<hbm>>) dst(%arg12 : memref<128x128xf32, #tpu.memory_space<vmem>>)
        "tpu.region"() ({
          %run_scoped3A = tpu.sem_alloc : memref<!tpu.dma_semaphore, #tpu.memory_space<semaphore_mem>>
          %dma_start3A_64 = arith.constant 0 : i32
          %dma_start3A_65 = tpu.memref_slice %arg5[%mul3A_57, %dma_start3A_64] : memref<64000x128xf32, #tpu.memory_space<hbm>> -> memref<128x128xf32, #tpu.memory_space<hbm>>
          %dma_start3A_66 = arith.constant 0 : i32
          %dma_start3A_67 = tpu.memref_slice %arg5[%mul3A_57, %dma_start3A_66] : memref<64000x128xf32, #tpu.memory_space<hbm>> -> memref<128x128xf32, #tpu.memory_space<hbm>>
          tpu.enqueue_dma source(%arg10 : memref<128x128xf32, #tpu.memory_space<vmem>>) target(%dma_start3A_67 : memref<128x128xf32, #tpu.memory_space<hbm>>) target_semaphore(%run_scoped3A : memref<!tpu.dma_semaphore, #tpu.memory_space<semaphore_mem>>)
          %dma_wait3A_68 = arith.constant 0 : i32
          %dma_wait3A_69 = tpu.memref_slice %arg5[%mul3A_57, %dma_wait3A_68] : memref<64000x128xf32, #tpu.memory_space<hbm>> -> memref<128x128xf32, #tpu.memory_space<hbm>>
          %dma_wait3A_70 = arith.constant 0 : i32
          %dma_wait3A_71 = tpu.memref_slice %arg5[%mul3A_57, %dma_wait3A_70] : memref<64000x128xf32, #tpu.memory_space<hbm>> -> memref<128x128xf32, #tpu.memory_space<hbm>>
          tpu.wait_dma2 semaphore(%run_scoped3A : memref<!tpu.dma_semaphore, #tpu.memory_space<semaphore_mem>>) src(%arg10 : memref<128x128xf32, #tpu.memory_space<vmem>>) dst(%dma_wait3A_71 : memref<128x128xf32, #tpu.memory_space<hbm>>)
          tpu.yield
        }) : () -> ()
        "tpu.region"() ({
          %run_scoped3A = tpu.sem_alloc : memref<!tpu.dma_semaphore, #tpu.memory_space<semaphore_mem>>
          %dma_start3A_64 = arith.constant 0 : i32
          %dma_start3A_65 = tpu.memref_slice %arg6[%mul3A_57, %dma_start3A_64] : memref<64000x128xf32, #tpu.memory_space<hbm>> -> memref<128x128xf32, #tpu.memory_space<hbm>>
          %dma_start3A_66 = arith.constant 0 : i32
          %dma_start3A_67 = tpu.memref_slice %arg6[%mul3A_57, %dma_start3A_66] : memref<64000x128xf32, #tpu.memory_space<hbm>> -> memref<128x128xf32, #tpu.memory_space<hbm>>
          tpu.enqueue_dma source(%arg12 : memref<128x128xf32, #tpu.memory_space<vmem>>) target(%dma_start3A_67 : memref<128x128xf32, #tpu.memory_space<hbm>>) target_semaphore(%run_scoped3A : memref<!tpu.dma_semaphore, #tpu.memory_space<semaphore_mem>>)
          %dma_wait3A_68 = arith.constant 0 : i32
          %dma_wait3A_69 = tpu.memref_slice %arg6[%mul3A_57, %dma_wait3A_68] : memref<64000x128xf32, #tpu.memory_space<hbm>> -> memref<128x128xf32, #tpu.memory_space<hbm>>
          %dma_wait3A_70 = arith.constant 0 : i32
          %dma_wait3A_71 = tpu.memref_slice %arg6[%mul3A_57, %dma_wait3A_70] : memref<64000x128xf32, #tpu.memory_space<hbm>> -> memref<128x128xf32, #tpu.memory_space<hbm>>
          tpu.wait_dma2 semaphore(%run_scoped3A : memref<!tpu.dma_semaphore, #tpu.memory_space<semaphore_mem>>) src(%arg12 : memref<128x128xf32, #tpu.memory_space<vmem>>) dst(%dma_wait3A_71 : memref<128x128xf32, #tpu.memory_space<hbm>>)
          tpu.yield
        }) : () -> ()
      } else {
      }
    }
    %scan3A_14 = arith.constant 8 : i32
    %lt3A = arith.constant 20 : i32
    %lt3A_15 = arith.cmpi slt, %add3A, %lt3A : i32
    %convert_element_type3A = arith.extui %lt3A_15 : i1 to i32
    %cond3A = arith.constant 0 : i32
    %cond3A_16 = arith.cmpi ne, %convert_element_type3A, %cond3A : i32
    scf.if %cond3A_16 {
      %add3A_17 = arith.constant 480 : i32
      %add3A_18 = arith.addi %add3A_17, %add3A : i32
      %mul3A_19 = arith.constant 128 : i32
      %mul3A_20 = arith.muli %add3A_18, %mul3A_19 : i32
      "tpu.region"() ({
        %run_scoped3A = tpu.sem_alloc : memref<!tpu.dma_semaphore, #tpu.memory_space<semaphore_mem>>
        %dma_start3A_36 = tpu.memref_slice %arg4[%mul3A_20] : memref<64000xi32, #tpu.memory_space<hbm>> -> memref<128xi32, #tpu.memory_space<hbm>>
        %dma_start3A_37 = tpu.memref_slice %arg4[%mul3A_20] : memref<64000xi32, #tpu.memory_space<hbm>> -> memref<128xi32, #tpu.memory_space<hbm>>
        tpu.enqueue_dma source(%dma_start3A_37 : memref<128xi32, #tpu.memory_space<hbm>>) target(%arg7 : memref<128xi32, #tpu.memory_space<vmem>>) target_semaphore(%run_scoped3A : memref<!tpu.dma_semaphore, #tpu.memory_space<semaphore_mem>>)
        %dma_wait3A_38 = tpu.memref_slice %arg4[%mul3A_20] : memref<64000xi32, #tpu.memory_space<hbm>> -> memref<128xi32, #tpu.memory_space<hbm>>
        %dma_wait3A_39 = tpu.memref_slice %arg4[%mul3A_20] : memref<64000xi32, #tpu.memory_space<hbm>> -> memref<128xi32, #tpu.memory_space<hbm>>
        tpu.wait_dma2 semaphore(%run_scoped3A : memref<!tpu.dma_semaphore, #tpu.memory_space<semaphore_mem>>) src(%dma_wait3A_39 : memref<128xi32, #tpu.memory_space<hbm>>) dst(%arg7 : memref<128xi32, #tpu.memory_space<vmem>>)
        tpu.yield
      }) : () -> ()
      %dma_start3A_21 = arith.constant 0 : i32
      %dma_start3A_22 = arith.constant 0 : i32
      %dma_start3A_23 = tpu.memref_slice %arg2[%dma_start3A_21, %dma_start3A_22] : memref<10000x128xf32, #tpu.memory_space<hbm>> -> memref<10000x128xf32, #tpu.memory_space<hbm>>
      tpu.enqueue_indirect_dma source(%dma_start3A_23 : memref<10000x128xf32, #tpu.memory_space<hbm>>) target(%arg9 : memref<128x128xf32, #tpu.memory_space<vmem>>) offsets(%arg7 : memref<128xi32, #tpu.memory_space<vmem>>) semaphore(%arg13 : memref<!tpu.dma_semaphore, #tpu.memory_space<semaphore_mem>>)
      %dma_start3A_24 = arith.constant 0 : i32
      %dma_start3A_25 = arith.constant 0 : i32
      %dma_start3A_26 = tpu.memref_slice %arg3[%dma_start3A_24, %dma_start3A_25] : memref<10000x128xf32, #tpu.memory_space<hbm>> -> memref<10000x128xf32, #tpu.memory_space<hbm>>
      tpu.enqueue_indirect_dma source(%dma_start3A_26 : memref<10000x128xf32, #tpu.memory_space<hbm>>) target(%arg11 : memref<128x128xf32, #tpu.memory_space<vmem>>) offsets(%arg7 : memref<128xi32, #tpu.memory_space<vmem>>) semaphore(%arg15 : memref<!tpu.dma_semaphore, #tpu.memory_space<semaphore_mem>>)
      %add3A_27 = arith.constant 480 : i32
      %add3A_28 = arith.addi %add3A_27, %add3A : i32
      %mul3A_29 = arith.constant 128 : i32
      %mul3A_30 = arith.muli %add3A_28, %mul3A_29 : i32
      %dma_wait3A = arith.constant 0 : i32
      %dma_wait3A_31 = arith.constant 0 : i32
      %dma_wait3A_32 = tpu.memref_slice %arg2[%dma_wait3A, %dma_wait3A_31] : memref<10000x128xf32, #tpu.memory_space<hbm>> -> memref<10000x128xf32, #tpu.memory_space<hbm>>
      tpu.wait_indirect_dma semaphore(%arg13 : memref<!tpu.dma_semaphore, #tpu.memory_space<semaphore_mem>>) src(%dma_wait3A_32 : memref<10000x128xf32, #tpu.memory_space<hbm>>) dst(%arg9 : memref<128x128xf32, #tpu.memory_space<vmem>>)
      %dma_wait3A_33 = arith.constant 0 : i32
      %dma_wait3A_34 = arith.constant 0 : i32
      %dma_wait3A_35 = tpu.memref_slice %arg3[%dma_wait3A_33, %dma_wait3A_34] : memref<10000x128xf32, #tpu.memory_space<hbm>> -> memref<10000x128xf32, #tpu.memory_space<hbm>>
      tpu.wait_indirect_dma semaphore(%arg15 : memref<!tpu.dma_semaphore, #tpu.memory_space<semaphore_mem>>) src(%dma_wait3A_35 : memref<10000x128xf32, #tpu.memory_space<hbm>>) dst(%arg11 : memref<128x128xf32, #tpu.memory_space<vmem>>)
      "tpu.region"() ({
        %run_scoped3A = tpu.sem_alloc : memref<!tpu.dma_semaphore, #tpu.memory_space<semaphore_mem>>
        %dma_start3A_36 = arith.constant 0 : i32
        %dma_start3A_37 = tpu.memref_slice %arg5[%mul3A_30, %dma_start3A_36] : memref<64000x128xf32, #tpu.memory_space<hbm>> -> memref<128x128xf32, #tpu.memory_space<hbm>>
        %dma_start3A_38 = arith.constant 0 : i32
        %dma_start3A_39 = tpu.memref_slice %arg5[%mul3A_30, %dma_start3A_38] : memref<64000x128xf32, #tpu.memory_space<hbm>> -> memref<128x128xf32, #tpu.memory_space<hbm>>
        tpu.enqueue_dma source(%arg9 : memref<128x128xf32, #tpu.memory_space<vmem>>) target(%dma_start3A_39 : memref<128x128xf32, #tpu.memory_space<hbm>>) target_semaphore(%run_scoped3A : memref<!tpu.dma_semaphore, #tpu.memory_space<semaphore_mem>>)
        %dma_wait3A_40 = arith.constant 0 : i32
        %dma_wait3A_41 = tpu.memref_slice %arg5[%mul3A_30, %dma_wait3A_40] : memref<64000x128xf32, #tpu.memory_space<hbm>> -> memref<128x128xf32, #tpu.memory_space<hbm>>
        %dma_wait3A_42 = arith.constant 0 : i32
        %dma_wait3A_43 = tpu.memref_slice %arg5[%mul3A_30, %dma_wait3A_42] : memref<64000x128xf32, #tpu.memory_space<hbm>> -> memref<128x128xf32, #tpu.memory_space<hbm>>
        tpu.wait_dma2 semaphore(%run_scoped3A : memref<!tpu.dma_semaphore, #tpu.memory_space<semaphore_mem>>) src(%arg9 : memref<128x128xf32, #tpu.memory_space<vmem>>) dst(%dma_wait3A_43 : memref<128x128xf32, #tpu.memory_space<hbm>>)
        tpu.yield
      }) : () -> ()
      "tpu.region"() ({
        %run_scoped3A = tpu.sem_alloc : memref<!tpu.dma_semaphore, #tpu.memory_space<semaphore_mem>>
        %dma_start3A_36 = arith.constant 0 : i32
        %dma_start3A_37 = tpu.memref_slice %arg6[%mul3A_30, %dma_start3A_36] : memref<64000x128xf32, #tpu.memory_space<hbm>> -> memref<128x128xf32, #tpu.memory_space<hbm>>
        %dma_start3A_38 = arith.constant 0 : i32
        %dma_start3A_39 = tpu.memref_slice %arg6[%mul3A_30, %dma_start3A_38] : memref<64000x128xf32, #tpu.memory_space<hbm>> -> memref<128x128xf32, #tpu.memory_space<hbm>>
        tpu.enqueue_dma source(%arg11 : memref<128x128xf32, #tpu.memory_space<vmem>>) target(%dma_start3A_39 : memref<128x128xf32, #tpu.memory_space<hbm>>) target_semaphore(%run_scoped3A : memref<!tpu.dma_semaphore, #tpu.memory_space<semaphore_mem>>)
        %dma_wait3A_40 = arith.constant 0 : i32
        %dma_wait3A_41 = tpu.memref_slice %arg6[%mul3A_30, %dma_wait3A_40] : memref<64000x128xf32, #tpu.memory_space<hbm>> -> memref<128x128xf32, #tpu.memory_space<hbm>>
        %dma_wait3A_42 = arith.constant 0 : i32
        %dma_wait3A_43 = tpu.memref_slice %arg6[%mul3A_30, %dma_wait3A_42] : memref<64000x128xf32, #tpu.memory_space<hbm>> -> memref<128x128xf32, #tpu.memory_space<hbm>>
        tpu.wait_dma2 semaphore(%run_scoped3A : memref<!tpu.dma_semaphore, #tpu.memory_space<semaphore_mem>>) src(%arg11 : memref<128x128xf32, #tpu.memory_space<vmem>>) dst(%dma_wait3A_43 : memref<128x128xf32, #tpu.memory_space<hbm>>)
        tpu.yield
      }) : () -> ()
    } else {
    }
    return
  }
}

#map = affine_map<(d0, d1) -> (0, 0)>
#map1 = affine_map<(d0, d1) -> (0)>
module attributes {stable_mosaic.version = 14 : i64} {
  func.func @_sc_gather_body(%arg0: i32, %arg1: i32, %arg2: memref<10000x128xf32, #tpu.memory_space<hbm>>, %arg3: memref<10000x128xf32, #tpu.memory_space<hbm>>, %arg4: memref<64000xi32, #tpu.memory_space<hbm>>, %arg5: memref<64000x128xf32, #tpu.memory_space<hbm>>, %arg6: memref<64000x128xf32, #tpu.memory_space<hbm>>, %arg7: memref<128xi32, #tpu.memory_space<vmem>>, %arg8: memref<128xi32, #tpu.memory_space<vmem>>, %arg9: memref<128x128xf32, #tpu.memory_space<vmem>>, %arg10: memref<128x128xf32, #tpu.memory_space<vmem>>, %arg11: memref<128x128xf32, #tpu.memory_space<vmem>>, %arg12: memref<128x128xf32, #tpu.memory_space<vmem>>, %arg13: memref<!tpu.dma_semaphore, #tpu.memory_space<semaphore_mem>>, %arg14: memref<!tpu.dma_semaphore, #tpu.memory_space<semaphore_mem>>, %arg15: memref<!tpu.dma_semaphore, #tpu.memory_space<semaphore_mem>>, %arg16: memref<!tpu.dma_semaphore, #tpu.memory_space<semaphore_mem>>) attributes {dimension_semantics = [#tpu.dimension_semantics<core_parallel>, #tpu.dimension_semantics<subcore_parallel>], iteration_bounds = array<i64: 2, 16>, scalar_prefetch = 0 : i64, scratch_operands = 10 : i64, tpu.core_type = #tpu.core_type<sc_vector_subcore>, window_params = [{transform_indices = #map}, {transform_indices = #map}, {transform_indices = #map1}, {transform_indices = #map}, {transform_indices = #map}]} {
    %mul3A = arith.constant 2 : i32
    %mul3A_0 = arith.muli %arg1, %mul3A : i32
    %add3A = arith.addi %mul3A_0, %arg0 : i32
    %add3A_1 = arith.constant 0 : i32
    %add3A_2 = arith.addi %add3A_1, %add3A : i32
    %mul3A_3 = arith.constant 128 : i32
    %mul3A_4 = arith.muli %add3A_2, %mul3A_3 : i32
    "tpu.region"() ({
      %run_scoped3A = tpu.sem_alloc : memref<!tpu.dma_semaphore, #tpu.memory_space<semaphore_mem>>
      %dma_start3A_17 = tpu.memref_slice %arg4[%mul3A_4] : memref<64000xi32, #tpu.memory_space<hbm>> -> memref<128xi32, #tpu.memory_space<hbm>>
      %dma_start3A_18 = tpu.memref_slice %arg4[%mul3A_4] : memref<64000xi32, #tpu.memory_space<hbm>> -> memref<128xi32, #tpu.memory_space<hbm>>
      tpu.enqueue_dma source(%dma_start3A_18 : memref<128xi32, #tpu.memory_space<hbm>>) target(%arg7 : memref<128xi32, #tpu.memory_space<vmem>>) target_semaphore(%run_scoped3A : memref<!tpu.dma_semaphore, #tpu.memory_space<semaphore_mem>>)
      %dma_wait3A = tpu.memref_slice %arg4[%mul3A_4] : memref<64000xi32, #tpu.memory_space<hbm>> -> memref<128xi32, #tpu.memory_space<hbm>>
      %dma_wait3A_19 = tpu.memref_slice %arg4[%mul3A_4] : memref<64000xi32, #tpu.memory_space<hbm>> -> memref<128xi32, #tpu.memory_space<hbm>>
      tpu.wait_dma2 semaphore(%run_scoped3A : memref<!tpu.dma_semaphore, #tpu.memory_space<semaphore_mem>>) src(%dma_wait3A_19 : memref<128xi32, #tpu.memory_space<hbm>>) dst(%arg7 : memref<128xi32, #tpu.memory_space<vmem>>)
      tpu.yield
    }) : () -> ()
    %dma_start3A = arith.constant 0 : i32
    %dma_start3A_5 = arith.constant 0 : i32
    %dma_start3A_6 = tpu.memref_slice %arg2[%dma_start3A, %dma_start3A_5] : memref<10000x128xf32, #tpu.memory_space<hbm>> -> memref<10000x128xf32, #tpu.memory_space<hbm>>
    tpu.enqueue_indirect_dma source(%dma_start3A_6 : memref<10000x128xf32, #tpu.memory_space<hbm>>) target(%arg9 : memref<128x128xf32, #tpu.memory_space<vmem>>) offsets(%arg7 : memref<128xi32, #tpu.memory_space<vmem>>) semaphore(%arg13 : memref<!tpu.dma_semaphore, #tpu.memory_space<semaphore_mem>>)
    %dma_start3A_7 = arith.constant 0 : i32
    %dma_start3A_8 = arith.constant 0 : i32
    %dma_start3A_9 = tpu.memref_slice %arg3[%dma_start3A_7, %dma_start3A_8] : memref<10000x128xf32, #tpu.memory_space<hbm>> -> memref<10000x128xf32, #tpu.memory_space<hbm>>
    tpu.enqueue_indirect_dma source(%dma_start3A_9 : memref<10000x128xf32, #tpu.memory_space<hbm>>) target(%arg11 : memref<128x128xf32, #tpu.memory_space<vmem>>) offsets(%arg7 : memref<128xi32, #tpu.memory_space<vmem>>) semaphore(%arg15 : memref<!tpu.dma_semaphore, #tpu.memory_space<semaphore_mem>>)
    %scan3A = arith.constant 0 : i32
    %scan3A_10 = arith.constant 0 : i32
    %scan3A_11 = arith.constant 8 : i32
    %scan3A_12 = arith.addi %scan3A_10, %scan3A_11 : i32
    %scan3A_13 = arith.constant 1 : i32
    scf.for %scan3A_17 = %scan3A_10 to %scan3A_12 step %scan3A_13  : i32 {
      %mul3A_18 = arith.constant 2 : i32
      %mul3A_19 = arith.muli %mul3A_18, %scan3A_17 : i32
      %add3A_20 = arith.constant 1 : i32
      %add3A_21 = arith.addi %mul3A_19, %add3A_20 : i32
      %mul3A_22 = arith.constant 2 : i32
      %mul3A_23 = arith.muli %mul3A_22, %scan3A_17 : i32
      %add3A_24 = arith.constant 2 : i32
      %add3A_25 = arith.addi %mul3A_23, %add3A_24 : i32
      %lt3A_26 = arith.constant 15 : i32
      %lt3A_27 = arith.cmpi slt, %add3A_21, %lt3A_26 : i32
      %convert_element_type3A_28 = arith.extui %lt3A_27 : i1 to i32
      %cond3A_29 = arith.constant 0 : i32
      %cond3A_30 = arith.cmpi ne, %convert_element_type3A_28, %cond3A_29 : i32
      scf.if %cond3A_30 {
        %mul3A_53 = arith.constant 32 : i32
        %mul3A_54 = arith.muli %add3A_21, %mul3A_53 : i32
        %add3A_55 = arith.addi %mul3A_54, %add3A : i32
        %mul3A_56 = arith.constant 128 : i32
        %mul3A_57 = arith.muli %add3A_55, %mul3A_56 : i32
        "tpu.region"() ({
          %run_scoped3A = tpu.sem_alloc : memref<!tpu.dma_semaphore, #tpu.memory_space<semaphore_mem>>
          %dma_start3A_64 = tpu.memref_slice %arg4[%mul3A_57] : memref<64000xi32, #tpu.memory_space<hbm>> -> memref<128xi32, #tpu.memory_space<hbm>>
          %dma_start3A_65 = tpu.memref_slice %arg4[%mul3A_57] : memref<64000xi32, #tpu.memory_space<hbm>> -> memref<128xi32, #tpu.memory_space<hbm>>
          tpu.enqueue_dma source(%dma_start3A_65 : memref<128xi32, #tpu.memory_space<hbm>>) target(%arg8 : memref<128xi32, #tpu.memory_space<vmem>>) target_semaphore(%run_scoped3A : memref<!tpu.dma_semaphore, #tpu.memory_space<semaphore_mem>>)
          %dma_wait3A_66 = tpu.memref_slice %arg4[%mul3A_57] : memref<64000xi32, #tpu.memory_space<hbm>> -> memref<128xi32, #tpu.memory_space<hbm>>
          %dma_wait3A_67 = tpu.memref_slice %arg4[%mul3A_57] : memref<64000xi32, #tpu.memory_space<hbm>> -> memref<128xi32, #tpu.memory_space<hbm>>
          tpu.wait_dma2 semaphore(%run_scoped3A : memref<!tpu.dma_semaphore, #tpu.memory_space<semaphore_mem>>) src(%dma_wait3A_67 : memref<128xi32, #tpu.memory_space<hbm>>) dst(%arg8 : memref<128xi32, #tpu.memory_space<vmem>>)
          tpu.yield
        }) : () -> ()
        %dma_start3A_58 = arith.constant 0 : i32
        %dma_start3A_59 = arith.constant 0 : i32
        %dma_start3A_60 = tpu.memref_slice %arg2[%dma_start3A_58, %dma_start3A_59] : memref<10000x128xf32, #tpu.memory_space<hbm>> -> memref<10000x128xf32, #tpu.memory_space<hbm>>
        tpu.enqueue_indirect_dma source(%dma_start3A_60 : memref<10000x128xf32, #tpu.memory_space<hbm>>) target(%arg10 : memref<128x128xf32, #tpu.memory_space<vmem>>) offsets(%arg8 : memref<128xi32, #tpu.memory_space<vmem>>) semaphore(%arg14 : memref<!tpu.dma_semaphore, #tpu.memory_space<semaphore_mem>>)
        %dma_start3A_61 = arith.constant 0 : i32
        %dma_start3A_62 = arith.constant 0 : i32
        %dma_start3A_63 = tpu.memref_slice %arg3[%dma_start3A_61, %dma_start3A_62] : memref<10000x128xf32, #tpu.memory_space<hbm>> -> memref<10000x128xf32, #tpu.memory_space<hbm>>
        tpu.enqueue_indirect_dma source(%dma_start3A_63 : memref<10000x128xf32, #tpu.memory_space<hbm>>) target(%arg12 : memref<128x128xf32, #tpu.memory_space<vmem>>) offsets(%arg8 : memref<128xi32, #tpu.memory_space<vmem>>) semaphore(%arg16 : memref<!tpu.dma_semaphore, #tpu.memory_space<semaphore_mem>>)
      } else {
      }
      %mul3A_31 = arith.constant 2 : i32
      %mul3A_32 = arith.muli %mul3A_31, %scan3A_17 : i32
      %mul3A_33 = arith.constant 32 : i32
      %mul3A_34 = arith.muli %mul3A_32, %mul3A_33 : i32
      %add3A_35 = arith.addi %mul3A_34, %add3A : i32
      %mul3A_36 = arith.constant 128 : i32
      %mul3A_37 = arith.muli %add3A_35, %mul3A_36 : i32
      %dma_wait3A = arith.constant 0 : i32
      %dma_wait3A_38 = arith.constant 0 : i32
      %dma_wait3A_39 = tpu.memref_slice %arg2[%dma_wait3A, %dma_wait3A_38] : memref<10000x128xf32, #tpu.memory_space<hbm>> -> memref<10000x128xf32, #tpu.memory_space<hbm>>
      tpu.wait_indirect_dma semaphore(%arg13 : memref<!tpu.dma_semaphore, #tpu.memory_space<semaphore_mem>>) src(%dma_wait3A_39 : memref<10000x128xf32, #tpu.memory_space<hbm>>) dst(%arg9 : memref<128x128xf32, #tpu.memory_space<vmem>>)
      %dma_wait3A_40 = arith.constant 0 : i32
      %dma_wait3A_41 = arith.constant 0 : i32
      %dma_wait3A_42 = tpu.memref_slice %arg3[%dma_wait3A_40, %dma_wait3A_41] : memref<10000x128xf32, #tpu.memory_space<hbm>> -> memref<10000x128xf32, #tpu.memory_space<hbm>>
      tpu.wait_indirect_dma semaphore(%arg15 : memref<!tpu.dma_semaphore, #tpu.memory_space<semaphore_mem>>) src(%dma_wait3A_42 : memref<10000x128xf32, #tpu.memory_space<hbm>>) dst(%arg11 : memref<128x128xf32, #tpu.memory_space<vmem>>)
      "tpu.region"() ({
        %run_scoped3A = tpu.sem_alloc : memref<!tpu.dma_semaphore, #tpu.memory_space<semaphore_mem>>
        %dma_start3A_53 = arith.constant 0 : i32
        %dma_start3A_54 = tpu.memref_slice %arg5[%mul3A_37, %dma_start3A_53] : memref<64000x128xf32, #tpu.memory_space<hbm>> -> memref<128x128xf32, #tpu.memory_space<hbm>>
        %dma_start3A_55 = arith.constant 0 : i32
        %dma_start3A_56 = tpu.memref_slice %arg5[%mul3A_37, %dma_start3A_55] : memref<64000x128xf32, #tpu.memory_space<hbm>> -> memref<128x128xf32, #tpu.memory_space<hbm>>
        tpu.enqueue_dma source(%arg9 : memref<128x128xf32, #tpu.memory_space<vmem>>) target(%dma_start3A_56 : memref<128x128xf32, #tpu.memory_space<hbm>>) target_semaphore(%run_scoped3A : memref<!tpu.dma_semaphore, #tpu.memory_space<semaphore_mem>>)
        %dma_wait3A_57 = arith.constant 0 : i32
        %dma_wait3A_58 = tpu.memref_slice %arg5[%mul3A_37, %dma_wait3A_57] : memref<64000x128xf32, #tpu.memory_space<hbm>> -> memref<128x128xf32, #tpu.memory_space<hbm>>
        %dma_wait3A_59 = arith.constant 0 : i32
        %dma_wait3A_60 = tpu.memref_slice %arg5[%mul3A_37, %dma_wait3A_59] : memref<64000x128xf32, #tpu.memory_space<hbm>> -> memref<128x128xf32, #tpu.memory_space<hbm>>
        tpu.wait_dma2 semaphore(%run_scoped3A : memref<!tpu.dma_semaphore, #tpu.memory_space<semaphore_mem>>) src(%arg9 : memref<128x128xf32, #tpu.memory_space<vmem>>) dst(%dma_wait3A_60 : memref<128x128xf32, #tpu.memory_space<hbm>>)
        tpu.yield
      }) : () -> ()
      "tpu.region"() ({
        %run_scoped3A = tpu.sem_alloc : memref<!tpu.dma_semaphore, #tpu.memory_space<semaphore_mem>>
        %dma_start3A_53 = arith.constant 0 : i32
        %dma_start3A_54 = tpu.memref_slice %arg6[%mul3A_37, %dma_start3A_53] : memref<64000x128xf32, #tpu.memory_space<hbm>> -> memref<128x128xf32, #tpu.memory_space<hbm>>
        %dma_start3A_55 = arith.constant 0 : i32
        %dma_start3A_56 = tpu.memref_slice %arg6[%mul3A_37, %dma_start3A_55] : memref<64000x128xf32, #tpu.memory_space<hbm>> -> memref<128x128xf32, #tpu.memory_space<hbm>>
        tpu.enqueue_dma source(%arg11 : memref<128x128xf32, #tpu.memory_space<vmem>>) target(%dma_start3A_56 : memref<128x128xf32, #tpu.memory_space<hbm>>) target_semaphore(%run_scoped3A : memref<!tpu.dma_semaphore, #tpu.memory_space<semaphore_mem>>)
        %dma_wait3A_57 = arith.constant 0 : i32
        %dma_wait3A_58 = tpu.memref_slice %arg6[%mul3A_37, %dma_wait3A_57] : memref<64000x128xf32, #tpu.memory_space<hbm>> -> memref<128x128xf32, #tpu.memory_space<hbm>>
        %dma_wait3A_59 = arith.constant 0 : i32
        %dma_wait3A_60 = tpu.memref_slice %arg6[%mul3A_37, %dma_wait3A_59] : memref<64000x128xf32, #tpu.memory_space<hbm>> -> memref<128x128xf32, #tpu.memory_space<hbm>>
        tpu.wait_dma2 semaphore(%run_scoped3A : memref<!tpu.dma_semaphore, #tpu.memory_space<semaphore_mem>>) src(%arg11 : memref<128x128xf32, #tpu.memory_space<vmem>>) dst(%dma_wait3A_60 : memref<128x128xf32, #tpu.memory_space<hbm>>)
        tpu.yield
      }) : () -> ()
      %lt3A_43 = arith.constant 15 : i32
      %lt3A_44 = arith.cmpi slt, %add3A_25, %lt3A_43 : i32
      %convert_element_type3A_45 = arith.extui %lt3A_44 : i1 to i32
      %cond3A_46 = arith.constant 0 : i32
      %cond3A_47 = arith.cmpi ne, %convert_element_type3A_45, %cond3A_46 : i32
      scf.if %cond3A_47 {
        %mul3A_53 = arith.constant 32 : i32
        %mul3A_54 = arith.muli %add3A_25, %mul3A_53 : i32
        %add3A_55 = arith.addi %mul3A_54, %add3A : i32
        %mul3A_56 = arith.constant 128 : i32
        %mul3A_57 = arith.muli %add3A_55, %mul3A_56 : i32
        "tpu.region"() ({
          %run_scoped3A = tpu.sem_alloc : memref<!tpu.dma_semaphore, #tpu.memory_space<semaphore_mem>>
          %dma_start3A_64 = tpu.memref_slice %arg4[%mul3A_57] : memref<64000xi32, #tpu.memory_space<hbm>> -> memref<128xi32, #tpu.memory_space<hbm>>
          %dma_start3A_65 = tpu.memref_slice %arg4[%mul3A_57] : memref<64000xi32, #tpu.memory_space<hbm>> -> memref<128xi32, #tpu.memory_space<hbm>>
          tpu.enqueue_dma source(%dma_start3A_65 : memref<128xi32, #tpu.memory_space<hbm>>) target(%arg7 : memref<128xi32, #tpu.memory_space<vmem>>) target_semaphore(%run_scoped3A : memref<!tpu.dma_semaphore, #tpu.memory_space<semaphore_mem>>)
          %dma_wait3A_66 = tpu.memref_slice %arg4[%mul3A_57] : memref<64000xi32, #tpu.memory_space<hbm>> -> memref<128xi32, #tpu.memory_space<hbm>>
          %dma_wait3A_67 = tpu.memref_slice %arg4[%mul3A_57] : memref<64000xi32, #tpu.memory_space<hbm>> -> memref<128xi32, #tpu.memory_space<hbm>>
          tpu.wait_dma2 semaphore(%run_scoped3A : memref<!tpu.dma_semaphore, #tpu.memory_space<semaphore_mem>>) src(%dma_wait3A_67 : memref<128xi32, #tpu.memory_space<hbm>>) dst(%arg7 : memref<128xi32, #tpu.memory_space<vmem>>)
          tpu.yield
        }) : () -> ()
        %dma_start3A_58 = arith.constant 0 : i32
        %dma_start3A_59 = arith.constant 0 : i32
        %dma_start3A_60 = tpu.memref_slice %arg2[%dma_start3A_58, %dma_start3A_59] : memref<10000x128xf32, #tpu.memory_space<hbm>> -> memref<10000x128xf32, #tpu.memory_space<hbm>>
        tpu.enqueue_indirect_dma source(%dma_start3A_60 : memref<10000x128xf32, #tpu.memory_space<hbm>>) target(%arg9 : memref<128x128xf32, #tpu.memory_space<vmem>>) offsets(%arg7 : memref<128xi32, #tpu.memory_space<vmem>>) semaphore(%arg13 : memref<!tpu.dma_semaphore, #tpu.memory_space<semaphore_mem>>)
        %dma_start3A_61 = arith.constant 0 : i32
        %dma_start3A_62 = arith.constant 0 : i32
        %dma_start3A_63 = tpu.memref_slice %arg3[%dma_start3A_61, %dma_start3A_62] : memref<10000x128xf32, #tpu.memory_space<hbm>> -> memref<10000x128xf32, #tpu.memory_space<hbm>>
        tpu.enqueue_indirect_dma source(%dma_start3A_63 : memref<10000x128xf32, #tpu.memory_space<hbm>>) target(%arg11 : memref<128x128xf32, #tpu.memory_space<vmem>>) offsets(%arg7 : memref<128xi32, #tpu.memory_space<vmem>>) semaphore(%arg15 : memref<!tpu.dma_semaphore, #tpu.memory_space<semaphore_mem>>)
      } else {
      }
      %lt3A_48 = arith.constant 15 : i32
      %lt3A_49 = arith.cmpi slt, %add3A_21, %lt3A_48 : i32
      %convert_element_type3A_50 = arith.extui %lt3A_49 : i1 to i32
      %cond3A_51 = arith.constant 0 : i32
      %cond3A_52 = arith.cmpi ne, %convert_element_type3A_50, %cond3A_51 : i32
      scf.if %cond3A_52 {
        %mul3A_53 = arith.constant 32 : i32
        %mul3A_54 = arith.muli %add3A_21, %mul3A_53 : i32
        %add3A_55 = arith.addi %mul3A_54, %add3A : i32
        %mul3A_56 = arith.constant 128 : i32
        %mul3A_57 = arith.muli %add3A_55, %mul3A_56 : i32
        %dma_wait3A_58 = arith.constant 0 : i32
        %dma_wait3A_59 = arith.constant 0 : i32
        %dma_wait3A_60 = tpu.memref_slice %arg2[%dma_wait3A_58, %dma_wait3A_59] : memref<10000x128xf32, #tpu.memory_space<hbm>> -> memref<10000x128xf32, #tpu.memory_space<hbm>>
        tpu.wait_indirect_dma semaphore(%arg14 : memref<!tpu.dma_semaphore, #tpu.memory_space<semaphore_mem>>) src(%dma_wait3A_60 : memref<10000x128xf32, #tpu.memory_space<hbm>>) dst(%arg10 : memref<128x128xf32, #tpu.memory_space<vmem>>)
        %dma_wait3A_61 = arith.constant 0 : i32
        %dma_wait3A_62 = arith.constant 0 : i32
        %dma_wait3A_63 = tpu.memref_slice %arg3[%dma_wait3A_61, %dma_wait3A_62] : memref<10000x128xf32, #tpu.memory_space<hbm>> -> memref<10000x128xf32, #tpu.memory_space<hbm>>
        tpu.wait_indirect_dma semaphore(%arg16 : memref<!tpu.dma_semaphore, #tpu.memory_space<semaphore_mem>>) src(%dma_wait3A_63 : memref<10000x128xf32, #tpu.memory_space<hbm>>) dst(%arg12 : memref<128x128xf32, #tpu.memory_space<vmem>>)
        "tpu.region"() ({
          %run_scoped3A = tpu.sem_alloc : memref<!tpu.dma_semaphore, #tpu.memory_space<semaphore_mem>>
          %dma_start3A_64 = arith.constant 0 : i32
          %dma_start3A_65 = tpu.memref_slice %arg5[%mul3A_57, %dma_start3A_64] : memref<64000x128xf32, #tpu.memory_space<hbm>> -> memref<128x128xf32, #tpu.memory_space<hbm>>
          %dma_start3A_66 = arith.constant 0 : i32
          %dma_start3A_67 = tpu.memref_slice %arg5[%mul3A_57, %dma_start3A_66] : memref<64000x128xf32, #tpu.memory_space<hbm>> -> memref<128x128xf32, #tpu.memory_space<hbm>>
          tpu.enqueue_dma source(%arg10 : memref<128x128xf32, #tpu.memory_space<vmem>>) target(%dma_start3A_67 : memref<128x128xf32, #tpu.memory_space<hbm>>) target_semaphore(%run_scoped3A : memref<!tpu.dma_semaphore, #tpu.memory_space<semaphore_mem>>)
          %dma_wait3A_68 = arith.constant 0 : i32
          %dma_wait3A_69 = tpu.memref_slice %arg5[%mul3A_57, %dma_wait3A_68] : memref<64000x128xf32, #tpu.memory_space<hbm>> -> memref<128x128xf32, #tpu.memory_space<hbm>>
          %dma_wait3A_70 = arith.constant 0 : i32
          %dma_wait3A_71 = tpu.memref_slice %arg5[%mul3A_57, %dma_wait3A_70] : memref<64000x128xf32, #tpu.memory_space<hbm>> -> memref<128x128xf32, #tpu.memory_space<hbm>>
          tpu.wait_dma2 semaphore(%run_scoped3A : memref<!tpu.dma_semaphore, #tpu.memory_space<semaphore_mem>>) src(%arg10 : memref<128x128xf32, #tpu.memory_space<vmem>>) dst(%dma_wait3A_71 : memref<128x128xf32, #tpu.memory_space<hbm>>)
          tpu.yield
        }) : () -> ()
        "tpu.region"() ({
          %run_scoped3A = tpu.sem_alloc : memref<!tpu.dma_semaphore, #tpu.memory_space<semaphore_mem>>
          %dma_start3A_64 = arith.constant 0 : i32
          %dma_start3A_65 = tpu.memref_slice %arg6[%mul3A_57, %dma_start3A_64] : memref<64000x128xf32, #tpu.memory_space<hbm>> -> memref<128x128xf32, #tpu.memory_space<hbm>>
          %dma_start3A_66 = arith.constant 0 : i32
          %dma_start3A_67 = tpu.memref_slice %arg6[%mul3A_57, %dma_start3A_66] : memref<64000x128xf32, #tpu.memory_space<hbm>> -> memref<128x128xf32, #tpu.memory_space<hbm>>
          tpu.enqueue_dma source(%arg12 : memref<128x128xf32, #tpu.memory_space<vmem>>) target(%dma_start3A_67 : memref<128x128xf32, #tpu.memory_space<hbm>>) target_semaphore(%run_scoped3A : memref<!tpu.dma_semaphore, #tpu.memory_space<semaphore_mem>>)
          %dma_wait3A_68 = arith.constant 0 : i32
          %dma_wait3A_69 = tpu.memref_slice %arg6[%mul3A_57, %dma_wait3A_68] : memref<64000x128xf32, #tpu.memory_space<hbm>> -> memref<128x128xf32, #tpu.memory_space<hbm>>
          %dma_wait3A_70 = arith.constant 0 : i32
          %dma_wait3A_71 = tpu.memref_slice %arg6[%mul3A_57, %dma_wait3A_70] : memref<64000x128xf32, #tpu.memory_space<hbm>> -> memref<128x128xf32, #tpu.memory_space<hbm>>
          tpu.wait_dma2 semaphore(%run_scoped3A : memref<!tpu.dma_semaphore, #tpu.memory_space<semaphore_mem>>) src(%arg12 : memref<128x128xf32, #tpu.memory_space<vmem>>) dst(%dma_wait3A_71 : memref<128x128xf32, #tpu.memory_space<hbm>>)
          tpu.yield
        }) : () -> ()
      } else {
      }
    }
    %scan3A_14 = arith.constant 8 : i32
    %lt3A = arith.constant 20 : i32
    %lt3A_15 = arith.cmpi slt, %add3A, %lt3A : i32
    %convert_element_type3A = arith.extui %lt3A_15 : i1 to i32
    %cond3A = arith.constant 0 : i32
    %cond3A_16 = arith.cmpi ne, %convert_element_type3A, %cond3A : i32
    scf.if %cond3A_16 {
      %add3A_17 = arith.constant 480 : i32
      %add3A_18 = arith.addi %add3A_17, %add3A : i32
      %mul3A_19 = arith.constant 128 : i32
      %mul3A_20 = arith.muli %add3A_18, %mul3A_19 : i32
      "tpu.region"() ({
        %run_scoped3A = tpu.sem_alloc : memref<!tpu.dma_semaphore, #tpu.memory_space<semaphore_mem>>
        %dma_start3A_36 = tpu.memref_slice %arg4[%mul3A_20] : memref<64000xi32, #tpu.memory_space<hbm>> -> memref<128xi32, #tpu.memory_space<hbm>>
        %dma_start3A_37 = tpu.memref_slice %arg4[%mul3A_20] : memref<64000xi32, #tpu.memory_space<hbm>> -> memref<128xi32, #tpu.memory_space<hbm>>
        tpu.enqueue_dma source(%dma_start3A_37 : memref<128xi32, #tpu.memory_space<hbm>>) target(%arg7 : memref<128xi32, #tpu.memory_space<vmem>>) target_semaphore(%run_scoped3A : memref<!tpu.dma_semaphore, #tpu.memory_space<semaphore_mem>>)
        %dma_wait3A_38 = tpu.memref_slice %arg4[%mul3A_20] : memref<64000xi32, #tpu.memory_space<hbm>> -> memref<128xi32, #tpu.memory_space<hbm>>
        %dma_wait3A_39 = tpu.memref_slice %arg4[%mul3A_20] : memref<64000xi32, #tpu.memory_space<hbm>> -> memref<128xi32, #tpu.memory_space<hbm>>
        tpu.wait_dma2 semaphore(%run_scoped3A : memref<!tpu.dma_semaphore, #tpu.memory_space<semaphore_mem>>) src(%dma_wait3A_39 : memref<128xi32, #tpu.memory_space<hbm>>) dst(%arg7 : memref<128xi32, #tpu.memory_space<vmem>>)
        tpu.yield
      }) : () -> ()
      %dma_start3A_21 = arith.constant 0 : i32
      %dma_start3A_22 = arith.constant 0 : i32
      %dma_start3A_23 = tpu.memref_slice %arg2[%dma_start3A_21, %dma_start3A_22] : memref<10000x128xf32, #tpu.memory_space<hbm>> -> memref<10000x128xf32, #tpu.memory_space<hbm>>
      tpu.enqueue_indirect_dma source(%dma_start3A_23 : memref<10000x128xf32, #tpu.memory_space<hbm>>) target(%arg9 : memref<128x128xf32, #tpu.memory_space<vmem>>) offsets(%arg7 : memref<128xi32, #tpu.memory_space<vmem>>) semaphore(%arg13 : memref<!tpu.dma_semaphore, #tpu.memory_space<semaphore_mem>>)
      %dma_start3A_24 = arith.constant 0 : i32
      %dma_start3A_25 = arith.constant 0 : i32
      %dma_start3A_26 = tpu.memref_slice %arg3[%dma_start3A_24, %dma_start3A_25] : memref<10000x128xf32, #tpu.memory_space<hbm>> -> memref<10000x128xf32, #tpu.memory_space<hbm>>
      tpu.enqueue_indirect_dma source(%dma_start3A_26 : memref<10000x128xf32, #tpu.memory_space<hbm>>) target(%arg11 : memref<128x128xf32, #tpu.memory_space<vmem>>) offsets(%arg7 : memref<128xi32, #tpu.memory_space<vmem>>) semaphore(%arg15 : memref<!tpu.dma_semaphore, #tpu.memory_space<semaphore_mem>>)
      %add3A_27 = arith.constant 480 : i32
      %add3A_28 = arith.addi %add3A_27, %add3A : i32
      %mul3A_29 = arith.constant 128 : i32
      %mul3A_30 = arith.muli %add3A_28, %mul3A_29 : i32
      %dma_wait3A = arith.constant 0 : i32
      %dma_wait3A_31 = arith.constant 0 : i32
      %dma_wait3A_32 = tpu.memref_slice %arg2[%dma_wait3A, %dma_wait3A_31] : memref<10000x128xf32, #tpu.memory_space<hbm>> -> memref<10000x128xf32, #tpu.memory_space<hbm>>
      tpu.wait_indirect_dma semaphore(%arg13 : memref<!tpu.dma_semaphore, #tpu.memory_space<semaphore_mem>>) src(%dma_wait3A_32 : memref<10000x128xf32, #tpu.memory_space<hbm>>) dst(%arg9 : memref<128x128xf32, #tpu.memory_space<vmem>>)
      %dma_wait3A_33 = arith.constant 0 : i32
      %dma_wait3A_34 = arith.constant 0 : i32
      %dma_wait3A_35 = tpu.memref_slice %arg3[%dma_wait3A_33, %dma_wait3A_34] : memref<10000x128xf32, #tpu.memory_space<hbm>> -> memref<10000x128xf32, #tpu.memory_space<hbm>>
      tpu.wait_indirect_dma semaphore(%arg15 : memref<!tpu.dma_semaphore, #tpu.memory_space<semaphore_mem>>) src(%dma_wait3A_35 : memref<10000x128xf32, #tpu.memory_space<hbm>>) dst(%arg11 : memref<128x128xf32, #tpu.memory_space<vmem>>)
      "tpu.region"() ({
        %run_scoped3A = tpu.sem_alloc : memref<!tpu.dma_semaphore, #tpu.memory_space<semaphore_mem>>
        %dma_start3A_36 = arith.constant 0 : i32
        %dma_start3A_37 = tpu.memref_slice %arg5[%mul3A_30, %dma_start3A_36] : memref<64000x128xf32, #tpu.memory_space<hbm>> -> memref<128x128xf32, #tpu.memory_space<hbm>>
        %dma_start3A_38 = arith.constant 0 : i32
        %dma_start3A_39 = tpu.memref_slice %arg5[%mul3A_30, %dma_start3A_38] : memref<64000x128xf32, #tpu.memory_space<hbm>> -> memref<128x128xf32, #tpu.memory_space<hbm>>
        tpu.enqueue_dma source(%arg9 : memref<128x128xf32, #tpu.memory_space<vmem>>) target(%dma_start3A_39 : memref<128x128xf32, #tpu.memory_space<hbm>>) target_semaphore(%run_scoped3A : memref<!tpu.dma_semaphore, #tpu.memory_space<semaphore_mem>>)
        %dma_wait3A_40 = arith.constant 0 : i32
        %dma_wait3A_41 = tpu.memref_slice %arg5[%mul3A_30, %dma_wait3A_40] : memref<64000x128xf32, #tpu.memory_space<hbm>> -> memref<128x128xf32, #tpu.memory_space<hbm>>
        %dma_wait3A_42 = arith.constant 0 : i32
        %dma_wait3A_43 = tpu.memref_slice %arg5[%mul3A_30, %dma_wait3A_42] : memref<64000x128xf32, #tpu.memory_space<hbm>> -> memref<128x128xf32, #tpu.memory_space<hbm>>
        tpu.wait_dma2 semaphore(%run_scoped3A : memref<!tpu.dma_semaphore, #tpu.memory_space<semaphore_mem>>) src(%arg9 : memref<128x128xf32, #tpu.memory_space<vmem>>) dst(%dma_wait3A_43 : memref<128x128xf32, #tpu.memory_space<hbm>>)
        tpu.yield
      }) : () -> ()
      "tpu.region"() ({
        %run_scoped3A = tpu.sem_alloc : memref<!tpu.dma_semaphore, #tpu.memory_space<semaphore_mem>>
        %dma_start3A_36 = arith.constant 0 : i32
        %dma_start3A_37 = tpu.memref_slice %arg6[%mul3A_30, %dma_start3A_36] : memref<64000x128xf32, #tpu.memory_space<hbm>> -> memref<128x128xf32, #tpu.memory_space<hbm>>
        %dma_start3A_38 = arith.constant 0 : i32
        %dma_start3A_39 = tpu.memref_slice %arg6[%mul3A_30, %dma_start3A_38] : memref<64000x128xf32, #tpu.memory_space<hbm>> -> memref<128x128xf32, #tpu.memory_space<hbm>>
        tpu.enqueue_dma source(%arg11 : memref<128x128xf32, #tpu.memory_space<vmem>>) target(%dma_start3A_39 : memref<128x128xf32, #tpu.memory_space<hbm>>) target_semaphore(%run_scoped3A : memref<!tpu.dma_semaphore, #tpu.memory_space<semaphore_mem>>)
        %dma_wait3A_40 = arith.constant 0 : i32
        %dma_wait3A_41 = tpu.memref_slice %arg6[%mul3A_30, %dma_wait3A_40] : memref<64000x128xf32, #tpu.memory_space<hbm>> -> memref<128x128xf32, #tpu.memory_space<hbm>>
        %dma_wait3A_42 = arith.constant 0 : i32
        %dma_wait3A_43 = tpu.memref_slice %arg6[%mul3A_30, %dma_wait3A_42] : memref<64000x128xf32, #tpu.memory_space<hbm>> -> memref<128x128xf32, #tpu.memory_space<hbm>>
        tpu.wait_dma2 semaphore(%run_scoped3A : memref<!tpu.dma_semaphore, #tpu.memory_space<semaphore_mem>>) src(%arg11 : memref<128x128xf32, #tpu.memory_space<vmem>>) dst(%dma_wait3A_43 : memref<128x128xf32, #tpu.memory_space<hbm>>)
        tpu.yield
      }) : () -> ()
    } else {
    }
    return
  }
}

#map = affine_map<(d0, d1) -> (0, 0)>
#map1 = affine_map<(d0, d1) -> (0)>
module attributes {stable_mosaic.version = 14 : i64} {
  func.func @_sc_gather_body(%arg0: i32, %arg1: i32, %arg2: memref<10000x128xf32, #tpu.memory_space<hbm>>, %arg3: memref<10000x128xf32, #tpu.memory_space<hbm>>, %arg4: memref<64000xi32, #tpu.memory_space<hbm>>, %arg5: memref<64000x128xf32, #tpu.memory_space<hbm>>, %arg6: memref<64000x128xf32, #tpu.memory_space<hbm>>, %arg7: memref<128xi32, #tpu.memory_space<vmem>>, %arg8: memref<128xi32, #tpu.memory_space<vmem>>, %arg9: memref<128x128xf32, #tpu.memory_space<vmem>>, %arg10: memref<128x128xf32, #tpu.memory_space<vmem>>, %arg11: memref<128x128xf32, #tpu.memory_space<vmem>>, %arg12: memref<128x128xf32, #tpu.memory_space<vmem>>, %arg13: memref<!tpu.dma_semaphore, #tpu.memory_space<semaphore_mem>>, %arg14: memref<!tpu.dma_semaphore, #tpu.memory_space<semaphore_mem>>, %arg15: memref<!tpu.dma_semaphore, #tpu.memory_space<semaphore_mem>>, %arg16: memref<!tpu.dma_semaphore, #tpu.memory_space<semaphore_mem>>) attributes {dimension_semantics = [#tpu.dimension_semantics<core_parallel>, #tpu.dimension_semantics<subcore_parallel>], iteration_bounds = array<i64: 2, 16>, scalar_prefetch = 0 : i64, scratch_operands = 10 : i64, tpu.core_type = #tpu.core_type<sc_vector_subcore>, window_params = [{transform_indices = #map}, {transform_indices = #map}, {transform_indices = #map1}, {transform_indices = #map}, {transform_indices = #map}]} {
    %mul3A = arith.constant 2 : i32
    %mul3A_0 = arith.muli %arg1, %mul3A : i32
    %add3A = arith.addi %mul3A_0, %arg0 : i32
    %add3A_1 = arith.constant 0 : i32
    %add3A_2 = arith.addi %add3A_1, %add3A : i32
    %mul3A_3 = arith.constant 128 : i32
    %mul3A_4 = arith.muli %add3A_2, %mul3A_3 : i32
    "tpu.region"() ({
      %run_scoped3A = tpu.sem_alloc : memref<!tpu.dma_semaphore, #tpu.memory_space<semaphore_mem>>
      %dma_start3A_17 = tpu.memref_slice %arg4[%mul3A_4] : memref<64000xi32, #tpu.memory_space<hbm>> -> memref<128xi32, #tpu.memory_space<hbm>>
      %dma_start3A_18 = tpu.memref_slice %arg4[%mul3A_4] : memref<64000xi32, #tpu.memory_space<hbm>> -> memref<128xi32, #tpu.memory_space<hbm>>
      tpu.enqueue_dma source(%dma_start3A_18 : memref<128xi32, #tpu.memory_space<hbm>>) target(%arg7 : memref<128xi32, #tpu.memory_space<vmem>>) target_semaphore(%run_scoped3A : memref<!tpu.dma_semaphore, #tpu.memory_space<semaphore_mem>>)
      %dma_wait3A = tpu.memref_slice %arg4[%mul3A_4] : memref<64000xi32, #tpu.memory_space<hbm>> -> memref<128xi32, #tpu.memory_space<hbm>>
      %dma_wait3A_19 = tpu.memref_slice %arg4[%mul3A_4] : memref<64000xi32, #tpu.memory_space<hbm>> -> memref<128xi32, #tpu.memory_space<hbm>>
      tpu.wait_dma2 semaphore(%run_scoped3A : memref<!tpu.dma_semaphore, #tpu.memory_space<semaphore_mem>>) src(%dma_wait3A_19 : memref<128xi32, #tpu.memory_space<hbm>>) dst(%arg7 : memref<128xi32, #tpu.memory_space<vmem>>)
      tpu.yield
    }) : () -> ()
    %dma_start3A = arith.constant 0 : i32
    %dma_start3A_5 = arith.constant 0 : i32
    %dma_start3A_6 = tpu.memref_slice %arg2[%dma_start3A, %dma_start3A_5] : memref<10000x128xf32, #tpu.memory_space<hbm>> -> memref<10000x128xf32, #tpu.memory_space<hbm>>
    tpu.enqueue_indirect_dma source(%dma_start3A_6 : memref<10000x128xf32, #tpu.memory_space<hbm>>) target(%arg9 : memref<128x128xf32, #tpu.memory_space<vmem>>) offsets(%arg7 : memref<128xi32, #tpu.memory_space<vmem>>) semaphore(%arg13 : memref<!tpu.dma_semaphore, #tpu.memory_space<semaphore_mem>>)
    %dma_start3A_7 = arith.constant 0 : i32
    %dma_start3A_8 = arith.constant 0 : i32
    %dma_start3A_9 = tpu.memref_slice %arg3[%dma_start3A_7, %dma_start3A_8] : memref<10000x128xf32, #tpu.memory_space<hbm>> -> memref<10000x128xf32, #tpu.memory_space<hbm>>
    tpu.enqueue_indirect_dma source(%dma_start3A_9 : memref<10000x128xf32, #tpu.memory_space<hbm>>) target(%arg11 : memref<128x128xf32, #tpu.memory_space<vmem>>) offsets(%arg7 : memref<128xi32, #tpu.memory_space<vmem>>) semaphore(%arg15 : memref<!tpu.dma_semaphore, #tpu.memory_space<semaphore_mem>>)
    %scan3A = arith.constant 0 : i32
    %scan3A_10 = arith.constant 0 : i32
    %scan3A_11 = arith.constant 8 : i32
    %scan3A_12 = arith.addi %scan3A_10, %scan3A_11 : i32
    %scan3A_13 = arith.constant 1 : i32
    scf.for %scan3A_17 = %scan3A_10 to %scan3A_12 step %scan3A_13  : i32 {
      %mul3A_18 = arith.constant 2 : i32
      %mul3A_19 = arith.muli %mul3A_18, %scan3A_17 : i32
      %add3A_20 = arith.constant 1 : i32
      %add3A_21 = arith.addi %mul3A_19, %add3A_20 : i32
      %mul3A_22 = arith.constant 2 : i32
      %mul3A_23 = arith.muli %mul3A_22, %scan3A_17 : i32
      %add3A_24 = arith.constant 2 : i32
      %add3A_25 = arith.addi %mul3A_23, %add3A_24 : i32
      %lt3A_26 = arith.constant 15 : i32
      %lt3A_27 = arith.cmpi slt, %add3A_21, %lt3A_26 : i32
      %convert_element_type3A_28 = arith.extui %lt3A_27 : i1 to i32
      %cond3A_29 = arith.constant 0 : i32
      %cond3A_30 = arith.cmpi ne, %convert_element_type3A_28, %cond3A_29 : i32
      scf.if %cond3A_30 {
        %mul3A_53 = arith.constant 32 : i32
        %mul3A_54 = arith.muli %add3A_21, %mul3A_53 : i32
        %add3A_55 = arith.addi %mul3A_54, %add3A : i32
        %mul3A_56 = arith.constant 128 : i32
        %mul3A_57 = arith.muli %add3A_55, %mul3A_56 : i32
        "tpu.region"() ({
          %run_scoped3A = tpu.sem_alloc : memref<!tpu.dma_semaphore, #tpu.memory_space<semaphore_mem>>
          %dma_start3A_64 = tpu.memref_slice %arg4[%mul3A_57] : memref<64000xi32, #tpu.memory_space<hbm>> -> memref<128xi32, #tpu.memory_space<hbm>>
          %dma_start3A_65 = tpu.memref_slice %arg4[%mul3A_57] : memref<64000xi32, #tpu.memory_space<hbm>> -> memref<128xi32, #tpu.memory_space<hbm>>
          tpu.enqueue_dma source(%dma_start3A_65 : memref<128xi32, #tpu.memory_space<hbm>>) target(%arg8 : memref<128xi32, #tpu.memory_space<vmem>>) target_semaphore(%run_scoped3A : memref<!tpu.dma_semaphore, #tpu.memory_space<semaphore_mem>>)
          %dma_wait3A_66 = tpu.memref_slice %arg4[%mul3A_57] : memref<64000xi32, #tpu.memory_space<hbm>> -> memref<128xi32, #tpu.memory_space<hbm>>
          %dma_wait3A_67 = tpu.memref_slice %arg4[%mul3A_57] : memref<64000xi32, #tpu.memory_space<hbm>> -> memref<128xi32, #tpu.memory_space<hbm>>
          tpu.wait_dma2 semaphore(%run_scoped3A : memref<!tpu.dma_semaphore, #tpu.memory_space<semaphore_mem>>) src(%dma_wait3A_67 : memref<128xi32, #tpu.memory_space<hbm>>) dst(%arg8 : memref<128xi32, #tpu.memory_space<vmem>>)
          tpu.yield
        }) : () -> ()
        %dma_start3A_58 = arith.constant 0 : i32
        %dma_start3A_59 = arith.constant 0 : i32
        %dma_start3A_60 = tpu.memref_slice %arg2[%dma_start3A_58, %dma_start3A_59] : memref<10000x128xf32, #tpu.memory_space<hbm>> -> memref<10000x128xf32, #tpu.memory_space<hbm>>
        tpu.enqueue_indirect_dma source(%dma_start3A_60 : memref<10000x128xf32, #tpu.memory_space<hbm>>) target(%arg10 : memref<128x128xf32, #tpu.memory_space<vmem>>) offsets(%arg8 : memref<128xi32, #tpu.memory_space<vmem>>) semaphore(%arg14 : memref<!tpu.dma_semaphore, #tpu.memory_space<semaphore_mem>>)
        %dma_start3A_61 = arith.constant 0 : i32
        %dma_start3A_62 = arith.constant 0 : i32
        %dma_start3A_63 = tpu.memref_slice %arg3[%dma_start3A_61, %dma_start3A_62] : memref<10000x128xf32, #tpu.memory_space<hbm>> -> memref<10000x128xf32, #tpu.memory_space<hbm>>
        tpu.enqueue_indirect_dma source(%dma_start3A_63 : memref<10000x128xf32, #tpu.memory_space<hbm>>) target(%arg12 : memref<128x128xf32, #tpu.memory_space<vmem>>) offsets(%arg8 : memref<128xi32, #tpu.memory_space<vmem>>) semaphore(%arg16 : memref<!tpu.dma_semaphore, #tpu.memory_space<semaphore_mem>>)
      } else {
      }
      %mul3A_31 = arith.constant 2 : i32
      %mul3A_32 = arith.muli %mul3A_31, %scan3A_17 : i32
      %mul3A_33 = arith.constant 32 : i32
      %mul3A_34 = arith.muli %mul3A_32, %mul3A_33 : i32
      %add3A_35 = arith.addi %mul3A_34, %add3A : i32
      %mul3A_36 = arith.constant 128 : i32
      %mul3A_37 = arith.muli %add3A_35, %mul3A_36 : i32
      %dma_wait3A = arith.constant 0 : i32
      %dma_wait3A_38 = arith.constant 0 : i32
      %dma_wait3A_39 = tpu.memref_slice %arg2[%dma_wait3A, %dma_wait3A_38] : memref<10000x128xf32, #tpu.memory_space<hbm>> -> memref<10000x128xf32, #tpu.memory_space<hbm>>
      tpu.wait_indirect_dma semaphore(%arg13 : memref<!tpu.dma_semaphore, #tpu.memory_space<semaphore_mem>>) src(%dma_wait3A_39 : memref<10000x128xf32, #tpu.memory_space<hbm>>) dst(%arg9 : memref<128x128xf32, #tpu.memory_space<vmem>>)
      %dma_wait3A_40 = arith.constant 0 : i32
      %dma_wait3A_41 = arith.constant 0 : i32
      %dma_wait3A_42 = tpu.memref_slice %arg3[%dma_wait3A_40, %dma_wait3A_41] : memref<10000x128xf32, #tpu.memory_space<hbm>> -> memref<10000x128xf32, #tpu.memory_space<hbm>>
      tpu.wait_indirect_dma semaphore(%arg15 : memref<!tpu.dma_semaphore, #tpu.memory_space<semaphore_mem>>) src(%dma_wait3A_42 : memref<10000x128xf32, #tpu.memory_space<hbm>>) dst(%arg11 : memref<128x128xf32, #tpu.memory_space<vmem>>)
      "tpu.region"() ({
        %run_scoped3A = tpu.sem_alloc : memref<!tpu.dma_semaphore, #tpu.memory_space<semaphore_mem>>
        %dma_start3A_53 = arith.constant 0 : i32
        %dma_start3A_54 = tpu.memref_slice %arg5[%mul3A_37, %dma_start3A_53] : memref<64000x128xf32, #tpu.memory_space<hbm>> -> memref<128x128xf32, #tpu.memory_space<hbm>>
        %dma_start3A_55 = arith.constant 0 : i32
        %dma_start3A_56 = tpu.memref_slice %arg5[%mul3A_37, %dma_start3A_55] : memref<64000x128xf32, #tpu.memory_space<hbm>> -> memref<128x128xf32, #tpu.memory_space<hbm>>
        tpu.enqueue_dma source(%arg9 : memref<128x128xf32, #tpu.memory_space<vmem>>) target(%dma_start3A_56 : memref<128x128xf32, #tpu.memory_space<hbm>>) target_semaphore(%run_scoped3A : memref<!tpu.dma_semaphore, #tpu.memory_space<semaphore_mem>>)
        %dma_wait3A_57 = arith.constant 0 : i32
        %dma_wait3A_58 = tpu.memref_slice %arg5[%mul3A_37, %dma_wait3A_57] : memref<64000x128xf32, #tpu.memory_space<hbm>> -> memref<128x128xf32, #tpu.memory_space<hbm>>
        %dma_wait3A_59 = arith.constant 0 : i32
        %dma_wait3A_60 = tpu.memref_slice %arg5[%mul3A_37, %dma_wait3A_59] : memref<64000x128xf32, #tpu.memory_space<hbm>> -> memref<128x128xf32, #tpu.memory_space<hbm>>
        tpu.wait_dma2 semaphore(%run_scoped3A : memref<!tpu.dma_semaphore, #tpu.memory_space<semaphore_mem>>) src(%arg9 : memref<128x128xf32, #tpu.memory_space<vmem>>) dst(%dma_wait3A_60 : memref<128x128xf32, #tpu.memory_space<hbm>>)
        tpu.yield
      }) : () -> ()
      "tpu.region"() ({
        %run_scoped3A = tpu.sem_alloc : memref<!tpu.dma_semaphore, #tpu.memory_space<semaphore_mem>>
        %dma_start3A_53 = arith.constant 0 : i32
        %dma_start3A_54 = tpu.memref_slice %arg6[%mul3A_37, %dma_start3A_53] : memref<64000x128xf32, #tpu.memory_space<hbm>> -> memref<128x128xf32, #tpu.memory_space<hbm>>
        %dma_start3A_55 = arith.constant 0 : i32
        %dma_start3A_56 = tpu.memref_slice %arg6[%mul3A_37, %dma_start3A_55] : memref<64000x128xf32, #tpu.memory_space<hbm>> -> memref<128x128xf32, #tpu.memory_space<hbm>>
        tpu.enqueue_dma source(%arg11 : memref<128x128xf32, #tpu.memory_space<vmem>>) target(%dma_start3A_56 : memref<128x128xf32, #tpu.memory_space<hbm>>) target_semaphore(%run_scoped3A : memref<!tpu.dma_semaphore, #tpu.memory_space<semaphore_mem>>)
        %dma_wait3A_57 = arith.constant 0 : i32
        %dma_wait3A_58 = tpu.memref_slice %arg6[%mul3A_37, %dma_wait3A_57] : memref<64000x128xf32, #tpu.memory_space<hbm>> -> memref<128x128xf32, #tpu.memory_space<hbm>>
        %dma_wait3A_59 = arith.constant 0 : i32
        %dma_wait3A_60 = tpu.memref_slice %arg6[%mul3A_37, %dma_wait3A_59] : memref<64000x128xf32, #tpu.memory_space<hbm>> -> memref<128x128xf32, #tpu.memory_space<hbm>>
        tpu.wait_dma2 semaphore(%run_scoped3A : memref<!tpu.dma_semaphore, #tpu.memory_space<semaphore_mem>>) src(%arg11 : memref<128x128xf32, #tpu.memory_space<vmem>>) dst(%dma_wait3A_60 : memref<128x128xf32, #tpu.memory_space<hbm>>)
        tpu.yield
      }) : () -> ()
      %lt3A_43 = arith.constant 15 : i32
      %lt3A_44 = arith.cmpi slt, %add3A_25, %lt3A_43 : i32
      %convert_element_type3A_45 = arith.extui %lt3A_44 : i1 to i32
      %cond3A_46 = arith.constant 0 : i32
      %cond3A_47 = arith.cmpi ne, %convert_element_type3A_45, %cond3A_46 : i32
      scf.if %cond3A_47 {
        %mul3A_53 = arith.constant 32 : i32
        %mul3A_54 = arith.muli %add3A_25, %mul3A_53 : i32
        %add3A_55 = arith.addi %mul3A_54, %add3A : i32
        %mul3A_56 = arith.constant 128 : i32
        %mul3A_57 = arith.muli %add3A_55, %mul3A_56 : i32
        "tpu.region"() ({
          %run_scoped3A = tpu.sem_alloc : memref<!tpu.dma_semaphore, #tpu.memory_space<semaphore_mem>>
          %dma_start3A_64 = tpu.memref_slice %arg4[%mul3A_57] : memref<64000xi32, #tpu.memory_space<hbm>> -> memref<128xi32, #tpu.memory_space<hbm>>
          %dma_start3A_65 = tpu.memref_slice %arg4[%mul3A_57] : memref<64000xi32, #tpu.memory_space<hbm>> -> memref<128xi32, #tpu.memory_space<hbm>>
          tpu.enqueue_dma source(%dma_start3A_65 : memref<128xi32, #tpu.memory_space<hbm>>) target(%arg7 : memref<128xi32, #tpu.memory_space<vmem>>) target_semaphore(%run_scoped3A : memref<!tpu.dma_semaphore, #tpu.memory_space<semaphore_mem>>)
          %dma_wait3A_66 = tpu.memref_slice %arg4[%mul3A_57] : memref<64000xi32, #tpu.memory_space<hbm>> -> memref<128xi32, #tpu.memory_space<hbm>>
          %dma_wait3A_67 = tpu.memref_slice %arg4[%mul3A_57] : memref<64000xi32, #tpu.memory_space<hbm>> -> memref<128xi32, #tpu.memory_space<hbm>>
          tpu.wait_dma2 semaphore(%run_scoped3A : memref<!tpu.dma_semaphore, #tpu.memory_space<semaphore_mem>>) src(%dma_wait3A_67 : memref<128xi32, #tpu.memory_space<hbm>>) dst(%arg7 : memref<128xi32, #tpu.memory_space<vmem>>)
          tpu.yield
        }) : () -> ()
        %dma_start3A_58 = arith.constant 0 : i32
        %dma_start3A_59 = arith.constant 0 : i32
        %dma_start3A_60 = tpu.memref_slice %arg2[%dma_start3A_58, %dma_start3A_59] : memref<10000x128xf32, #tpu.memory_space<hbm>> -> memref<10000x128xf32, #tpu.memory_space<hbm>>
        tpu.enqueue_indirect_dma source(%dma_start3A_60 : memref<10000x128xf32, #tpu.memory_space<hbm>>) target(%arg9 : memref<128x128xf32, #tpu.memory_space<vmem>>) offsets(%arg7 : memref<128xi32, #tpu.memory_space<vmem>>) semaphore(%arg13 : memref<!tpu.dma_semaphore, #tpu.memory_space<semaphore_mem>>)
        %dma_start3A_61 = arith.constant 0 : i32
        %dma_start3A_62 = arith.constant 0 : i32
        %dma_start3A_63 = tpu.memref_slice %arg3[%dma_start3A_61, %dma_start3A_62] : memref<10000x128xf32, #tpu.memory_space<hbm>> -> memref<10000x128xf32, #tpu.memory_space<hbm>>
        tpu.enqueue_indirect_dma source(%dma_start3A_63 : memref<10000x128xf32, #tpu.memory_space<hbm>>) target(%arg11 : memref<128x128xf32, #tpu.memory_space<vmem>>) offsets(%arg7 : memref<128xi32, #tpu.memory_space<vmem>>) semaphore(%arg15 : memref<!tpu.dma_semaphore, #tpu.memory_space<semaphore_mem>>)
      } else {
      }
      %lt3A_48 = arith.constant 15 : i32
      %lt3A_49 = arith.cmpi slt, %add3A_21, %lt3A_48 : i32
      %convert_element_type3A_50 = arith.extui %lt3A_49 : i1 to i32
      %cond3A_51 = arith.constant 0 : i32
      %cond3A_52 = arith.cmpi ne, %convert_element_type3A_50, %cond3A_51 : i32
      scf.if %cond3A_52 {
        %mul3A_53 = arith.constant 32 : i32
        %mul3A_54 = arith.muli %add3A_21, %mul3A_53 : i32
        %add3A_55 = arith.addi %mul3A_54, %add3A : i32
        %mul3A_56 = arith.constant 128 : i32
        %mul3A_57 = arith.muli %add3A_55, %mul3A_56 : i32
        %dma_wait3A_58 = arith.constant 0 : i32
        %dma_wait3A_59 = arith.constant 0 : i32
        %dma_wait3A_60 = tpu.memref_slice %arg2[%dma_wait3A_58, %dma_wait3A_59] : memref<10000x128xf32, #tpu.memory_space<hbm>> -> memref<10000x128xf32, #tpu.memory_space<hbm>>
        tpu.wait_indirect_dma semaphore(%arg14 : memref<!tpu.dma_semaphore, #tpu.memory_space<semaphore_mem>>) src(%dma_wait3A_60 : memref<10000x128xf32, #tpu.memory_space<hbm>>) dst(%arg10 : memref<128x128xf32, #tpu.memory_space<vmem>>)
        %dma_wait3A_61 = arith.constant 0 : i32
        %dma_wait3A_62 = arith.constant 0 : i32
        %dma_wait3A_63 = tpu.memref_slice %arg3[%dma_wait3A_61, %dma_wait3A_62] : memref<10000x128xf32, #tpu.memory_space<hbm>> -> memref<10000x128xf32, #tpu.memory_space<hbm>>
        tpu.wait_indirect_dma semaphore(%arg16 : memref<!tpu.dma_semaphore, #tpu.memory_space<semaphore_mem>>) src(%dma_wait3A_63 : memref<10000x128xf32, #tpu.memory_space<hbm>>) dst(%arg12 : memref<128x128xf32, #tpu.memory_space<vmem>>)
        "tpu.region"() ({
          %run_scoped3A = tpu.sem_alloc : memref<!tpu.dma_semaphore, #tpu.memory_space<semaphore_mem>>
          %dma_start3A_64 = arith.constant 0 : i32
          %dma_start3A_65 = tpu.memref_slice %arg5[%mul3A_57, %dma_start3A_64] : memref<64000x128xf32, #tpu.memory_space<hbm>> -> memref<128x128xf32, #tpu.memory_space<hbm>>
          %dma_start3A_66 = arith.constant 0 : i32
          %dma_start3A_67 = tpu.memref_slice %arg5[%mul3A_57, %dma_start3A_66] : memref<64000x128xf32, #tpu.memory_space<hbm>> -> memref<128x128xf32, #tpu.memory_space<hbm>>
          tpu.enqueue_dma source(%arg10 : memref<128x128xf32, #tpu.memory_space<vmem>>) target(%dma_start3A_67 : memref<128x128xf32, #tpu.memory_space<hbm>>) target_semaphore(%run_scoped3A : memref<!tpu.dma_semaphore, #tpu.memory_space<semaphore_mem>>)
          %dma_wait3A_68 = arith.constant 0 : i32
          %dma_wait3A_69 = tpu.memref_slice %arg5[%mul3A_57, %dma_wait3A_68] : memref<64000x128xf32, #tpu.memory_space<hbm>> -> memref<128x128xf32, #tpu.memory_space<hbm>>
          %dma_wait3A_70 = arith.constant 0 : i32
          %dma_wait3A_71 = tpu.memref_slice %arg5[%mul3A_57, %dma_wait3A_70] : memref<64000x128xf32, #tpu.memory_space<hbm>> -> memref<128x128xf32, #tpu.memory_space<hbm>>
          tpu.wait_dma2 semaphore(%run_scoped3A : memref<!tpu.dma_semaphore, #tpu.memory_space<semaphore_mem>>) src(%arg10 : memref<128x128xf32, #tpu.memory_space<vmem>>) dst(%dma_wait3A_71 : memref<128x128xf32, #tpu.memory_space<hbm>>)
          tpu.yield
        }) : () -> ()
        "tpu.region"() ({
          %run_scoped3A = tpu.sem_alloc : memref<!tpu.dma_semaphore, #tpu.memory_space<semaphore_mem>>
          %dma_start3A_64 = arith.constant 0 : i32
          %dma_start3A_65 = tpu.memref_slice %arg6[%mul3A_57, %dma_start3A_64] : memref<64000x128xf32, #tpu.memory_space<hbm>> -> memref<128x128xf32, #tpu.memory_space<hbm>>
          %dma_start3A_66 = arith.constant 0 : i32
          %dma_start3A_67 = tpu.memref_slice %arg6[%mul3A_57, %dma_start3A_66] : memref<64000x128xf32, #tpu.memory_space<hbm>> -> memref<128x128xf32, #tpu.memory_space<hbm>>
          tpu.enqueue_dma source(%arg12 : memref<128x128xf32, #tpu.memory_space<vmem>>) target(%dma_start3A_67 : memref<128x128xf32, #tpu.memory_space<hbm>>) target_semaphore(%run_scoped3A : memref<!tpu.dma_semaphore, #tpu.memory_space<semaphore_mem>>)
          %dma_wait3A_68 = arith.constant 0 : i32
          %dma_wait3A_69 = tpu.memref_slice %arg6[%mul3A_57, %dma_wait3A_68] : memref<64000x128xf32, #tpu.memory_space<hbm>> -> memref<128x128xf32, #tpu.memory_space<hbm>>
          %dma_wait3A_70 = arith.constant 0 : i32
          %dma_wait3A_71 = tpu.memref_slice %arg6[%mul3A_57, %dma_wait3A_70] : memref<64000x128xf32, #tpu.memory_space<hbm>> -> memref<128x128xf32, #tpu.memory_space<hbm>>
          tpu.wait_dma2 semaphore(%run_scoped3A : memref<!tpu.dma_semaphore, #tpu.memory_space<semaphore_mem>>) src(%arg12 : memref<128x128xf32, #tpu.memory_space<vmem>>) dst(%dma_wait3A_71 : memref<128x128xf32, #tpu.memory_space<hbm>>)
          tpu.yield
        }) : () -> ()
      } else {
      }
    }
    %scan3A_14 = arith.constant 8 : i32
    %lt3A = arith.constant 20 : i32
    %lt3A_15 = arith.cmpi slt, %add3A, %lt3A : i32
    %convert_element_type3A = arith.extui %lt3A_15 : i1 to i32
    %cond3A = arith.constant 0 : i32
    %cond3A_16 = arith.cmpi ne, %convert_element_type3A, %cond3A : i32
    scf.if %cond3A_16 {
      %add3A_17 = arith.constant 480 : i32
      %add3A_18 = arith.addi %add3A_17, %add3A : i32
      %mul3A_19 = arith.constant 128 : i32
      %mul3A_20 = arith.muli %add3A_18, %mul3A_19 : i32
      "tpu.region"() ({
        %run_scoped3A = tpu.sem_alloc : memref<!tpu.dma_semaphore, #tpu.memory_space<semaphore_mem>>
        %dma_start3A_36 = tpu.memref_slice %arg4[%mul3A_20] : memref<64000xi32, #tpu.memory_space<hbm>> -> memref<128xi32, #tpu.memory_space<hbm>>
        %dma_start3A_37 = tpu.memref_slice %arg4[%mul3A_20] : memref<64000xi32, #tpu.memory_space<hbm>> -> memref<128xi32, #tpu.memory_space<hbm>>
        tpu.enqueue_dma source(%dma_start3A_37 : memref<128xi32, #tpu.memory_space<hbm>>) target(%arg7 : memref<128xi32, #tpu.memory_space<vmem>>) target_semaphore(%run_scoped3A : memref<!tpu.dma_semaphore, #tpu.memory_space<semaphore_mem>>)
        %dma_wait3A_38 = tpu.memref_slice %arg4[%mul3A_20] : memref<64000xi32, #tpu.memory_space<hbm>> -> memref<128xi32, #tpu.memory_space<hbm>>
        %dma_wait3A_39 = tpu.memref_slice %arg4[%mul3A_20] : memref<64000xi32, #tpu.memory_space<hbm>> -> memref<128xi32, #tpu.memory_space<hbm>>
        tpu.wait_dma2 semaphore(%run_scoped3A : memref<!tpu.dma_semaphore, #tpu.memory_space<semaphore_mem>>) src(%dma_wait3A_39 : memref<128xi32, #tpu.memory_space<hbm>>) dst(%arg7 : memref<128xi32, #tpu.memory_space<vmem>>)
        tpu.yield
      }) : () -> ()
      %dma_start3A_21 = arith.constant 0 : i32
      %dma_start3A_22 = arith.constant 0 : i32
      %dma_start3A_23 = tpu.memref_slice %arg2[%dma_start3A_21, %dma_start3A_22] : memref<10000x128xf32, #tpu.memory_space<hbm>> -> memref<10000x128xf32, #tpu.memory_space<hbm>>
      tpu.enqueue_indirect_dma source(%dma_start3A_23 : memref<10000x128xf32, #tpu.memory_space<hbm>>) target(%arg9 : memref<128x128xf32, #tpu.memory_space<vmem>>) offsets(%arg7 : memref<128xi32, #tpu.memory_space<vmem>>) semaphore(%arg13 : memref<!tpu.dma_semaphore, #tpu.memory_space<semaphore_mem>>)
      %dma_start3A_24 = arith.constant 0 : i32
      %dma_start3A_25 = arith.constant 0 : i32
      %dma_start3A_26 = tpu.memref_slice %arg3[%dma_start3A_24, %dma_start3A_25] : memref<10000x128xf32, #tpu.memory_space<hbm>> -> memref<10000x128xf32, #tpu.memory_space<hbm>>
      tpu.enqueue_indirect_dma source(%dma_start3A_26 : memref<10000x128xf32, #tpu.memory_space<hbm>>) target(%arg11 : memref<128x128xf32, #tpu.memory_space<vmem>>) offsets(%arg7 : memref<128xi32, #tpu.memory_space<vmem>>) semaphore(%arg15 : memref<!tpu.dma_semaphore, #tpu.memory_space<semaphore_mem>>)
      %add3A_27 = arith.constant 480 : i32
      %add3A_28 = arith.addi %add3A_27, %add3A : i32
      %mul3A_29 = arith.constant 128 : i32
      %mul3A_30 = arith.muli %add3A_28, %mul3A_29 : i32
      %dma_wait3A = arith.constant 0 : i32
      %dma_wait3A_31 = arith.constant 0 : i32
      %dma_wait3A_32 = tpu.memref_slice %arg2[%dma_wait3A, %dma_wait3A_31] : memref<10000x128xf32, #tpu.memory_space<hbm>> -> memref<10000x128xf32, #tpu.memory_space<hbm>>
      tpu.wait_indirect_dma semaphore(%arg13 : memref<!tpu.dma_semaphore, #tpu.memory_space<semaphore_mem>>) src(%dma_wait3A_32 : memref<10000x128xf32, #tpu.memory_space<hbm>>) dst(%arg9 : memref<128x128xf32, #tpu.memory_space<vmem>>)
      %dma_wait3A_33 = arith.constant 0 : i32
      %dma_wait3A_34 = arith.constant 0 : i32
      %dma_wait3A_35 = tpu.memref_slice %arg3[%dma_wait3A_33, %dma_wait3A_34] : memref<10000x128xf32, #tpu.memory_space<hbm>> -> memref<10000x128xf32, #tpu.memory_space<hbm>>
      tpu.wait_indirect_dma semaphore(%arg15 : memref<!tpu.dma_semaphore, #tpu.memory_space<semaphore_mem>>) src(%dma_wait3A_35 : memref<10000x128xf32, #tpu.memory_space<hbm>>) dst(%arg11 : memref<128x128xf32, #tpu.memory_space<vmem>>)
      "tpu.region"() ({
        %run_scoped3A = tpu.sem_alloc : memref<!tpu.dma_semaphore, #tpu.memory_space<semaphore_mem>>
        %dma_start3A_36 = arith.constant 0 : i32
        %dma_start3A_37 = tpu.memref_slice %arg5[%mul3A_30, %dma_start3A_36] : memref<64000x128xf32, #tpu.memory_space<hbm>> -> memref<128x128xf32, #tpu.memory_space<hbm>>
        %dma_start3A_38 = arith.constant 0 : i32
        %dma_start3A_39 = tpu.memref_slice %arg5[%mul3A_30, %dma_start3A_38] : memref<64000x128xf32, #tpu.memory_space<hbm>> -> memref<128x128xf32, #tpu.memory_space<hbm>>
        tpu.enqueue_dma source(%arg9 : memref<128x128xf32, #tpu.memory_space<vmem>>) target(%dma_start3A_39 : memref<128x128xf32, #tpu.memory_space<hbm>>) target_semaphore(%run_scoped3A : memref<!tpu.dma_semaphore, #tpu.memory_space<semaphore_mem>>)
        %dma_wait3A_40 = arith.constant 0 : i32
        %dma_wait3A_41 = tpu.memref_slice %arg5[%mul3A_30, %dma_wait3A_40] : memref<64000x128xf32, #tpu.memory_space<hbm>> -> memref<128x128xf32, #tpu.memory_space<hbm>>
        %dma_wait3A_42 = arith.constant 0 : i32
        %dma_wait3A_43 = tpu.memref_slice %arg5[%mul3A_30, %dma_wait3A_42] : memref<64000x128xf32, #tpu.memory_space<hbm>> -> memref<128x128xf32, #tpu.memory_space<hbm>>
        tpu.wait_dma2 semaphore(%run_scoped3A : memref<!tpu.dma_semaphore, #tpu.memory_space<semaphore_mem>>) src(%arg9 : memref<128x128xf32, #tpu.memory_space<vmem>>) dst(%dma_wait3A_43 : memref<128x128xf32, #tpu.memory_space<hbm>>)
        tpu.yield
      }) : () -> ()
      "tpu.region"() ({
        %run_scoped3A = tpu.sem_alloc : memref<!tpu.dma_semaphore, #tpu.memory_space<semaphore_mem>>
        %dma_start3A_36 = arith.constant 0 : i32
        %dma_start3A_37 = tpu.memref_slice %arg6[%mul3A_30, %dma_start3A_36] : memref<64000x128xf32, #tpu.memory_space<hbm>> -> memref<128x128xf32, #tpu.memory_space<hbm>>
        %dma_start3A_38 = arith.constant 0 : i32
        %dma_start3A_39 = tpu.memref_slice %arg6[%mul3A_30, %dma_start3A_38] : memref<64000x128xf32, #tpu.memory_space<hbm>> -> memref<128x128xf32, #tpu.memory_space<hbm>>
        tpu.enqueue_dma source(%arg11 : memref<128x128xf32, #tpu.memory_space<vmem>>) target(%dma_start3A_39 : memref<128x128xf32, #tpu.memory_space<hbm>>) target_semaphore(%run_scoped3A : memref<!tpu.dma_semaphore, #tpu.memory_space<semaphore_mem>>)
        %dma_wait3A_40 = arith.constant 0 : i32
        %dma_wait3A_41 = tpu.memref_slice %arg6[%mul3A_30, %dma_wait3A_40] : memref<64000x128xf32, #tpu.memory_space<hbm>> -> memref<128x128xf32, #tpu.memory_space<hbm>>
        %dma_wait3A_42 = arith.constant 0 : i32
        %dma_wait3A_43 = tpu.memref_slice %arg6[%mul3A_30, %dma_wait3A_42] : memref<64000x128xf32, #tpu.memory_space<hbm>> -> memref<128x128xf32, #tpu.memory_space<hbm>>
        tpu.wait_dma2 semaphore(%run_scoped3A : memref<!tpu.dma_semaphore, #tpu.memory_space<semaphore_mem>>) src(%arg11 : memref<128x128xf32, #tpu.memory_space<vmem>>) dst(%dma_wait3A_43 : memref<128x128xf32, #tpu.memory_space<hbm>>)
        tpu.yield
      }) : () -> ()
    } else {
    }
    return
  }
}

#map = affine_map<(d0, d1) -> (0, 0)>
#map1 = affine_map<(d0, d1) -> (0)>
module attributes {stable_mosaic.version = 14 : i64} {
  func.func @_sc_gather_body(%arg0: i32, %arg1: i32, %arg2: memref<10000x128xf32, #tpu.memory_space<hbm>>, %arg3: memref<10000x128xf32, #tpu.memory_space<hbm>>, %arg4: memref<64000xi32, #tpu.memory_space<hbm>>, %arg5: memref<64000x128xf32, #tpu.memory_space<hbm>>, %arg6: memref<64000x128xf32, #tpu.memory_space<hbm>>, %arg7: memref<128xi32, #tpu.memory_space<vmem>>, %arg8: memref<128xi32, #tpu.memory_space<vmem>>, %arg9: memref<128x128xf32, #tpu.memory_space<vmem>>, %arg10: memref<128x128xf32, #tpu.memory_space<vmem>>, %arg11: memref<128x128xf32, #tpu.memory_space<vmem>>, %arg12: memref<128x128xf32, #tpu.memory_space<vmem>>, %arg13: memref<!tpu.dma_semaphore, #tpu.memory_space<semaphore_mem>>, %arg14: memref<!tpu.dma_semaphore, #tpu.memory_space<semaphore_mem>>, %arg15: memref<!tpu.dma_semaphore, #tpu.memory_space<semaphore_mem>>, %arg16: memref<!tpu.dma_semaphore, #tpu.memory_space<semaphore_mem>>) attributes {dimension_semantics = [#tpu.dimension_semantics<core_parallel>, #tpu.dimension_semantics<subcore_parallel>], iteration_bounds = array<i64: 2, 16>, scalar_prefetch = 0 : i64, scratch_operands = 10 : i64, tpu.core_type = #tpu.core_type<sc_vector_subcore>, window_params = [{transform_indices = #map}, {transform_indices = #map}, {transform_indices = #map1}, {transform_indices = #map}, {transform_indices = #map}]} {
    %mul3A = arith.constant 2 : i32
    %mul3A_0 = arith.muli %arg1, %mul3A : i32
    %add3A = arith.addi %mul3A_0, %arg0 : i32
    %add3A_1 = arith.constant 0 : i32
    %add3A_2 = arith.addi %add3A_1, %add3A : i32
    %mul3A_3 = arith.constant 128 : i32
    %mul3A_4 = arith.muli %add3A_2, %mul3A_3 : i32
    "tpu.region"() ({
      %run_scoped3A = tpu.sem_alloc : memref<!tpu.dma_semaphore, #tpu.memory_space<semaphore_mem>>
      %dma_start3A_17 = tpu.memref_slice %arg4[%mul3A_4] : memref<64000xi32, #tpu.memory_space<hbm>> -> memref<128xi32, #tpu.memory_space<hbm>>
      %dma_start3A_18 = tpu.memref_slice %arg4[%mul3A_4] : memref<64000xi32, #tpu.memory_space<hbm>> -> memref<128xi32, #tpu.memory_space<hbm>>
      tpu.enqueue_dma source(%dma_start3A_18 : memref<128xi32, #tpu.memory_space<hbm>>) target(%arg7 : memref<128xi32, #tpu.memory_space<vmem>>) target_semaphore(%run_scoped3A : memref<!tpu.dma_semaphore, #tpu.memory_space<semaphore_mem>>)
      %dma_wait3A = tpu.memref_slice %arg4[%mul3A_4] : memref<64000xi32, #tpu.memory_space<hbm>> -> memref<128xi32, #tpu.memory_space<hbm>>
      %dma_wait3A_19 = tpu.memref_slice %arg4[%mul3A_4] : memref<64000xi32, #tpu.memory_space<hbm>> -> memref<128xi32, #tpu.memory_space<hbm>>
      tpu.wait_dma2 semaphore(%run_scoped3A : memref<!tpu.dma_semaphore, #tpu.memory_space<semaphore_mem>>) src(%dma_wait3A_19 : memref<128xi32, #tpu.memory_space<hbm>>) dst(%arg7 : memref<128xi32, #tpu.memory_space<vmem>>)
      tpu.yield
    }) : () -> ()
    %dma_start3A = arith.constant 0 : i32
    %dma_start3A_5 = arith.constant 0 : i32
    %dma_start3A_6 = tpu.memref_slice %arg2[%dma_start3A, %dma_start3A_5] : memref<10000x128xf32, #tpu.memory_space<hbm>> -> memref<10000x128xf32, #tpu.memory_space<hbm>>
    tpu.enqueue_indirect_dma source(%dma_start3A_6 : memref<10000x128xf32, #tpu.memory_space<hbm>>) target(%arg9 : memref<128x128xf32, #tpu.memory_space<vmem>>) offsets(%arg7 : memref<128xi32, #tpu.memory_space<vmem>>) semaphore(%arg13 : memref<!tpu.dma_semaphore, #tpu.memory_space<semaphore_mem>>)
    %dma_start3A_7 = arith.constant 0 : i32
    %dma_start3A_8 = arith.constant 0 : i32
    %dma_start3A_9 = tpu.memref_slice %arg3[%dma_start3A_7, %dma_start3A_8] : memref<10000x128xf32, #tpu.memory_space<hbm>> -> memref<10000x128xf32, #tpu.memory_space<hbm>>
    tpu.enqueue_indirect_dma source(%dma_start3A_9 : memref<10000x128xf32, #tpu.memory_space<hbm>>) target(%arg11 : memref<128x128xf32, #tpu.memory_space<vmem>>) offsets(%arg7 : memref<128xi32, #tpu.memory_space<vmem>>) semaphore(%arg15 : memref<!tpu.dma_semaphore, #tpu.memory_space<semaphore_mem>>)
    %scan3A = arith.constant 0 : i32
    %scan3A_10 = arith.constant 0 : i32
    %scan3A_11 = arith.constant 8 : i32
    %scan3A_12 = arith.addi %scan3A_10, %scan3A_11 : i32
    %scan3A_13 = arith.constant 1 : i32
    scf.for %scan3A_17 = %scan3A_10 to %scan3A_12 step %scan3A_13  : i32 {
      %mul3A_18 = arith.constant 2 : i32
      %mul3A_19 = arith.muli %mul3A_18, %scan3A_17 : i32
      %add3A_20 = arith.constant 1 : i32
      %add3A_21 = arith.addi %mul3A_19, %add3A_20 : i32
      %mul3A_22 = arith.constant 2 : i32
      %mul3A_23 = arith.muli %mul3A_22, %scan3A_17 : i32
      %add3A_24 = arith.constant 2 : i32
      %add3A_25 = arith.addi %mul3A_23, %add3A_24 : i32
      %lt3A_26 = arith.constant 15 : i32
      %lt3A_27 = arith.cmpi slt, %add3A_21, %lt3A_26 : i32
      %convert_element_type3A_28 = arith.extui %lt3A_27 : i1 to i32
      %cond3A_29 = arith.constant 0 : i32
      %cond3A_30 = arith.cmpi ne, %convert_element_type3A_28, %cond3A_29 : i32
      scf.if %cond3A_30 {
        %mul3A_53 = arith.constant 32 : i32
        %mul3A_54 = arith.muli %add3A_21, %mul3A_53 : i32
        %add3A_55 = arith.addi %mul3A_54, %add3A : i32
        %mul3A_56 = arith.constant 128 : i32
        %mul3A_57 = arith.muli %add3A_55, %mul3A_56 : i32
        "tpu.region"() ({
          %run_scoped3A = tpu.sem_alloc : memref<!tpu.dma_semaphore, #tpu.memory_space<semaphore_mem>>
          %dma_start3A_64 = tpu.memref_slice %arg4[%mul3A_57] : memref<64000xi32, #tpu.memory_space<hbm>> -> memref<128xi32, #tpu.memory_space<hbm>>
          %dma_start3A_65 = tpu.memref_slice %arg4[%mul3A_57] : memref<64000xi32, #tpu.memory_space<hbm>> -> memref<128xi32, #tpu.memory_space<hbm>>
          tpu.enqueue_dma source(%dma_start3A_65 : memref<128xi32, #tpu.memory_space<hbm>>) target(%arg8 : memref<128xi32, #tpu.memory_space<vmem>>) target_semaphore(%run_scoped3A : memref<!tpu.dma_semaphore, #tpu.memory_space<semaphore_mem>>)
          %dma_wait3A_66 = tpu.memref_slice %arg4[%mul3A_57] : memref<64000xi32, #tpu.memory_space<hbm>> -> memref<128xi32, #tpu.memory_space<hbm>>
          %dma_wait3A_67 = tpu.memref_slice %arg4[%mul3A_57] : memref<64000xi32, #tpu.memory_space<hbm>> -> memref<128xi32, #tpu.memory_space<hbm>>
          tpu.wait_dma2 semaphore(%run_scoped3A : memref<!tpu.dma_semaphore, #tpu.memory_space<semaphore_mem>>) src(%dma_wait3A_67 : memref<128xi32, #tpu.memory_space<hbm>>) dst(%arg8 : memref<128xi32, #tpu.memory_space<vmem>>)
          tpu.yield
        }) : () -> ()
        %dma_start3A_58 = arith.constant 0 : i32
        %dma_start3A_59 = arith.constant 0 : i32
        %dma_start3A_60 = tpu.memref_slice %arg2[%dma_start3A_58, %dma_start3A_59] : memref<10000x128xf32, #tpu.memory_space<hbm>> -> memref<10000x128xf32, #tpu.memory_space<hbm>>
        tpu.enqueue_indirect_dma source(%dma_start3A_60 : memref<10000x128xf32, #tpu.memory_space<hbm>>) target(%arg10 : memref<128x128xf32, #tpu.memory_space<vmem>>) offsets(%arg8 : memref<128xi32, #tpu.memory_space<vmem>>) semaphore(%arg14 : memref<!tpu.dma_semaphore, #tpu.memory_space<semaphore_mem>>)
        %dma_start3A_61 = arith.constant 0 : i32
        %dma_start3A_62 = arith.constant 0 : i32
        %dma_start3A_63 = tpu.memref_slice %arg3[%dma_start3A_61, %dma_start3A_62] : memref<10000x128xf32, #tpu.memory_space<hbm>> -> memref<10000x128xf32, #tpu.memory_space<hbm>>
        tpu.enqueue_indirect_dma source(%dma_start3A_63 : memref<10000x128xf32, #tpu.memory_space<hbm>>) target(%arg12 : memref<128x128xf32, #tpu.memory_space<vmem>>) offsets(%arg8 : memref<128xi32, #tpu.memory_space<vmem>>) semaphore(%arg16 : memref<!tpu.dma_semaphore, #tpu.memory_space<semaphore_mem>>)
      } else {
      }
      %mul3A_31 = arith.constant 2 : i32
      %mul3A_32 = arith.muli %mul3A_31, %scan3A_17 : i32
      %mul3A_33 = arith.constant 32 : i32
      %mul3A_34 = arith.muli %mul3A_32, %mul3A_33 : i32
      %add3A_35 = arith.addi %mul3A_34, %add3A : i32
      %mul3A_36 = arith.constant 128 : i32
      %mul3A_37 = arith.muli %add3A_35, %mul3A_36 : i32
      %dma_wait3A = arith.constant 0 : i32
      %dma_wait3A_38 = arith.constant 0 : i32
      %dma_wait3A_39 = tpu.memref_slice %arg2[%dma_wait3A, %dma_wait3A_38] : memref<10000x128xf32, #tpu.memory_space<hbm>> -> memref<10000x128xf32, #tpu.memory_space<hbm>>
      tpu.wait_indirect_dma semaphore(%arg13 : memref<!tpu.dma_semaphore, #tpu.memory_space<semaphore_mem>>) src(%dma_wait3A_39 : memref<10000x128xf32, #tpu.memory_space<hbm>>) dst(%arg9 : memref<128x128xf32, #tpu.memory_space<vmem>>)
      %dma_wait3A_40 = arith.constant 0 : i32
      %dma_wait3A_41 = arith.constant 0 : i32
      %dma_wait3A_42 = tpu.memref_slice %arg3[%dma_wait3A_40, %dma_wait3A_41] : memref<10000x128xf32, #tpu.memory_space<hbm>> -> memref<10000x128xf32, #tpu.memory_space<hbm>>
      tpu.wait_indirect_dma semaphore(%arg15 : memref<!tpu.dma_semaphore, #tpu.memory_space<semaphore_mem>>) src(%dma_wait3A_42 : memref<10000x128xf32, #tpu.memory_space<hbm>>) dst(%arg11 : memref<128x128xf32, #tpu.memory_space<vmem>>)
      "tpu.region"() ({
        %run_scoped3A = tpu.sem_alloc : memref<!tpu.dma_semaphore, #tpu.memory_space<semaphore_mem>>
        %dma_start3A_53 = arith.constant 0 : i32
        %dma_start3A_54 = tpu.memref_slice %arg5[%mul3A_37, %dma_start3A_53] : memref<64000x128xf32, #tpu.memory_space<hbm>> -> memref<128x128xf32, #tpu.memory_space<hbm>>
        %dma_start3A_55 = arith.constant 0 : i32
        %dma_start3A_56 = tpu.memref_slice %arg5[%mul3A_37, %dma_start3A_55] : memref<64000x128xf32, #tpu.memory_space<hbm>> -> memref<128x128xf32, #tpu.memory_space<hbm>>
        tpu.enqueue_dma source(%arg9 : memref<128x128xf32, #tpu.memory_space<vmem>>) target(%dma_start3A_56 : memref<128x128xf32, #tpu.memory_space<hbm>>) target_semaphore(%run_scoped3A : memref<!tpu.dma_semaphore, #tpu.memory_space<semaphore_mem>>)
        %dma_wait3A_57 = arith.constant 0 : i32
        %dma_wait3A_58 = tpu.memref_slice %arg5[%mul3A_37, %dma_wait3A_57] : memref<64000x128xf32, #tpu.memory_space<hbm>> -> memref<128x128xf32, #tpu.memory_space<hbm>>
        %dma_wait3A_59 = arith.constant 0 : i32
        %dma_wait3A_60 = tpu.memref_slice %arg5[%mul3A_37, %dma_wait3A_59] : memref<64000x128xf32, #tpu.memory_space<hbm>> -> memref<128x128xf32, #tpu.memory_space<hbm>>
        tpu.wait_dma2 semaphore(%run_scoped3A : memref<!tpu.dma_semaphore, #tpu.memory_space<semaphore_mem>>) src(%arg9 : memref<128x128xf32, #tpu.memory_space<vmem>>) dst(%dma_wait3A_60 : memref<128x128xf32, #tpu.memory_space<hbm>>)
        tpu.yield
      }) : () -> ()
      "tpu.region"() ({
        %run_scoped3A = tpu.sem_alloc : memref<!tpu.dma_semaphore, #tpu.memory_space<semaphore_mem>>
        %dma_start3A_53 = arith.constant 0 : i32
        %dma_start3A_54 = tpu.memref_slice %arg6[%mul3A_37, %dma_start3A_53] : memref<64000x128xf32, #tpu.memory_space<hbm>> -> memref<128x128xf32, #tpu.memory_space<hbm>>
        %dma_start3A_55 = arith.constant 0 : i32
        %dma_start3A_56 = tpu.memref_slice %arg6[%mul3A_37, %dma_start3A_55] : memref<64000x128xf32, #tpu.memory_space<hbm>> -> memref<128x128xf32, #tpu.memory_space<hbm>>
        tpu.enqueue_dma source(%arg11 : memref<128x128xf32, #tpu.memory_space<vmem>>) target(%dma_start3A_56 : memref<128x128xf32, #tpu.memory_space<hbm>>) target_semaphore(%run_scoped3A : memref<!tpu.dma_semaphore, #tpu.memory_space<semaphore_mem>>)
        %dma_wait3A_57 = arith.constant 0 : i32
        %dma_wait3A_58 = tpu.memref_slice %arg6[%mul3A_37, %dma_wait3A_57] : memref<64000x128xf32, #tpu.memory_space<hbm>> -> memref<128x128xf32, #tpu.memory_space<hbm>>
        %dma_wait3A_59 = arith.constant 0 : i32
        %dma_wait3A_60 = tpu.memref_slice %arg6[%mul3A_37, %dma_wait3A_59] : memref<64000x128xf32, #tpu.memory_space<hbm>> -> memref<128x128xf32, #tpu.memory_space<hbm>>
        tpu.wait_dma2 semaphore(%run_scoped3A : memref<!tpu.dma_semaphore, #tpu.memory_space<semaphore_mem>>) src(%arg11 : memref<128x128xf32, #tpu.memory_space<vmem>>) dst(%dma_wait3A_60 : memref<128x128xf32, #tpu.memory_space<hbm>>)
        tpu.yield
      }) : () -> ()
      %lt3A_43 = arith.constant 15 : i32
      %lt3A_44 = arith.cmpi slt, %add3A_25, %lt3A_43 : i32
      %convert_element_type3A_45 = arith.extui %lt3A_44 : i1 to i32
      %cond3A_46 = arith.constant 0 : i32
      %cond3A_47 = arith.cmpi ne, %convert_element_type3A_45, %cond3A_46 : i32
      scf.if %cond3A_47 {
        %mul3A_53 = arith.constant 32 : i32
        %mul3A_54 = arith.muli %add3A_25, %mul3A_53 : i32
        %add3A_55 = arith.addi %mul3A_54, %add3A : i32
        %mul3A_56 = arith.constant 128 : i32
        %mul3A_57 = arith.muli %add3A_55, %mul3A_56 : i32
        "tpu.region"() ({
          %run_scoped3A = tpu.sem_alloc : memref<!tpu.dma_semaphore, #tpu.memory_space<semaphore_mem>>
          %dma_start3A_64 = tpu.memref_slice %arg4[%mul3A_57] : memref<64000xi32, #tpu.memory_space<hbm>> -> memref<128xi32, #tpu.memory_space<hbm>>
          %dma_start3A_65 = tpu.memref_slice %arg4[%mul3A_57] : memref<64000xi32, #tpu.memory_space<hbm>> -> memref<128xi32, #tpu.memory_space<hbm>>
          tpu.enqueue_dma source(%dma_start3A_65 : memref<128xi32, #tpu.memory_space<hbm>>) target(%arg7 : memref<128xi32, #tpu.memory_space<vmem>>) target_semaphore(%run_scoped3A : memref<!tpu.dma_semaphore, #tpu.memory_space<semaphore_mem>>)
          %dma_wait3A_66 = tpu.memref_slice %arg4[%mul3A_57] : memref<64000xi32, #tpu.memory_space<hbm>> -> memref<128xi32, #tpu.memory_space<hbm>>
          %dma_wait3A_67 = tpu.memref_slice %arg4[%mul3A_57] : memref<64000xi32, #tpu.memory_space<hbm>> -> memref<128xi32, #tpu.memory_space<hbm>>
          tpu.wait_dma2 semaphore(%run_scoped3A : memref<!tpu.dma_semaphore, #tpu.memory_space<semaphore_mem>>) src(%dma_wait3A_67 : memref<128xi32, #tpu.memory_space<hbm>>) dst(%arg7 : memref<128xi32, #tpu.memory_space<vmem>>)
          tpu.yield
        }) : () -> ()
        %dma_start3A_58 = arith.constant 0 : i32
        %dma_start3A_59 = arith.constant 0 : i32
        %dma_start3A_60 = tpu.memref_slice %arg2[%dma_start3A_58, %dma_start3A_59] : memref<10000x128xf32, #tpu.memory_space<hbm>> -> memref<10000x128xf32, #tpu.memory_space<hbm>>
        tpu.enqueue_indirect_dma source(%dma_start3A_60 : memref<10000x128xf32, #tpu.memory_space<hbm>>) target(%arg9 : memref<128x128xf32, #tpu.memory_space<vmem>>) offsets(%arg7 : memref<128xi32, #tpu.memory_space<vmem>>) semaphore(%arg13 : memref<!tpu.dma_semaphore, #tpu.memory_space<semaphore_mem>>)
        %dma_start3A_61 = arith.constant 0 : i32
        %dma_start3A_62 = arith.constant 0 : i32
        %dma_start3A_63 = tpu.memref_slice %arg3[%dma_start3A_61, %dma_start3A_62] : memref<10000x128xf32, #tpu.memory_space<hbm>> -> memref<10000x128xf32, #tpu.memory_space<hbm>>
        tpu.enqueue_indirect_dma source(%dma_start3A_63 : memref<10000x128xf32, #tpu.memory_space<hbm>>) target(%arg11 : memref<128x128xf32, #tpu.memory_space<vmem>>) offsets(%arg7 : memref<128xi32, #tpu.memory_space<vmem>>) semaphore(%arg15 : memref<!tpu.dma_semaphore, #tpu.memory_space<semaphore_mem>>)
      } else {
      }
      %lt3A_48 = arith.constant 15 : i32
      %lt3A_49 = arith.cmpi slt, %add3A_21, %lt3A_48 : i32
      %convert_element_type3A_50 = arith.extui %lt3A_49 : i1 to i32
      %cond3A_51 = arith.constant 0 : i32
      %cond3A_52 = arith.cmpi ne, %convert_element_type3A_50, %cond3A_51 : i32
      scf.if %cond3A_52 {
        %mul3A_53 = arith.constant 32 : i32
        %mul3A_54 = arith.muli %add3A_21, %mul3A_53 : i32
        %add3A_55 = arith.addi %mul3A_54, %add3A : i32
        %mul3A_56 = arith.constant 128 : i32
        %mul3A_57 = arith.muli %add3A_55, %mul3A_56 : i32
        %dma_wait3A_58 = arith.constant 0 : i32
        %dma_wait3A_59 = arith.constant 0 : i32
        %dma_wait3A_60 = tpu.memref_slice %arg2[%dma_wait3A_58, %dma_wait3A_59] : memref<10000x128xf32, #tpu.memory_space<hbm>> -> memref<10000x128xf32, #tpu.memory_space<hbm>>
        tpu.wait_indirect_dma semaphore(%arg14 : memref<!tpu.dma_semaphore, #tpu.memory_space<semaphore_mem>>) src(%dma_wait3A_60 : memref<10000x128xf32, #tpu.memory_space<hbm>>) dst(%arg10 : memref<128x128xf32, #tpu.memory_space<vmem>>)
        %dma_wait3A_61 = arith.constant 0 : i32
        %dma_wait3A_62 = arith.constant 0 : i32
        %dma_wait3A_63 = tpu.memref_slice %arg3[%dma_wait3A_61, %dma_wait3A_62] : memref<10000x128xf32, #tpu.memory_space<hbm>> -> memref<10000x128xf32, #tpu.memory_space<hbm>>
        tpu.wait_indirect_dma semaphore(%arg16 : memref<!tpu.dma_semaphore, #tpu.memory_space<semaphore_mem>>) src(%dma_wait3A_63 : memref<10000x128xf32, #tpu.memory_space<hbm>>) dst(%arg12 : memref<128x128xf32, #tpu.memory_space<vmem>>)
        "tpu.region"() ({
          %run_scoped3A = tpu.sem_alloc : memref<!tpu.dma_semaphore, #tpu.memory_space<semaphore_mem>>
          %dma_start3A_64 = arith.constant 0 : i32
          %dma_start3A_65 = tpu.memref_slice %arg5[%mul3A_57, %dma_start3A_64] : memref<64000x128xf32, #tpu.memory_space<hbm>> -> memref<128x128xf32, #tpu.memory_space<hbm>>
          %dma_start3A_66 = arith.constant 0 : i32
          %dma_start3A_67 = tpu.memref_slice %arg5[%mul3A_57, %dma_start3A_66] : memref<64000x128xf32, #tpu.memory_space<hbm>> -> memref<128x128xf32, #tpu.memory_space<hbm>>
          tpu.enqueue_dma source(%arg10 : memref<128x128xf32, #tpu.memory_space<vmem>>) target(%dma_start3A_67 : memref<128x128xf32, #tpu.memory_space<hbm>>) target_semaphore(%run_scoped3A : memref<!tpu.dma_semaphore, #tpu.memory_space<semaphore_mem>>)
          %dma_wait3A_68 = arith.constant 0 : i32
          %dma_wait3A_69 = tpu.memref_slice %arg5[%mul3A_57, %dma_wait3A_68] : memref<64000x128xf32, #tpu.memory_space<hbm>> -> memref<128x128xf32, #tpu.memory_space<hbm>>
          %dma_wait3A_70 = arith.constant 0 : i32
          %dma_wait3A_71 = tpu.memref_slice %arg5[%mul3A_57, %dma_wait3A_70] : memref<64000x128xf32, #tpu.memory_space<hbm>> -> memref<128x128xf32, #tpu.memory_space<hbm>>
          tpu.wait_dma2 semaphore(%run_scoped3A : memref<!tpu.dma_semaphore, #tpu.memory_space<semaphore_mem>>) src(%arg10 : memref<128x128xf32, #tpu.memory_space<vmem>>) dst(%dma_wait3A_71 : memref<128x128xf32, #tpu.memory_space<hbm>>)
          tpu.yield
        }) : () -> ()
        "tpu.region"() ({
          %run_scoped3A = tpu.sem_alloc : memref<!tpu.dma_semaphore, #tpu.memory_space<semaphore_mem>>
          %dma_start3A_64 = arith.constant 0 : i32
          %dma_start3A_65 = tpu.memref_slice %arg6[%mul3A_57, %dma_start3A_64] : memref<64000x128xf32, #tpu.memory_space<hbm>> -> memref<128x128xf32, #tpu.memory_space<hbm>>
          %dma_start3A_66 = arith.constant 0 : i32
          %dma_start3A_67 = tpu.memref_slice %arg6[%mul3A_57, %dma_start3A_66] : memref<64000x128xf32, #tpu.memory_space<hbm>> -> memref<128x128xf32, #tpu.memory_space<hbm>>
          tpu.enqueue_dma source(%arg12 : memref<128x128xf32, #tpu.memory_space<vmem>>) target(%dma_start3A_67 : memref<128x128xf32, #tpu.memory_space<hbm>>) target_semaphore(%run_scoped3A : memref<!tpu.dma_semaphore, #tpu.memory_space<semaphore_mem>>)
          %dma_wait3A_68 = arith.constant 0 : i32
          %dma_wait3A_69 = tpu.memref_slice %arg6[%mul3A_57, %dma_wait3A_68] : memref<64000x128xf32, #tpu.memory_space<hbm>> -> memref<128x128xf32, #tpu.memory_space<hbm>>
          %dma_wait3A_70 = arith.constant 0 : i32
          %dma_wait3A_71 = tpu.memref_slice %arg6[%mul3A_57, %dma_wait3A_70] : memref<64000x128xf32, #tpu.memory_space<hbm>> -> memref<128x128xf32, #tpu.memory_space<hbm>>
          tpu.wait_dma2 semaphore(%run_scoped3A : memref<!tpu.dma_semaphore, #tpu.memory_space<semaphore_mem>>) src(%arg12 : memref<128x128xf32, #tpu.memory_space<vmem>>) dst(%dma_wait3A_71 : memref<128x128xf32, #tpu.memory_space<hbm>>)
          tpu.yield
        }) : () -> ()
      } else {
      }
    }
    %scan3A_14 = arith.constant 8 : i32
    %lt3A = arith.constant 20 : i32
    %lt3A_15 = arith.cmpi slt, %add3A, %lt3A : i32
    %convert_element_type3A = arith.extui %lt3A_15 : i1 to i32
    %cond3A = arith.constant 0 : i32
    %cond3A_16 = arith.cmpi ne, %convert_element_type3A, %cond3A : i32
    scf.if %cond3A_16 {
      %add3A_17 = arith.constant 480 : i32
      %add3A_18 = arith.addi %add3A_17, %add3A : i32
      %mul3A_19 = arith.constant 128 : i32
      %mul3A_20 = arith.muli %add3A_18, %mul3A_19 : i32
      "tpu.region"() ({
        %run_scoped3A = tpu.sem_alloc : memref<!tpu.dma_semaphore, #tpu.memory_space<semaphore_mem>>
        %dma_start3A_36 = tpu.memref_slice %arg4[%mul3A_20] : memref<64000xi32, #tpu.memory_space<hbm>> -> memref<128xi32, #tpu.memory_space<hbm>>
        %dma_start3A_37 = tpu.memref_slice %arg4[%mul3A_20] : memref<64000xi32, #tpu.memory_space<hbm>> -> memref<128xi32, #tpu.memory_space<hbm>>
        tpu.enqueue_dma source(%dma_start3A_37 : memref<128xi32, #tpu.memory_space<hbm>>) target(%arg7 : memref<128xi32, #tpu.memory_space<vmem>>) target_semaphore(%run_scoped3A : memref<!tpu.dma_semaphore, #tpu.memory_space<semaphore_mem>>)
        %dma_wait3A_38 = tpu.memref_slice %arg4[%mul3A_20] : memref<64000xi32, #tpu.memory_space<hbm>> -> memref<128xi32, #tpu.memory_space<hbm>>
        %dma_wait3A_39 = tpu.memref_slice %arg4[%mul3A_20] : memref<64000xi32, #tpu.memory_space<hbm>> -> memref<128xi32, #tpu.memory_space<hbm>>
        tpu.wait_dma2 semaphore(%run_scoped3A : memref<!tpu.dma_semaphore, #tpu.memory_space<semaphore_mem>>) src(%dma_wait3A_39 : memref<128xi32, #tpu.memory_space<hbm>>) dst(%arg7 : memref<128xi32, #tpu.memory_space<vmem>>)
        tpu.yield
      }) : () -> ()
      %dma_start3A_21 = arith.constant 0 : i32
      %dma_start3A_22 = arith.constant 0 : i32
      %dma_start3A_23 = tpu.memref_slice %arg2[%dma_start3A_21, %dma_start3A_22] : memref<10000x128xf32, #tpu.memory_space<hbm>> -> memref<10000x128xf32, #tpu.memory_space<hbm>>
      tpu.enqueue_indirect_dma source(%dma_start3A_23 : memref<10000x128xf32, #tpu.memory_space<hbm>>) target(%arg9 : memref<128x128xf32, #tpu.memory_space<vmem>>) offsets(%arg7 : memref<128xi32, #tpu.memory_space<vmem>>) semaphore(%arg13 : memref<!tpu.dma_semaphore, #tpu.memory_space<semaphore_mem>>)
      %dma_start3A_24 = arith.constant 0 : i32
      %dma_start3A_25 = arith.constant 0 : i32
      %dma_start3A_26 = tpu.memref_slice %arg3[%dma_start3A_24, %dma_start3A_25] : memref<10000x128xf32, #tpu.memory_space<hbm>> -> memref<10000x128xf32, #tpu.memory_space<hbm>>
      tpu.enqueue_indirect_dma source(%dma_start3A_26 : memref<10000x128xf32, #tpu.memory_space<hbm>>) target(%arg11 : memref<128x128xf32, #tpu.memory_space<vmem>>) offsets(%arg7 : memref<128xi32, #tpu.memory_space<vmem>>) semaphore(%arg15 : memref<!tpu.dma_semaphore, #tpu.memory_space<semaphore_mem>>)
      %add3A_27 = arith.constant 480 : i32
      %add3A_28 = arith.addi %add3A_27, %add3A : i32
      %mul3A_29 = arith.constant 128 : i32
      %mul3A_30 = arith.muli %add3A_28, %mul3A_29 : i32
      %dma_wait3A = arith.constant 0 : i32
      %dma_wait3A_31 = arith.constant 0 : i32
      %dma_wait3A_32 = tpu.memref_slice %arg2[%dma_wait3A, %dma_wait3A_31] : memref<10000x128xf32, #tpu.memory_space<hbm>> -> memref<10000x128xf32, #tpu.memory_space<hbm>>
      tpu.wait_indirect_dma semaphore(%arg13 : memref<!tpu.dma_semaphore, #tpu.memory_space<semaphore_mem>>) src(%dma_wait3A_32 : memref<10000x128xf32, #tpu.memory_space<hbm>>) dst(%arg9 : memref<128x128xf32, #tpu.memory_space<vmem>>)
      %dma_wait3A_33 = arith.constant 0 : i32
      %dma_wait3A_34 = arith.constant 0 : i32
      %dma_wait3A_35 = tpu.memref_slice %arg3[%dma_wait3A_33, %dma_wait3A_34] : memref<10000x128xf32, #tpu.memory_space<hbm>> -> memref<10000x128xf32, #tpu.memory_space<hbm>>
      tpu.wait_indirect_dma semaphore(%arg15 : memref<!tpu.dma_semaphore, #tpu.memory_space<semaphore_mem>>) src(%dma_wait3A_35 : memref<10000x128xf32, #tpu.memory_space<hbm>>) dst(%arg11 : memref<128x128xf32, #tpu.memory_space<vmem>>)
      "tpu.region"() ({
        %run_scoped3A = tpu.sem_alloc : memref<!tpu.dma_semaphore, #tpu.memory_space<semaphore_mem>>
        %dma_start3A_36 = arith.constant 0 : i32
        %dma_start3A_37 = tpu.memref_slice %arg5[%mul3A_30, %dma_start3A_36] : memref<64000x128xf32, #tpu.memory_space<hbm>> -> memref<128x128xf32, #tpu.memory_space<hbm>>
        %dma_start3A_38 = arith.constant 0 : i32
        %dma_start3A_39 = tpu.memref_slice %arg5[%mul3A_30, %dma_start3A_38] : memref<64000x128xf32, #tpu.memory_space<hbm>> -> memref<128x128xf32, #tpu.memory_space<hbm>>
        tpu.enqueue_dma source(%arg9 : memref<128x128xf32, #tpu.memory_space<vmem>>) target(%dma_start3A_39 : memref<128x128xf32, #tpu.memory_space<hbm>>) target_semaphore(%run_scoped3A : memref<!tpu.dma_semaphore, #tpu.memory_space<semaphore_mem>>)
        %dma_wait3A_40 = arith.constant 0 : i32
        %dma_wait3A_41 = tpu.memref_slice %arg5[%mul3A_30, %dma_wait3A_40] : memref<64000x128xf32, #tpu.memory_space<hbm>> -> memref<128x128xf32, #tpu.memory_space<hbm>>
        %dma_wait3A_42 = arith.constant 0 : i32
        %dma_wait3A_43 = tpu.memref_slice %arg5[%mul3A_30, %dma_wait3A_42] : memref<64000x128xf32, #tpu.memory_space<hbm>> -> memref<128x128xf32, #tpu.memory_space<hbm>>
        tpu.wait_dma2 semaphore(%run_scoped3A : memref<!tpu.dma_semaphore, #tpu.memory_space<semaphore_mem>>) src(%arg9 : memref<128x128xf32, #tpu.memory_space<vmem>>) dst(%dma_wait3A_43 : memref<128x128xf32, #tpu.memory_space<hbm>>)
        tpu.yield
      }) : () -> ()
      "tpu.region"() ({
        %run_scoped3A = tpu.sem_alloc : memref<!tpu.dma_semaphore, #tpu.memory_space<semaphore_mem>>
        %dma_start3A_36 = arith.constant 0 : i32
        %dma_start3A_37 = tpu.memref_slice %arg6[%mul3A_30, %dma_start3A_36] : memref<64000x128xf32, #tpu.memory_space<hbm>> -> memref<128x128xf32, #tpu.memory_space<hbm>>
        %dma_start3A_38 = arith.constant 0 : i32
        %dma_start3A_39 = tpu.memref_slice %arg6[%mul3A_30, %dma_start3A_38] : memref<64000x128xf32, #tpu.memory_space<hbm>> -> memref<128x128xf32, #tpu.memory_space<hbm>>
        tpu.enqueue_dma source(%arg11 : memref<128x128xf32, #tpu.memory_space<vmem>>) target(%dma_start3A_39 : memref<128x128xf32, #tpu.memory_space<hbm>>) target_semaphore(%run_scoped3A : memref<!tpu.dma_semaphore, #tpu.memory_space<semaphore_mem>>)
        %dma_wait3A_40 = arith.constant 0 : i32
        %dma_wait3A_41 = tpu.memref_slice %arg6[%mul3A_30, %dma_wait3A_40] : memref<64000x128xf32, #tpu.memory_space<hbm>> -> memref<128x128xf32, #tpu.memory_space<hbm>>
        %dma_wait3A_42 = arith.constant 0 : i32
        %dma_wait3A_43 = tpu.memref_slice %arg6[%mul3A_30, %dma_wait3A_42] : memref<64000x128xf32, #tpu.memory_space<hbm>> -> memref<128x128xf32, #tpu.memory_space<hbm>>
        tpu.wait_dma2 semaphore(%run_scoped3A : memref<!tpu.dma_semaphore, #tpu.memory_space<semaphore_mem>>) src(%arg11 : memref<128x128xf32, #tpu.memory_space<vmem>>) dst(%dma_wait3A_43 : memref<128x128xf32, #tpu.memory_space<hbm>>)
        tpu.yield
      }) : () -> ()
    } else {
    }
    return
  }
}

module attributes {stable_mosaic.version = 14 : i64} {
  func.func @_fc1_body(%arg0: memref<10000x128xf32, #tpu.memory_space<vmem>>, %arg1: memref<128x128xf32, #tpu.memory_space<vmem>>, %arg2: memref<1x128xf32, #tpu.memory_space<vmem>>, %arg3: memref<1x128xf32, #tpu.memory_space<vmem>>, %arg4: memref<10000x128xf32, #tpu.memory_space<vmem>>) attributes {dimension_semantics = [], scalar_prefetch = 0 : i64, scratch_operands = 0 : i64, tpu.core_type = #tpu.core_type<tc>} {
    %get3A = arith.constant 0 : index
    %get3A_0 = arith.constant 0 : index
    %get3A_1 = vector.load %arg0[%get3A, %get3A_0] : memref<10000x128xf32, #tpu.memory_space<vmem>>, vector<10000x128xf32>
    %get3A_2 = arith.constant 0 : index
    %get3A_3 = arith.constant 0 : index
    %get3A_4 = vector.load %arg1[%get3A_2, %get3A_3] : memref<128x128xf32, #tpu.memory_space<vmem>>, vector<128x128xf32>
    %dot_general3A = arith.constant dense<0.000000e+00> : vector<10000x128xf32>
    %dot_general3A_5 = tpu.matmul %get3A_1, %get3A_4, %dot_general3A {dimension_numbers = #tpu.dot_dimension_numbers<[1], [1], [0], [0], [0, 0, 1, 0], [], []>, transpose_lhs_hint = false} : vector<10000x128xf32>, vector<128x128xf32>, vector<10000x128xf32> -> vector<10000x128xf32>
    %reduce_sum3A = arith.constant dense<0.000000e+00> : vector<128xf32>
    %reduce_sum3A_6 = vector.multi_reduction <add>, %get3A_1, %reduce_sum3A [0] : vector<10000x128xf32> to vector<128xf32>
    %broadcast_in_dim3A = vector.shape_cast %reduce_sum3A_6 : vector<128xf32> to vector<1x128xf32>
    %dot_general3A_7 = arith.constant dense<0.000000e+00> : vector<1x128xf32>
    %dot_general3A_8 = tpu.matmul %broadcast_in_dim3A, %get3A_4, %dot_general3A_7 {dimension_numbers = #tpu.dot_dimension_numbers<[1], [1], [0], [0], [0, 0, 1, 0], [], []>, transpose_lhs_hint = false} : vector<1x128xf32>, vector<128x128xf32>, vector<1x128xf32> -> vector<1x128xf32>
    %div3A = arith.constant 1.000000e+04 : f32
    %div3A_9 = vector.broadcast %div3A : f32 to vector<1x128xf32>
    %div3A_10 = arith.divf %dot_general3A_8, %div3A_9 : vector<1x128xf32>
    %dot_general3A_11 = arith.constant dense<0.000000e+00> : vector<128x128xf32>
    %dot_general3A_12 = tpu.matmul %get3A_1, %get3A_1, %dot_general3A_11 {dimension_numbers = #tpu.dot_dimension_numbers<[0], [0], [1], [1], [0, 1, 1, 1], [], []>, transpose_lhs_hint = false} : vector<10000x128xf32>, vector<10000x128xf32>, vector<128x128xf32> -> vector<128x128xf32>
    %dot_general3A_13 = arith.constant dense<0.000000e+00> : vector<128x128xf32>
    %dot_general3A_14 = tpu.matmul %get3A_4, %dot_general3A_12, %dot_general3A_13 {dimension_numbers = #tpu.dot_dimension_numbers<[1], [0], [0], [1], [0, 0, 1, 1], [], []>, transpose_lhs_hint = false} : vector<128x128xf32>, vector<128x128xf32>, vector<128x128xf32> -> vector<128x128xf32>
    %mul3A = arith.mulf %dot_general3A_14, %get3A_4 : vector<128x128xf32>
    %reduce_sum3A_15 = arith.constant dense<0.000000e+00> : vector<128xf32>
    %reduce_sum3A_16 = vector.multi_reduction <add>, %mul3A, %reduce_sum3A_15 [1] : vector<128x128xf32> to vector<128xf32>
    %div3A_17 = arith.constant 1.000000e+04 : f32
    %div3A_18 = vector.broadcast %div3A_17 : f32 to vector<128xf32>
    %div3A_19 = arith.divf %reduce_sum3A_16, %div3A_18 : vector<128xf32>
    %broadcast_in_dim3A_20 = vector.shape_cast %div3A_19 : vector<128xf32> to vector<1x128xf32>
    %mul3A_21 = arith.mulf %div3A_10, %div3A_10 : vector<1x128xf32>
    %sub3A = arith.subf %broadcast_in_dim3A_20, %mul3A_21 : vector<1x128xf32>
    %get3A_22 = arith.constant 0 : index
    %get3A_23 = arith.constant 0 : index
    %get3A_24 = vector.load %arg2[%get3A_22, %get3A_23] : memref<1x128xf32, #tpu.memory_space<vmem>>, vector<1x128xf32>
    %add3A = arith.constant 9.99999974E-6 : f32
    %add3A_25 = vector.broadcast %add3A : f32 to vector<1x128xf32>
    %add3A_26 = arith.addf %sub3A, %add3A_25 : vector<1x128xf32>
    %rsqrt3A = math.rsqrt %add3A_26 : vector<1x128xf32>
    %mul3A_27 = arith.mulf %get3A_24, %rsqrt3A : vector<1x128xf32>
    %get3A_28 = arith.constant 0 : index
    %get3A_29 = arith.constant 0 : index
    %get3A_30 = vector.load %arg3[%get3A_28, %get3A_29] : memref<1x128xf32, #tpu.memory_space<vmem>>, vector<1x128xf32>
    %mul3A_31 = arith.mulf %div3A_10, %mul3A_27 : vector<1x128xf32>
    %sub3A_32 = arith.subf %get3A_30, %mul3A_31 : vector<1x128xf32>
    %mul3A_33 = vector.broadcast %mul3A_27 : vector<1x128xf32> to vector<10000x128xf32>
    %mul3A_34 = arith.mulf %dot_general3A_5, %mul3A_33 : vector<10000x128xf32>
    %add3A_35 = vector.broadcast %sub3A_32 : vector<1x128xf32> to vector<10000x128xf32>
    %add3A_36 = arith.addf %mul3A_34, %add3A_35 : vector<10000x128xf32>
    %max3A = arith.constant 0.000000e+00 : f32
    %max3A_37 = vector.broadcast %max3A : f32 to vector<10000x128xf32>
    %max3A_38 = arith.maximumf %add3A_36, %max3A_37 : vector<10000x128xf32>
    %swap3A = arith.constant 0 : index
    %swap3A_39 = arith.constant 0 : index
    %swap3A_40 = vector.load %arg4[%swap3A, %swap3A_39] : memref<10000x128xf32, #tpu.memory_space<vmem>>, vector<10000x128xf32>
    tpu.vector_store %arg4[%swap3A, %swap3A_39], %max3A_38 {strides = array<i32>} : memref<10000x128xf32, #tpu.memory_space<vmem>>, vector<10000x128xf32>,
    return
  }
}

module attributes {stable_mosaic.version = 14 : i64} {
  func.func @_conv_body(%arg0: i32, %arg1: memref<6400x128xf32, #tpu.memory_space<vmem>>, %arg2: memref<6400x128xf32, #tpu.memory_space<vmem>>, %arg3: memref<200x16xf32, #tpu.memory_space<vmem>>, %arg4: memref<16x43xf32, #tpu.memory_space<vmem>>, %arg5: memref<43x128xbf16, #tpu.memory_space<vmem>>, %arg6: memref<200x128xf32, #tpu.memory_space<vmem>>) attributes {dimension_semantics = [#tpu.dimension_semantics<arbitrary>], iteration_bounds = array<i64: 10>, scalar_prefetch = 0 : i64, scratch_operands = 0 : i64, tpu.core_type = #tpu.core_type<tc>, window_params = [{transform_indices = @transform_0, window_bounds = array<i64: 6400, 128>}, {transform_indices = @transform_1, window_bounds = array<i64: 6400, 128>}, {transform_indices = @transform_2, window_bounds = array<i64: 200, 16>}, {pipeline_mode = #tpu.pipeline_mode<synchronous>, transform_indices = @transform_3, window_bounds = array<i64: 16, 43>}, {pipeline_mode = #tpu.pipeline_mode<synchronous>, transform_indices = @transform_4, window_bounds = array<i64: 43, 128>}, {transform_indices = @transform_5, window_bounds = array<i64: 200, 128>}]} {
    %get3A = arith.constant 0 : index
    %get3A_0 = arith.constant 0 : index
    %get3A_1 = vector.load %arg2[%get3A, %get3A_0] : memref<6400x128xf32, #tpu.memory_space<vmem>>, vector<6400x128xf32>
    %slice3A = vector.extract_strided_slice %get3A_1 {offsets = [0, 0], sizes = [6400, 16], strides = [1, 1]} : vector<6400x128xf32> to vector<6400x16xf32>
    %get3A_2 = arith.constant 0 : index
    %get3A_3 = arith.constant 0 : index
    %get3A_4 = vector.load %arg3[%get3A_2, %get3A_3] : memref<200x16xf32, #tpu.memory_space<vmem>>, vector<200x16xf32>
    %reshape3A = vector.shape_cast %slice3A : vector<6400x16xf32> to vector<200x32x16xf32>
    %reshape3A_5 = vector.shape_cast %get3A_4 : vector<200x16xf32> to vector<200x1x16xf32>
    %sub3A = vector.broadcast %reshape3A_5 : vector<200x1x16xf32> to vector<200x32x16xf32>
    %sub3A_6 = arith.subf %reshape3A, %sub3A : vector<200x32x16xf32>
    %reshape3A_7 = vector.shape_cast %sub3A_6 : vector<200x32x16xf32> to vector<6400x16xf32>
    %get3A_8 = arith.constant 0 : index
    %get3A_9 = arith.constant 0 : index
    %get3A_10 = vector.load %arg4[%get3A_8, %get3A_9] : memref<16x43xf32, #tpu.memory_space<vmem>>, vector<16x43xf32>
    %mul3A = arith.mulf %reshape3A_7, %reshape3A_7 : vector<6400x16xf32>
    %reduce_sum3A = arith.constant dense<0.000000e+00> : vector<6400xf32>
    %reduce_sum3A_11 = vector.multi_reduction <add>, %mul3A, %reduce_sum3A [1] : vector<6400x16xf32> to vector<6400xf32>
    %broadcast_in_dim3A = vector.shape_cast %reduce_sum3A_11 : vector<6400xf32> to vector<6400x1xf32>
    %dot_general3A = arith.constant dense<0.000000e+00> : vector<6400x43xf32>
    %dot_general3A_12 = tpu.matmul %reshape3A_7, %get3A_10, %dot_general3A {dimension_numbers = #tpu.dot_dimension_numbers<[1], [0], [0], [1], [0, 0, 1, 1], [], []>, precision = #tpu.contract_precision<fp32>, transpose_lhs_hint = false} : vector<6400x16xf32>, vector<16x43xf32>, vector<6400x43xf32> -> vector<6400x43xf32>
    %mul3A_13 = arith.mulf %get3A_10, %get3A_10 : vector<16x43xf32>
    %reduce_sum3A_14 = arith.constant dense<0.000000e+00> : vector<43xf32>
    %reduce_sum3A_15 = vector.multi_reduction <add>, %mul3A_13, %reduce_sum3A_14 [0] : vector<16x43xf32> to vector<43xf32>
    %broadcast_in_dim3A_16 = vector.shape_cast %reduce_sum3A_15 : vector<43xf32> to vector<1x43xf32>
    %mul3A_17 = arith.constant 2.000000e+00 : f32
    %mul3A_18 = vector.broadcast %mul3A_17 : f32 to vector<6400x43xf32>
    %mul3A_19 = arith.mulf %mul3A_18, %dot_general3A_12 : vector<6400x43xf32>
    %sub3A_20 = vector.broadcast %broadcast_in_dim3A : vector<6400x1xf32> to vector<6400x43xf32>
    %sub3A_21 = arith.subf %sub3A_20, %mul3A_19 : vector<6400x43xf32>
    %add3A = vector.broadcast %broadcast_in_dim3A_16 : vector<1x43xf32> to vector<6400x43xf32>
    %add3A_22 = arith.addf %sub3A_21, %add3A : vector<6400x43xf32>
    %max3A = arith.constant 0.000000e+00 : f32
    %max3A_23 = vector.broadcast %max3A : f32 to vector<6400x43xf32>
    %max3A_24 = arith.maximumf %add3A_22, %max3A_23 : vector<6400x43xf32>
    %sqrt3A = math.sqrt %max3A_24 : vector<6400x43xf32>
    %sub3A_25 = arith.constant 1.000000e+00 : f32
    %sub3A_26 = vector.broadcast %sub3A_25 : f32 to vector<6400x43xf32>
    %sub3A_27 = arith.subf %sub3A_26, %sqrt3A : vector<6400x43xf32>
    %max3A_28 = arith.constant 0.000000e+00 : f32
    %max3A_29 = vector.broadcast %max3A_28 : f32 to vector<6400x43xf32>
    %max3A_30 = arith.maximumf %sub3A_27, %max3A_29 : vector<6400x43xf32>
    %convert_element_type3A = arith.truncf %max3A_30 : vector<6400x43xf32> to vector<6400x43xbf16>
    %get3A_31 = arith.constant 0 : index
    %get3A_32 = arith.constant 0 : index
    %get3A_33 = vector.load %arg5[%get3A_31, %get3A_32] : memref<43x128xbf16, #tpu.memory_space<vmem>>, vector<43x128xbf16>
    %dot_general3A_34 = arith.constant dense<0.000000e+00> : vector<6400x128xf32>
    %dot_general3A_35 = tpu.matmul %convert_element_type3A, %get3A_33, %dot_general3A_34 {dimension_numbers = #tpu.dot_dimension_numbers<[1], [0], [0], [1], [0, 0, 1, 1], [], []>, transpose_lhs_hint = false} : vector<6400x43xbf16>, vector<43x128xbf16>, vector<6400x128xf32> -> vector<6400x128xf32>
    %get3A_36 = arith.constant 0 : index
    %get3A_37 = arith.constant 0 : index
    %get3A_38 = vector.load %arg1[%get3A_36, %get3A_37] : memref<6400x128xf32, #tpu.memory_space<vmem>>, vector<6400x128xf32>
    %mul3A_39 = arith.mulf %dot_general3A_35, %get3A_38 : vector<6400x128xf32>
    %reshape3A_40 = vector.shape_cast %mul3A_39 : vector<6400x128xf32> to vector<200x32x128xf32>
    %reduce_sum3A_41 = arith.constant dense<0.000000e+00> : vector<200x128xf32>
    %reduce_sum3A_42 = vector.multi_reduction <add>, %reshape3A_40, %reduce_sum3A_41 [1] : vector<200x32x128xf32> to vector<200x128xf32>
    %swap3A = arith.constant 0 : index
    %swap3A_43 = arith.constant 0 : index
    %swap3A_44 = vector.load %arg6[%swap3A, %swap3A_43] : memref<200x128xf32, #tpu.memory_space<vmem>>, vector<200x128xf32>
    tpu.vector_store %arg6[%swap3A, %swap3A_43], %reduce_sum3A_42 {strides = array<i32>} : memref<200x128xf32, #tpu.memory_space<vmem>>, vector<200x128xf32>,
    return
  }
  func.func @transform_0(%arg0: i32) -> (i32, i32) {
    %c0_i32 = arith.constant 0 : i32
    %c0_i32_0 = arith.constant 0 : i32
    return %arg0, %c0_i32 : i32, i32
  }
  func.func @transform_1(%arg0: i32) -> (i32, i32) {
    %c0_i32 = arith.constant 0 : i32
    %c0_i32_0 = arith.constant 0 : i32
    return %arg0, %c0_i32 : i32, i32
  }
  func.func @transform_2(%arg0: i32) -> (i32, i32) {
    %c0_i32 = arith.constant 0 : i32
    %c0_i32_0 = arith.constant 0 : i32
    return %arg0, %c0_i32 : i32, i32
  }
  func.func @transform_3(%arg0: i32) -> (i32, i32) {
    %c0_i32 = arith.constant 0 : i32
    %c0_i32_0 = arith.constant 0 : i32
    %c0_i32_1 = arith.constant 0 : i32
    return %c0_i32, %c0_i32_0 : i32, i32
  }
  func.func @transform_4(%arg0: i32) -> (i32, i32) {
    %c0_i32 = arith.constant 0 : i32
    %c0_i32_0 = arith.constant 0 : i32
    %c0_i32_1 = arith.constant 0 : i32
    return %c0_i32, %c0_i32_0 : i32, i32
  }
  func.func @transform_5(%arg0: i32) -> (i32, i32) {
    %c0_i32 = arith.constant 0 : i32
    %c0_i32_0 = arith.constant 0 : i32
    return %arg0, %c0_i32 : i32, i32
  }
}

module attributes {stable_mosaic.version = 14 : i64} {
  func.func @_tail_body(%arg0: memref<2000x128xf32, #tpu.memory_space<vmem>>, %arg1: memref<2000x128xf32, #tpu.memory_space<vmem>>, %arg2: memref<2000x128xf32, #tpu.memory_space<vmem>>, %arg3: memref<2000x128xf32, #tpu.memory_space<vmem>>, %arg4: memref<2000x128xf32, #tpu.memory_space<vmem>>, %arg5: memref<10000x128xf32, #tpu.memory_space<vmem>>, %arg6: memref<128x128xf32, #tpu.memory_space<vmem>>, %arg7: memref<1x128xf32, #tpu.memory_space<vmem>>, %arg8: memref<1x128xf32, #tpu.memory_space<vmem>>, %arg9: memref<1x128xf32, #tpu.memory_space<vmem>>, %arg10: memref<1x128xf32, #tpu.memory_space<vmem>>, %arg11: memref<10000x128xf32, #tpu.memory_space<vmem>>) attributes {dimension_semantics = [], scalar_prefetch = 0 : i64, scratch_operands = 0 : i64, tpu.core_type = #tpu.core_type<tc>} {
    %get3A = arith.constant 0 : index
    %get3A_0 = arith.constant 0 : index
    %get3A_1 = vector.load %arg0[%get3A, %get3A_0] : memref<2000x128xf32, #tpu.memory_space<vmem>>, vector<2000x128xf32>
    %get3A_2 = arith.constant 0 : index
    %get3A_3 = arith.constant 0 : index
    %get3A_4 = vector.load %arg1[%get3A_2, %get3A_3] : memref<2000x128xf32, #tpu.memory_space<vmem>>, vector<2000x128xf32>
    %get3A_5 = arith.constant 0 : index
    %get3A_6 = arith.constant 0 : index
    %get3A_7 = vector.load %arg2[%get3A_5, %get3A_6] : memref<2000x128xf32, #tpu.memory_space<vmem>>, vector<2000x128xf32>
    %get3A_8 = arith.constant 0 : index
    %get3A_9 = arith.constant 0 : index
    %get3A_10 = vector.load %arg3[%get3A_8, %get3A_9] : memref<2000x128xf32, #tpu.memory_space<vmem>>, vector<2000x128xf32>
    %get3A_11 = arith.constant 0 : index
    %get3A_12 = arith.constant 0 : index
    %get3A_13 = vector.load %arg4[%get3A_11, %get3A_12] : memref<2000x128xf32, #tpu.memory_space<vmem>>, vector<2000x128xf32>
    %concatenate3A = tpu.concatenate %get3A_1, %get3A_4, %get3A_7, %get3A_10, %get3A_13 in 0 : vector<2000x128xf32>, vector<2000x128xf32>, vector<2000x128xf32>, vector<2000x128xf32>, vector<2000x128xf32> -> vector<10000x128xf32>
    %reduce_sum3A = arith.constant dense<0.000000e+00> : vector<128xf32>
    %reduce_sum3A_14 = vector.multi_reduction <add>, %concatenate3A, %reduce_sum3A [0] : vector<10000x128xf32> to vector<128xf32>
    %broadcast_in_dim3A = vector.shape_cast %reduce_sum3A_14 : vector<128xf32> to vector<1x128xf32>
    %div3A = arith.constant 1.000000e+04 : f32
    %div3A_15 = vector.broadcast %div3A : f32 to vector<1x128xf32>
    %div3A_16 = arith.divf %broadcast_in_dim3A, %div3A_15 : vector<1x128xf32>
    %mul3A = arith.mulf %concatenate3A, %concatenate3A : vector<10000x128xf32>
    %reduce_sum3A_17 = arith.constant dense<0.000000e+00> : vector<128xf32>
    %reduce_sum3A_18 = vector.multi_reduction <add>, %mul3A, %reduce_sum3A_17 [0] : vector<10000x128xf32> to vector<128xf32>
    %broadcast_in_dim3A_19 = vector.shape_cast %reduce_sum3A_18 : vector<128xf32> to vector<1x128xf32>
    %div3A_20 = arith.constant 1.000000e+04 : f32
    %div3A_21 = vector.broadcast %div3A_20 : f32 to vector<1x128xf32>
    %div3A_22 = arith.divf %broadcast_in_dim3A_19, %div3A_21 : vector<1x128xf32>
    %mul3A_23 = arith.mulf %div3A_16, %div3A_16 : vector<1x128xf32>
    %sub3A = arith.subf %div3A_22, %mul3A_23 : vector<1x128xf32>
    %sub3A_24 = vector.broadcast %div3A_16 : vector<1x128xf32> to vector<10000x128xf32>
    %sub3A_25 = arith.subf %concatenate3A, %sub3A_24 : vector<10000x128xf32>
    %add3A = arith.constant 9.99999974E-6 : f32
    %add3A_26 = vector.broadcast %add3A : f32 to vector<1x128xf32>
    %add3A_27 = arith.addf %sub3A, %add3A_26 : vector<1x128xf32>
    %rsqrt3A = math.rsqrt %add3A_27 : vector<1x128xf32>
    %mul3A_28 = vector.broadcast %rsqrt3A : vector<1x128xf32> to vector<10000x128xf32>
    %mul3A_29 = arith.mulf %sub3A_25, %mul3A_28 : vector<10000x128xf32>
    %get3A_30 = arith.constant 0 : index
    %get3A_31 = arith.constant 0 : index
    %get3A_32 = vector.load %arg7[%get3A_30, %get3A_31] : memref<1x128xf32, #tpu.memory_space<vmem>>, vector<1x128xf32>
    %mul3A_33 = vector.broadcast %get3A_32 : vector<1x128xf32> to vector<10000x128xf32>
    %mul3A_34 = arith.mulf %mul3A_29, %mul3A_33 : vector<10000x128xf32>
    %get3A_35 = arith.constant 0 : index
    %get3A_36 = arith.constant 0 : index
    %get3A_37 = vector.load %arg8[%get3A_35, %get3A_36] : memref<1x128xf32, #tpu.memory_space<vmem>>, vector<1x128xf32>
    %add3A_38 = vector.broadcast %get3A_37 : vector<1x128xf32> to vector<10000x128xf32>
    %add3A_39 = arith.addf %mul3A_34, %add3A_38 : vector<10000x128xf32>
    %max3A = arith.constant 0.000000e+00 : f32
    %max3A_40 = vector.broadcast %max3A : f32 to vector<10000x128xf32>
    %max3A_41 = arith.maximumf %add3A_39, %max3A_40 : vector<10000x128xf32>
    %get3A_42 = arith.constant 0 : index
    %get3A_43 = arith.constant 0 : index
    %get3A_44 = vector.load %arg6[%get3A_42, %get3A_43] : memref<128x128xf32, #tpu.memory_space<vmem>>, vector<128x128xf32>
    %dot_general3A = arith.constant dense<0.000000e+00> : vector<10000x128xf32>
    %dot_general3A_45 = tpu.matmul %max3A_41, %get3A_44, %dot_general3A {dimension_numbers = #tpu.dot_dimension_numbers<[1], [1], [0], [0], [0, 0, 1, 0], [], []>, transpose_lhs_hint = false} : vector<10000x128xf32>, vector<128x128xf32>, vector<10000x128xf32> -> vector<10000x128xf32>
    %reduce_sum3A_46 = arith.constant dense<0.000000e+00> : vector<128xf32>
    %reduce_sum3A_47 = vector.multi_reduction <add>, %max3A_41, %reduce_sum3A_46 [0] : vector<10000x128xf32> to vector<128xf32>
    %broadcast_in_dim3A_48 = vector.shape_cast %reduce_sum3A_47 : vector<128xf32> to vector<1x128xf32>
    %dot_general3A_49 = arith.constant dense<0.000000e+00> : vector<1x128xf32>
    %dot_general3A_50 = tpu.matmul %broadcast_in_dim3A_48, %get3A_44, %dot_general3A_49 {dimension_numbers = #tpu.dot_dimension_numbers<[1], [1], [0], [0], [0, 0, 1, 0], [], []>, transpose_lhs_hint = false} : vector<1x128xf32>, vector<128x128xf32>, vector<1x128xf32> -> vector<1x128xf32>
    %div3A_51 = arith.constant 1.000000e+04 : f32
    %div3A_52 = vector.broadcast %div3A_51 : f32 to vector<1x128xf32>
    %div3A_53 = arith.divf %dot_general3A_50, %div3A_52 : vector<1x128xf32>
    %dot_general3A_54 = arith.constant dense<0.000000e+00> : vector<128x128xf32>
    %dot_general3A_55 = tpu.matmul %max3A_41, %max3A_41, %dot_general3A_54 {dimension_numbers = #tpu.dot_dimension_numbers<[0], [0], [1], [1], [0, 1, 1, 1], [], []>, transpose_lhs_hint = false} : vector<10000x128xf32>, vector<10000x128xf32>, vector<128x128xf32> -> vector<128x128xf32>
    %dot_general3A_56 = arith.constant dense<0.000000e+00> : vector<128x128xf32>
    %dot_general3A_57 = tpu.matmul %get3A_44, %dot_general3A_55, %dot_general3A_56 {dimension_numbers = #tpu.dot_dimension_numbers<[1], [0], [0], [1], [0, 0, 1, 1], [], []>, transpose_lhs_hint = false} : vector<128x128xf32>, vector<128x128xf32>, vector<128x128xf32> -> vector<128x128xf32>
    %mul3A_58 = arith.mulf %dot_general3A_57, %get3A_44 : vector<128x128xf32>
    %reduce_sum3A_59 = arith.constant dense<0.000000e+00> : vector<128xf32>
    %reduce_sum3A_60 = vector.multi_reduction <add>, %mul3A_58, %reduce_sum3A_59 [1] : vector<128x128xf32> to vector<128xf32>
    %div3A_61 = arith.constant 1.000000e+04 : f32
    %div3A_62 = vector.broadcast %div3A_61 : f32 to vector<128xf32>
    %div3A_63 = arith.divf %reduce_sum3A_60, %div3A_62 : vector<128xf32>
    %broadcast_in_dim3A_64 = vector.shape_cast %div3A_63 : vector<128xf32> to vector<1x128xf32>
    %mul3A_65 = arith.mulf %div3A_53, %div3A_53 : vector<1x128xf32>
    %sub3A_66 = arith.subf %broadcast_in_dim3A_64, %mul3A_65 : vector<1x128xf32>
    %get3A_67 = arith.constant 0 : index
    %get3A_68 = arith.constant 0 : index
    %get3A_69 = vector.load %arg9[%get3A_67, %get3A_68] : memref<1x128xf32, #tpu.memory_space<vmem>>, vector<1x128xf32>
    %add3A_70 = arith.constant 9.99999974E-6 : f32
    %add3A_71 = vector.broadcast %add3A_70 : f32 to vector<1x128xf32>
    %add3A_72 = arith.addf %sub3A_66, %add3A_71 : vector<1x128xf32>
    %rsqrt3A_73 = math.rsqrt %add3A_72 : vector<1x128xf32>
    %mul3A_74 = arith.mulf %get3A_69, %rsqrt3A_73 : vector<1x128xf32>
    %get3A_75 = arith.constant 0 : index
    %get3A_76 = arith.constant 0 : index
    %get3A_77 = vector.load %arg10[%get3A_75, %get3A_76] : memref<1x128xf32, #tpu.memory_space<vmem>>, vector<1x128xf32>
    %mul3A_78 = arith.mulf %div3A_53, %mul3A_74 : vector<1x128xf32>
    %sub3A_79 = arith.subf %get3A_77, %mul3A_78 : vector<1x128xf32>
    %get3A_80 = arith.constant 0 : index
    %get3A_81 = arith.constant 0 : index
    %get3A_82 = vector.load %arg5[%get3A_80, %get3A_81] : memref<10000x128xf32, #tpu.memory_space<vmem>>, vector<10000x128xf32>
    %mul3A_83 = vector.broadcast %mul3A_74 : vector<1x128xf32> to vector<10000x128xf32>
    %mul3A_84 = arith.mulf %dot_general3A_45, %mul3A_83 : vector<10000x128xf32>
    %add3A_85 = arith.addf %get3A_82, %mul3A_84 : vector<10000x128xf32>
    %add3A_86 = vector.broadcast %sub3A_79 : vector<1x128xf32> to vector<10000x128xf32>
    %add3A_87 = arith.addf %add3A_85, %add3A_86 : vector<10000x128xf32>
    %max3A_88 = arith.constant 0.000000e+00 : f32
    %max3A_89 = vector.broadcast %max3A_88 : f32 to vector<10000x128xf32>
    %max3A_90 = arith.maximumf %add3A_87, %max3A_89 : vector<10000x128xf32>
    %swap3A = arith.constant 0 : index
    %swap3A_91 = arith.constant 0 : index
    %swap3A_92 = vector.load %arg11[%swap3A, %swap3A_91] : memref<10000x128xf32, #tpu.memory_space<vmem>>, vector<10000x128xf32>
    tpu.vector_store %arg11[%swap3A, %swap3A_91], %max3A_90 {strides = array<i32>} : memref<10000x128xf32, #tpu.memory_space<vmem>>, vector<10000x128xf32>,
    return
  }
}

</mosaic_0001>

<sc_bundles>
// kernel: kernel.14.cloned.1.call-start
scs
__scs_entry_jumppad:
0x0: {  	(pc) =	sbr.rel $0x88, $3  }
0x1: {  	(tag) =	ssettag $0x0;
	lr =	simm.s32 $0x1  }
0x2: {  	[smem:$0x3F93] =	sst lr;
	_ =	strace $0xD0000000  }
0x3: {  	_ = 	snop  }
0x4: {  	_ = 	snop  }
0x5: {  	_ = 	snop  }
0x6: {  	_ = 	snop  }
0x7: {  	_ = 	snop  }
__scs_overlays_trampoline_lowered:
0x8: {  	[smem:$0x3FA2] =	sst s0  }
0x9: {  	[smem:$0x3FA3] =	sst s1  }
0xa: {  	[smem:$0x3FA4] =	sst s2  }
0xb: {  	[smem:$0x3FA5] =	sst s3  }
0xc: {  	[smem:$0x3FA6] =	sst s4  }
0xd: {  	[smem:$0x3FA7] =	sst s5  }
0xe: {  	[smem:$0x3FA8] =	sst s6  }
0xf: {  	[smem:$0x3FA9] =	sst s7  }
0x10: {  	[smem:$0x3FAA] =	sst s8  }
0x11: {  	[smem:$0x3FAB] =	sst s9;
	s0 =	simm.s32 @!p0 $0x0  }
0x12: {  	s1 =	sld [smem:$0x3F91];
	s0 =	simm.s32 @p0 $0x1  }
0x13: {  	[smem:$0x3FAC] =	sst s0;
	s0 =	simm.s32 @!p1 $0x0  }
0x14: {  	s2 =	sld [smem:$0x3F90];
	s0 =	simm.s32 @p1 $0x1  }
0x15: {  	[smem:$0x3FAD] =	sst s0;
	s0 =	simm.s32 @!p2 $0x0  }
0x16: {  	s3 =	sld [smem:$0x3FDB];
	s0 =	simm.s32 @p2 $0x1  }
0x17: {  	s4 =	simm.s32 $0x1BF5;
	[smem:$0x3FAF] =	sst s0  }
0x18: {  	s0 =	sld [smem:$0x3F92];
	_ =	swait.ge [sflag:s4], $0x0  }
0x19: {  	s7 =	sld [smem:$0x3F93]  }
0x1a: {  	s8 =	sadd.s32 $0xFFFFE003, lr  }
0x1b: {  	s9 =	sadd.s32 $0xFFFFFEF7, lr;
	s5 =	simm.s32 $0xFFFFFFFF;
	p2 =	slt.u32 s8, $0xFFFFF086  }
0x1c: {  	p1 =	slt.u32 s9, $0xF7A;
	s5 =	simm.s32 @!p2 $0x0  }
0x1d: {  	s5 =	simm.s32 @p1 $0x1;
	p0 =	seq.s32 s7, s2  }
0x1e: {  	s7 =	smul.u32 @!p0 $0xF7A, s2;
	p2 =	seq.s32 @!p0 s5, $0x0  }
0x1f: {  	s9 =	smul.u32 $0xF7A, s1;
	s8 =	simm.s32 @!p0 $0x1BF5;
	p2 =	por !p2, p0  }
0x20: {  	[sflag:s8] =	ssyncset.s32 @!p0 $0xFFFFF086;
	s6 =	sadd.s32 @!p0 s3, s7;
	s7 =	simm.s32 @!p0 $0x108  }
0x21: {  	s3 =	sadd.s32 s3, s9;
	s6 =	sadd.s32 @!p0 $0x88, s6;
	s7 =	simm.s32 @p2 $0x1082  }
0x22: {  	[simem:s7], [sflag:s8] =	dma.local @!p0 [hbm:s6], $0xF7A  }
0x23: {  	s9 =	sor.u32 $0xD0000000, s2;
	s6 =	simm.s32 $0x108;
	_ =	swait.ge @!p0 [sflag:s8], $0x0  }
0x24: {  	s3 =	sadd.s32 $0x88, s3;
	s6 =	simm.s32 @!p1 $0x1082;
	[sflag:s4] =	ssyncset.s32 $0xFFFFF086  }
0x25: {  	[simem:s6], [sflag:s4] =	dma.local [hbm:s3], $0xF7A  }
0x26: {  	[smem:$0x3F93] =	sst s1;
	(tag) =	ssettag s2;
	_ =	strace s9  }
0x27: {  	s1 =	sld [smem:$0x3FA3]  }
0x28: {  	s2 =	sld [smem:$0x3FA4]  }
0x29: {  	s4 =	sld [smem:$0x3FA6]  }
0x2a: {  	p0 =	seq.s32 s5, $0x0;
	s5 =	sld [smem:$0x3FA7]  }
0x2b: {  	s6 =	sld [smem:$0x3FA8]  }
0x2c: {  	s7 =	sld [smem:$0x3FA9]  }
0x2d: {  	s3 =	simm.s32 $0x108;
	s8 =	sld [smem:$0x3FAA]  }
0x2e: {  	s3 =	simm.s32 @!p0 $0x1082;
	s9 =	sld [smem:$0x3FAB]  }
0x2f: {  	lr =	sadd.s32 s0, s3;
	s0 =	sld [smem:$0x3FA2]  }
0x30: {  	s3 =	sld [smem:$0x3FA5]  }
0x31: {  	[smem:$0x3FAE] =	sst s10  }
0x32: {  	s10 =	sld [smem:$0x3FAC];
	_ =	sdelay $0x3  }
0x33: {  	p0 =	seq.s32 s10, $0x1;
	s10 =	sld [smem:$0x3FAE];
	_ =	sdelay $0x3  }
0x34: {  	[smem:$0x3FAE] =	sst s10  }
0x35: {  	s10 =	sld [smem:$0x3FAD];
	_ =	sdelay $0x3  }
0x36: {  	p1 =	seq.s32 s10, $0x1;
	s10 =	sld [smem:$0x3FAE];
	_ =	sdelay $0x3  }
0x37: {  	[smem:$0x3FAE] =	sst s10  }
0x38: {  	s10 =	sld [smem:$0x3FAF]  }
0x39: {  	_ = 	snop;
	(pc) =	sbr.ind lr, $3  }
0x3a: {  	_ = 	snop  }
0x3b: {  	_ = 	snop  }
0x3c: {  	p2 =	seq.s32 s10, $0x1;
	s10 =	sld [smem:$0x3FAE]  }
0x3d: {  	_ =	shalt  }
0x3e: {  	_ =	shalt  }
0x3f: {  	_ =	shalt  }
0x40: {  	_ =	shalt  }
0x41: {  	_ =	shalt  }
0x42: {  	_ =	shalt  }
0x43: {  	_ =	shalt  }
0x44: {  	_ =	shalt  }
0x45: {  	_ =	shalt  }
0x46: {  	_ =	shalt  }
0x47: {  	_ =	shalt  }
0x48: {  	_ =	shalt  }
0x49: {  	_ =	shalt  }
0x4a: {  	_ =	shalt  }
0x4b: {  	_ =	shalt  }
0x4c: {  	_ =	shalt  }
0x4d: {  	_ =	shalt  }
0x4e: {  	_ =	shalt  }
0x4f: {  	_ =	shalt  }
0x50: {  	_ =	shalt  }
0x51: {  	_ =	shalt  }
0x52: {  	_ =	shalt  }
0x53: {  	_ =	shalt  }
0x54: {  	_ =	shalt  }
0x55: {  	_ =	shalt  }
0x56: {  	_ =	shalt  }
0x57: {  	_ =	shalt  }
0x58: {  	_ =	shalt  }
0x59: {  	_ =	shalt  }
0x5a: {  	_ =	shalt  }
0x5b: {  	_ =	shalt  }
0x5c: {  	_ =	shalt  }
0x5d: {  	_ =	shalt  }
0x5e: {  	_ =	shalt  }
0x5f: {  	_ =	shalt  }
0x60: {  	_ =	shalt  }
0x61: {  	_ =	shalt  }
0x62: {  	_ =	shalt  }
0x63: {  	_ =	shalt  }
0x64: {  	_ =	shalt  }
0x65: {  	_ =	shalt  }
0x66: {  	_ =	shalt  }
0x67: {  	_ =	shalt  }
0x68: {  	_ =	shalt  }
0x69: {  	_ =	shalt  }
0x6a: {  	_ =	shalt  }
0x6b: {  	_ =	shalt  }
0x6c: {  	_ =	shalt  }
0x6d: {  	_ =	shalt  }
0x6e: {  	_ =	shalt  }
0x6f: {  	_ =	shalt  }
0x70: {  	_ =	shalt  }
0x71: {  	_ =	shalt  }
0x72: {  	_ =	shalt  }
0x73: {  	_ =	shalt  }
0x74: {  	_ =	shalt  }
0x75: {  	_ =	shalt  }
0x76: {  	_ =	shalt  }
0x77: {  	_ =	shalt  }
0x78: {  	_ =	shalt  }
0x79: {  	_ =	shalt  }
0x7a: {  	_ =	shalt  }
0x7b: {  	_ =	shalt  }
0x7c: {  	_ =	shalt  }
0x7d: {  	_ =	shalt  }
0x7e: {  	_ =	shalt  }
0x7f: {  	_ =	shalt  }
0x80: {  	_ =	shalt  }
0x81: {  	_ =	shalt  }
0x82: {  	_ =	shalt  }
0x83: {  	_ =	shalt  }
0x84: {  	_ =	shalt  }
0x85: {  	_ =	shalt  }
0x86: {  	_ =	shalt  }
0x87: {  	_ =	shalt  }
.Lfunc_end0:
.L_simem_size_0:
called_computation_lowered:
.L_overlay_start_0:
0x88: {  	s2 =	sld [smem:$0x3FD9]  }
0x89: {  	s3 =	sld [smem:$0x3FFE];
	_ =	sdelay $0x1  }
0x8a: {  	s1 =	srdreg.scid  }
0x8b: {  	s0 =	sand.u32 $0x1, s1  }
0x8c: {  	s15 =	sshll.u32 s0, $0xA;
	s2 =	sadd.s32 s3, s2  }
0x8d: {  	s2 =	sadd.s32 s2, s15  }
0x8e: {  	[smem:$0x3FBA] =	sst s2  }
0x8f: {  	_ = 	snop  }
0x90: {  	s2 =	sld [smem:$0x3FD0];
	_ =	sdelay $0x2  }
0x91: {  	s16 =	simm.s32 $0xE;
	s4 =	simm.s32 $0x10  }
0x92: {  	[smem:s4], [sflag:s16] =	dma.local [hbm:s2], $0x1  }
0x93: {  	_ =	swait.eq [sflag:s16], $0x1  }
0x94: {  	[sflag:s16] =	ssyncset.done $0x0  }
0x95: {  	[sflag:s16] =	ssyncadd.s32 $0xFFFFFFFF  }
0x96: {  	s17 =	sld [smem:$0x11];
	(tm) =	ssettm $0x1  }
0x97: {  	s18 =	sld [smem:$0x3FFB];
	_ =	sdelay $0x3  }
0x98: {  	_ =	strace s18  }
0x99: {  	s2 =	sld [smem:$0x3FFC];
	_ =	sdelay $0x3  }
0x9a: {  	_ =	strace s2  }
0x9b: {  	s2 =	sld [smem:$0x3FFD];
	_ =	sdelay $0x3  }
0x9c: {  	_ =	strace s2  }
0x9d: {  	_ =	strace $0x8FFFFFFF  }
0x9e: {  	s19 =	sld [smem:$0x3FDB];
	_ =	sdelay $0x1  }
0x9f: {  	s20 =	simm.s32 $_scs_section_size  }
0xa0: {  	s5 =	simm.s32 $_size__tile_overlayer_lowered;
	s6 =	simm.s32 $_tile_overlayer_lowered  }
0xa1: {  	s7 =	simm.s32 $0x1BFF;
	s21 =	sshll.u32 s6, $0x1;
	s4 =	sadd.s32 s20, s19  }
0xa2: {  	s22 =	simm.s32 $0x0;
	s5 =	sshll.u32 s5, $0x1;
	s6 =	sadd.s32 s21, s4  }
0xa3: {  	[timem:s22], [sflag:s7] =	dma.local [hbm:s6], s5  }
0xa4: {  	_ =	swait.ge [sflag:s7], s5  }
0xa5: {  	s5 =	ssub.s32 $0x0, s5;
	[sflag:s7] =	ssyncset.done $0x0  }
0xa6: {  	[sflag:s7] =	ssyncadd.s32 s5;
	_ =	sdelay $0x1  }
0xa7: {  	s23 =	simm.s32 $0x1B8B  }
0xa8: {  	_ =	swait.ge [sflag:s23], $0x1  }
0xa9: {  	[sflag:s23] =	ssyncset.done $0x0  }
0xaa: {  	[sflag:s23] =	ssyncadd.s32 $0xFFFFFFFF  }
0xab: {  	s5 =	sld [smem:$0x0]  }
0xac: {  	s6 =	sand.u32 $0xFFFFFFFE, s1  }
0xad: {  	p0 =	sne.s32 s1, s6  }
0xae: {  	s6 =	sshll.u32 @p0 s6, $0xE  }
0xaf: {  	s6 =	sadd.s32 @p0 $0x11B8D, s6;
	s7 =	sshll.u32 @p0 s5, $0x11  }
0xb0: {  	s6 =	sor.u32 @p0 s7, s6  }
0xb1: {  	[sflag:s6] =	ssyncadd.remote.s32 @p0 $0x1;
	_ =	sdelay $0x1  }
0xb2: {  	s6 =	simm.s32 @p0 $0x1B8D  }
0xb3: {  	_ =	swait.eq @p0 [sflag:s6], $0x1  }
0xb4: {  	[sflag:s6] =	ssyncadd.s32 @p0 $0xFFFFFFFF  }
0xb5: {  	s7 =	sshll.u32 @!p0 s1, $0xE  }
0xb6: {  	s7 =	sor.u32 @!p0 $0x4000, s7;
	s6 =	simm.s32 @!p0 $0x1B8D  }
0xb7: {  	s5 =	sshll.u32 @!p0 s5, $0x11;
	s7 =	sadd.s32 @!p0 $0x11B8D, s7;
	_ =	swait.eq @!p0 [sflag:s6], $0x1  }
0xb8: {  	s5 =	sor.u32 @!p0 s5, s7;
	[sflag:s6] =	ssyncadd.s32 @!p0 $0xFFFFFFFF  }
0xb9: {  	s25 =	simm.s32 $0x1B8E;
	s24 =	sld [smem:$0x3FFE];
	[sflag:s5] =	ssyncadd.remote.s32 @!p0 $0x1  }
0xba: {  	s26 =	simm.s32 $execute0_lowered;
	[smem:$0x3FD2] =	sst s25  }
0xbb: {  	s6 =	sshll.u32 s26, $0x1;
	_ =	strace $0x80000052;
	[dreg:$0x1] =	wrdreg $0xFFFFFFFF  }
0xbc: {  	s28 =	simm.s32 $_size_execute0_lowered;
	s4 =	sadd.s32 s4, s6;
	[dreg:$0x0] =	wrdreg $0x0  }
0xbd: {  	s6 =	sshll.u32 s28, $0x1;
	[dreg:$0x2] =	wrdreg s4  }
0xbe: {  	[dreg:$0x3] =	wrdreg s6  }
0xbf: {  	[dreg:$0x4] =	wrdreg $0xC0  }
0xc0: {  	_ =	task [dreg:s22], $0x5FFFF  }
0xc1: {  	[dreg:$0x1] =	wrdreg $0xFFFFFFFF  }
0xc2: {  	[dreg:$0x0] =	wrdreg $0x60  }
0xc3: {  	[dreg:$0x2] =	wrdreg s17  }
0xc4: {  	[dreg:$0x3] =	wrdreg s24  }
0xc5: {  	[dreg:$0x4] =	wrdreg $0x9  }
0xc6: {  	_ =	task.clear_ibuf [dreg:s22], $0x5FFFF;
	_ =	strace $0x90000052  }
0xc7: {  	s29 =	simm.s32 $0x9;
	_ =	strace $0x80000054  }
0xc8: {  	_ =	swait.ge [sflag:s29], $0x1  }
0xc9: {  	[sflag:s29] =	ssyncadd.s32 $0xFFFFFFFF  }
0xca: {  	_ =	strace $0x90000054  }
0xcb: {  	_ =	sfence  }
0xcc: {  	s30 =	sld [smem:$0x0];
	_ =	sdelay $0x2  }
0xcd: {  	s31 =	sshll.u32 s1, $0xD;
	s1 =	sshrl.u32 s1, $0x2  }
0xce: {  	s4 =	sand.u32 $0x4000, s31;
	s1 =	sadd.s32 s1, s30  }
0xcf: {  	s0 =	sor.u32 s4, s0;
	s1 =	sshll.u32 s1, $0x11  }
0xd0: {  	s0 =	sor.u32 s1, s0  }
0xd1: {  	s0 =	sadd.s32 $0x8F2B, s0  }
0xd2: {  	[sflag:s0] =	ssyncadd.remote.s32 $0x1  }
0xd3: {  	_ =	sfence.sel $0xFFFF  }
0xd4: {  	[dreg:$0x0] =	wrdreg $0xFFFFFFFF;
	(pc) =	sbr.abs _section_cstart, $3  }
0xd5: {  	[dreg:$0x1] =	wrdreg $0xFFFFFFFF  }
0xd6: {  	_ =	task.clear_ibuf [dreg:s22], $0x2FFFF;
	_ =	strace $0x9FFFFFFF  }
0xd7: {  	(tm) =	ssettm $0x7FFFFFFF  }
tec
execute0_lowered:
.L_overlay_start_1:
0x0: {  	(tag) =	ssettag $0x1  }
0x1: {  	s1 =	rddreg [dreg:$0x0]  }
0x2: {  	s5 =	rddreg [dreg:$0x1];
	s2 =	simm.s32 $0x0  }
0x3: {  	s6 =	srdreg.scid;
	s0 =	stileid.u32;
	s16 =	simm.s32 $0x8100  }
0x4: {  	s17 =	simm.s32 $0x1;
	s18 =	simm.s32 $0x3;
	s19 =	simm.s32 $0x6  }
0x5: {  	s20 =	simm.s32 $0x0;
	[smem:$0x7FF] =	sst s2;
	s4 =	sadd.s32 $0xD200, s5  }
0x6: {  	s9 =	sadd.s32 $0x804400, s5;
	s10 =	sand.u32 $0x1, s6;
	s23 =	sshll.u32 s0, $0x1  }
0x7: {  	s11 =	sadd.s32 $0x806400, s5;
	s12 =	sadd.s32 $0x900400, s5;
	s14 =	sshll.u32 s0, $0x5  }
0x8: {  	s30 =	sshll.u32 s0, $0xC;
	p0 =	sgt.u32 s0, $0x9;
	_ =	strace $0x80000053  }
0x9: {  	s7 =	ssub.s32 $0x2, s10;
	s6 =	sor.u32 s10, s23;
	s14 =	sadd.s32 s14, s9  }
0xa: {  	s15 =	sshll.u32 s10, $0x4;
	s31 =	sshll.u32 s10, $0xB;
	s24 =	sshrl.u32 s7, $0x1  }
0xb: {  	s8 =	sshll.u32 s6, $0x7;
	s25 =	sshll.u32 s6, $0x4;
	s29 =	sadd.s32 s15, s14  }
0xc: {  	s14 =	simm.s32 $0x80;
	s15 =	simm.s32 $0x100;
	s13 =	ssub.s32 s7, s24  }
0xd: {  	s26 =	sor.u32 $0xF000, s8;
	s3 =	sadd.s32 s9, s25;
	s10 =	sadd.s32 $0x400, s29  }
0xe: {  	[dreg:$0x3] =	wrdreg s3;
	s28 =	sshrl.u32 s26, $0x3;
	s8 =	sshll.u32 s26, $0x4  }
0xf: {  	s6 =	sadd.s32 s9, s28;
	s7 =	sadd.s32 s11, s8;
	s8 =	sadd.s32 s12, s8  }
0x10: {  	s9 =	smax.u32 s13, $0x1;
	s11 =	sadd.s32 s30, s11;
	s12 =	sadd.s32 s30, s12  }
0x11: {  	s13 =	simm.s32 $0x5;
	s11 =	sadd.s32 s31, s11;
	s12 =	sadd.s32 s31, s12  }
.LBB2_1:
0x12: {  	s0 =	rddreg [dreg:$0x3]  }
0x13: {  	[tilespmem:s2], [sflag:$0x5] =	stream.linear.gather [hbm4b:s0+s2], $0x80, $0x38;
	[tilespmem:$0x10100] =	vst v63  }
0x14: {  	_ =	swait.ge [sflag:s13], $0x80  }
0x15: {  	[sflag:s13] =	ssyncset.done $0x0  }
0x16: {  	p2 =	por $0x0, $0x0;
	[sflag:s13] =	ssyncadd.s32 $0xFFFFFF80  }
0x17: {  	[tilespmem:s15], [sflag:$0x1] =	stream.indirect.gather [hbm4b:s1+s14], $0x80, s2, s14, $0xb8;
	[tilespmem:$0x10100] =	vst v63  }
0x18: {  	s21 =	sadd.s32 @!p2 $0xFFFFFE00, s10  }
0x19: {  	[tilespmem:s16], [sflag:$0x3] =	stream.indirect.gather [hbm4b:s4+s14], $0x80, s2, s14, $0xb8;
	[tilespmem:$0x10100] =	vst v63  }
0x1a: {  	s22 =	simm.s32 @!p2 $0x0;
	s23 =	simm.s32 @!p2 $0x80;
	s24 =	simm.s32 @!p2 $0x6  }
0x1b: {  	[tilespmem:s23], [sflag:$0x6] =	stream.linear.gather @!p2 [hbm4b:s21+s22], $0x80, $0x38;
	[tilespmem:$0x10100] =	vst v63  }
0x1c: {  	_ =	swait.ge @!p2 [sflag:s24], $0x80  }
0x1d: {  	[sflag:s24] =	ssyncset.done @!p2 $0x0  }
0x1e: {  	p1 =	por p2, p2;
	s21 =	simm.s32 @!p2 $0x4100;
	[sflag:s24] =	ssyncadd.s32 @!p2 $0xFFFFFF80  }
0x1f: {  	[tilespmem:s21], [sflag:$0x2] =	stream.indirect.gather @!p1 [hbm4b:s1+s23], $0x80, s23, s23, $0xb8;
	[tilespmem:$0x10100] =	vst v63  }
0x20: {  	s25 =	simm.s32 @!p2 $0xC100  }
0x21: {  	[tilespmem:s25], [sflag:$0x4] =	stream.indirect.gather @!p1 [hbm4b:s4+s23], $0x80, s23, s23, $0xb8;
	[tilespmem:$0x10100] =	vst v63  }
0x22: {  	_ =	swait.ge [sflag:s17], $0x4000  }
0x23: {  	[sflag:s17] =	ssyncset.done $0x0  }
0x24: {  	[sflag:s17] =	ssyncadd.s32 $0xFFFFC000  }
0x25: {  	_ =	swait.ge [sflag:s18], $0x4000  }
0x26: {  	[sflag:s18] =	ssyncset.done $0x0  }
0x27: {  	s30 =	sadd.s32 $0x0, s11;
	[sflag:s18] =	ssyncadd.s32 $0xFFFFC000  }
0x28: {  	[hbm4b:s30+s2] =	stream.linear.scatter [tilespmem:s15], [sflag:$0x6], $0x4000, $0x38;
	[tilespmem:$0x10100] =	vst v63  }
0x29: {  	_ =	swait.ge [sflag:s19], $0x4000  }
0x2a: {  	[sflag:s19] =	ssyncset.done $0x0  }
0x2b: {  	s31 =	sadd.s32 $0x0, s12;
	[sflag:s19] =	ssyncadd.s32 $0xFFFFC000  }
0x2c: {  	[hbm4b:s31+s2] =	stream.linear.scatter [tilespmem:s16], [sflag:$0x6], $0x4000, $0x38;
	[tilespmem:$0x10100] =	vst v63  }
0x2d: {  	_ =	swait.ge [sflag:s19], $0x4000  }
0x2e: {  	p2 =	por $0x0, $0x0;
	[sflag:s19] =	ssyncset.done $0x0  }
0x2f: {  	s26 =	simm.s32 @!p2 $0x6;
	s23 =	simm.s32 @!p2 $0x0;
	[sflag:s19] =	ssyncadd.s32 $0xFFFFC000  }
0x30: {  	[tilespmem:s23], [sflag:$0x6] =	stream.linear.gather @!p2 [hbm4b:s10+s23], $0x80, $0x38;
	[tilespmem:$0x10100] =	vst v63  }
0x31: {  	_ =	swait.ge @!p2 [sflag:s26], $0x80  }
0x32: {  	[sflag:s26] =	ssyncset.done @!p2 $0x0  }
0x33: {  	s28 =	simm.s32 @!p2 $0x80;
	s29 =	simm.s32 @!p2 $0x100;
	[sflag:s26] =	ssyncadd.s32 @!p2 $0xFFFFFF80  }
0x34: {  	[tilespmem:s29], [sflag:$0x1] =	stream.indirect.gather @!p2 [hbm4b:s1+s28], $0x80, s23, s28, $0xb8;
	[tilespmem:$0x10100] =	vst v63  }
0x35: {  	s26 =	simm.s32 @!p2 $0x8100;
	s29 =	simm.s32 @!p1 $0x2  }
0x36: {  	[tilespmem:s26], [sflag:$0x3] =	stream.indirect.gather @!p2 [hbm4b:s4+s28], $0x80, s23, s28, $0xb8;
	[tilespmem:$0x10100] =	vst v63  }
0x37: {  	_ =	swait.ge @!p1 [sflag:s29], $0x4000  }
0x38: {  	[sflag:s29] =	ssyncset.done @!p1 $0x0  }
0x39: {  	s23 =	simm.s32 @!p1 $0x4;
	[sflag:s29] =	ssyncadd.s32 @!p1 $0xFFFFC000  }
0x3a: {  	_ =	swait.ge @!p1 [sflag:s23], $0x4000  }
0x3b: {  	s26 =	sadd.s32 @!p1 $0x0, s11;
	[sflag:s23] =	ssyncset.done @!p1 $0x0  }
0x3c: {  	s26 =	sadd.s32 @!p1 $0x10000, s26;
	[sflag:s23] =	ssyncadd.s32 @!p1 $0xFFFFC000  }
0x3d: {  	[hbm4b:s26+s22] =	stream.linear.scatter @!p1 [tilespmem:s21], [sflag:$0x6], $0x4000, $0x38;
	[tilespmem:$0x10100] =	vst v63  }
0x3e: {  	p3 =	por $0x0, $0x0;
	s28 =	simm.s32 @!p1 $0x5;
	_ =	swait.ge @!p1 [sflag:s24], $0x4000  }
0x3f: {  	s23 =	sadd.s32 @!p1 $0x0, s12;
	s21 =	simm.s32 $0x20000;
	[sflag:s24] =	ssyncset.done @!p1 $0x0  }
0x40: {  	s23 =	sadd.s32 @!p1 $0x10000, s23;
	[sflag:s24] =	ssyncadd.s32 @!p1 $0xFFFFC000;
	s24 =	simm.s32 $0x3  }
0x41: {  	[hbm4b:s23+s22] =	stream.linear.scatter @!p1 [tilespmem:s25], [sflag:$0x5], $0x4000, $0x38;
	[tilespmem:$0x10100] =	vst v63  }
0x42: {  	s23 =	simm.s32 $0x40000;
	s22 =	sadd.s32 $0x400, s10;
	_ =	swait.ge @!p1 [sflag:s28], $0x4000  }
.LBB2_2:
0x43: {  	s29 =	sadd.s32 @!p3 $0xFFFFFE00, s22;
	s25 =	simm.s32 @!p3 $0x0;
	[sflag:s28] =	ssyncset.done @!p1 $0x0  }
0x44: {  	s31 =	simm.s32 @!p3 $0x80;
	s26 =	simm.s32 @!p3 $0x6;
	[sflag:s28] =	ssyncadd.s32 @!p1 $0xFFFFC000  }
0x45: {  	[tilespmem:s31], [sflag:$0x6] =	stream.linear.gather @!p3 [hbm4b:s29+s25], $0x80, $0x38;
	[tilespmem:$0x10100] =	vst v63  }
0x46: {  	s28 =	smov.u32 s23;
	s23 =	sadd.s32 $0x20000, s23;
	_ =	swait.ge @!p3 [sflag:s26], $0x80  }
0x47: {  	s30 =	simm.s32 @!p3 $0x4100;
	p2 =	sne.s32 s23, $0x100000;
	[sflag:s26] =	ssyncset.done @!p3 $0x0  }
0x48: {  	p1 =	por p3, p3;
	s29 =	simm.s32 @!p3 $0xC100;
	[sflag:s26] =	ssyncadd.s32 @!p3 $0xFFFFFF80  }
0x49: {  	[tilespmem:s30], [sflag:$0x2] =	stream.indirect.gather @!p1 [hbm4b:s1+s31], $0x80, s31, s31, $0xb8;
	[tilespmem:$0x10100] =	vst v63  }
0x4a: {  	_ = 	snop  }
0x4b: {  	[tilespmem:s29], [sflag:$0x4] =	stream.indirect.gather @!p1 [hbm4b:s4+s31], $0x80, s31, s31, $0xb8;
	[tilespmem:$0x10100] =	vst v63  }
0x4c: {  	_ =	swait.ge [sflag:s17], $0x4000  }
0x4d: {  	[sflag:s17] =	ssyncset.done $0x0  }
0x4e: {  	[sflag:s17] =	ssyncadd.s32 $0xFFFFC000  }
0x4f: {  	_ =	swait.ge [sflag:s18], $0x4000  }
0x50: {  	s31 =	sadd.s32 s21, s11;
	[sflag:s18] =	ssyncset.done $0x0  }
0x51: {  	[sflag:s18] =	ssyncadd.s32 $0xFFFFC000  }
0x52: {  	[hbm4b:s31+s2] =	stream.linear.scatter [tilespmem:s15], [sflag:$0x6], $0x4000, $0x38;
	[tilespmem:$0x10100] =	vst v63  }
0x53: {  	_ =	swait.ge [sflag:s19], $0x4000  }
0x54: {  	s31 =	sadd.s32 s21, s12;
	[sflag:s19] =	ssyncset.done $0x0  }
0x55: {  	[sflag:s19] =	ssyncadd.s32 $0xFFFFC000  }
0x56: {  	[hbm4b:s31+s2] =	stream.linear.scatter [tilespmem:s16], [sflag:$0x6], $0x4000, $0x38;
	[tilespmem:$0x10100] =	vst v63  }
0x57: {  	p3 =	seq.s32 s21, $0xE0000;
	_ =	swait.ge [sflag:s19], $0x4000  }
0x58: {  	s31 =	simm.s32 @!p3 $0x0;
	[sflag:s19] =	ssyncset.done $0x0  }
0x59: {  	s0 =	simm.s32 @!p3 $0x6;
	[sflag:s19] =	ssyncadd.s32 $0xFFFFC000  }
0x5a: {  	[tilespmem:s31], [sflag:$0x6] =	stream.linear.gather @!p3 [hbm4b:s22+s31], $0x80, $0x38;
	[tilespmem:$0x10100] =	vst v63  }
0x5b: {  	_ =	swait.ge @!p3 [sflag:s0], $0x80  }
0x5c: {  	s3 =	simm.s32 @!p3 $0x80;
	s5 =	simm.s32 @!p3 $0x100;
	[sflag:s0] =	ssyncset.done @!p3 $0x0  }
0x5d: {  	[sflag:s0] =	ssyncadd.s32 @!p3 $0xFFFFFF80;
	s0 =	simm.s32 @!p3 $0x8100  }
0x5e: {  	[tilespmem:s5], [sflag:$0x1] =	stream.indirect.gather @!p3 [hbm4b:s1+s3], $0x80, s31, s3, $0xb8;
	[tilespmem:$0x10100] =	vst v63  }
0x5f: {  	s5 =	simm.s32 @!p1 $0x2  }
0x60: {  	[tilespmem:s0], [sflag:$0x3] =	stream.indirect.gather @!p3 [hbm4b:s4+s3], $0x80, s31, s3, $0xb8;
	[tilespmem:$0x10100] =	vst v63  }
0x61: {  	_ =	swait.ge @!p1 [sflag:s5], $0x4000  }
0x62: {  	s0 =	simm.s32 @!p1 $0x4;
	[sflag:s5] =	ssyncset.done @!p1 $0x0  }
0x63: {  	[sflag:s5] =	ssyncadd.s32 @!p1 $0xFFFFC000  }
0x64: {  	s3 =	sadd.s32 @!p1 s21, s11;
	_ =	swait.ge @!p1 [sflag:s0], $0x4000  }
0x65: {  	s3 =	sadd.s32 @!p1 $0x10000, s3;
	[sflag:s0] =	ssyncset.done @!p1 $0x0  }
0x66: {  	[sflag:s0] =	ssyncadd.s32 @!p1 $0xFFFFC000  }
0x67: {  	[hbm4b:s3+s25] =	stream.linear.scatter @!p1 [tilespmem:s30], [sflag:$0x6], $0x4000, $0x38;
	[tilespmem:$0x10100] =	vst v63  }
.Ltmp0:
0x68: {  	s0 =	sadd.s32 @!p1 s21, s12;
	_ =	swait.ge @!p1 [sflag:s26], $0x4000;
	(pc) =	sbr.rel @p2 .LBB2_2-.Ltmp0, $4  }
0x69: {  	s21 =	smov.u32 s28;
	s0 =	sadd.s32 @!p1 $0x10000, s0;
	[sflag:s26] =	ssyncset.done @!p1 $0x0  }
0x6a: {  	s24 =	sadd.s32 $0x2, s24;
	s28 =	simm.s32 @!p1 $0x5;
	[sflag:s26] =	ssyncadd.s32 @!p1 $0xFFFFC000  }
0x6b: {  	[hbm4b:s0+s25] =	stream.linear.scatter @!p1 [tilespmem:s29], [sflag:$0x5], $0x4000, $0x38;
	[tilespmem:$0x10100] =	vst v63  }
0x6c: {  	s22 =	sadd.s32 $0x400, s22;
	p3 =	sgt.u32 s24, $0xE;
	_ =	swait.ge @!p1 [sflag:s28], $0x4000  }
0x6d: {  	s0 =	sadd.s32 @!p3 $0xFFFFFE00, s22;
	s3 =	simm.s32 @!p3 $0x0;
	[sflag:s28] =	ssyncset.done @!p1 $0x0  }
0x6e: {  	s5 =	simm.s32 @!p3 $0x80;
	s23 =	simm.s32 @!p3 $0x6;
	[sflag:s28] =	ssyncadd.s32 @!p1 $0xFFFFC000  }
0x6f: {  	[tilespmem:s5], [sflag:$0x6] =	stream.linear.gather @!p3 [hbm4b:s0+s3], $0x80, $0x38;
	[tilespmem:$0x10100] =	vst v63  }
0x70: {  	_ =	swait.ge @!p3 [sflag:s23], $0x80  }
0x71: {  	[sflag:s23] =	ssyncset.done @!p3 $0x0  }
0x72: {  	p1 =	por p3, p3;
	s0 =	simm.s32 @!p3 $0x4100;
	[sflag:s23] =	ssyncadd.s32 @!p3 $0xFFFFFF80  }
0x73: {  	[tilespmem:s0], [sflag:$0x2] =	stream.indirect.gather @!p1 [hbm4b:s1+s5], $0x80, s5, s5, $0xb8;
	[tilespmem:$0x10100] =	vst v63  }
0x74: {  	s24 =	simm.s32 @!p3 $0xC100  }
0x75: {  	[tilespmem:s24], [sflag:$0x4] =	stream.indirect.gather @!p1 [hbm4b:s4+s5], $0x80, s5, s5, $0xb8;
	[tilespmem:$0x10100] =	vst v63  }
0x76: {  	_ =	swait.ge [sflag:s17], $0x4000  }
0x77: {  	[sflag:s17] =	ssyncset.done $0x0  }
0x78: {  	[sflag:s17] =	ssyncadd.s32 $0xFFFFC000  }
0x79: {  	_ =	swait.ge [sflag:s18], $0x4000  }
0x7a: {  	[sflag:s18] =	ssyncset.done $0x0  }
0x7b: {  	s30 =	sadd.s32 s21, s11;
	[sflag:s18] =	ssyncadd.s32 $0xFFFFC000  }
0x7c: {  	[hbm4b:s30+s2] =	stream.linear.scatter [tilespmem:s15], [sflag:$0x6], $0x4000, $0x38;
	[tilespmem:$0x10100] =	vst v63  }
0x7d: {  	_ =	swait.ge [sflag:s19], $0x4000  }
0x7e: {  	[sflag:s19] =	ssyncset.done $0x0  }
0x7f: {  	s31 =	sadd.s32 s21, s12;
	[sflag:s19] =	ssyncadd.s32 $0xFFFFC000  }
0x80: {  	[hbm4b:s31+s2] =	stream.linear.scatter [tilespmem:s16], [sflag:$0x6], $0x4000, $0x38;
	[tilespmem:$0x10100] =	vst v63  }
0x81: {  	_ =	swait.ge [sflag:s19], $0x4000  }
0x82: {  	p2 =	seq.s32 s21, $0xE0000;
	[sflag:s19] =	ssyncset.done $0x0  }
0x83: {  	s25 =	simm.s32 @!p2 $0x6;
	s5 =	simm.s32 @!p2 $0x0;
	[sflag:s19] =	ssyncadd.s32 $0xFFFFC000  }
0x84: {  	[tilespmem:s5], [sflag:$0x6] =	stream.linear.gather @!p2 [hbm4b:s22+s5], $0x80, $0x38;
	[tilespmem:$0x10100] =	vst v63  }
0x85: {  	_ =	swait.ge @!p2 [sflag:s25], $0x80  }
0x86: {  	[sflag:s25] =	ssyncset.done @!p2 $0x0  }
0x87: {  	s26 =	simm.s32 @!p2 $0x100;
	s22 =	simm.s32 @!p2 $0x80;
	[sflag:s25] =	ssyncadd.s32 @!p2 $0xFFFFFF80  }
0x88: {  	[tilespmem:s26], [sflag:$0x1] =	stream.indirect.gather @!p2 [hbm4b:s1+s22], $0x80, s5, s22, $0xb8;
	[tilespmem:$0x10100] =	vst v63  }
0x89: {  	s25 =	simm.s32 @!p2 $0x8100;
	s26 =	simm.s32 @!p1 $0x2  }
0x8a: {  	[tilespmem:s25], [sflag:$0x3] =	stream.indirect.gather @!p2 [hbm4b:s4+s22], $0x80, s5, s22, $0xb8;
	[tilespmem:$0x10100] =	vst v63  }
0x8b: {  	_ =	swait.ge @!p1 [sflag:s26], $0x4000  }
0x8c: {  	[sflag:s26] =	ssyncset.done @!p1 $0x0  }
0x8d: {  	s5 =	simm.s32 @!p1 $0x4;
	[sflag:s26] =	ssyncadd.s32 @!p1 $0xFFFFC000  }
0x8e: {  	_ =	swait.ge @!p1 [sflag:s5], $0x4000  }
0x8f: {  	s22 =	sadd.s32 @!p1 s21, s11;
	[sflag:s5] =	ssyncset.done @!p1 $0x0  }
0x90: {  	s22 =	sadd.s32 @!p1 $0x10000, s22;
	[sflag:s5] =	ssyncadd.s32 @!p1 $0xFFFFC000  }
0x91: {  	[hbm4b:s22+s3] =	stream.linear.scatter @!p1 [tilespmem:s0], [sflag:$0x6], $0x4000, $0x38;
	[tilespmem:$0x10100] =	vst v63  }
0x92: {  	_ =	swait.ge @!p1 [sflag:s23], $0x4000  }
0x93: {  	s0 =	sadd.s32 @!p1 s21, s12;
	[sflag:s23] =	ssyncset.done @!p1 $0x0  }
0x94: {  	s5 =	simm.s32 @!p1 $0x5;
	s0 =	sadd.s32 @!p1 $0x10000, s0;
	[sflag:s23] =	ssyncadd.s32 @!p1 $0xFFFFC000  }
0x95: {  	[hbm4b:s0+s3] =	stream.linear.scatter @!p1 [tilespmem:s24], [sflag:$0x5], $0x4000, $0x38;
	[tilespmem:$0x10100] =	vst v63  }
0x96: {  	_ =	swait.ge @!p1 [sflag:s5], $0x4000  }
0x97: {  	[sflag:s5] =	ssyncset.done @!p1 $0x0  }
0x98: {  	s0 =	simm.s32 @!p0 $0x0;
	s3 =	simm.s32 @!p0 $0x5;
	[sflag:s5] =	ssyncadd.s32 @!p1 $0xFFFFC000  }
0x99: {  	[tilespmem:s0], [sflag:$0x5] =	stream.linear.gather @!p0 [hbm4b:s6+s0], $0x80, $0x38;
	[tilespmem:$0x10100] =	vst v63  }
0x9a: {  	_ =	swait.ge @!p0 [sflag:s3], $0x80  }
0x9b: {  	[sflag:s3] =	ssyncset.done @!p0 $0x0  }
0x9c: {  	s21 =	simm.s32 @!p0 $0x100;
	s5 =	simm.s32 @!p0 $0x80;
	[sflag:s3] =	ssyncadd.s32 @!p0 $0xFFFFFF80  }
0x9d: {  	[tilespmem:s21], [sflag:$0x1] =	stream.indirect.gather @!p0 [hbm4b:s1+s5], $0x80, s0, s5, $0xb8;
	[tilespmem:$0x10100] =	vst v63  }
0x9e: {  	s22 =	simm.s32 @!p0 $0x8100  }
0x9f: {  	[tilespmem:s22], [sflag:$0x3] =	stream.indirect.gather @!p0 [hbm4b:s4+s5], $0x80, s0, s5, $0xb8;
	[tilespmem:$0x10100] =	vst v63  }
0xa0: {  	s5 =	simm.s32 @!p0 $0x1  }
0xa1: {  	_ =	swait.ge @!p0 [sflag:s5], $0x4000  }
0xa2: {  	[sflag:s5] =	ssyncset.done @!p0 $0x0  }
0xa3: {  	[sflag:s5] =	ssyncadd.s32 @!p0 $0xFFFFC000;
	s5 =	simm.s32 @!p0 $0x3  }
0xa4: {  	_ =	swait.ge @!p0 [sflag:s5], $0x4000  }
0xa5: {  	[sflag:s5] =	ssyncset.done @!p0 $0x0  }
0xa6: {  	[sflag:s5] =	ssyncadd.s32 @!p0 $0xFFFFC000  }
0xa7: {  	[hbm4b:s7+s0] =	stream.linear.scatter @!p0 [tilespmem:s21], [sflag:$0x5], $0x4000, $0x38;
	[tilespmem:$0x10100] =	vst v63  }
0xa8: {  	s20 =	sadd.s32 $0x1, s20;
	_ =	swait.ge @!p0 [sflag:s3], $0x4000  }
0xa9: {  	p1 =	sne.s32 s20, s9;
	[sflag:s3] =	ssyncset.done @!p0 $0x0  }
.Ltmp1:
0xaa: {  	[sflag:s3] =	ssyncadd.s32 @!p0 $0xFFFFC000;
	(pc) =	sbr.rel @p1 .LBB2_1-.Ltmp1, $4  }
0xab: {  	[hbm4b:s8+s0] =	stream.linear.scatter @!p0 [tilespmem:s22], [sflag:$0x5], $0x4000, $0x38;
	[tilespmem:$0x10100] =	vst v63  }
0xac: {  	_ =	swait.ge @!p0 [sflag:s3], $0x4000  }
0xad: {  	[sflag:s3] =	ssyncset.done @!p0 $0x0  }
0xae: {  	[sflag:s3] =	ssyncadd.s32 @!p0 $0xFFFFC000  }
0xaf: {  	_ =	sfence.sel $0x180000  }
0xb0: {  	[bflag:$0x0] =	sbarrier.arrive $0xFFFF  }
0xb1: {  	_ =	strace $0x90000053  }
0xb2: {  	s0 =	stileid.u32;
	[bflag:$0x2] =	sbarrier.arrive $0xFFFF  }
0xb3: {  	p0 =	sne.s32 s0, $0x0;
	s0 =	rddreg [dreg:$0x2]  }
0xb4: {  	s0 =	sadd.s32 @!p0 $0x100000, s0  }
0xb5: {  	[sflag:s0] =	ssyncadd.tile.s32 @!p0 $0x1;
	_ =	shalt  }
.Lfunc_end2:
_tile_overlayer_lowered:
.L_overlay_start_2:
0xb6: {  	(tag) =	ssettag $0x2  }
0xb7: {  	s0 =	rddreg [dreg:$0x0];
	s2 =	stileid.u32  }
0xb8: {  	s1 =	rddreg [dreg:$0x1];
	p0 =	sne.s32 s2, $0x0  }
0xb9: {  	s3 =	rddreg [dreg:$0x2];
	[bflag:$0x3] =	sbarrier.arrive $0xFFFF;
	s2 =	simm.s32 @!p0 $0x1C05  }
0xba: {  	[timem:s3], [sflag:s2] =	dma.local @!p0 [hbm:s0], s1  }
0xbb: {  	s0 =	simm.s32 @!p0 $0x5  }
0xbc: {  	_ =	swait.ge @!p0 [sflag:s0], s1  }
0xbd: {  	s1 =	ssub.s32 @!p0 $0x0, s1;
	[sflag:s0] =	ssyncset.done @!p0 $0x0  }
0xbe: {  	[sflag:s0] =	ssyncadd.s32 @!p0 s1  }
0xbf: {  	[bflag:$0x3] =	sbarrier.arrive $0xFFFF  }
0xc0: {  	_ =	shalt  }

// kernel: kernel.17.cloned.1.call-start
scs
__scs_entry_jumppad:
0x0: {  	(pc) =	sbr.rel $0x88, $3  }
0x1: {  	(tag) =	ssettag $0x0;
	lr =	simm.s32 $0x1  }
0x2: {  	[smem:$0x3F93] =	sst lr;
	_ =	strace $0xD0000000  }
0x3: {  	_ = 	snop  }
0x4: {  	_ = 	snop  }
0x5: {  	_ = 	snop  }
0x6: {  	_ = 	snop  }
0x7: {  	_ = 	snop  }
__scs_overlays_trampoline_lowered:
0x8: {  	[smem:$0x3FA2] =	sst s0  }
0x9: {  	[smem:$0x3FA3] =	sst s1  }
0xa: {  	[smem:$0x3FA4] =	sst s2  }
0xb: {  	[smem:$0x3FA5] =	sst s3  }
0xc: {  	[smem:$0x3FA6] =	sst s4  }
0xd: {  	[smem:$0x3FA7] =	sst s5  }
0xe: {  	[smem:$0x3FA8] =	sst s6  }
0xf: {  	[smem:$0x3FA9] =	sst s7  }
0x10: {  	[smem:$0x3FAA] =	sst s8  }
0x11: {  	[smem:$0x3FAB] =	sst s9;
	s0 =	simm.s32 @!p0 $0x0  }
0x12: {  	s1 =	sld [smem:$0x3F91];
	s0 =	simm.s32 @p0 $0x1  }
0x13: {  	[smem:$0x3FAC] =	sst s0;
	s0 =	simm.s32 @!p1 $0x0  }
0x14: {  	s2 =	sld [smem:$0x3F90];
	s0 =	simm.s32 @p1 $0x1  }
0x15: {  	[smem:$0x3FAD] =	sst s0;
	s0 =	simm.s32 @!p2 $0x0  }
0x16: {  	s3 =	sld [smem:$0x3FDB];
	s0 =	simm.s32 @p2 $0x1  }
0x17: {  	s4 =	simm.s32 $0x1BF5;
	[smem:$0x3FAF] =	sst s0  }
0x18: {  	s0 =	sld [smem:$0x3F92];
	_ =	swait.ge [sflag:s4], $0x0  }
0x19: {  	s7 =	sld [smem:$0x3F93]  }
0x1a: {  	s8 =	sadd.s32 $0xFFFFE003, lr  }
0x1b: {  	s9 =	sadd.s32 $0xFFFFFEF7, lr;
	s5 =	simm.s32 $0xFFFFFFFF;
	p2 =	slt.u32 s8, $0xFFFFF086  }
0x1c: {  	p1 =	slt.u32 s9, $0xF7A;
	s5 =	simm.s32 @!p2 $0x0  }
0x1d: {  	s5 =	simm.s32 @p1 $0x1;
	p0 =	seq.s32 s7, s2  }
0x1e: {  	s7 =	smul.u32 @!p0 $0xF7A, s2;
	p2 =	seq.s32 @!p0 s5, $0x0  }
0x1f: {  	s9 =	smul.u32 $0xF7A, s1;
	s8 =	simm.s32 @!p0 $0x1BF5;
	p2 =	por !p2, p0  }
0x20: {  	[sflag:s8] =	ssyncset.s32 @!p0 $0xFFFFF086;
	s6 =	sadd.s32 @!p0 s3, s7;
	s7 =	simm.s32 @!p0 $0x108  }
0x21: {  	s3 =	sadd.s32 s3, s9;
	s6 =	sadd.s32 @!p0 $0x88, s6;
	s7 =	simm.s32 @p2 $0x1082  }
0x22: {  	[simem:s7], [sflag:s8] =	dma.local @!p0 [hbm:s6], $0xF7A  }
0x23: {  	s9 =	sor.u32 $0xD0000000, s2;
	s6 =	simm.s32 $0x108;
	_ =	swait.ge @!p0 [sflag:s8], $0x0  }
0x24: {  	s3 =	sadd.s32 $0x88, s3;
	s6 =	simm.s32 @!p1 $0x1082;
	[sflag:s4] =	ssyncset.s32 $0xFFFFF086  }
0x25: {  	[simem:s6], [sflag:s4] =	dma.local [hbm:s3], $0xF7A  }
0x26: {  	[smem:$0x3F93] =	sst s1;
	(tag) =	ssettag s2;
	_ =	strace s9  }
0x27: {  	s1 =	sld [smem:$0x3FA3]  }
0x28: {  	s2 =	sld [smem:$0x3FA4]  }
0x29: {  	s4 =	sld [smem:$0x3FA6]  }
0x2a: {  	p0 =	seq.s32 s5, $0x0;
	s5 =	sld [smem:$0x3FA7]  }
0x2b: {  	s6 =	sld [smem:$0x3FA8]  }
0x2c: {  	s7 =	sld [smem:$0x3FA9]  }
0x2d: {  	s3 =	simm.s32 $0x108;
	s8 =	sld [smem:$0x3FAA]  }
0x2e: {  	s3 =	simm.s32 @!p0 $0x1082;
	s9 =	sld [smem:$0x3FAB]  }
0x2f: {  	lr =	sadd.s32 s0, s3;
	s0 =	sld [smem:$0x3FA2]  }
0x30: {  	s3 =	sld [smem:$0x3FA5]  }
0x31: {  	[smem:$0x3FAE] =	sst s10  }
0x32: {  	s10 =	sld [smem:$0x3FAC];
	_ =	sdelay $0x3  }
0x33: {  	p0 =	seq.s32 s10, $0x1;
	s10 =	sld [smem:$0x3FAE];
	_ =	sdelay $0x3  }
0x34: {  	[smem:$0x3FAE] =	sst s10  }
0x35: {  	s10 =	sld [smem:$0x3FAD];
	_ =	sdelay $0x3  }
0x36: {  	p1 =	seq.s32 s10, $0x1;
	s10 =	sld [smem:$0x3FAE];
	_ =	sdelay $0x3  }
0x37: {  	[smem:$0x3FAE] =	sst s10  }
0x38: {  	s10 =	sld [smem:$0x3FAF]  }
0x39: {  	_ = 	snop;
	(pc) =	sbr.ind lr, $3  }
0x3a: {  	_ = 	snop  }
0x3b: {  	_ = 	snop  }
0x3c: {  	p2 =	seq.s32 s10, $0x1;
	s10 =	sld [smem:$0x3FAE]  }
0x3d: {  	_ =	shalt  }
0x3e: {  	_ =	shalt  }
0x3f: {  	_ =	shalt  }
0x40: {  	_ =	shalt  }
0x41: {  	_ =	shalt  }
0x42: {  	_ =	shalt  }
0x43: {  	_ =	shalt  }
0x44: {  	_ =	shalt  }
0x45: {  	_ =	shalt  }
0x46: {  	_ =	shalt  }
0x47: {  	_ =	shalt  }
0x48: {  	_ =	shalt  }
0x49: {  	_ =	shalt  }
0x4a: {  	_ =	shalt  }
0x4b: {  	_ =	shalt  }
0x4c: {  	_ =	shalt  }
0x4d: {  	_ =	shalt  }
0x4e: {  	_ =	shalt  }
0x4f: {  	_ =	shalt  }
0x50: {  	_ =	shalt  }
0x51: {  	_ =	shalt  }
0x52: {  	_ =	shalt  }
0x53: {  	_ =	shalt  }
0x54: {  	_ =	shalt  }
0x55: {  	_ =	shalt  }
0x56: {  	_ =	shalt  }
0x57: {  	_ =	shalt  }
0x58: {  	_ =	shalt  }
0x59: {  	_ =	shalt  }
0x5a: {  	_ =	shalt  }
0x5b: {  	_ =	shalt  }
0x5c: {  	_ =	shalt  }
0x5d: {  	_ =	shalt  }
0x5e: {  	_ =	shalt  }
0x5f: {  	_ =	shalt  }
0x60: {  	_ =	shalt  }
0x61: {  	_ =	shalt  }
0x62: {  	_ =	shalt  }
0x63: {  	_ =	shalt  }
0x64: {  	_ =	shalt  }
0x65: {  	_ =	shalt  }
0x66: {  	_ =	shalt  }
0x67: {  	_ =	shalt  }
0x68: {  	_ =	shalt  }
0x69: {  	_ =	shalt  }
0x6a: {  	_ =	shalt  }
0x6b: {  	_ =	shalt  }
0x6c: {  	_ =	shalt  }
0x6d: {  	_ =	shalt  }
0x6e: {  	_ =	shalt  }
0x6f: {  	_ =	shalt  }
0x70: {  	_ =	shalt  }
0x71: {  	_ =	shalt  }
0x72: {  	_ =	shalt  }
0x73: {  	_ =	shalt  }
0x74: {  	_ =	shalt  }
0x75: {  	_ =	shalt  }
0x76: {  	_ =	shalt  }
0x77: {  	_ =	shalt  }
0x78: {  	_ =	shalt  }
0x79: {  	_ =	shalt  }
0x7a: {  	_ =	shalt  }
0x7b: {  	_ =	shalt  }
0x7c: {  	_ =	shalt  }
0x7d: {  	_ =	shalt  }
0x7e: {  	_ =	shalt  }
0x7f: {  	_ =	shalt  }
0x80: {  	_ =	shalt  }
0x81: {  	_ =	shalt  }
0x82: {  	_ =	shalt  }
0x83: {  	_ =	shalt  }
0x84: {  	_ =	shalt  }
0x85: {  	_ =	shalt  }
0x86: {  	_ =	shalt  }
0x87: {  	_ =	shalt  }
.Lfunc_end0:
.L_simem_size_0:
called_computation.1_lowered:
.L_overlay_start_0:
0x88: {  	s2 =	sld [smem:$0x3FD9]  }
0x89: {  	s3 =	sld [smem:$0x3FFE];
	_ =	sdelay $0x1  }
0x8a: {  	s1 =	srdreg.scid  }
0x8b: {  	s0 =	sand.u32 $0x1, s1  }
0x8c: {  	s15 =	sshll.u32 s0, $0xA;
	s2 =	sadd.s32 s3, s2  }
0x8d: {  	s2 =	sadd.s32 s2, s15  }
0x8e: {  	[smem:$0x3FBA] =	sst s2  }
0x8f: {  	_ = 	snop  }
0x90: {  	s2 =	sld [smem:$0x3FD0];
	_ =	sdelay $0x2  }
0x91: {  	s16 =	simm.s32 $0xE;
	s4 =	simm.s32 $0x10  }
0x92: {  	[smem:s4], [sflag:s16] =	dma.local [hbm:s2], $0x1  }
0x93: {  	_ =	swait.eq [sflag:s16], $0x1  }
0x94: {  	[sflag:s16] =	ssyncset.done $0x0  }
0x95: {  	[sflag:s16] =	ssyncadd.s32 $0xFFFFFFFF  }
0x96: {  	s17 =	sld [smem:$0x11];
	(tm) =	ssettm $0x1  }
0x97: {  	s18 =	sld [smem:$0x3FFB];
	_ =	sdelay $0x3  }
0x98: {  	_ =	strace s18  }
0x99: {  	s2 =	sld [smem:$0x3FFC];
	_ =	sdelay $0x3  }
0x9a: {  	_ =	strace s2  }
0x9b: {  	s2 =	sld [smem:$0x3FFD];
	_ =	sdelay $0x3  }
0x9c: {  	_ =	strace s2  }
0x9d: {  	_ =	strace $0x8FFFFFFF  }
0x9e: {  	s19 =	sld [smem:$0x3FDB];
	_ =	sdelay $0x1  }
0x9f: {  	s20 =	simm.s32 $_scs_section_size  }
0xa0: {  	s5 =	simm.s32 $_size__tile_overlayer_lowered;
	s6 =	simm.s32 $_tile_overlayer_lowered  }
0xa1: {  	s7 =	simm.s32 $0x1BFF;
	s21 =	sshll.u32 s6, $0x1;
	s4 =	sadd.s32 s20, s19  }
0xa2: {  	s22 =	simm.s32 $0x0;
	s5 =	sshll.u32 s5, $0x1;
	s6 =	sadd.s32 s21, s4  }
0xa3: {  	[timem:s22], [sflag:s7] =	dma.local [hbm:s6], s5  }
0xa4: {  	_ =	swait.ge [sflag:s7], s5  }
0xa5: {  	s5 =	ssub.s32 $0x0, s5;
	[sflag:s7] =	ssyncset.done $0x0  }
0xa6: {  	[sflag:s7] =	ssyncadd.s32 s5;
	_ =	sdelay $0x1  }
0xa7: {  	s23 =	simm.s32 $0x1B8B  }
0xa8: {  	_ =	swait.ge [sflag:s23], $0x1  }
0xa9: {  	[sflag:s23] =	ssyncset.done $0x0  }
0xaa: {  	[sflag:s23] =	ssyncadd.s32 $0xFFFFFFFF  }
0xab: {  	s5 =	sld [smem:$0x0]  }
0xac: {  	s6 =	sand.u32 $0xFFFFFFFE, s1  }
0xad: {  	p0 =	sne.s32 s1, s6  }
0xae: {  	s6 =	sshll.u32 @p0 s6, $0xE  }
0xaf: {  	s6 =	sadd.s32 @p0 $0x11B8D, s6;
	s7 =	sshll.u32 @p0 s5, $0x11  }
0xb0: {  	s6 =	sor.u32 @p0 s7, s6  }
0xb1: {  	[sflag:s6] =	ssyncadd.remote.s32 @p0 $0x1;
	_ =	sdelay $0x1  }
0xb2: {  	s6 =	simm.s32 @p0 $0x1B8D  }
0xb3: {  	_ =	swait.eq @p0 [sflag:s6], $0x1  }
0xb4: {  	[sflag:s6] =	ssyncadd.s32 @p0 $0xFFFFFFFF  }
0xb5: {  	s7 =	sshll.u32 @!p0 s1, $0xE  }
0xb6: {  	s7 =	sor.u32 @!p0 $0x4000, s7;
	s6 =	simm.s32 @!p0 $0x1B8D  }
0xb7: {  	s5 =	sshll.u32 @!p0 s5, $0x11;
	s7 =	sadd.s32 @!p0 $0x11B8D, s7;
	_ =	swait.eq @!p0 [sflag:s6], $0x1  }
0xb8: {  	s5 =	sor.u32 @!p0 s5, s7;
	[sflag:s6] =	ssyncadd.s32 @!p0 $0xFFFFFFFF  }
0xb9: {  	s25 =	simm.s32 $0x1B8E;
	s24 =	sld [smem:$0x3FFE];
	[sflag:s5] =	ssyncadd.remote.s32 @!p0 $0x1  }
0xba: {  	s26 =	simm.s32 $execute0_lowered;
	[smem:$0x3FD2] =	sst s25  }
0xbb: {  	s6 =	sshll.u32 s26, $0x1;
	_ =	strace $0x8000004F;
	[dreg:$0x1] =	wrdreg $0xFFFFFFFF  }
0xbc: {  	s28 =	simm.s32 $_size_execute0_lowered;
	s4 =	sadd.s32 s4, s6;
	[dreg:$0x0] =	wrdreg $0x0  }
0xbd: {  	s6 =	sshll.u32 s28, $0x1;
	[dreg:$0x2] =	wrdreg s4  }
0xbe: {  	[dreg:$0x3] =	wrdreg s6  }
0xbf: {  	[dreg:$0x4] =	wrdreg $0xC0  }
0xc0: {  	_ =	task [dreg:s22], $0x5FFFF  }
0xc1: {  	[dreg:$0x1] =	wrdreg $0xFFFFFFFF  }
0xc2: {  	[dreg:$0x0] =	wrdreg $0x60  }
0xc3: {  	[dreg:$0x2] =	wrdreg s17  }
0xc4: {  	[dreg:$0x3] =	wrdreg s24  }
0xc5: {  	[dreg:$0x4] =	wrdreg $0xA  }
0xc6: {  	_ =	task.clear_ibuf [dreg:s22], $0x5FFFF;
	_ =	strace $0x9000004F  }
0xc7: {  	s29 =	simm.s32 $0xA;
	_ =	strace $0x80000051  }
0xc8: {  	_ =	swait.ge [sflag:s29], $0x1  }
0xc9: {  	[sflag:s29] =	ssyncadd.s32 $0xFFFFFFFF  }
0xca: {  	_ =	strace $0x90000051  }
0xcb: {  	_ =	sfence  }
0xcc: {  	s30 =	sld [smem:$0x0];
	_ =	sdelay $0x2  }
0xcd: {  	s31 =	sshll.u32 s1, $0xD;
	s1 =	sshrl.u32 s1, $0x2  }
0xce: {  	s4 =	sand.u32 $0x4000, s31;
	s1 =	sadd.s32 s1, s30  }
0xcf: {  	s0 =	sor.u32 s4, s0;
	s1 =	sshll.u32 s1, $0x11  }
0xd0: {  	s0 =	sor.u32 s1, s0  }
0xd1: {  	s0 =	sadd.s32 $0x8F2B, s0  }
0xd2: {  	[sflag:s0] =	ssyncadd.remote.s32 $0x1  }
0xd3: {  	_ =	sfence.sel $0xFFFF  }
0xd4: {  	[dreg:$0x0] =	wrdreg $0xFFFFFFFF;
	(pc) =	sbr.abs _section_cstart, $3  }
0xd5: {  	[dreg:$0x1] =	wrdreg $0xFFFFFFFF  }
0xd6: {  	_ =	task.clear_ibuf [dreg:s22], $0x2FFFF;
	_ =	strace $0x9FFFFFFF  }
0xd7: {  	(tm) =	ssettm $0x7FFFFFFF  }
tec
execute0_lowered:
.L_overlay_start_1:
0x0: {  	(tag) =	ssettag $0x1  }
0x1: {  	s1 =	rddreg [dreg:$0x0]  }
0x2: {  	s5 =	rddreg [dreg:$0x1];
	s2 =	simm.s32 $0x0  }
0x3: {  	s6 =	srdreg.scid;
	s0 =	stileid.u32;
	s16 =	simm.s32 $0x8100  }
0x4: {  	s17 =	simm.s32 $0x1;
	s18 =	simm.s32 $0x3;
	s19 =	simm.s32 $0x6  }
0x5: {  	s20 =	simm.s32 $0x0;
	[smem:$0x7FF] =	sst s2;
	s4 =	sadd.s32 $0xD200, s5  }
0x6: {  	s9 =	sadd.s32 $0xB200, s5;
	s10 =	sand.u32 $0x1, s6;
	s23 =	sshll.u32 s0, $0x1  }
0x7: {  	s11 =	sadd.s32 $0x610400, s5;
	s12 =	sadd.s32 $0x70A400, s5;
	s14 =	sshll.u32 s0, $0x5  }
0x8: {  	s30 =	sshll.u32 s0, $0xC;
	p0 =	sgt.u32 s0, $0x9;
	_ =	strace $0x80000050  }
0x9: {  	s7 =	ssub.s32 $0x2, s10;
	s6 =	sor.u32 s10, s23;
	s14 =	sadd.s32 s14, s9  }
0xa: {  	s15 =	sshll.u32 s10, $0x4;
	s31 =	sshll.u32 s10, $0xB;
	s24 =	sshrl.u32 s7, $0x1  }
0xb: {  	s8 =	sshll.u32 s6, $0x7;
	s25 =	sshll.u32 s6, $0x4;
	s29 =	sadd.s32 s15, s14  }
0xc: {  	s14 =	simm.s32 $0x80;
	s15 =	simm.s32 $0x100;
	s13 =	ssub.s32 s7, s24  }
0xd: {  	s26 =	sor.u32 $0xF000, s8;
	s3 =	sadd.s32 s9, s25;
	s10 =	sadd.s32 $0x400, s29  }
0xe: {  	[dreg:$0x3] =	wrdreg s3;
	s28 =	sshrl.u32 s26, $0x3;
	s8 =	sshll.u32 s26, $0x4  }
0xf: {  	s6 =	sadd.s32 s9, s28;
	s7 =	sadd.s32 s11, s8;
	s8 =	sadd.s32 s12, s8  }
0x10: {  	s9 =	smax.u32 s13, $0x1;
	s11 =	sadd.s32 s30, s11;
	s12 =	sadd.s32 s30, s12  }
0x11: {  	s13 =	simm.s32 $0x5;
	s11 =	sadd.s32 s31, s11;
	s12 =	sadd.s32 s31, s12  }
.LBB2_1:
0x12: {  	s0 =	rddreg [dreg:$0x3]  }
0x13: {  	[tilespmem:s2], [sflag:$0x5] =	stream.linear.gather [hbm4b:s0+s2], $0x80, $0x38;
	[tilespmem:$0x10100] =	vst v63  }
0x14: {  	_ =	swait.ge [sflag:s13], $0x80  }
0x15: {  	[sflag:s13] =	ssyncset.done $0x0  }
0x16: {  	p2 =	por $0x0, $0x0;
	[sflag:s13] =	ssyncadd.s32 $0xFFFFFF80  }
0x17: {  	[tilespmem:s15], [sflag:$0x1] =	stream.indirect.gather [hbm4b:s1+s14], $0x80, s2, s14, $0xb8;
	[tilespmem:$0x10100] =	vst v63  }
0x18: {  	s21 =	sadd.s32 @!p2 $0xFFFFFE00, s10  }
0x19: {  	[tilespmem:s16], [sflag:$0x3] =	stream.indirect.gather [hbm4b:s4+s14], $0x80, s2, s14, $0xb8;
	[tilespmem:$0x10100] =	vst v63  }
0x1a: {  	s22 =	simm.s32 @!p2 $0x0;
	s23 =	simm.s32 @!p2 $0x80;
	s24 =	simm.s32 @!p2 $0x6  }
0x1b: {  	[tilespmem:s23], [sflag:$0x6] =	stream.linear.gather @!p2 [hbm4b:s21+s22], $0x80, $0x38;
	[tilespmem:$0x10100] =	vst v63  }
0x1c: {  	_ =	swait.ge @!p2 [sflag:s24], $0x80  }
0x1d: {  	[sflag:s24] =	ssyncset.done @!p2 $0x0  }
0x1e: {  	p1 =	por p2, p2;
	s21 =	simm.s32 @!p2 $0x4100;
	[sflag:s24] =	ssyncadd.s32 @!p2 $0xFFFFFF80  }
0x1f: {  	[tilespmem:s21], [sflag:$0x2] =	stream.indirect.gather @!p1 [hbm4b:s1+s23], $0x80, s23, s23, $0xb8;
	[tilespmem:$0x10100] =	vst v63  }
0x20: {  	s25 =	simm.s32 @!p2 $0xC100  }
0x21: {  	[tilespmem:s25], [sflag:$0x4] =	stream.indirect.gather @!p1 [hbm4b:s4+s23], $0x80, s23, s23, $0xb8;
	[tilespmem:$0x10100] =	vst v63  }
0x22: {  	_ =	swait.ge [sflag:s17], $0x4000  }
0x23: {  	[sflag:s17] =	ssyncset.done $0x0  }
0x24: {  	[sflag:s17] =	ssyncadd.s32 $0xFFFFC000  }
0x25: {  	_ =	swait.ge [sflag:s18], $0x4000  }
0x26: {  	[sflag:s18] =	ssyncset.done $0x0  }
0x27: {  	s30 =	sadd.s32 $0x0, s11;
	[sflag:s18] =	ssyncadd.s32 $0xFFFFC000  }
0x28: {  	[hbm4b:s30+s2] =	stream.linear.scatter [tilespmem:s15], [sflag:$0x6], $0x4000, $0x38;
	[tilespmem:$0x10100] =	vst v63  }
0x29: {  	_ =	swait.ge [sflag:s19], $0x4000  }
0x2a: {  	[sflag:s19] =	ssyncset.done $0x0  }
0x2b: {  	s31 =	sadd.s32 $0x0, s12;
	[sflag:s19] =	ssyncadd.s32 $0xFFFFC000  }
0x2c: {  	[hbm4b:s31+s2] =	stream.linear.scatter [tilespmem:s16], [sflag:$0x6], $0x4000, $0x38;
	[tilespmem:$0x10100] =	vst v63  }
0x2d: {  	_ =	swait.ge [sflag:s19], $0x4000  }
0x2e: {  	p2 =	por $0x0, $0x0;
	[sflag:s19] =	ssyncset.done $0x0  }
0x2f: {  	s26 =	simm.s32 @!p2 $0x6;
	s23 =	simm.s32 @!p2 $0x0;
	[sflag:s19] =	ssyncadd.s32 $0xFFFFC000  }
0x30: {  	[tilespmem:s23], [sflag:$0x6] =	stream.linear.gather @!p2 [hbm4b:s10+s23], $0x80, $0x38;
	[tilespmem:$0x10100] =	vst v63  }
0x31: {  	_ =	swait.ge @!p2 [sflag:s26], $0x80  }
0x32: {  	[sflag:s26] =	ssyncset.done @!p2 $0x0  }
0x33: {  	s28 =	simm.s32 @!p2 $0x80;
	s29 =	simm.s32 @!p2 $0x100;
	[sflag:s26] =	ssyncadd.s32 @!p2 $0xFFFFFF80  }
0x34: {  	[tilespmem:s29], [sflag:$0x1] =	stream.indirect.gather @!p2 [hbm4b:s1+s28], $0x80, s23, s28, $0xb8;
	[tilespmem:$0x10100] =	vst v63  }
0x35: {  	s26 =	simm.s32 @!p2 $0x8100;
	s29 =	simm.s32 @!p1 $0x2  }
0x36: {  	[tilespmem:s26], [sflag:$0x3] =	stream.indirect.gather @!p2 [hbm4b:s4+s28], $0x80, s23, s28, $0xb8;
	[tilespmem:$0x10100] =	vst v63  }
0x37: {  	_ =	swait.ge @!p1 [sflag:s29], $0x4000  }
0x38: {  	[sflag:s29] =	ssyncset.done @!p1 $0x0  }
0x39: {  	s23 =	simm.s32 @!p1 $0x4;
	[sflag:s29] =	ssyncadd.s32 @!p1 $0xFFFFC000  }
0x3a: {  	_ =	swait.ge @!p1 [sflag:s23], $0x4000  }
0x3b: {  	s26 =	sadd.s32 @!p1 $0x0, s11;
	[sflag:s23] =	ssyncset.done @!p1 $0x0  }
0x3c: {  	s26 =	sadd.s32 @!p1 $0x10000, s26;
	[sflag:s23] =	ssyncadd.s32 @!p1 $0xFFFFC000  }
0x3d: {  	[hbm4b:s26+s22] =	stream.linear.scatter @!p1 [tilespmem:s21], [sflag:$0x6], $0x4000, $0x38;
	[tilespmem:$0x10100] =	vst v63  }
0x3e: {  	p3 =	por $0x0, $0x0;
	s28 =	simm.s32 @!p1 $0x5;
	_ =	swait.ge @!p1 [sflag:s24], $0x4000  }
0x3f: {  	s23 =	sadd.s32 @!p1 $0x0, s12;
	s21 =	simm.s32 $0x20000;
	[sflag:s24] =	ssyncset.done @!p1 $0x0  }
0x40: {  	s23 =	sadd.s32 @!p1 $0x10000, s23;
	[sflag:s24] =	ssyncadd.s32 @!p1 $0xFFFFC000;
	s24 =	simm.s32 $0x3  }
0x41: {  	[hbm4b:s23+s22] =	stream.linear.scatter @!p1 [tilespmem:s25], [sflag:$0x5], $0x4000, $0x38;
	[tilespmem:$0x10100] =	vst v63  }
0x42: {  	s23 =	simm.s32 $0x40000;
	s22 =	sadd.s32 $0x400, s10;
	_ =	swait.ge @!p1 [sflag:s28], $0x4000  }
.LBB2_2:
0x43: {  	s29 =	sadd.s32 @!p3 $0xFFFFFE00, s22;
	s25 =	simm.s32 @!p3 $0x0;
	[sflag:s28] =	ssyncset.done @!p1 $0x0  }
0x44: {  	s31 =	simm.s32 @!p3 $0x80;
	s26 =	simm.s32 @!p3 $0x6;
	[sflag:s28] =	ssyncadd.s32 @!p1 $0xFFFFC000  }
0x45: {  	[tilespmem:s31], [sflag:$0x6] =	stream.linear.gather @!p3 [hbm4b:s29+s25], $0x80, $0x38;
	[tilespmem:$0x10100] =	vst v63  }
0x46: {  	s28 =	smov.u32 s23;
	s23 =	sadd.s32 $0x20000, s23;
	_ =	swait.ge @!p3 [sflag:s26], $0x80  }
0x47: {  	s30 =	simm.s32 @!p3 $0x4100;
	p2 =	sne.s32 s23, $0x100000;
	[sflag:s26] =	ssyncset.done @!p3 $0x0  }
0x48: {  	p1 =	por p3, p3;
	s29 =	simm.s32 @!p3 $0xC100;
	[sflag:s26] =	ssyncadd.s32 @!p3 $0xFFFFFF80  }
0x49: {  	[tilespmem:s30], [sflag:$0x2] =	stream.indirect.gather @!p1 [hbm4b:s1+s31], $0x80, s31, s31, $0xb8;
	[tilespmem:$0x10100] =	vst v63  }
0x4a: {  	_ = 	snop  }
0x4b: {  	[tilespmem:s29], [sflag:$0x4] =	stream.indirect.gather @!p1 [hbm4b:s4+s31], $0x80, s31, s31, $0xb8;
	[tilespmem:$0x10100] =	vst v63  }
0x4c: {  	_ =	swait.ge [sflag:s17], $0x4000  }
0x4d: {  	[sflag:s17] =	ssyncset.done $0x0  }
0x4e: {  	[sflag:s17] =	ssyncadd.s32 $0xFFFFC000  }
0x4f: {  	_ =	swait.ge [sflag:s18], $0x4000  }
0x50: {  	s31 =	sadd.s32 s21, s11;
	[sflag:s18] =	ssyncset.done $0x0  }
0x51: {  	[sflag:s18] =	ssyncadd.s32 $0xFFFFC000  }
0x52: {  	[hbm4b:s31+s2] =	stream.linear.scatter [tilespmem:s15], [sflag:$0x6], $0x4000, $0x38;
	[tilespmem:$0x10100] =	vst v63  }
0x53: {  	_ =	swait.ge [sflag:s19], $0x4000  }
0x54: {  	s31 =	sadd.s32 s21, s12;
	[sflag:s19] =	ssyncset.done $0x0  }
0x55: {  	[sflag:s19] =	ssyncadd.s32 $0xFFFFC000  }
0x56: {  	[hbm4b:s31+s2] =	stream.linear.scatter [tilespmem:s16], [sflag:$0x6], $0x4000, $0x38;
	[tilespmem:$0x10100] =	vst v63  }
0x57: {  	p3 =	seq.s32 s21, $0xE0000;
	_ =	swait.ge [sflag:s19], $0x4000  }
0x58: {  	s31 =	simm.s32 @!p3 $0x0;
	[sflag:s19] =	ssyncset.done $0x0  }
0x59: {  	s0 =	simm.s32 @!p3 $0x6;
	[sflag:s19] =	ssyncadd.s32 $0xFFFFC000  }
0x5a: {  	[tilespmem:s31], [sflag:$0x6] =	stream.linear.gather @!p3 [hbm4b:s22+s31], $0x80, $0x38;
	[tilespmem:$0x10100] =	vst v63  }
0x5b: {  	_ =	swait.ge @!p3 [sflag:s0], $0x80  }
0x5c: {  	s3 =	simm.s32 @!p3 $0x80;
	s5 =	simm.s32 @!p3 $0x100;
	[sflag:s0] =	ssyncset.done @!p3 $0x0  }
0x5d: {  	[sflag:s0] =	ssyncadd.s32 @!p3 $0xFFFFFF80;
	s0 =	simm.s32 @!p3 $0x8100  }
0x5e: {  	[tilespmem:s5], [sflag:$0x1] =	stream.indirect.gather @!p3 [hbm4b:s1+s3], $0x80, s31, s3, $0xb8;
	[tilespmem:$0x10100] =	vst v63  }
0x5f: {  	s5 =	simm.s32 @!p1 $0x2  }
0x60: {  	[tilespmem:s0], [sflag:$0x3] =	stream.indirect.gather @!p3 [hbm4b:s4+s3], $0x80, s31, s3, $0xb8;
	[tilespmem:$0x10100] =	vst v63  }
0x61: {  	_ =	swait.ge @!p1 [sflag:s5], $0x4000  }
0x62: {  	s0 =	simm.s32 @!p1 $0x4;
	[sflag:s5] =	ssyncset.done @!p1 $0x0  }
0x63: {  	[sflag:s5] =	ssyncadd.s32 @!p1 $0xFFFFC000  }
0x64: {  	s3 =	sadd.s32 @!p1 s21, s11;
	_ =	swait.ge @!p1 [sflag:s0], $0x4000  }
0x65: {  	s3 =	sadd.s32 @!p1 $0x10000, s3;
	[sflag:s0] =	ssyncset.done @!p1 $0x0  }
0x66: {  	[sflag:s0] =	ssyncadd.s32 @!p1 $0xFFFFC000  }
0x67: {  	[hbm4b:s3+s25] =	stream.linear.scatter @!p1 [tilespmem:s30], [sflag:$0x6], $0x4000, $0x38;
	[tilespmem:$0x10100] =	vst v63  }
.Ltmp0:
0x68: {  	s0 =	sadd.s32 @!p1 s21, s12;
	_ =	swait.ge @!p1 [sflag:s26], $0x4000;
	(pc) =	sbr.rel @p2 .LBB2_2-.Ltmp0, $4  }
0x69: {  	s21 =	smov.u32 s28;
	s0 =	sadd.s32 @!p1 $0x10000, s0;
	[sflag:s26] =	ssyncset.done @!p1 $0x0  }
0x6a: {  	s24 =	sadd.s32 $0x2, s24;
	s28 =	simm.s32 @!p1 $0x5;
	[sflag:s26] =	ssyncadd.s32 @!p1 $0xFFFFC000  }
0x6b: {  	[hbm4b:s0+s25] =	stream.linear.scatter @!p1 [tilespmem:s29], [sflag:$0x5], $0x4000, $0x38;
	[tilespmem:$0x10100] =	vst v63  }
0x6c: {  	s22 =	sadd.s32 $0x400, s22;
	p3 =	sgt.u32 s24, $0xE;
	_ =	swait.ge @!p1 [sflag:s28], $0x4000  }
0x6d: {  	s0 =	sadd.s32 @!p3 $0xFFFFFE00, s22;
	s3 =	simm.s32 @!p3 $0x0;
	[sflag:s28] =	ssyncset.done @!p1 $0x0  }
0x6e: {  	s5 =	simm.s32 @!p3 $0x80;
	s23 =	simm.s32 @!p3 $0x6;
	[sflag:s28] =	ssyncadd.s32 @!p1 $0xFFFFC000  }
0x6f: {  	[tilespmem:s5], [sflag:$0x6] =	stream.linear.gather @!p3 [hbm4b:s0+s3], $0x80, $0x38;
	[tilespmem:$0x10100] =	vst v63  }
0x70: {  	_ =	swait.ge @!p3 [sflag:s23], $0x80  }
0x71: {  	[sflag:s23] =	ssyncset.done @!p3 $0x0  }
0x72: {  	p1 =	por p3, p3;
	s0 =	simm.s32 @!p3 $0x4100;
	[sflag:s23] =	ssyncadd.s32 @!p3 $0xFFFFFF80  }
0x73: {  	[tilespmem:s0], [sflag:$0x2] =	stream.indirect.gather @!p1 [hbm4b:s1+s5], $0x80, s5, s5, $0xb8;
	[tilespmem:$0x10100] =	vst v63  }
0x74: {  	s24 =	simm.s32 @!p3 $0xC100  }
0x75: {  	[tilespmem:s24], [sflag:$0x4] =	stream.indirect.gather @!p1 [hbm4b:s4+s5], $0x80, s5, s5, $0xb8;
	[tilespmem:$0x10100] =	vst v63  }
0x76: {  	_ =	swait.ge [sflag:s17], $0x4000  }
0x77: {  	[sflag:s17] =	ssyncset.done $0x0  }
0x78: {  	[sflag:s17] =	ssyncadd.s32 $0xFFFFC000  }
0x79: {  	_ =	swait.ge [sflag:s18], $0x4000  }
0x7a: {  	[sflag:s18] =	ssyncset.done $0x0  }
0x7b: {  	s30 =	sadd.s32 s21, s11;
	[sflag:s18] =	ssyncadd.s32 $0xFFFFC000  }
0x7c: {  	[hbm4b:s30+s2] =	stream.linear.scatter [tilespmem:s15], [sflag:$0x6], $0x4000, $0x38;
	[tilespmem:$0x10100] =	vst v63  }
0x7d: {  	_ =	swait.ge [sflag:s19], $0x4000  }
0x7e: {  	[sflag:s19] =	ssyncset.done $0x0  }
0x7f: {  	s31 =	sadd.s32 s21, s12;
	[sflag:s19] =	ssyncadd.s32 $0xFFFFC000  }
0x80: {  	[hbm4b:s31+s2] =	stream.linear.scatter [tilespmem:s16], [sflag:$0x6], $0x4000, $0x38;
	[tilespmem:$0x10100] =	vst v63  }
0x81: {  	_ =	swait.ge [sflag:s19], $0x4000  }
0x82: {  	p2 =	seq.s32 s21, $0xE0000;
	[sflag:s19] =	ssyncset.done $0x0  }
0x83: {  	s25 =	simm.s32 @!p2 $0x6;
	s5 =	simm.s32 @!p2 $0x0;
	[sflag:s19] =	ssyncadd.s32 $0xFFFFC000  }
0x84: {  	[tilespmem:s5], [sflag:$0x6] =	stream.linear.gather @!p2 [hbm4b:s22+s5], $0x80, $0x38;
	[tilespmem:$0x10100] =	vst v63  }
0x85: {  	_ =	swait.ge @!p2 [sflag:s25], $0x80  }
0x86: {  	[sflag:s25] =	ssyncset.done @!p2 $0x0  }
0x87: {  	s26 =	simm.s32 @!p2 $0x100;
	s22 =	simm.s32 @!p2 $0x80;
	[sflag:s25] =	ssyncadd.s32 @!p2 $0xFFFFFF80  }
0x88: {  	[tilespmem:s26], [sflag:$0x1] =	stream.indirect.gather @!p2 [hbm4b:s1+s22], $0x80, s5, s22, $0xb8;
	[tilespmem:$0x10100] =	vst v63  }
0x89: {  	s25 =	simm.s32 @!p2 $0x8100;
	s26 =	simm.s32 @!p1 $0x2  }
0x8a: {  	[tilespmem:s25], [sflag:$0x3] =	stream.indirect.gather @!p2 [hbm4b:s4+s22], $0x80, s5, s22, $0xb8;
	[tilespmem:$0x10100] =	vst v63  }
0x8b: {  	_ =	swait.ge @!p1 [sflag:s26], $0x4000  }
0x8c: {  	[sflag:s26] =	ssyncset.done @!p1 $0x0  }
0x8d: {  	s5 =	simm.s32 @!p1 $0x4;
	[sflag:s26] =	ssyncadd.s32 @!p1 $0xFFFFC000  }
0x8e: {  	_ =	swait.ge @!p1 [sflag:s5], $0x4000  }
0x8f: {  	s22 =	sadd.s32 @!p1 s21, s11;
	[sflag:s5] =	ssyncset.done @!p1 $0x0  }
0x90: {  	s22 =	sadd.s32 @!p1 $0x10000, s22;
	[sflag:s5] =	ssyncadd.s32 @!p1 $0xFFFFC000  }
0x91: {  	[hbm4b:s22+s3] =	stream.linear.scatter @!p1 [tilespmem:s0], [sflag:$0x6], $0x4000, $0x38;
	[tilespmem:$0x10100] =	vst v63  }
0x92: {  	_ =	swait.ge @!p1 [sflag:s23], $0x4000  }
0x93: {  	s0 =	sadd.s32 @!p1 s21, s12;
	[sflag:s23] =	ssyncset.done @!p1 $0x0  }
0x94: {  	s5 =	simm.s32 @!p1 $0x5;
	s0 =	sadd.s32 @!p1 $0x10000, s0;
	[sflag:s23] =	ssyncadd.s32 @!p1 $0xFFFFC000  }
0x95: {  	[hbm4b:s0+s3] =	stream.linear.scatter @!p1 [tilespmem:s24], [sflag:$0x5], $0x4000, $0x38;
	[tilespmem:$0x10100] =	vst v63  }
0x96: {  	_ =	swait.ge @!p1 [sflag:s5], $0x4000  }
0x97: {  	[sflag:s5] =	ssyncset.done @!p1 $0x0  }
0x98: {  	s0 =	simm.s32 @!p0 $0x0;
	s3 =	simm.s32 @!p0 $0x5;
	[sflag:s5] =	ssyncadd.s32 @!p1 $0xFFFFC000  }
0x99: {  	[tilespmem:s0], [sflag:$0x5] =	stream.linear.gather @!p0 [hbm4b:s6+s0], $0x80, $0x38;
	[tilespmem:$0x10100] =	vst v63  }
0x9a: {  	_ =	swait.ge @!p0 [sflag:s3], $0x80  }
0x9b: {  	[sflag:s3] =	ssyncset.done @!p0 $0x0  }
0x9c: {  	s21 =	simm.s32 @!p0 $0x100;
	s5 =	simm.s32 @!p0 $0x80;
	[sflag:s3] =	ssyncadd.s32 @!p0 $0xFFFFFF80  }
0x9d: {  	[tilespmem:s21], [sflag:$0x1] =	stream.indirect.gather @!p0 [hbm4b:s1+s5], $0x80, s0, s5, $0xb8;
	[tilespmem:$0x10100] =	vst v63  }
0x9e: {  	s22 =	simm.s32 @!p0 $0x8100  }
0x9f: {  	[tilespmem:s22], [sflag:$0x3] =	stream.indirect.gather @!p0 [hbm4b:s4+s5], $0x80, s0, s5, $0xb8;
	[tilespmem:$0x10100] =	vst v63  }
0xa0: {  	s5 =	simm.s32 @!p0 $0x1  }
0xa1: {  	_ =	swait.ge @!p0 [sflag:s5], $0x4000  }
0xa2: {  	[sflag:s5] =	ssyncset.done @!p0 $0x0  }
0xa3: {  	[sflag:s5] =	ssyncadd.s32 @!p0 $0xFFFFC000;
	s5 =	simm.s32 @!p0 $0x3  }
0xa4: {  	_ =	swait.ge @!p0 [sflag:s5], $0x4000  }
0xa5: {  	[sflag:s5] =	ssyncset.done @!p0 $0x0  }
0xa6: {  	[sflag:s5] =	ssyncadd.s32 @!p0 $0xFFFFC000  }
0xa7: {  	[hbm4b:s7+s0] =	stream.linear.scatter @!p0 [tilespmem:s21], [sflag:$0x5], $0x4000, $0x38;
	[tilespmem:$0x10100] =	vst v63  }
0xa8: {  	s20 =	sadd.s32 $0x1, s20;
	_ =	swait.ge @!p0 [sflag:s3], $0x4000  }
0xa9: {  	p1 =	sne.s32 s20, s9;
	[sflag:s3] =	ssyncset.done @!p0 $0x0  }
.Ltmp1:
0xaa: {  	[sflag:s3] =	ssyncadd.s32 @!p0 $0xFFFFC000;
	(pc) =	sbr.rel @p1 .LBB2_1-.Ltmp1, $4  }
0xab: {  	[hbm4b:s8+s0] =	stream.linear.scatter @!p0 [tilespmem:s22], [sflag:$0x5], $0x4000, $0x38;
	[tilespmem:$0x10100] =	vst v63  }
0xac: {  	_ =	swait.ge @!p0 [sflag:s3], $0x4000  }
0xad: {  	[sflag:s3] =	ssyncset.done @!p0 $0x0  }
0xae: {  	[sflag:s3] =	ssyncadd.s32 @!p0 $0xFFFFC000  }
0xaf: {  	_ =	sfence.sel $0x180000  }
0xb0: {  	[bflag:$0x0] =	sbarrier.arrive $0xFFFF  }
0xb1: {  	_ =	strace $0x90000050  }
0xb2: {  	s0 =	stileid.u32;
	[bflag:$0x2] =	sbarrier.arrive $0xFFFF  }
0xb3: {  	p0 =	sne.s32 s0, $0x0;
	s0 =	rddreg [dreg:$0x2]  }
0xb4: {  	s0 =	sadd.s32 @!p0 $0x100000, s0  }
0xb5: {  	[sflag:s0] =	ssyncadd.tile.s32 @!p0 $0x1;
	_ =	shalt  }
.Lfunc_end2:
_tile_overlayer_lowered:
.L_overlay_start_2:
0xb6: {  	(tag) =	ssettag $0x2  }
0xb7: {  	s0 =	rddreg [dreg:$0x0];
	s2 =	stileid.u32  }
0xb8: {  	s1 =	rddreg [dreg:$0x1];
	p0 =	sne.s32 s2, $0x0  }
0xb9: {  	s3 =	rddreg [dreg:$0x2];
	[bflag:$0x3] =	sbarrier.arrive $0xFFFF;
	s2 =	simm.s32 @!p0 $0x1C05  }
0xba: {  	[timem:s3], [sflag:s2] =	dma.local @!p0 [hbm:s0], s1  }
0xbb: {  	s0 =	simm.s32 @!p0 $0x5  }
0xbc: {  	_ =	swait.ge @!p0 [sflag:s0], s1  }
0xbd: {  	s1 =	ssub.s32 @!p0 $0x0, s1;
	[sflag:s0] =	ssyncset.done @!p0 $0x0  }
0xbe: {  	[sflag:s0] =	ssyncadd.s32 @!p0 s1  }
0xbf: {  	[bflag:$0x3] =	sbarrier.arrive $0xFFFF  }
0xc0: {  	_ =	shalt  }

// kernel: kernel.20.cloned.1.call-start
scs
__scs_entry_jumppad:
0x0: {  	(pc) =	sbr.rel $0x88, $3  }
0x1: {  	(tag) =	ssettag $0x0;
	lr =	simm.s32 $0x1  }
0x2: {  	[smem:$0x3F93] =	sst lr;
	_ =	strace $0xD0000000  }
0x3: {  	_ = 	snop  }
0x4: {  	_ = 	snop  }
0x5: {  	_ = 	snop  }
0x6: {  	_ = 	snop  }
0x7: {  	_ = 	snop  }
__scs_overlays_trampoline_lowered:
0x8: {  	[smem:$0x3FA2] =	sst s0  }
0x9: {  	[smem:$0x3FA3] =	sst s1  }
0xa: {  	[smem:$0x3FA4] =	sst s2  }
0xb: {  	[smem:$0x3FA5] =	sst s3  }
0xc: {  	[smem:$0x3FA6] =	sst s4  }
0xd: {  	[smem:$0x3FA7] =	sst s5  }
0xe: {  	[smem:$0x3FA8] =	sst s6  }
0xf: {  	[smem:$0x3FA9] =	sst s7  }
0x10: {  	[smem:$0x3FAA] =	sst s8  }
0x11: {  	[smem:$0x3FAB] =	sst s9;
	s0 =	simm.s32 @!p0 $0x0  }
0x12: {  	s1 =	sld [smem:$0x3F91];
	s0 =	simm.s32 @p0 $0x1  }
0x13: {  	[smem:$0x3FAC] =	sst s0;
	s0 =	simm.s32 @!p1 $0x0  }
0x14: {  	s2 =	sld [smem:$0x3F90];
	s0 =	simm.s32 @p1 $0x1  }
0x15: {  	[smem:$0x3FAD] =	sst s0;
	s0 =	simm.s32 @!p2 $0x0  }
0x16: {  	s3 =	sld [smem:$0x3FDB];
	s0 =	simm.s32 @p2 $0x1  }
0x17: {  	s4 =	simm.s32 $0x1BF5;
	[smem:$0x3FAF] =	sst s0  }
0x18: {  	s0 =	sld [smem:$0x3F92];
	_ =	swait.ge [sflag:s4], $0x0  }
0x19: {  	s7 =	sld [smem:$0x3F93]  }
0x1a: {  	s8 =	sadd.s32 $0xFFFFE003, lr  }
0x1b: {  	s9 =	sadd.s32 $0xFFFFFEF7, lr;
	s5 =	simm.s32 $0xFFFFFFFF;
	p2 =	slt.u32 s8, $0xFFFFF086  }
0x1c: {  	p1 =	slt.u32 s9, $0xF7A;
	s5 =	simm.s32 @!p2 $0x0  }
0x1d: {  	s5 =	simm.s32 @p1 $0x1;
	p0 =	seq.s32 s7, s2  }
0x1e: {  	s7 =	smul.u32 @!p0 $0xF7A, s2;
	p2 =	seq.s32 @!p0 s5, $0x0  }
0x1f: {  	s9 =	smul.u32 $0xF7A, s1;
	s8 =	simm.s32 @!p0 $0x1BF5;
	p2 =	por !p2, p0  }
0x20: {  	[sflag:s8] =	ssyncset.s32 @!p0 $0xFFFFF086;
	s6 =	sadd.s32 @!p0 s3, s7;
	s7 =	simm.s32 @!p0 $0x108  }
0x21: {  	s3 =	sadd.s32 s3, s9;
	s6 =	sadd.s32 @!p0 $0x88, s6;
	s7 =	simm.s32 @p2 $0x1082  }
0x22: {  	[simem:s7], [sflag:s8] =	dma.local @!p0 [hbm:s6], $0xF7A  }
0x23: {  	s9 =	sor.u32 $0xD0000000, s2;
	s6 =	simm.s32 $0x108;
	_ =	swait.ge @!p0 [sflag:s8], $0x0  }
0x24: {  	s3 =	sadd.s32 $0x88, s3;
	s6 =	simm.s32 @!p1 $0x1082;
	[sflag:s4] =	ssyncset.s32 $0xFFFFF086  }
0x25: {  	[simem:s6], [sflag:s4] =	dma.local [hbm:s3], $0xF7A  }
0x26: {  	[smem:$0x3F93] =	sst s1;
	(tag) =	ssettag s2;
	_ =	strace s9  }
0x27: {  	s1 =	sld [smem:$0x3FA3]  }
0x28: {  	s2 =	sld [smem:$0x3FA4]  }
0x29: {  	s4 =	sld [smem:$0x3FA6]  }
0x2a: {  	p0 =	seq.s32 s5, $0x0;
	s5 =	sld [smem:$0x3FA7]  }
0x2b: {  	s6 =	sld [smem:$0x3FA8]  }
0x2c: {  	s7 =	sld [smem:$0x3FA9]  }
0x2d: {  	s3 =	simm.s32 $0x108;
	s8 =	sld [smem:$0x3FAA]  }
0x2e: {  	s3 =	simm.s32 @!p0 $0x1082;
	s9 =	sld [smem:$0x3FAB]  }
0x2f: {  	lr =	sadd.s32 s0, s3;
	s0 =	sld [smem:$0x3FA2]  }
0x30: {  	s3 =	sld [smem:$0x3FA5]  }
0x31: {  	[smem:$0x3FAE] =	sst s10  }
0x32: {  	s10 =	sld [smem:$0x3FAC];
	_ =	sdelay $0x3  }
0x33: {  	p0 =	seq.s32 s10, $0x1;
	s10 =	sld [smem:$0x3FAE];
	_ =	sdelay $0x3  }
0x34: {  	[smem:$0x3FAE] =	sst s10  }
0x35: {  	s10 =	sld [smem:$0x3FAD];
	_ =	sdelay $0x3  }
0x36: {  	p1 =	seq.s32 s10, $0x1;
	s10 =	sld [smem:$0x3FAE];
	_ =	sdelay $0x3  }
0x37: {  	[smem:$0x3FAE] =	sst s10  }
0x38: {  	s10 =	sld [smem:$0x3FAF]  }
0x39: {  	_ = 	snop;
	(pc) =	sbr.ind lr, $3  }
0x3a: {  	_ = 	snop  }
0x3b: {  	_ = 	snop  }
0x3c: {  	p2 =	seq.s32 s10, $0x1;
	s10 =	sld [smem:$0x3FAE]  }
0x3d: {  	_ =	shalt  }
0x3e: {  	_ =	shalt  }
0x3f: {  	_ =	shalt  }
0x40: {  	_ =	shalt  }
0x41: {  	_ =	shalt  }
0x42: {  	_ =	shalt  }
0x43: {  	_ =	shalt  }
0x44: {  	_ =	shalt  }
0x45: {  	_ =	shalt  }
0x46: {  	_ =	shalt  }
0x47: {  	_ =	shalt  }
0x48: {  	_ =	shalt  }
0x49: {  	_ =	shalt  }
0x4a: {  	_ =	shalt  }
0x4b: {  	_ =	shalt  }
0x4c: {  	_ =	shalt  }
0x4d: {  	_ =	shalt  }
0x4e: {  	_ =	shalt  }
0x4f: {  	_ =	shalt  }
0x50: {  	_ =	shalt  }
0x51: {  	_ =	shalt  }
0x52: {  	_ =	shalt  }
0x53: {  	_ =	shalt  }
0x54: {  	_ =	shalt  }
0x55: {  	_ =	shalt  }
0x56: {  	_ =	shalt  }
0x57: {  	_ =	shalt  }
0x58: {  	_ =	shalt  }
0x59: {  	_ =	shalt  }
0x5a: {  	_ =	shalt  }
0x5b: {  	_ =	shalt  }
0x5c: {  	_ =	shalt  }
0x5d: {  	_ =	shalt  }
0x5e: {  	_ =	shalt  }
0x5f: {  	_ =	shalt  }
0x60: {  	_ =	shalt  }
0x61: {  	_ =	shalt  }
0x62: {  	_ =	shalt  }
0x63: {  	_ =	shalt  }
0x64: {  	_ =	shalt  }
0x65: {  	_ =	shalt  }
0x66: {  	_ =	shalt  }
0x67: {  	_ =	shalt  }
0x68: {  	_ =	shalt  }
0x69: {  	_ =	shalt  }
0x6a: {  	_ =	shalt  }
0x6b: {  	_ =	shalt  }
0x6c: {  	_ =	shalt  }
0x6d: {  	_ =	shalt  }
0x6e: {  	_ =	shalt  }
0x6f: {  	_ =	shalt  }
0x70: {  	_ =	shalt  }
0x71: {  	_ =	shalt  }
0x72: {  	_ =	shalt  }
0x73: {  	_ =	shalt  }
0x74: {  	_ =	shalt  }
0x75: {  	_ =	shalt  }
0x76: {  	_ =	shalt  }
0x77: {  	_ =	shalt  }
0x78: {  	_ =	shalt  }
0x79: {  	_ =	shalt  }
0x7a: {  	_ =	shalt  }
0x7b: {  	_ =	shalt  }
0x7c: {  	_ =	shalt  }
0x7d: {  	_ =	shalt  }
0x7e: {  	_ =	shalt  }
0x7f: {  	_ =	shalt  }
0x80: {  	_ =	shalt  }
0x81: {  	_ =	shalt  }
0x82: {  	_ =	shalt  }
0x83: {  	_ =	shalt  }
0x84: {  	_ =	shalt  }
0x85: {  	_ =	shalt  }
0x86: {  	_ =	shalt  }
0x87: {  	_ =	shalt  }
.Lfunc_end0:
.L_simem_size_0:
called_computation.2_lowered:
.L_overlay_start_0:
0x88: {  	s2 =	sld [smem:$0x3FD9]  }
0x89: {  	s3 =	sld [smem:$0x3FFE];
	_ =	sdelay $0x1  }
0x8a: {  	s1 =	srdreg.scid  }
0x8b: {  	s0 =	sand.u32 $0x1, s1  }
0x8c: {  	s15 =	sshll.u32 s0, $0xA;
	s2 =	sadd.s32 s3, s2  }
0x8d: {  	s2 =	sadd.s32 s2, s15  }
0x8e: {  	[smem:$0x3FBA] =	sst s2  }
0x8f: {  	_ = 	snop  }
0x90: {  	s2 =	sld [smem:$0x3FD0];
	_ =	sdelay $0x2  }
0x91: {  	s16 =	simm.s32 $0xE;
	s4 =	simm.s32 $0x10  }
0x92: {  	[smem:s4], [sflag:s16] =	dma.local [hbm:s2], $0x1  }
0x93: {  	_ =	swait.eq [sflag:s16], $0x1  }
0x94: {  	[sflag:s16] =	ssyncset.done $0x0  }
0x95: {  	[sflag:s16] =	ssyncadd.s32 $0xFFFFFFFF  }
0x96: {  	s17 =	sld [smem:$0x11];
	(tm) =	ssettm $0x1  }
0x97: {  	s18 =	sld [smem:$0x3FFB];
	_ =	sdelay $0x3  }
0x98: {  	_ =	strace s18  }
0x99: {  	s2 =	sld [smem:$0x3FFC];
	_ =	sdelay $0x3  }
0x9a: {  	_ =	strace s2  }
0x9b: {  	s2 =	sld [smem:$0x3FFD];
	_ =	sdelay $0x3  }
0x9c: {  	_ =	strace s2  }
0x9d: {  	_ =	strace $0x8FFFFFFF  }
0x9e: {  	s19 =	sld [smem:$0x3FDB];
	_ =	sdelay $0x1  }
0x9f: {  	s20 =	simm.s32 $_scs_section_size  }
0xa0: {  	s5 =	simm.s32 $_size__tile_overlayer_lowered;
	s6 =	simm.s32 $_tile_overlayer_lowered  }
0xa1: {  	s7 =	simm.s32 $0x1BFF;
	s21 =	sshll.u32 s6, $0x1;
	s4 =	sadd.s32 s20, s19  }
0xa2: {  	s22 =	simm.s32 $0x0;
	s5 =	sshll.u32 s5, $0x1;
	s6 =	sadd.s32 s21, s4  }
0xa3: {  	[timem:s22], [sflag:s7] =	dma.local [hbm:s6], s5  }
0xa4: {  	_ =	swait.ge [sflag:s7], s5  }
0xa5: {  	s5 =	ssub.s32 $0x0, s5;
	[sflag:s7] =	ssyncset.done $0x0  }
0xa6: {  	[sflag:s7] =	ssyncadd.s32 s5;
	_ =	sdelay $0x1  }
0xa7: {  	s23 =	simm.s32 $0x1B8B  }
0xa8: {  	_ =	swait.ge [sflag:s23], $0x1  }
0xa9: {  	[sflag:s23] =	ssyncset.done $0x0  }
0xaa: {  	[sflag:s23] =	ssyncadd.s32 $0xFFFFFFFF  }
0xab: {  	s5 =	sld [smem:$0x0]  }
0xac: {  	s6 =	sand.u32 $0xFFFFFFFE, s1  }
0xad: {  	p0 =	sne.s32 s1, s6  }
0xae: {  	s6 =	sshll.u32 @p0 s6, $0xE  }
0xaf: {  	s6 =	sadd.s32 @p0 $0x11B8D, s6;
	s7 =	sshll.u32 @p0 s5, $0x11  }
0xb0: {  	s6 =	sor.u32 @p0 s7, s6  }
0xb1: {  	[sflag:s6] =	ssyncadd.remote.s32 @p0 $0x1;
	_ =	sdelay $0x1  }
0xb2: {  	s6 =	simm.s32 @p0 $0x1B8D  }
0xb3: {  	_ =	swait.eq @p0 [sflag:s6], $0x1  }
0xb4: {  	[sflag:s6] =	ssyncadd.s32 @p0 $0xFFFFFFFF  }
0xb5: {  	s7 =	sshll.u32 @!p0 s1, $0xE  }
0xb6: {  	s7 =	sor.u32 @!p0 $0x4000, s7;
	s6 =	simm.s32 @!p0 $0x1B8D  }
0xb7: {  	s5 =	sshll.u32 @!p0 s5, $0x11;
	s7 =	sadd.s32 @!p0 $0x11B8D, s7;
	_ =	swait.eq @!p0 [sflag:s6], $0x1  }
0xb8: {  	s5 =	sor.u32 @!p0 s5, s7;
	[sflag:s6] =	ssyncadd.s32 @!p0 $0xFFFFFFFF  }
0xb9: {  	s25 =	simm.s32 $0x1B8E;
	s24 =	sld [smem:$0x3FFE];
	[sflag:s5] =	ssyncadd.remote.s32 @!p0 $0x1  }
0xba: {  	s26 =	simm.s32 $execute0_lowered;
	[smem:$0x3FD2] =	sst s25  }
0xbb: {  	s6 =	sshll.u32 s26, $0x1;
	_ =	strace $0x8000004C;
	[dreg:$0x1] =	wrdreg $0xFFFFFFFF  }
0xbc: {  	s28 =	simm.s32 $_size_execute0_lowered;
	s4 =	sadd.s32 s4, s6;
	[dreg:$0x0] =	wrdreg $0x0  }
0xbd: {  	s6 =	sshll.u32 s28, $0x1;
	[dreg:$0x2] =	wrdreg s4  }
0xbe: {  	[dreg:$0x3] =	wrdreg s6  }
0xbf: {  	[dreg:$0x4] =	wrdreg $0xC0  }
0xc0: {  	_ =	task [dreg:s22], $0x5FFFF  }
0xc1: {  	[dreg:$0x1] =	wrdreg $0xFFFFFFFF  }
0xc2: {  	[dreg:$0x0] =	wrdreg $0x60  }
0xc3: {  	[dreg:$0x2] =	wrdreg s17  }
0xc4: {  	[dreg:$0x3] =	wrdreg s24  }
0xc5: {  	[dreg:$0x4] =	wrdreg $0xB  }
0xc6: {  	_ =	task.clear_ibuf [dreg:s22], $0x5FFFF;
	_ =	strace $0x9000004C  }
0xc7: {  	s29 =	simm.s32 $0xB;
	_ =	strace $0x8000004E  }
0xc8: {  	_ =	swait.ge [sflag:s29], $0x1  }
0xc9: {  	[sflag:s29] =	ssyncadd.s32 $0xFFFFFFFF  }
0xca: {  	_ =	strace $0x9000004E  }
0xcb: {  	_ =	sfence  }
0xcc: {  	s30 =	sld [smem:$0x0];
	_ =	sdelay $0x2  }
0xcd: {  	s31 =	sshll.u32 s1, $0xD;
	s1 =	sshrl.u32 s1, $0x2  }
0xce: {  	s4 =	sand.u32 $0x4000, s31;
	s1 =	sadd.s32 s1, s30  }
0xcf: {  	s0 =	sor.u32 s4, s0;
	s1 =	sshll.u32 s1, $0x11  }
0xd0: {  	s0 =	sor.u32 s1, s0  }
0xd1: {  	s0 =	sadd.s32 $0x8F2B, s0  }
0xd2: {  	[sflag:s0] =	ssyncadd.remote.s32 $0x1  }
0xd3: {  	_ =	sfence.sel $0xFFFF  }
0xd4: {  	[dreg:$0x0] =	wrdreg $0xFFFFFFFF;
	(pc) =	sbr.abs _section_cstart, $3  }
0xd5: {  	[dreg:$0x1] =	wrdreg $0xFFFFFFFF  }
0xd6: {  	_ =	task.clear_ibuf [dreg:s22], $0x2FFFF;
	_ =	strace $0x9FFFFFFF  }
0xd7: {  	(tm) =	ssettm $0x7FFFFFFF  }
tec
execute0_lowered:
.L_overlay_start_1:
0x0: {  	(tag) =	ssettag $0x1  }
0x1: {  	s1 =	rddreg [dreg:$0x0]  }
0x2: {  	s5 =	rddreg [dreg:$0x1];
	s2 =	simm.s32 $0x0  }
0x3: {  	s6 =	srdreg.scid;
	s0 =	stileid.u32;
	s16 =	simm.s32 $0x8100  }
0x4: {  	s17 =	simm.s32 $0x1;
	s18 =	simm.s32 $0x3;
	s19 =	simm.s32 $0x6  }
0x5: {  	s20 =	simm.s32 $0x0;
	[smem:$0x7FF] =	sst s2;
	s4 =	sadd.s32 $0xD200, s5  }
0x6: {  	s9 =	sadd.s32 $0x9200, s5;
	s10 =	sand.u32 $0x1, s6;
	s23 =	sshll.u32 s0, $0x1  }
0x7: {  	s11 =	sadd.s32 $0x41C400, s5;
	s12 =	sadd.s32 $0x516400, s5;
	s14 =	sshll.u32 s0, $0x5  }
0x8: {  	s30 =	sshll.u32 s0, $0xC;
	p0 =	sgt.u32 s0, $0x9;
	_ =	strace $0x8000004D  }
0x9: {  	s7 =	ssub.s32 $0x2, s10;
	s6 =	sor.u32 s10, s23;
	s14 =	sadd.s32 s14, s9  }
0xa: {  	s15 =	sshll.u32 s10, $0x4;
	s31 =	sshll.u32 s10, $0xB;
	s24 =	sshrl.u32 s7, $0x1  }
0xb: {  	s8 =	sshll.u32 s6, $0x7;
	s25 =	sshll.u32 s6, $0x4;
	s29 =	sadd.s32 s15, s14  }
0xc: {  	s14 =	simm.s32 $0x80;
	s15 =	simm.s32 $0x100;
	s13 =	ssub.s32 s7, s24  }
0xd: {  	s26 =	sor.u32 $0xF000, s8;
	s3 =	sadd.s32 s9, s25;
	s10 =	sadd.s32 $0x400, s29  }
0xe: {  	[dreg:$0x3] =	wrdreg s3;
	s28 =	sshrl.u32 s26, $0x3;
	s8 =	sshll.u32 s26, $0x4  }
0xf: {  	s6 =	sadd.s32 s9, s28;
	s7 =	sadd.s32 s11, s8;
	s8 =	sadd.s32 s12, s8  }
0x10: {  	s9 =	smax.u32 s13, $0x1;
	s11 =	sadd.s32 s30, s11;
	s12 =	sadd.s32 s30, s12  }
0x11: {  	s13 =	simm.s32 $0x5;
	s11 =	sadd.s32 s31, s11;
	s12 =	sadd.s32 s31, s12  }
.LBB2_1:
0x12: {  	s0 =	rddreg [dreg:$0x3]  }
0x13: {  	[tilespmem:s2], [sflag:$0x5] =	stream.linear.gather [hbm4b:s0+s2], $0x80, $0x38;
	[tilespmem:$0x10100] =	vst v63  }
0x14: {  	_ =	swait.ge [sflag:s13], $0x80  }
0x15: {  	[sflag:s13] =	ssyncset.done $0x0  }
0x16: {  	p2 =	por $0x0, $0x0;
	[sflag:s13] =	ssyncadd.s32 $0xFFFFFF80  }
0x17: {  	[tilespmem:s15], [sflag:$0x1] =	stream.indirect.gather [hbm4b:s1+s14], $0x80, s2, s14, $0xb8;
	[tilespmem:$0x10100] =	vst v63  }
0x18: {  	s21 =	sadd.s32 @!p2 $0xFFFFFE00, s10  }
0x19: {  	[tilespmem:s16], [sflag:$0x3] =	stream.indirect.gather [hbm4b:s4+s14], $0x80, s2, s14, $0xb8;
	[tilespmem:$0x10100] =	vst v63  }
0x1a: {  	s22 =	simm.s32 @!p2 $0x0;
	s23 =	simm.s32 @!p2 $0x80;
	s24 =	simm.s32 @!p2 $0x6  }
0x1b: {  	[tilespmem:s23], [sflag:$0x6] =	stream.linear.gather @!p2 [hbm4b:s21+s22], $0x80, $0x38;
	[tilespmem:$0x10100] =	vst v63  }
0x1c: {  	_ =	swait.ge @!p2 [sflag:s24], $0x80  }
0x1d: {  	[sflag:s24] =	ssyncset.done @!p2 $0x0  }
0x1e: {  	p1 =	por p2, p2;
	s21 =	simm.s32 @!p2 $0x4100;
	[sflag:s24] =	ssyncadd.s32 @!p2 $0xFFFFFF80  }
0x1f: {  	[tilespmem:s21], [sflag:$0x2] =	stream.indirect.gather @!p1 [hbm4b:s1+s23], $0x80, s23, s23, $0xb8;
	[tilespmem:$0x10100] =	vst v63  }
0x20: {  	s25 =	simm.s32 @!p2 $0xC100  }
0x21: {  	[tilespmem:s25], [sflag:$0x4] =	stream.indirect.gather @!p1 [hbm4b:s4+s23], $0x80, s23, s23, $0xb8;
	[tilespmem:$0x10100] =	vst v63  }
0x22: {  	_ =	swait.ge [sflag:s17], $0x4000  }
0x23: {  	[sflag:s17] =	ssyncset.done $0x0  }
0x24: {  	[sflag:s17] =	ssyncadd.s32 $0xFFFFC000  }
0x25: {  	_ =	swait.ge [sflag:s18], $0x4000  }
0x26: {  	[sflag:s18] =	ssyncset.done $0x0  }
0x27: {  	s30 =	sadd.s32 $0x0, s11;
	[sflag:s18] =	ssyncadd.s32 $0xFFFFC000  }
0x28: {  	[hbm4b:s30+s2] =	stream.linear.scatter [tilespmem:s15], [sflag:$0x6], $0x4000, $0x38;
	[tilespmem:$0x10100] =	vst v63  }
0x29: {  	_ =	swait.ge [sflag:s19], $0x4000  }
0x2a: {  	[sflag:s19] =	ssyncset.done $0x0  }
0x2b: {  	s31 =	sadd.s32 $0x0, s12;
	[sflag:s19] =	ssyncadd.s32 $0xFFFFC000  }
0x2c: {  	[hbm4b:s31+s2] =	stream.linear.scatter [tilespmem:s16], [sflag:$0x6], $0x4000, $0x38;
	[tilespmem:$0x10100] =	vst v63  }
0x2d: {  	_ =	swait.ge [sflag:s19], $0x4000  }
0x2e: {  	p2 =	por $0x0, $0x0;
	[sflag:s19] =	ssyncset.done $0x0  }
0x2f: {  	s26 =	simm.s32 @!p2 $0x6;
	s23 =	simm.s32 @!p2 $0x0;
	[sflag:s19] =	ssyncadd.s32 $0xFFFFC000  }
0x30: {  	[tilespmem:s23], [sflag:$0x6] =	stream.linear.gather @!p2 [hbm4b:s10+s23], $0x80, $0x38;
	[tilespmem:$0x10100] =	vst v63  }
0x31: {  	_ =	swait.ge @!p2 [sflag:s26], $0x80  }
0x32: {  	[sflag:s26] =	ssyncset.done @!p2 $0x0  }
0x33: {  	s28 =	simm.s32 @!p2 $0x80;
	s29 =	simm.s32 @!p2 $0x100;
	[sflag:s26] =	ssyncadd.s32 @!p2 $0xFFFFFF80  }
0x34: {  	[tilespmem:s29], [sflag:$0x1] =	stream.indirect.gather @!p2 [hbm4b:s1+s28], $0x80, s23, s28, $0xb8;
	[tilespmem:$0x10100] =	vst v63  }
0x35: {  	s26 =	simm.s32 @!p2 $0x8100;
	s29 =	simm.s32 @!p1 $0x2  }
0x36: {  	[tilespmem:s26], [sflag:$0x3] =	stream.indirect.gather @!p2 [hbm4b:s4+s28], $0x80, s23, s28, $0xb8;
	[tilespmem:$0x10100] =	vst v63  }
0x37: {  	_ =	swait.ge @!p1 [sflag:s29], $0x4000  }
0x38: {  	[sflag:s29] =	ssyncset.done @!p1 $0x0  }
0x39: {  	s23 =	simm.s32 @!p1 $0x4;
	[sflag:s29] =	ssyncadd.s32 @!p1 $0xFFFFC000  }
0x3a: {  	_ =	swait.ge @!p1 [sflag:s23], $0x4000  }
0x3b: {  	s26 =	sadd.s32 @!p1 $0x0, s11;
	[sflag:s23] =	ssyncset.done @!p1 $0x0  }
0x3c: {  	s26 =	sadd.s32 @!p1 $0x10000, s26;
	[sflag:s23] =	ssyncadd.s32 @!p1 $0xFFFFC000  }
0x3d: {  	[hbm4b:s26+s22] =	stream.linear.scatter @!p1 [tilespmem:s21], [sflag:$0x6], $0x4000, $0x38;
	[tilespmem:$0x10100] =	vst v63  }
0x3e: {  	p3 =	por $0x0, $0x0;
	s28 =	simm.s32 @!p1 $0x5;
	_ =	swait.ge @!p1 [sflag:s24], $0x4000  }
0x3f: {  	s23 =	sadd.s32 @!p1 $0x0, s12;
	s21 =	simm.s32 $0x20000;
	[sflag:s24] =	ssyncset.done @!p1 $0x0  }
0x40: {  	s23 =	sadd.s32 @!p1 $0x10000, s23;
	[sflag:s24] =	ssyncadd.s32 @!p1 $0xFFFFC000;
	s24 =	simm.s32 $0x3  }
0x41: {  	[hbm4b:s23+s22] =	stream.linear.scatter @!p1 [tilespmem:s25], [sflag:$0x5], $0x4000, $0x38;
	[tilespmem:$0x10100] =	vst v63  }
0x42: {  	s23 =	simm.s32 $0x40000;
	s22 =	sadd.s32 $0x400, s10;
	_ =	swait.ge @!p1 [sflag:s28], $0x4000  }
.LBB2_2:
0x43: {  	s29 =	sadd.s32 @!p3 $0xFFFFFE00, s22;
	s25 =	simm.s32 @!p3 $0x0;
	[sflag:s28] =	ssyncset.done @!p1 $0x0  }
0x44: {  	s31 =	simm.s32 @!p3 $0x80;
	s26 =	simm.s32 @!p3 $0x6;
	[sflag:s28] =	ssyncadd.s32 @!p1 $0xFFFFC000  }
0x45: {  	[tilespmem:s31], [sflag:$0x6] =	stream.linear.gather @!p3 [hbm4b:s29+s25], $0x80, $0x38;
	[tilespmem:$0x10100] =	vst v63  }
0x46: {  	s28 =	smov.u32 s23;
	s23 =	sadd.s32 $0x20000, s23;
	_ =	swait.ge @!p3 [sflag:s26], $0x80  }
0x47: {  	s30 =	simm.s32 @!p3 $0x4100;
	p2 =	sne.s32 s23, $0x100000;
	[sflag:s26] =	ssyncset.done @!p3 $0x0  }
0x48: {  	p1 =	por p3, p3;
	s29 =	simm.s32 @!p3 $0xC100;
	[sflag:s26] =	ssyncadd.s32 @!p3 $0xFFFFFF80  }
0x49: {  	[tilespmem:s30], [sflag:$0x2] =	stream.indirect.gather @!p1 [hbm4b:s1+s31], $0x80, s31, s31, $0xb8;
	[tilespmem:$0x10100] =	vst v63  }
0x4a: {  	_ = 	snop  }
0x4b: {  	[tilespmem:s29], [sflag:$0x4] =	stream.indirect.gather @!p1 [hbm4b:s4+s31], $0x80, s31, s31, $0xb8;
	[tilespmem:$0x10100] =	vst v63  }
0x4c: {  	_ =	swait.ge [sflag:s17], $0x4000  }
0x4d: {  	[sflag:s17] =	ssyncset.done $0x0  }
0x4e: {  	[sflag:s17] =	ssyncadd.s32 $0xFFFFC000  }
0x4f: {  	_ =	swait.ge [sflag:s18], $0x4000  }
0x50: {  	s31 =	sadd.s32 s21, s11;
	[sflag:s18] =	ssyncset.done $0x0  }
0x51: {  	[sflag:s18] =	ssyncadd.s32 $0xFFFFC000  }
0x52: {  	[hbm4b:s31+s2] =	stream.linear.scatter [tilespmem:s15], [sflag:$0x6], $0x4000, $0x38;
	[tilespmem:$0x10100] =	vst v63  }
0x53: {  	_ =	swait.ge [sflag:s19], $0x4000  }
0x54: {  	s31 =	sadd.s32 s21, s12;
	[sflag:s19] =	ssyncset.done $0x0  }
0x55: {  	[sflag:s19] =	ssyncadd.s32 $0xFFFFC000  }
0x56: {  	[hbm4b:s31+s2] =	stream.linear.scatter [tilespmem:s16], [sflag:$0x6], $0x4000, $0x38;
	[tilespmem:$0x10100] =	vst v63  }
0x57: {  	p3 =	seq.s32 s21, $0xE0000;
	_ =	swait.ge [sflag:s19], $0x4000  }
0x58: {  	s31 =	simm.s32 @!p3 $0x0;
	[sflag:s19] =	ssyncset.done $0x0  }
0x59: {  	s0 =	simm.s32 @!p3 $0x6;
	[sflag:s19] =	ssyncadd.s32 $0xFFFFC000  }
0x5a: {  	[tilespmem:s31], [sflag:$0x6] =	stream.linear.gather @!p3 [hbm4b:s22+s31], $0x80, $0x38;
	[tilespmem:$0x10100] =	vst v63  }
0x5b: {  	_ =	swait.ge @!p3 [sflag:s0], $0x80  }
0x5c: {  	s3 =	simm.s32 @!p3 $0x80;
	s5 =	simm.s32 @!p3 $0x100;
	[sflag:s0] =	ssyncset.done @!p3 $0x0  }
0x5d: {  	[sflag:s0] =	ssyncadd.s32 @!p3 $0xFFFFFF80;
	s0 =	simm.s32 @!p3 $0x8100  }
0x5e: {  	[tilespmem:s5], [sflag:$0x1] =	stream.indirect.gather @!p3 [hbm4b:s1+s3], $0x80, s31, s3, $0xb8;
	[tilespmem:$0x10100] =	vst v63  }
0x5f: {  	s5 =	simm.s32 @!p1 $0x2  }
0x60: {  	[tilespmem:s0], [sflag:$0x3] =	stream.indirect.gather @!p3 [hbm4b:s4+s3], $0x80, s31, s3, $0xb8;
	[tilespmem:$0x10100] =	vst v63  }
0x61: {  	_ =	swait.ge @!p1 [sflag:s5], $0x4000  }
0x62: {  	s0 =	simm.s32 @!p1 $0x4;
	[sflag:s5] =	ssyncset.done @!p1 $0x0  }
0x63: {  	[sflag:s5] =	ssyncadd.s32 @!p1 $0xFFFFC000  }
0x64: {  	s3 =	sadd.s32 @!p1 s21, s11;
	_ =	swait.ge @!p1 [sflag:s0], $0x4000  }
0x65: {  	s3 =	sadd.s32 @!p1 $0x10000, s3;
	[sflag:s0] =	ssyncset.done @!p1 $0x0  }
0x66: {  	[sflag:s0] =	ssyncadd.s32 @!p1 $0xFFFFC000  }
0x67: {  	[hbm4b:s3+s25] =	stream.linear.scatter @!p1 [tilespmem:s30], [sflag:$0x6], $0x4000, $0x38;
	[tilespmem:$0x10100] =	vst v63  }
.Ltmp0:
0x68: {  	s0 =	sadd.s32 @!p1 s21, s12;
	_ =	swait.ge @!p1 [sflag:s26], $0x4000;
	(pc) =	sbr.rel @p2 .LBB2_2-.Ltmp0, $4  }
0x69: {  	s21 =	smov.u32 s28;
	s0 =	sadd.s32 @!p1 $0x10000, s0;
	[sflag:s26] =	ssyncset.done @!p1 $0x0  }
0x6a: {  	s24 =	sadd.s32 $0x2, s24;
	s28 =	simm.s32 @!p1 $0x5;
	[sflag:s26] =	ssyncadd.s32 @!p1 $0xFFFFC000  }
0x6b: {  	[hbm4b:s0+s25] =	stream.linear.scatter @!p1 [tilespmem:s29], [sflag:$0x5], $0x4000, $0x38;
	[tilespmem:$0x10100] =	vst v63  }
0x6c: {  	s22 =	sadd.s32 $0x400, s22;
	p3 =	sgt.u32 s24, $0xE;
	_ =	swait.ge @!p1 [sflag:s28], $0x4000  }
0x6d: {  	s0 =	sadd.s32 @!p3 $0xFFFFFE00, s22;
	s3 =	simm.s32 @!p3 $0x0;
	[sflag:s28] =	ssyncset.done @!p1 $0x0  }
0x6e: {  	s5 =	simm.s32 @!p3 $0x80;
	s23 =	simm.s32 @!p3 $0x6;
	[sflag:s28] =	ssyncadd.s32 @!p1 $0xFFFFC000  }
0x6f: {  	[tilespmem:s5], [sflag:$0x6] =	stream.linear.gather @!p3 [hbm4b:s0+s3], $0x80, $0x38;
	[tilespmem:$0x10100] =	vst v63  }
0x70: {  	_ =	swait.ge @!p3 [sflag:s23], $0x80  }
0x71: {  	[sflag:s23] =	ssyncset.done @!p3 $0x0  }
0x72: {  	p1 =	por p3, p3;
	s0 =	simm.s32 @!p3 $0x4100;
	[sflag:s23] =	ssyncadd.s32 @!p3 $0xFFFFFF80  }
0x73: {  	[tilespmem:s0], [sflag:$0x2] =	stream.indirect.gather @!p1 [hbm4b:s1+s5], $0x80, s5, s5, $0xb8;
	[tilespmem:$0x10100] =	vst v63  }
0x74: {  	s24 =	simm.s32 @!p3 $0xC100  }
0x75: {  	[tilespmem:s24], [sflag:$0x4] =	stream.indirect.gather @!p1 [hbm4b:s4+s5], $0x80, s5, s5, $0xb8;
	[tilespmem:$0x10100] =	vst v63  }
0x76: {  	_ =	swait.ge [sflag:s17], $0x4000  }
0x77: {  	[sflag:s17] =	ssyncset.done $0x0  }
0x78: {  	[sflag:s17] =	ssyncadd.s32 $0xFFFFC000  }
0x79: {  	_ =	swait.ge [sflag:s18], $0x4000  }
0x7a: {  	[sflag:s18] =	ssyncset.done $0x0  }
0x7b: {  	s30 =	sadd.s32 s21, s11;
	[sflag:s18] =	ssyncadd.s32 $0xFFFFC000  }
0x7c: {  	[hbm4b:s30+s2] =	stream.linear.scatter [tilespmem:s15], [sflag:$0x6], $0x4000, $0x38;
	[tilespmem:$0x10100] =	vst v63  }
0x7d: {  	_ =	swait.ge [sflag:s19], $0x4000  }
0x7e: {  	[sflag:s19] =	ssyncset.done $0x0  }
0x7f: {  	s31 =	sadd.s32 s21, s12;
	[sflag:s19] =	ssyncadd.s32 $0xFFFFC000  }
0x80: {  	[hbm4b:s31+s2] =	stream.linear.scatter [tilespmem:s16], [sflag:$0x6], $0x4000, $0x38;
	[tilespmem:$0x10100] =	vst v63  }
0x81: {  	_ =	swait.ge [sflag:s19], $0x4000  }
0x82: {  	p2 =	seq.s32 s21, $0xE0000;
	[sflag:s19] =	ssyncset.done $0x0  }
0x83: {  	s25 =	simm.s32 @!p2 $0x6;
	s5 =	simm.s32 @!p2 $0x0;
	[sflag:s19] =	ssyncadd.s32 $0xFFFFC000  }
0x84: {  	[tilespmem:s5], [sflag:$0x6] =	stream.linear.gather @!p2 [hbm4b:s22+s5], $0x80, $0x38;
	[tilespmem:$0x10100] =	vst v63  }
0x85: {  	_ =	swait.ge @!p2 [sflag:s25], $0x80  }
0x86: {  	[sflag:s25] =	ssyncset.done @!p2 $0x0  }
0x87: {  	s26 =	simm.s32 @!p2 $0x100;
	s22 =	simm.s32 @!p2 $0x80;
	[sflag:s25] =	ssyncadd.s32 @!p2 $0xFFFFFF80  }
0x88: {  	[tilespmem:s26], [sflag:$0x1] =	stream.indirect.gather @!p2 [hbm4b:s1+s22], $0x80, s5, s22, $0xb8;
	[tilespmem:$0x10100] =	vst v63  }
0x89: {  	s25 =	simm.s32 @!p2 $0x8100;
	s26 =	simm.s32 @!p1 $0x2  }
0x8a: {  	[tilespmem:s25], [sflag:$0x3] =	stream.indirect.gather @!p2 [hbm4b:s4+s22], $0x80, s5, s22, $0xb8;
	[tilespmem:$0x10100] =	vst v63  }
0x8b: {  	_ =	swait.ge @!p1 [sflag:s26], $0x4000  }
0x8c: {  	[sflag:s26] =	ssyncset.done @!p1 $0x0  }
0x8d: {  	s5 =	simm.s32 @!p1 $0x4;
	[sflag:s26] =	ssyncadd.s32 @!p1 $0xFFFFC000  }
0x8e: {  	_ =	swait.ge @!p1 [sflag:s5], $0x4000  }
0x8f: {  	s22 =	sadd.s32 @!p1 s21, s11;
	[sflag:s5] =	ssyncset.done @!p1 $0x0  }
0x90: {  	s22 =	sadd.s32 @!p1 $0x10000, s22;
	[sflag:s5] =	ssyncadd.s32 @!p1 $0xFFFFC000  }
0x91: {  	[hbm4b:s22+s3] =	stream.linear.scatter @!p1 [tilespmem:s0], [sflag:$0x6], $0x4000, $0x38;
	[tilespmem:$0x10100] =	vst v63  }
0x92: {  	_ =	swait.ge @!p1 [sflag:s23], $0x4000  }
0x93: {  	s0 =	sadd.s32 @!p1 s21, s12;
	[sflag:s23] =	ssyncset.done @!p1 $0x0  }
0x94: {  	s5 =	simm.s32 @!p1 $0x5;
	s0 =	sadd.s32 @!p1 $0x10000, s0;
	[sflag:s23] =	ssyncadd.s32 @!p1 $0xFFFFC000  }
0x95: {  	[hbm4b:s0+s3] =	stream.linear.scatter @!p1 [tilespmem:s24], [sflag:$0x5], $0x4000, $0x38;
	[tilespmem:$0x10100] =	vst v63  }
0x96: {  	_ =	swait.ge @!p1 [sflag:s5], $0x4000  }
0x97: {  	[sflag:s5] =	ssyncset.done @!p1 $0x0  }
0x98: {  	s0 =	simm.s32 @!p0 $0x0;
	s3 =	simm.s32 @!p0 $0x5;
	[sflag:s5] =	ssyncadd.s32 @!p1 $0xFFFFC000  }
0x99: {  	[tilespmem:s0], [sflag:$0x5] =	stream.linear.gather @!p0 [hbm4b:s6+s0], $0x80, $0x38;
	[tilespmem:$0x10100] =	vst v63  }
0x9a: {  	_ =	swait.ge @!p0 [sflag:s3], $0x80  }
0x9b: {  	[sflag:s3] =	ssyncset.done @!p0 $0x0  }
0x9c: {  	s21 =	simm.s32 @!p0 $0x100;
	s5 =	simm.s32 @!p0 $0x80;
	[sflag:s3] =	ssyncadd.s32 @!p0 $0xFFFFFF80  }
0x9d: {  	[tilespmem:s21], [sflag:$0x1] =	stream.indirect.gather @!p0 [hbm4b:s1+s5], $0x80, s0, s5, $0xb8;
	[tilespmem:$0x10100] =	vst v63  }
0x9e: {  	s22 =	simm.s32 @!p0 $0x8100  }
0x9f: {  	[tilespmem:s22], [sflag:$0x3] =	stream.indirect.gather @!p0 [hbm4b:s4+s5], $0x80, s0, s5, $0xb8;
	[tilespmem:$0x10100] =	vst v63  }
0xa0: {  	s5 =	simm.s32 @!p0 $0x1  }
0xa1: {  	_ =	swait.ge @!p0 [sflag:s5], $0x4000  }
0xa2: {  	[sflag:s5] =	ssyncset.done @!p0 $0x0  }
0xa3: {  	[sflag:s5] =	ssyncadd.s32 @!p0 $0xFFFFC000;
	s5 =	simm.s32 @!p0 $0x3  }
0xa4: {  	_ =	swait.ge @!p0 [sflag:s5], $0x4000  }
0xa5: {  	[sflag:s5] =	ssyncset.done @!p0 $0x0  }
0xa6: {  	[sflag:s5] =	ssyncadd.s32 @!p0 $0xFFFFC000  }
0xa7: {  	[hbm4b:s7+s0] =	stream.linear.scatter @!p0 [tilespmem:s21], [sflag:$0x5], $0x4000, $0x38;
	[tilespmem:$0x10100] =	vst v63  }
0xa8: {  	s20 =	sadd.s32 $0x1, s20;
	_ =	swait.ge @!p0 [sflag:s3], $0x4000  }
0xa9: {  	p1 =	sne.s32 s20, s9;
	[sflag:s3] =	ssyncset.done @!p0 $0x0  }
.Ltmp1:
0xaa: {  	[sflag:s3] =	ssyncadd.s32 @!p0 $0xFFFFC000;
	(pc) =	sbr.rel @p1 .LBB2_1-.Ltmp1, $4  }
0xab: {  	[hbm4b:s8+s0] =	stream.linear.scatter @!p0 [tilespmem:s22], [sflag:$0x5], $0x4000, $0x38;
	[tilespmem:$0x10100] =	vst v63  }
0xac: {  	_ =	swait.ge @!p0 [sflag:s3], $0x4000  }
0xad: {  	[sflag:s3] =	ssyncset.done @!p0 $0x0  }
0xae: {  	[sflag:s3] =	ssyncadd.s32 @!p0 $0xFFFFC000  }
0xaf: {  	_ =	sfence.sel $0x180000  }
0xb0: {  	[bflag:$0x0] =	sbarrier.arrive $0xFFFF  }
0xb1: {  	_ =	strace $0x9000004D  }
0xb2: {  	s0 =	stileid.u32;
	[bflag:$0x2] =	sbarrier.arrive $0xFFFF  }
0xb3: {  	p0 =	sne.s32 s0, $0x0;
	s0 =	rddreg [dreg:$0x2]  }
0xb4: {  	s0 =	sadd.s32 @!p0 $0x100000, s0  }
0xb5: {  	[sflag:s0] =	ssyncadd.tile.s32 @!p0 $0x1;
	_ =	shalt  }
.Lfunc_end2:
_tile_overlayer_lowered:
.L_overlay_start_2:
0xb6: {  	(tag) =	ssettag $0x2  }
0xb7: {  	s0 =	rddreg [dreg:$0x0];
	s2 =	stileid.u32  }
0xb8: {  	s1 =	rddreg [dreg:$0x1];
	p0 =	sne.s32 s2, $0x0  }
0xb9: {  	s3 =	rddreg [dreg:$0x2];
	[bflag:$0x3] =	sbarrier.arrive $0xFFFF;
	s2 =	simm.s32 @!p0 $0x1C05  }
0xba: {  	[timem:s3], [sflag:s2] =	dma.local @!p0 [hbm:s0], s1  }
0xbb: {  	s0 =	simm.s32 @!p0 $0x5  }
0xbc: {  	_ =	swait.ge @!p0 [sflag:s0], s1  }
0xbd: {  	s1 =	ssub.s32 @!p0 $0x0, s1;
	[sflag:s0] =	ssyncset.done @!p0 $0x0  }
0xbe: {  	[sflag:s0] =	ssyncadd.s32 @!p0 s1  }
0xbf: {  	[bflag:$0x3] =	sbarrier.arrive $0xFFFF  }
0xc0: {  	_ =	shalt  }

// kernel: kernel.23.cloned.1.call-start
scs
__scs_entry_jumppad:
0x0: {  	(pc) =	sbr.rel $0x88, $3  }
0x1: {  	(tag) =	ssettag $0x0;
	lr =	simm.s32 $0x1  }
0x2: {  	[smem:$0x3F93] =	sst lr;
	_ =	strace $0xD0000000  }
0x3: {  	_ = 	snop  }
0x4: {  	_ = 	snop  }
0x5: {  	_ = 	snop  }
0x6: {  	_ = 	snop  }
0x7: {  	_ = 	snop  }
__scs_overlays_trampoline_lowered:
0x8: {  	[smem:$0x3FA2] =	sst s0  }
0x9: {  	[smem:$0x3FA3] =	sst s1  }
0xa: {  	[smem:$0x3FA4] =	sst s2  }
0xb: {  	[smem:$0x3FA5] =	sst s3  }
0xc: {  	[smem:$0x3FA6] =	sst s4  }
0xd: {  	[smem:$0x3FA7] =	sst s5  }
0xe: {  	[smem:$0x3FA8] =	sst s6  }
0xf: {  	[smem:$0x3FA9] =	sst s7  }
0x10: {  	[smem:$0x3FAA] =	sst s8  }
0x11: {  	[smem:$0x3FAB] =	sst s9;
	s0 =	simm.s32 @!p0 $0x0  }
0x12: {  	s1 =	sld [smem:$0x3F91];
	s0 =	simm.s32 @p0 $0x1  }
0x13: {  	[smem:$0x3FAC] =	sst s0;
	s0 =	simm.s32 @!p1 $0x0  }
0x14: {  	s2 =	sld [smem:$0x3F90];
	s0 =	simm.s32 @p1 $0x1  }
0x15: {  	[smem:$0x3FAD] =	sst s0;
	s0 =	simm.s32 @!p2 $0x0  }
0x16: {  	s3 =	sld [smem:$0x3FDB];
	s0 =	simm.s32 @p2 $0x1  }
0x17: {  	s4 =	simm.s32 $0x1BF5;
	[smem:$0x3FAF] =	sst s0  }
0x18: {  	s0 =	sld [smem:$0x3F92];
	_ =	swait.ge [sflag:s4], $0x0  }
0x19: {  	s7 =	sld [smem:$0x3F93]  }
0x1a: {  	s8 =	sadd.s32 $0xFFFFE003, lr  }
0x1b: {  	s9 =	sadd.s32 $0xFFFFFEF7, lr;
	s5 =	simm.s32 $0xFFFFFFFF;
	p2 =	slt.u32 s8, $0xFFFFF086  }
0x1c: {  	p1 =	slt.u32 s9, $0xF7A;
	s5 =	simm.s32 @!p2 $0x0  }
0x1d: {  	s5 =	simm.s32 @p1 $0x1;
	p0 =	seq.s32 s7, s2  }
0x1e: {  	s7 =	smul.u32 @!p0 $0xF7A, s2;
	p2 =	seq.s32 @!p0 s5, $0x0  }
0x1f: {  	s9 =	smul.u32 $0xF7A, s1;
	s8 =	simm.s32 @!p0 $0x1BF5;
	p2 =	por !p2, p0  }
0x20: {  	[sflag:s8] =	ssyncset.s32 @!p0 $0xFFFFF086;
	s6 =	sadd.s32 @!p0 s3, s7;
	s7 =	simm.s32 @!p0 $0x108  }
0x21: {  	s3 =	sadd.s32 s3, s9;
	s6 =	sadd.s32 @!p0 $0x88, s6;
	s7 =	simm.s32 @p2 $0x1082  }
0x22: {  	[simem:s7], [sflag:s8] =	dma.local @!p0 [hbm:s6], $0xF7A  }
0x23: {  	s9 =	sor.u32 $0xD0000000, s2;
	s6 =	simm.s32 $0x108;
	_ =	swait.ge @!p0 [sflag:s8], $0x0  }
0x24: {  	s3 =	sadd.s32 $0x88, s3;
	s6 =	simm.s32 @!p1 $0x1082;
	[sflag:s4] =	ssyncset.s32 $0xFFFFF086  }
0x25: {  	[simem:s6], [sflag:s4] =	dma.local [hbm:s3], $0xF7A  }
0x26: {  	[smem:$0x3F93] =	sst s1;
	(tag) =	ssettag s2;
	_ =	strace s9  }
0x27: {  	s1 =	sld [smem:$0x3FA3]  }
0x28: {  	s2 =	sld [smem:$0x3FA4]  }
0x29: {  	s4 =	sld [smem:$0x3FA6]  }
0x2a: {  	p0 =	seq.s32 s5, $0x0;
	s5 =	sld [smem:$0x3FA7]  }
0x2b: {  	s6 =	sld [smem:$0x3FA8]  }
0x2c: {  	s7 =	sld [smem:$0x3FA9]  }
0x2d: {  	s3 =	simm.s32 $0x108;
	s8 =	sld [smem:$0x3FAA]  }
0x2e: {  	s3 =	simm.s32 @!p0 $0x1082;
	s9 =	sld [smem:$0x3FAB]  }
0x2f: {  	lr =	sadd.s32 s0, s3;
	s0 =	sld [smem:$0x3FA2]  }
0x30: {  	s3 =	sld [smem:$0x3FA5]  }
0x31: {  	[smem:$0x3FAE] =	sst s10  }
0x32: {  	s10 =	sld [smem:$0x3FAC];
	_ =	sdelay $0x3  }
0x33: {  	p0 =	seq.s32 s10, $0x1;
	s10 =	sld [smem:$0x3FAE];
	_ =	sdelay $0x3  }
0x34: {  	[smem:$0x3FAE] =	sst s10  }
0x35: {  	s10 =	sld [smem:$0x3FAD];
	_ =	sdelay $0x3  }
0x36: {  	p1 =	seq.s32 s10, $0x1;
	s10 =	sld [smem:$0x3FAE];
	_ =	sdelay $0x3  }
0x37: {  	[smem:$0x3FAE] =	sst s10  }
0x38: {  	s10 =	sld [smem:$0x3FAF]  }
0x39: {  	_ = 	snop;
	(pc) =	sbr.ind lr, $3  }
0x3a: {  	_ = 	snop  }
0x3b: {  	_ = 	snop  }
0x3c: {  	p2 =	seq.s32 s10, $0x1;
	s10 =	sld [smem:$0x3FAE]  }
0x3d: {  	_ =	shalt  }
0x3e: {  	_ =	shalt  }
0x3f: {  	_ =	shalt  }
0x40: {  	_ =	shalt  }
0x41: {  	_ =	shalt  }
0x42: {  	_ =	shalt  }
0x43: {  	_ =	shalt  }
0x44: {  	_ =	shalt  }
0x45: {  	_ =	shalt  }
0x46: {  	_ =	shalt  }
0x47: {  	_ =	shalt  }
0x48: {  	_ =	shalt  }
0x49: {  	_ =	shalt  }
0x4a: {  	_ =	shalt  }
0x4b: {  	_ =	shalt  }
0x4c: {  	_ =	shalt  }
0x4d: {  	_ =	shalt  }
0x4e: {  	_ =	shalt  }
0x4f: {  	_ =	shalt  }
0x50: {  	_ =	shalt  }
0x51: {  	_ =	shalt  }
0x52: {  	_ =	shalt  }
0x53: {  	_ =	shalt  }
0x54: {  	_ =	shalt  }
0x55: {  	_ =	shalt  }
0x56: {  	_ =	shalt  }
0x57: {  	_ =	shalt  }
0x58: {  	_ =	shalt  }
0x59: {  	_ =	shalt  }
0x5a: {  	_ =	shalt  }
0x5b: {  	_ =	shalt  }
0x5c: {  	_ =	shalt  }
0x5d: {  	_ =	shalt  }
0x5e: {  	_ =	shalt  }
0x5f: {  	_ =	shalt  }
0x60: {  	_ =	shalt  }
0x61: {  	_ =	shalt  }
0x62: {  	_ =	shalt  }
0x63: {  	_ =	shalt  }
0x64: {  	_ =	shalt  }
0x65: {  	_ =	shalt  }
0x66: {  	_ =	shalt  }
0x67: {  	_ =	shalt  }
0x68: {  	_ =	shalt  }
0x69: {  	_ =	shalt  }
0x6a: {  	_ =	shalt  }
0x6b: {  	_ =	shalt  }
0x6c: {  	_ =	shalt  }
0x6d: {  	_ =	shalt  }
0x6e: {  	_ =	shalt  }
0x6f: {  	_ =	shalt  }
0x70: {  	_ =	shalt  }
0x71: {  	_ =	shalt  }
0x72: {  	_ =	shalt  }
0x73: {  	_ =	shalt  }
0x74: {  	_ =	shalt  }
0x75: {  	_ =	shalt  }
0x76: {  	_ =	shalt  }
0x77: {  	_ =	shalt  }
0x78: {  	_ =	shalt  }
0x79: {  	_ =	shalt  }
0x7a: {  	_ =	shalt  }
0x7b: {  	_ =	shalt  }
0x7c: {  	_ =	shalt  }
0x7d: {  	_ =	shalt  }
0x7e: {  	_ =	shalt  }
0x7f: {  	_ =	shalt  }
0x80: {  	_ =	shalt  }
0x81: {  	_ =	shalt  }
0x82: {  	_ =	shalt  }
0x83: {  	_ =	shalt  }
0x84: {  	_ =	shalt  }
0x85: {  	_ =	shalt  }
0x86: {  	_ =	shalt  }
0x87: {  	_ =	shalt  }
.Lfunc_end0:
.L_simem_size_0:
called_computation.3_lowered:
.L_overlay_start_0:
0x88: {  	s2 =	sld [smem:$0x3FD9]  }
0x89: {  	s3 =	sld [smem:$0x3FFE];
	_ =	sdelay $0x1  }
0x8a: {  	s1 =	srdreg.scid  }
0x8b: {  	s0 =	sand.u32 $0x1, s1  }
0x8c: {  	s15 =	sshll.u32 s0, $0xA;
	s2 =	sadd.s32 s3, s2  }
0x8d: {  	s2 =	sadd.s32 s2, s15  }
0x8e: {  	[smem:$0x3FBA] =	sst s2  }
0x8f: {  	_ = 	snop  }
0x90: {  	s2 =	sld [smem:$0x3FD0];
	_ =	sdelay $0x2  }
0x91: {  	s16 =	simm.s32 $0xE;
	s4 =	simm.s32 $0x10  }
0x92: {  	[smem:s4], [sflag:s16] =	dma.local [hbm:s2], $0x1  }
0x93: {  	_ =	swait.eq [sflag:s16], $0x1  }
0x94: {  	[sflag:s16] =	ssyncset.done $0x0  }
0x95: {  	[sflag:s16] =	ssyncadd.s32 $0xFFFFFFFF  }
0x96: {  	s17 =	sld [smem:$0x11];
	(tm) =	ssettm $0x1  }
0x97: {  	s18 =	sld [smem:$0x3FFB];
	_ =	sdelay $0x3  }
0x98: {  	_ =	strace s18  }
0x99: {  	s2 =	sld [smem:$0x3FFC];
	_ =	sdelay $0x3  }
0x9a: {  	_ =	strace s2  }
0x9b: {  	s2 =	sld [smem:$0x3FFD];
	_ =	sdelay $0x3  }
0x9c: {  	_ =	strace s2  }
0x9d: {  	_ =	strace $0x8FFFFFFF  }
0x9e: {  	s19 =	sld [smem:$0x3FDB];
	_ =	sdelay $0x1  }
0x9f: {  	s20 =	simm.s32 $_scs_section_size  }
0xa0: {  	s5 =	simm.s32 $_size__tile_overlayer_lowered;
	s6 =	simm.s32 $_tile_overlayer_lowered  }
0xa1: {  	s7 =	simm.s32 $0x1BFF;
	s21 =	sshll.u32 s6, $0x1;
	s4 =	sadd.s32 s20, s19  }
0xa2: {  	s22 =	simm.s32 $0x0;
	s5 =	sshll.u32 s5, $0x1;
	s6 =	sadd.s32 s21, s4  }
0xa3: {  	[timem:s22], [sflag:s7] =	dma.local [hbm:s6], s5  }
0xa4: {  	_ =	swait.ge [sflag:s7], s5  }
0xa5: {  	s5 =	ssub.s32 $0x0, s5;
	[sflag:s7] =	ssyncset.done $0x0  }
0xa6: {  	[sflag:s7] =	ssyncadd.s32 s5;
	_ =	sdelay $0x1  }
0xa7: {  	s23 =	simm.s32 $0x1B8B  }
0xa8: {  	_ =	swait.ge [sflag:s23], $0x1  }
0xa9: {  	[sflag:s23] =	ssyncset.done $0x0  }
0xaa: {  	[sflag:s23] =	ssyncadd.s32 $0xFFFFFFFF  }
0xab: {  	s5 =	sld [smem:$0x0]  }
0xac: {  	s6 =	sand.u32 $0xFFFFFFFE, s1  }
0xad: {  	p0 =	sne.s32 s1, s6  }
0xae: {  	s6 =	sshll.u32 @p0 s6, $0xE  }
0xaf: {  	s6 =	sadd.s32 @p0 $0x11B8D, s6;
	s7 =	sshll.u32 @p0 s5, $0x11  }
0xb0: {  	s6 =	sor.u32 @p0 s7, s6  }
0xb1: {  	[sflag:s6] =	ssyncadd.remote.s32 @p0 $0x1;
	_ =	sdelay $0x1  }
0xb2: {  	s6 =	simm.s32 @p0 $0x1B8D  }
0xb3: {  	_ =	swait.eq @p0 [sflag:s6], $0x1  }
0xb4: {  	[sflag:s6] =	ssyncadd.s32 @p0 $0xFFFFFFFF  }
0xb5: {  	s7 =	sshll.u32 @!p0 s1, $0xE  }
0xb6: {  	s7 =	sor.u32 @!p0 $0x4000, s7;
	s6 =	simm.s32 @!p0 $0x1B8D  }
0xb7: {  	s5 =	sshll.u32 @!p0 s5, $0x11;
	s7 =	sadd.s32 @!p0 $0x11B8D, s7;
	_ =	swait.eq @!p0 [sflag:s6], $0x1  }
0xb8: {  	s5 =	sor.u32 @!p0 s5, s7;
	[sflag:s6] =	ssyncadd.s32 @!p0 $0xFFFFFFFF  }
0xb9: {  	s25 =	simm.s32 $0x1B8E;
	s24 =	sld [smem:$0x3FFE];
	[sflag:s5] =	ssyncadd.remote.s32 @!p0 $0x1  }
0xba: {  	s26 =	simm.s32 $execute0_lowered;
	[smem:$0x3FD2] =	sst s25  }
0xbb: {  	s6 =	sshll.u32 s26, $0x1;
	_ =	strace $0x80000049;
	[dreg:$0x1] =	wrdreg $0xFFFFFFFF  }
0xbc: {  	s28 =	simm.s32 $_size_execute0_lowered;
	s4 =	sadd.s32 s4, s6;
	[dreg:$0x0] =	wrdreg $0x0  }
0xbd: {  	s6 =	sshll.u32 s28, $0x1;
	[dreg:$0x2] =	wrdreg s4  }
0xbe: {  	[dreg:$0x3] =	wrdreg s6  }
0xbf: {  	[dreg:$0x4] =	wrdreg $0xC0  }
0xc0: {  	_ =	task [dreg:s22], $0x5FFFF  }
0xc1: {  	[dreg:$0x1] =	wrdreg $0xFFFFFFFF  }
0xc2: {  	[dreg:$0x0] =	wrdreg $0x60  }
0xc3: {  	[dreg:$0x2] =	wrdreg s17  }
0xc4: {  	[dreg:$0x3] =	wrdreg s24  }
0xc5: {  	[dreg:$0x4] =	wrdreg $0xC  }
0xc6: {  	_ =	task.clear_ibuf [dreg:s22], $0x5FFFF;
	_ =	strace $0x90000049  }
0xc7: {  	s29 =	simm.s32 $0xC;
	_ =	strace $0x8000004B  }
0xc8: {  	_ =	swait.ge [sflag:s29], $0x1  }
0xc9: {  	[sflag:s29] =	ssyncadd.s32 $0xFFFFFFFF  }
0xca: {  	_ =	strace $0x9000004B  }
0xcb: {  	_ =	sfence  }
0xcc: {  	s30 =	sld [smem:$0x0];
	_ =	sdelay $0x2  }
0xcd: {  	s31 =	sshll.u32 s1, $0xD;
	s1 =	sshrl.u32 s1, $0x2  }
0xce: {  	s4 =	sand.u32 $0x4000, s31;
	s1 =	sadd.s32 s1, s30  }
0xcf: {  	s0 =	sor.u32 s4, s0;
	s1 =	sshll.u32 s1, $0x11  }
0xd0: {  	s0 =	sor.u32 s1, s0  }
0xd1: {  	s0 =	sadd.s32 $0x8F2B, s0  }
0xd2: {  	[sflag:s0] =	ssyncadd.remote.s32 $0x1  }
0xd3: {  	_ =	sfence.sel $0xFFFF  }
0xd4: {  	[dreg:$0x0] =	wrdreg $0xFFFFFFFF;
	(pc) =	sbr.abs _section_cstart, $3  }
0xd5: {  	[dreg:$0x1] =	wrdreg $0xFFFFFFFF  }
0xd6: {  	_ =	task.clear_ibuf [dreg:s22], $0x2FFFF;
	_ =	strace $0x9FFFFFFF  }
0xd7: {  	(tm) =	ssettm $0x7FFFFFFF  }
tec
execute0_lowered:
.L_overlay_start_1:
0x0: {  	(tag) =	ssettag $0x1  }
0x1: {  	s1 =	rddreg [dreg:$0x0]  }
0x2: {  	s5 =	rddreg [dreg:$0x1];
	s2 =	simm.s32 $0x0  }
0x3: {  	s6 =	srdreg.scid;
	s0 =	stileid.u32;
	s16 =	simm.s32 $0x8100  }
0x4: {  	s17 =	simm.s32 $0x1;
	s18 =	simm.s32 $0x3;
	s19 =	simm.s32 $0x6  }
0x5: {  	s20 =	simm.s32 $0x0;
	[smem:$0x7FF] =	sst s2;
	s4 =	sadd.s32 $0xD200, s5  }
0x6: {  	s9 =	sadd.s32 $0x7200, s5;
	s10 =	sand.u32 $0x1, s6;
	s23 =	sshll.u32 s0, $0x1  }
0x7: {  	s11 =	sadd.s32 $0x228400, s5;
	s12 =	sadd.s32 $0x322400, s5;
	s14 =	sshll.u32 s0, $0x5  }
0x8: {  	s30 =	sshll.u32 s0, $0xC;
	p0 =	sgt.u32 s0, $0x9;
	_ =	strace $0x8000004A  }
0x9: {  	s7 =	ssub.s32 $0x2, s10;
	s6 =	sor.u32 s10, s23;
	s14 =	sadd.s32 s14, s9  }
0xa: {  	s15 =	sshll.u32 s10, $0x4;
	s31 =	sshll.u32 s10, $0xB;
	s24 =	sshrl.u32 s7, $0x1  }
0xb: {  	s8 =	sshll.u32 s6, $0x7;
	s25 =	sshll.u32 s6, $0x4;
	s29 =	sadd.s32 s15, s14  }
0xc: {  	s14 =	simm.s32 $0x80;
	s15 =	simm.s32 $0x100;
	s13 =	ssub.s32 s7, s24  }
0xd: {  	s26 =	sor.u32 $0xF000, s8;
	s3 =	sadd.s32 s9, s25;
	s10 =	sadd.s32 $0x400, s29  }
0xe: {  	[dreg:$0x3] =	wrdreg s3;
	s28 =	sshrl.u32 s26, $0x3;
	s8 =	sshll.u32 s26, $0x4  }
0xf: {  	s6 =	sadd.s32 s9, s28;
	s7 =	sadd.s32 s11, s8;
	s8 =	sadd.s32 s12, s8  }
0x10: {  	s9 =	smax.u32 s13, $0x1;
	s11 =	sadd.s32 s30, s11;
	s12 =	sadd.s32 s30, s12  }
0x11: {  	s13 =	simm.s32 $0x5;
	s11 =	sadd.s32 s31, s11;
	s12 =	sadd.s32 s31, s12  }
.LBB2_1:
0x12: {  	s0 =	rddreg [dreg:$0x3]  }
0x13: {  	[tilespmem:s2], [sflag:$0x5] =	stream.linear.gather [hbm4b:s0+s2], $0x80, $0x38;
	[tilespmem:$0x10100] =	vst v63  }
0x14: {  	_ =	swait.ge [sflag:s13], $0x80  }
0x15: {  	[sflag:s13] =	ssyncset.done $0x0  }
0x16: {  	p2 =	por $0x0, $0x0;
	[sflag:s13] =	ssyncadd.s32 $0xFFFFFF80  }
0x17: {  	[tilespmem:s15], [sflag:$0x1] =	stream.indirect.gather [hbm4b:s1+s14], $0x80, s2, s14, $0xb8;
	[tilespmem:$0x10100] =	vst v63  }
0x18: {  	s21 =	sadd.s32 @!p2 $0xFFFFFE00, s10  }
0x19: {  	[tilespmem:s16], [sflag:$0x3] =	stream.indirect.gather [hbm4b:s4+s14], $0x80, s2, s14, $0xb8;
	[tilespmem:$0x10100] =	vst v63  }
0x1a: {  	s22 =	simm.s32 @!p2 $0x0;
	s23 =	simm.s32 @!p2 $0x80;
	s24 =	simm.s32 @!p2 $0x6  }
0x1b: {  	[tilespmem:s23], [sflag:$0x6] =	stream.linear.gather @!p2 [hbm4b:s21+s22], $0x80, $0x38;
	[tilespmem:$0x10100] =	vst v63  }
0x1c: {  	_ =	swait.ge @!p2 [sflag:s24], $0x80  }
0x1d: {  	[sflag:s24] =	ssyncset.done @!p2 $0x0  }
0x1e: {  	p1 =	por p2, p2;
	s21 =	simm.s32 @!p2 $0x4100;
	[sflag:s24] =	ssyncadd.s32 @!p2 $0xFFFFFF80  }
0x1f: {  	[tilespmem:s21], [sflag:$0x2] =	stream.indirect.gather @!p1 [hbm4b:s1+s23], $0x80, s23, s23, $0xb8;
	[tilespmem:$0x10100] =	vst v63  }
0x20: {  	s25 =	simm.s32 @!p2 $0xC100  }
0x21: {  	[tilespmem:s25], [sflag:$0x4] =	stream.indirect.gather @!p1 [hbm4b:s4+s23], $0x80, s23, s23, $0xb8;
	[tilespmem:$0x10100] =	vst v63  }
0x22: {  	_ =	swait.ge [sflag:s17], $0x4000  }
0x23: {  	[sflag:s17] =	ssyncset.done $0x0  }
0x24: {  	[sflag:s17] =	ssyncadd.s32 $0xFFFFC000  }
0x25: {  	_ =	swait.ge [sflag:s18], $0x4000  }
0x26: {  	[sflag:s18] =	ssyncset.done $0x0  }
0x27: {  	s30 =	sadd.s32 $0x0, s11;
	[sflag:s18] =	ssyncadd.s32 $0xFFFFC000  }
0x28: {  	[hbm4b:s30+s2] =	stream.linear.scatter [tilespmem:s15], [sflag:$0x6], $0x4000, $0x38;
	[tilespmem:$0x10100] =	vst v63  }
0x29: {  	_ =	swait.ge [sflag:s19], $0x4000  }
0x2a: {  	[sflag:s19] =	ssyncset.done $0x0  }
0x2b: {  	s31 =	sadd.s32 $0x0, s12;
	[sflag:s19] =	ssyncadd.s32 $0xFFFFC000  }
0x2c: {  	[hbm4b:s31+s2] =	stream.linear.scatter [tilespmem:s16], [sflag:$0x6], $0x4000, $0x38;
	[tilespmem:$0x10100] =	vst v63  }
0x2d: {  	_ =	swait.ge [sflag:s19], $0x4000  }
0x2e: {  	p2 =	por $0x0, $0x0;
	[sflag:s19] =	ssyncset.done $0x0  }
0x2f: {  	s26 =	simm.s32 @!p2 $0x6;
	s23 =	simm.s32 @!p2 $0x0;
	[sflag:s19] =	ssyncadd.s32 $0xFFFFC000  }
0x30: {  	[tilespmem:s23], [sflag:$0x6] =	stream.linear.gather @!p2 [hbm4b:s10+s23], $0x80, $0x38;
	[tilespmem:$0x10100] =	vst v63  }
0x31: {  	_ =	swait.ge @!p2 [sflag:s26], $0x80  }
0x32: {  	[sflag:s26] =	ssyncset.done @!p2 $0x0  }
0x33: {  	s28 =	simm.s32 @!p2 $0x80;
	s29 =	simm.s32 @!p2 $0x100;
	[sflag:s26] =	ssyncadd.s32 @!p2 $0xFFFFFF80  }
0x34: {  	[tilespmem:s29], [sflag:$0x1] =	stream.indirect.gather @!p2 [hbm4b:s1+s28], $0x80, s23, s28, $0xb8;
	[tilespmem:$0x10100] =	vst v63  }
0x35: {  	s26 =	simm.s32 @!p2 $0x8100;
	s29 =	simm.s32 @!p1 $0x2  }
0x36: {  	[tilespmem:s26], [sflag:$0x3] =	stream.indirect.gather @!p2 [hbm4b:s4+s28], $0x80, s23, s28, $0xb8;
	[tilespmem:$0x10100] =	vst v63  }
0x37: {  	_ =	swait.ge @!p1 [sflag:s29], $0x4000  }
0x38: {  	[sflag:s29] =	ssyncset.done @!p1 $0x0  }
0x39: {  	s23 =	simm.s32 @!p1 $0x4;
	[sflag:s29] =	ssyncadd.s32 @!p1 $0xFFFFC000  }
0x3a: {  	_ =	swait.ge @!p1 [sflag:s23], $0x4000  }
0x3b: {  	s26 =	sadd.s32 @!p1 $0x0, s11;
	[sflag:s23] =	ssyncset.done @!p1 $0x0  }
0x3c: {  	s26 =	sadd.s32 @!p1 $0x10000, s26;
	[sflag:s23] =	ssyncadd.s32 @!p1 $0xFFFFC000  }
0x3d: {  	[hbm4b:s26+s22] =	stream.linear.scatter @!p1 [tilespmem:s21], [sflag:$0x6], $0x4000, $0x38;
	[tilespmem:$0x10100] =	vst v63  }
0x3e: {  	p3 =	por $0x0, $0x0;
	s28 =	simm.s32 @!p1 $0x5;
	_ =	swait.ge @!p1 [sflag:s24], $0x4000  }
0x3f: {  	s23 =	sadd.s32 @!p1 $0x0, s12;
	s21 =	simm.s32 $0x20000;
	[sflag:s24] =	ssyncset.done @!p1 $0x0  }
0x40: {  	s23 =	sadd.s32 @!p1 $0x10000, s23;
	[sflag:s24] =	ssyncadd.s32 @!p1 $0xFFFFC000;
	s24 =	simm.s32 $0x3  }
0x41: {  	[hbm4b:s23+s22] =	stream.linear.scatter @!p1 [tilespmem:s25], [sflag:$0x5], $0x4000, $0x38;
	[tilespmem:$0x10100] =	vst v63  }
0x42: {  	s23 =	simm.s32 $0x40000;
	s22 =	sadd.s32 $0x400, s10;
	_ =	swait.ge @!p1 [sflag:s28], $0x4000  }
.LBB2_2:
0x43: {  	s29 =	sadd.s32 @!p3 $0xFFFFFE00, s22;
	s25 =	simm.s32 @!p3 $0x0;
	[sflag:s28] =	ssyncset.done @!p1 $0x0  }
0x44: {  	s31 =	simm.s32 @!p3 $0x80;
	s26 =	simm.s32 @!p3 $0x6;
	[sflag:s28] =	ssyncadd.s32 @!p1 $0xFFFFC000  }
0x45: {  	[tilespmem:s31], [sflag:$0x6] =	stream.linear.gather @!p3 [hbm4b:s29+s25], $0x80, $0x38;
	[tilespmem:$0x10100] =	vst v63  }
0x46: {  	s28 =	smov.u32 s23;
	s23 =	sadd.s32 $0x20000, s23;
	_ =	swait.ge @!p3 [sflag:s26], $0x80  }
0x47: {  	s30 =	simm.s32 @!p3 $0x4100;
	p2 =	sne.s32 s23, $0x100000;
	[sflag:s26] =	ssyncset.done @!p3 $0x0  }
0x48: {  	p1 =	por p3, p3;
	s29 =	simm.s32 @!p3 $0xC100;
	[sflag:s26] =	ssyncadd.s32 @!p3 $0xFFFFFF80  }
0x49: {  	[tilespmem:s30], [sflag:$0x2] =	stream.indirect.gather @!p1 [hbm4b:s1+s31], $0x80, s31, s31, $0xb8;
	[tilespmem:$0x10100] =	vst v63  }
0x4a: {  	_ = 	snop  }
0x4b: {  	[tilespmem:s29], [sflag:$0x4] =	stream.indirect.gather @!p1 [hbm4b:s4+s31], $0x80, s31, s31, $0xb8;
	[tilespmem:$0x10100] =	vst v63  }
0x4c: {  	_ =	swait.ge [sflag:s17], $0x4000  }
0x4d: {  	[sflag:s17] =	ssyncset.done $0x0  }
0x4e: {  	[sflag:s17] =	ssyncadd.s32 $0xFFFFC000  }
0x4f: {  	_ =	swait.ge [sflag:s18], $0x4000  }
0x50: {  	s31 =	sadd.s32 s21, s11;
	[sflag:s18] =	ssyncset.done $0x0  }
0x51: {  	[sflag:s18] =	ssyncadd.s32 $0xFFFFC000  }
0x52: {  	[hbm4b:s31+s2] =	stream.linear.scatter [tilespmem:s15], [sflag:$0x6], $0x4000, $0x38;
	[tilespmem:$0x10100] =	vst v63  }
0x53: {  	_ =	swait.ge [sflag:s19], $0x4000  }
0x54: {  	s31 =	sadd.s32 s21, s12;
	[sflag:s19] =	ssyncset.done $0x0  }
0x55: {  	[sflag:s19] =	ssyncadd.s32 $0xFFFFC000  }
0x56: {  	[hbm4b:s31+s2] =	stream.linear.scatter [tilespmem:s16], [sflag:$0x6], $0x4000, $0x38;
	[tilespmem:$0x10100] =	vst v63  }
0x57: {  	p3 =	seq.s32 s21, $0xE0000;
	_ =	swait.ge [sflag:s19], $0x4000  }
0x58: {  	s31 =	simm.s32 @!p3 $0x0;
	[sflag:s19] =	ssyncset.done $0x0  }
0x59: {  	s0 =	simm.s32 @!p3 $0x6;
	[sflag:s19] =	ssyncadd.s32 $0xFFFFC000  }
0x5a: {  	[tilespmem:s31], [sflag:$0x6] =	stream.linear.gather @!p3 [hbm4b:s22+s31], $0x80, $0x38;
	[tilespmem:$0x10100] =	vst v63  }
0x5b: {  	_ =	swait.ge @!p3 [sflag:s0], $0x80  }
0x5c: {  	s3 =	simm.s32 @!p3 $0x80;
	s5 =	simm.s32 @!p3 $0x100;
	[sflag:s0] =	ssyncset.done @!p3 $0x0  }
0x5d: {  	[sflag:s0] =	ssyncadd.s32 @!p3 $0xFFFFFF80;
	s0 =	simm.s32 @!p3 $0x8100  }
0x5e: {  	[tilespmem:s5], [sflag:$0x1] =	stream.indirect.gather @!p3 [hbm4b:s1+s3], $0x80, s31, s3, $0xb8;
	[tilespmem:$0x10100] =	vst v63  }
0x5f: {  	s5 =	simm.s32 @!p1 $0x2  }
0x60: {  	[tilespmem:s0], [sflag:$0x3] =	stream.indirect.gather @!p3 [hbm4b:s4+s3], $0x80, s31, s3, $0xb8;
	[tilespmem:$0x10100] =	vst v63  }
0x61: {  	_ =	swait.ge @!p1 [sflag:s5], $0x4000  }
0x62: {  	s0 =	simm.s32 @!p1 $0x4;
	[sflag:s5] =	ssyncset.done @!p1 $0x0  }
0x63: {  	[sflag:s5] =	ssyncadd.s32 @!p1 $0xFFFFC000  }
0x64: {  	s3 =	sadd.s32 @!p1 s21, s11;
	_ =	swait.ge @!p1 [sflag:s0], $0x4000  }
0x65: {  	s3 =	sadd.s32 @!p1 $0x10000, s3;
	[sflag:s0] =	ssyncset.done @!p1 $0x0  }
0x66: {  	[sflag:s0] =	ssyncadd.s32 @!p1 $0xFFFFC000  }
0x67: {  	[hbm4b:s3+s25] =	stream.linear.scatter @!p1 [tilespmem:s30], [sflag:$0x6], $0x4000, $0x38;
	[tilespmem:$0x10100] =	vst v63  }
.Ltmp0:
0x68: {  	s0 =	sadd.s32 @!p1 s21, s12;
	_ =	swait.ge @!p1 [sflag:s26], $0x4000;
	(pc) =	sbr.rel @p2 .LBB2_2-.Ltmp0, $4  }
0x69: {  	s21 =	smov.u32 s28;
	s0 =	sadd.s32 @!p1 $0x10000, s0;
	[sflag:s26] =	ssyncset.done @!p1 $0x0  }
0x6a: {  	s24 =	sadd.s32 $0x2, s24;
	s28 =	simm.s32 @!p1 $0x5;
	[sflag:s26] =	ssyncadd.s32 @!p1 $0xFFFFC000  }
0x6b: {  	[hbm4b:s0+s25] =	stream.linear.scatter @!p1 [tilespmem:s29], [sflag:$0x5], $0x4000, $0x38;
	[tilespmem:$0x10100] =	vst v63  }
0x6c: {  	s22 =	sadd.s32 $0x400, s22;
	p3 =	sgt.u32 s24, $0xE;
	_ =	swait.ge @!p1 [sflag:s28], $0x4000  }
0x6d: {  	s0 =	sadd.s32 @!p3 $0xFFFFFE00, s22;
	s3 =	simm.s32 @!p3 $0x0;
	[sflag:s28] =	ssyncset.done @!p1 $0x0  }
0x6e: {  	s5 =	simm.s32 @!p3 $0x80;
	s23 =	simm.s32 @!p3 $0x6;
	[sflag:s28] =	ssyncadd.s32 @!p1 $0xFFFFC000  }
0x6f: {  	[tilespmem:s5], [sflag:$0x6] =	stream.linear.gather @!p3 [hbm4b:s0+s3], $0x80, $0x38;
	[tilespmem:$0x10100] =	vst v63  }
0x70: {  	_ =	swait.ge @!p3 [sflag:s23], $0x80  }
0x71: {  	[sflag:s23] =	ssyncset.done @!p3 $0x0  }
0x72: {  	p1 =	por p3, p3;
	s0 =	simm.s32 @!p3 $0x4100;
	[sflag:s23] =	ssyncadd.s32 @!p3 $0xFFFFFF80  }
0x73: {  	[tilespmem:s0], [sflag:$0x2] =	stream.indirect.gather @!p1 [hbm4b:s1+s5], $0x80, s5, s5, $0xb8;
	[tilespmem:$0x10100] =	vst v63  }
0x74: {  	s24 =	simm.s32 @!p3 $0xC100  }
0x75: {  	[tilespmem:s24], [sflag:$0x4] =	stream.indirect.gather @!p1 [hbm4b:s4+s5], $0x80, s5, s5, $0xb8;
	[tilespmem:$0x10100] =	vst v63  }
0x76: {  	_ =	swait.ge [sflag:s17], $0x4000  }
0x77: {  	[sflag:s17] =	ssyncset.done $0x0  }
0x78: {  	[sflag:s17] =	ssyncadd.s32 $0xFFFFC000  }
0x79: {  	_ =	swait.ge [sflag:s18], $0x4000  }
0x7a: {  	[sflag:s18] =	ssyncset.done $0x0  }
0x7b: {  	s30 =	sadd.s32 s21, s11;
	[sflag:s18] =	ssyncadd.s32 $0xFFFFC000  }
0x7c: {  	[hbm4b:s30+s2] =	stream.linear.scatter [tilespmem:s15], [sflag:$0x6], $0x4000, $0x38;
	[tilespmem:$0x10100] =	vst v63  }
0x7d: {  	_ =	swait.ge [sflag:s19], $0x4000  }
0x7e: {  	[sflag:s19] =	ssyncset.done $0x0  }
0x7f: {  	s31 =	sadd.s32 s21, s12;
	[sflag:s19] =	ssyncadd.s32 $0xFFFFC000  }
0x80: {  	[hbm4b:s31+s2] =	stream.linear.scatter [tilespmem:s16], [sflag:$0x6], $0x4000, $0x38;
	[tilespmem:$0x10100] =	vst v63  }
0x81: {  	_ =	swait.ge [sflag:s19], $0x4000  }
0x82: {  	p2 =	seq.s32 s21, $0xE0000;
	[sflag:s19] =	ssyncset.done $0x0  }
0x83: {  	s25 =	simm.s32 @!p2 $0x6;
	s5 =	simm.s32 @!p2 $0x0;
	[sflag:s19] =	ssyncadd.s32 $0xFFFFC000  }
0x84: {  	[tilespmem:s5], [sflag:$0x6] =	stream.linear.gather @!p2 [hbm4b:s22+s5], $0x80, $0x38;
	[tilespmem:$0x10100] =	vst v63  }
0x85: {  	_ =	swait.ge @!p2 [sflag:s25], $0x80  }
0x86: {  	[sflag:s25] =	ssyncset.done @!p2 $0x0  }
0x87: {  	s26 =	simm.s32 @!p2 $0x100;
	s22 =	simm.s32 @!p2 $0x80;
	[sflag:s25] =	ssyncadd.s32 @!p2 $0xFFFFFF80  }
0x88: {  	[tilespmem:s26], [sflag:$0x1] =	stream.indirect.gather @!p2 [hbm4b:s1+s22], $0x80, s5, s22, $0xb8;
	[tilespmem:$0x10100] =	vst v63  }
0x89: {  	s25 =	simm.s32 @!p2 $0x8100;
	s26 =	simm.s32 @!p1 $0x2  }
0x8a: {  	[tilespmem:s25], [sflag:$0x3] =	stream.indirect.gather @!p2 [hbm4b:s4+s22], $0x80, s5, s22, $0xb8;
	[tilespmem:$0x10100] =	vst v63  }
0x8b: {  	_ =	swait.ge @!p1 [sflag:s26], $0x4000  }
0x8c: {  	[sflag:s26] =	ssyncset.done @!p1 $0x0  }
0x8d: {  	s5 =	simm.s32 @!p1 $0x4;
	[sflag:s26] =	ssyncadd.s32 @!p1 $0xFFFFC000  }
0x8e: {  	_ =	swait.ge @!p1 [sflag:s5], $0x4000  }
0x8f: {  	s22 =	sadd.s32 @!p1 s21, s11;
	[sflag:s5] =	ssyncset.done @!p1 $0x0  }
0x90: {  	s22 =	sadd.s32 @!p1 $0x10000, s22;
	[sflag:s5] =	ssyncadd.s32 @!p1 $0xFFFFC000  }
0x91: {  	[hbm4b:s22+s3] =	stream.linear.scatter @!p1 [tilespmem:s0], [sflag:$0x6], $0x4000, $0x38;
	[tilespmem:$0x10100] =	vst v63  }
0x92: {  	_ =	swait.ge @!p1 [sflag:s23], $0x4000  }
0x93: {  	s0 =	sadd.s32 @!p1 s21, s12;
	[sflag:s23] =	ssyncset.done @!p1 $0x0  }
0x94: {  	s5 =	simm.s32 @!p1 $0x5;
	s0 =	sadd.s32 @!p1 $0x10000, s0;
	[sflag:s23] =	ssyncadd.s32 @!p1 $0xFFFFC000  }
0x95: {  	[hbm4b:s0+s3] =	stream.linear.scatter @!p1 [tilespmem:s24], [sflag:$0x5], $0x4000, $0x38;
	[tilespmem:$0x10100] =	vst v63  }
0x96: {  	_ =	swait.ge @!p1 [sflag:s5], $0x4000  }
0x97: {  	[sflag:s5] =	ssyncset.done @!p1 $0x0  }
0x98: {  	s0 =	simm.s32 @!p0 $0x0;
	s3 =	simm.s32 @!p0 $0x5;
	[sflag:s5] =	ssyncadd.s32 @!p1 $0xFFFFC000  }
0x99: {  	[tilespmem:s0], [sflag:$0x5] =	stream.linear.gather @!p0 [hbm4b:s6+s0], $0x80, $0x38;
	[tilespmem:$0x10100] =	vst v63  }
0x9a: {  	_ =	swait.ge @!p0 [sflag:s3], $0x80  }
0x9b: {  	[sflag:s3] =	ssyncset.done @!p0 $0x0  }
0x9c: {  	s21 =	simm.s32 @!p0 $0x100;
	s5 =	simm.s32 @!p0 $0x80;
	[sflag:s3] =	ssyncadd.s32 @!p0 $0xFFFFFF80  }
0x9d: {  	[tilespmem:s21], [sflag:$0x1] =	stream.indirect.gather @!p0 [hbm4b:s1+s5], $0x80, s0, s5, $0xb8;
	[tilespmem:$0x10100] =	vst v63  }
0x9e: {  	s22 =	simm.s32 @!p0 $0x8100  }
0x9f: {  	[tilespmem:s22], [sflag:$0x3] =	stream.indirect.gather @!p0 [hbm4b:s4+s5], $0x80, s0, s5, $0xb8;
	[tilespmem:$0x10100] =	vst v63  }
0xa0: {  	s5 =	simm.s32 @!p0 $0x1  }
0xa1: {  	_ =	swait.ge @!p0 [sflag:s5], $0x4000  }
0xa2: {  	[sflag:s5] =	ssyncset.done @!p0 $0x0  }
0xa3: {  	[sflag:s5] =	ssyncadd.s32 @!p0 $0xFFFFC000;
	s5 =	simm.s32 @!p0 $0x3  }
0xa4: {  	_ =	swait.ge @!p0 [sflag:s5], $0x4000  }
0xa5: {  	[sflag:s5] =	ssyncset.done @!p0 $0x0  }
0xa6: {  	[sflag:s5] =	ssyncadd.s32 @!p0 $0xFFFFC000  }
0xa7: {  	[hbm4b:s7+s0] =	stream.linear.scatter @!p0 [tilespmem:s21], [sflag:$0x5], $0x4000, $0x38;
	[tilespmem:$0x10100] =	vst v63  }
0xa8: {  	s20 =	sadd.s32 $0x1, s20;
	_ =	swait.ge @!p0 [sflag:s3], $0x4000  }
0xa9: {  	p1 =	sne.s32 s20, s9;
	[sflag:s3] =	ssyncset.done @!p0 $0x0  }
.Ltmp1:
0xaa: {  	[sflag:s3] =	ssyncadd.s32 @!p0 $0xFFFFC000;
	(pc) =	sbr.rel @p1 .LBB2_1-.Ltmp1, $4  }
0xab: {  	[hbm4b:s8+s0] =	stream.linear.scatter @!p0 [tilespmem:s22], [sflag:$0x5], $0x4000, $0x38;
	[tilespmem:$0x10100] =	vst v63  }
0xac: {  	_ =	swait.ge @!p0 [sflag:s3], $0x4000  }
0xad: {  	[sflag:s3] =	ssyncset.done @!p0 $0x0  }
0xae: {  	[sflag:s3] =	ssyncadd.s32 @!p0 $0xFFFFC000  }
0xaf: {  	_ =	sfence.sel $0x180000  }
0xb0: {  	[bflag:$0x0] =	sbarrier.arrive $0xFFFF  }
0xb1: {  	_ =	strace $0x9000004A  }
0xb2: {  	s0 =	stileid.u32;
	[bflag:$0x2] =	sbarrier.arrive $0xFFFF  }
0xb3: {  	p0 =	sne.s32 s0, $0x0;
	s0 =	rddreg [dreg:$0x2]  }
0xb4: {  	s0 =	sadd.s32 @!p0 $0x100000, s0  }
0xb5: {  	[sflag:s0] =	ssyncadd.tile.s32 @!p0 $0x1;
	_ =	shalt  }
.Lfunc_end2:
_tile_overlayer_lowered:
.L_overlay_start_2:
0xb6: {  	(tag) =	ssettag $0x2  }
0xb7: {  	s0 =	rddreg [dreg:$0x0];
	s2 =	stileid.u32  }
0xb8: {  	s1 =	rddreg [dreg:$0x1];
	p0 =	sne.s32 s2, $0x0  }
0xb9: {  	s3 =	rddreg [dreg:$0x2];
	[bflag:$0x3] =	sbarrier.arrive $0xFFFF;
	s2 =	simm.s32 @!p0 $0x1C05  }
0xba: {  	[timem:s3], [sflag:s2] =	dma.local @!p0 [hbm:s0], s1  }
0xbb: {  	s0 =	simm.s32 @!p0 $0x5  }
0xbc: {  	_ =	swait.ge @!p0 [sflag:s0], s1  }
0xbd: {  	s1 =	ssub.s32 @!p0 $0x0, s1;
	[sflag:s0] =	ssyncset.done @!p0 $0x0  }
0xbe: {  	[sflag:s0] =	ssyncadd.s32 @!p0 s1  }
0xbf: {  	[bflag:$0x3] =	sbarrier.arrive $0xFFFF  }
0xc0: {  	_ =	shalt  }

// kernel: kernel.26.cloned.1.call-start
scs
__scs_entry_jumppad:
0x0: {  	(pc) =	sbr.rel $0x88, $3  }
0x1: {  	(tag) =	ssettag $0x0;
	lr =	simm.s32 $0x1  }
0x2: {  	[smem:$0x3F93] =	sst lr;
	_ =	strace $0xD0000000  }
0x3: {  	_ = 	snop  }
0x4: {  	_ = 	snop  }
0x5: {  	_ = 	snop  }
0x6: {  	_ = 	snop  }
0x7: {  	_ = 	snop  }
__scs_overlays_trampoline_lowered:
0x8: {  	[smem:$0x3FA2] =	sst s0  }
0x9: {  	[smem:$0x3FA3] =	sst s1  }
0xa: {  	[smem:$0x3FA4] =	sst s2  }
0xb: {  	[smem:$0x3FA5] =	sst s3  }
0xc: {  	[smem:$0x3FA6] =	sst s4  }
0xd: {  	[smem:$0x3FA7] =	sst s5  }
0xe: {  	[smem:$0x3FA8] =	sst s6  }
0xf: {  	[smem:$0x3FA9] =	sst s7  }
0x10: {  	[smem:$0x3FAA] =	sst s8  }
0x11: {  	[smem:$0x3FAB] =	sst s9;
	s0 =	simm.s32 @!p0 $0x0  }
0x12: {  	s1 =	sld [smem:$0x3F91];
	s0 =	simm.s32 @p0 $0x1  }
0x13: {  	[smem:$0x3FAC] =	sst s0;
	s0 =	simm.s32 @!p1 $0x0  }
0x14: {  	s2 =	sld [smem:$0x3F90];
	s0 =	simm.s32 @p1 $0x1  }
0x15: {  	[smem:$0x3FAD] =	sst s0;
	s0 =	simm.s32 @!p2 $0x0  }
0x16: {  	s3 =	sld [smem:$0x3FDB];
	s0 =	simm.s32 @p2 $0x1  }
0x17: {  	s4 =	simm.s32 $0x1BF5;
	[smem:$0x3FAF] =	sst s0  }
0x18: {  	s0 =	sld [smem:$0x3F92];
	_ =	swait.ge [sflag:s4], $0x0  }
0x19: {  	s7 =	sld [smem:$0x3F93]  }
0x1a: {  	s8 =	sadd.s32 $0xFFFFE003, lr  }
0x1b: {  	s9 =	sadd.s32 $0xFFFFFEF7, lr;
	s5 =	simm.s32 $0xFFFFFFFF;
	p2 =	slt.u32 s8, $0xFFFFF086  }
0x1c: {  	p1 =	slt.u32 s9, $0xF7A;
	s5 =	simm.s32 @!p2 $0x0  }
0x1d: {  	s5 =	simm.s32 @p1 $0x1;
	p0 =	seq.s32 s7, s2  }
0x1e: {  	s7 =	smul.u32 @!p0 $0xF7A, s2;
	p2 =	seq.s32 @!p0 s5, $0x0  }
0x1f: {  	s9 =	smul.u32 $0xF7A, s1;
	s8 =	simm.s32 @!p0 $0x1BF5;
	p2 =	por !p2, p0  }
0x20: {  	[sflag:s8] =	ssyncset.s32 @!p0 $0xFFFFF086;
	s6 =	sadd.s32 @!p0 s3, s7;
	s7 =	simm.s32 @!p0 $0x108  }
0x21: {  	s3 =	sadd.s32 s3, s9;
	s6 =	sadd.s32 @!p0 $0x88, s6;
	s7 =	simm.s32 @p2 $0x1082  }
0x22: {  	[simem:s7], [sflag:s8] =	dma.local @!p0 [hbm:s6], $0xF7A  }
0x23: {  	s9 =	sor.u32 $0xD0000000, s2;
	s6 =	simm.s32 $0x108;
	_ =	swait.ge @!p0 [sflag:s8], $0x0  }
0x24: {  	s3 =	sadd.s32 $0x88, s3;
	s6 =	simm.s32 @!p1 $0x1082;
	[sflag:s4] =	ssyncset.s32 $0xFFFFF086  }
0x25: {  	[simem:s6], [sflag:s4] =	dma.local [hbm:s3], $0xF7A  }
0x26: {  	[smem:$0x3F93] =	sst s1;
	(tag) =	ssettag s2;
	_ =	strace s9  }
0x27: {  	s1 =	sld [smem:$0x3FA3]  }
0x28: {  	s2 =	sld [smem:$0x3FA4]  }
0x29: {  	s4 =	sld [smem:$0x3FA6]  }
0x2a: {  	p0 =	seq.s32 s5, $0x0;
	s5 =	sld [smem:$0x3FA7]  }
0x2b: {  	s6 =	sld [smem:$0x3FA8]  }
0x2c: {  	s7 =	sld [smem:$0x3FA9]  }
0x2d: {  	s3 =	simm.s32 $0x108;
	s8 =	sld [smem:$0x3FAA]  }
0x2e: {  	s3 =	simm.s32 @!p0 $0x1082;
	s9 =	sld [smem:$0x3FAB]  }
0x2f: {  	lr =	sadd.s32 s0, s3;
	s0 =	sld [smem:$0x3FA2]  }
0x30: {  	s3 =	sld [smem:$0x3FA5]  }
0x31: {  	[smem:$0x3FAE] =	sst s10  }
0x32: {  	s10 =	sld [smem:$0x3FAC];
	_ =	sdelay $0x3  }
0x33: {  	p0 =	seq.s32 s10, $0x1;
	s10 =	sld [smem:$0x3FAE];
	_ =	sdelay $0x3  }
0x34: {  	[smem:$0x3FAE] =	sst s10  }
0x35: {  	s10 =	sld [smem:$0x3FAD];
	_ =	sdelay $0x3  }
0x36: {  	p1 =	seq.s32 s10, $0x1;
	s10 =	sld [smem:$0x3FAE];
	_ =	sdelay $0x3  }
0x37: {  	[smem:$0x3FAE] =	sst s10  }
0x38: {  	s10 =	sld [smem:$0x3FAF]  }
0x39: {  	_ = 	snop;
	(pc) =	sbr.ind lr, $3  }
0x3a: {  	_ = 	snop  }
0x3b: {  	_ = 	snop  }
0x3c: {  	p2 =	seq.s32 s10, $0x1;
	s10 =	sld [smem:$0x3FAE]  }
0x3d: {  	_ =	shalt  }
0x3e: {  	_ =	shalt  }
0x3f: {  	_ =	shalt  }
0x40: {  	_ =	shalt  }
0x41: {  	_ =	shalt  }
0x42: {  	_ =	shalt  }
0x43: {  	_ =	shalt  }
0x44: {  	_ =	shalt  }
0x45: {  	_ =	shalt  }
0x46: {  	_ =	shalt  }
0x47: {  	_ =	shalt  }
0x48: {  	_ =	shalt  }
0x49: {  	_ =	shalt  }
0x4a: {  	_ =	shalt  }
0x4b: {  	_ =	shalt  }
0x4c: {  	_ =	shalt  }
0x4d: {  	_ =	shalt  }
0x4e: {  	_ =	shalt  }
0x4f: {  	_ =	shalt  }
0x50: {  	_ =	shalt  }
0x51: {  	_ =	shalt  }
0x52: {  	_ =	shalt  }
0x53: {  	_ =	shalt  }
0x54: {  	_ =	shalt  }
0x55: {  	_ =	shalt  }
0x56: {  	_ =	shalt  }
0x57: {  	_ =	shalt  }
0x58: {  	_ =	shalt  }
0x59: {  	_ =	shalt  }
0x5a: {  	_ =	shalt  }
0x5b: {  	_ =	shalt  }
0x5c: {  	_ =	shalt  }
0x5d: {  	_ =	shalt  }
0x5e: {  	_ =	shalt  }
0x5f: {  	_ =	shalt  }
0x60: {  	_ =	shalt  }
0x61: {  	_ =	shalt  }
0x62: {  	_ =	shalt  }
0x63: {  	_ =	shalt  }
0x64: {  	_ =	shalt  }
0x65: {  	_ =	shalt  }
0x66: {  	_ =	shalt  }
0x67: {  	_ =	shalt  }
0x68: {  	_ =	shalt  }
0x69: {  	_ =	shalt  }
0x6a: {  	_ =	shalt  }
0x6b: {  	_ =	shalt  }
0x6c: {  	_ =	shalt  }
0x6d: {  	_ =	shalt  }
0x6e: {  	_ =	shalt  }
0x6f: {  	_ =	shalt  }
0x70: {  	_ =	shalt  }
0x71: {  	_ =	shalt  }
0x72: {  	_ =	shalt  }
0x73: {  	_ =	shalt  }
0x74: {  	_ =	shalt  }
0x75: {  	_ =	shalt  }
0x76: {  	_ =	shalt  }
0x77: {  	_ =	shalt  }
0x78: {  	_ =	shalt  }
0x79: {  	_ =	shalt  }
0x7a: {  	_ =	shalt  }
0x7b: {  	_ =	shalt  }
0x7c: {  	_ =	shalt  }
0x7d: {  	_ =	shalt  }
0x7e: {  	_ =	shalt  }
0x7f: {  	_ =	shalt  }
0x80: {  	_ =	shalt  }
0x81: {  	_ =	shalt  }
0x82: {  	_ =	shalt  }
0x83: {  	_ =	shalt  }
0x84: {  	_ =	shalt  }
0x85: {  	_ =	shalt  }
0x86: {  	_ =	shalt  }
0x87: {  	_ =	shalt  }
.Lfunc_end0:
.L_simem_size_0:
called_computation.4_lowered:
.L_overlay_start_0:
0x88: {  	s2 =	sld [smem:$0x3FD9]  }
0x89: {  	s3 =	sld [smem:$0x3FFE];
	_ =	sdelay $0x1  }
0x8a: {  	s1 =	srdreg.scid  }
0x8b: {  	s0 =	sand.u32 $0x1, s1  }
0x8c: {  	s14 =	sshll.u32 s0, $0xA;
	s2 =	sadd.s32 s3, s2  }
0x8d: {  	s2 =	sadd.s32 s2, s14  }
0x8e: {  	[smem:$0x3FBA] =	sst s2  }
0x8f: {  	_ = 	snop  }
0x90: {  	s2 =	sld [smem:$0x3FD0];
	_ =	sdelay $0x2  }
0x91: {  	s15 =	simm.s32 $0xE;
	s4 =	simm.s32 $0x10  }
0x92: {  	[smem:s4], [sflag:s15] =	dma.local [hbm:s2], $0x1  }
0x93: {  	_ =	swait.eq [sflag:s15], $0x1  }
0x94: {  	[sflag:s15] =	ssyncset.done $0x0  }
0x95: {  	[sflag:s15] =	ssyncadd.s32 $0xFFFFFFFF  }
0x96: {  	s16 =	sld [smem:$0x11];
	(tm) =	ssettm $0x1  }
0x97: {  	s17 =	sld [smem:$0x3FFB];
	_ =	sdelay $0x3  }
0x98: {  	_ =	strace s17  }
0x99: {  	s3 =	sld [smem:$0x3FFC];
	_ =	sdelay $0x3  }
0x9a: {  	_ =	strace s3  }
0x9b: {  	s3 =	sld [smem:$0x3FFD];
	_ =	sdelay $0x3  }
0x9c: {  	_ =	strace s3  }
0x9d: {  	_ =	strace $0x8FFFFFFF  }
0x9e: {  	s18 =	sld [smem:$0x3FDB];
	_ =	sdelay $0x1  }
0x9f: {  	s19 =	simm.s32 $_scs_section_size  }
0xa0: {  	s5 =	simm.s32 $_size__tile_overlayer_lowered;
	s6 =	simm.s32 $_tile_overlayer_lowered  }
0xa1: {  	s22 =	simm.s32 $0x1BFF;
	s21 =	sshll.u32 s6, $0x1;
	s3 =	sadd.s32 s19, s18  }
0xa2: {  	s7 =	simm.s32 $0x0;
	s20 =	sshll.u32 s5, $0x1;
	s5 =	sadd.s32 s21, s3  }
0xa3: {  	[timem:s7], [sflag:s22] =	dma.local [hbm:s5], s20  }
0xa4: {  	_ =	swait.ge [sflag:s22], s20  }
0xa5: {  	s4 =	ssub.s32 $0x0, s20;
	[sflag:s22] =	ssyncset.done $0x0  }
0xa6: {  	[sflag:s22] =	ssyncadd.s32 s4;
	_ =	sdelay $0x1  }
0xa7: {  	s23 =	simm.s32 $0x1B8B  }
0xa8: {  	_ =	swait.ge [sflag:s23], $0x1  }
0xa9: {  	[sflag:s23] =	ssyncset.done $0x0  }
0xaa: {  	s25 =	simm.s32 $0x1B8E;
	s24 =	sld [smem:$0x3FFE];
	[sflag:s23] =	ssyncadd.s32 $0xFFFFFFFF  }
0xab: {  	s26 =	simm.s32 $execute0_lowered;
	[smem:$0x3FD2] =	sst s25  }
0xac: {  	s5 =	sshll.u32 s26, $0x1;
	_ =	strace $0x80000046;
	[dreg:$0x1] =	wrdreg $0xFFFFFFFF  }
0xad: {  	s28 =	simm.s32 $_size_execute0_lowered;
	s3 =	sadd.s32 s3, s5;
	[dreg:$0x0] =	wrdreg $0x0  }
0xae: {  	s5 =	sshll.u32 s28, $0x1;
	[dreg:$0x2] =	wrdreg s3  }
0xaf: {  	[dreg:$0x3] =	wrdreg s5  }
0xb0: {  	[dreg:$0x4] =	wrdreg $0xC0  }
0xb1: {  	_ =	task [dreg:s7], $0x5FFFF  }
0xb2: {  	[dreg:$0x1] =	wrdreg $0xFFFFFFFF  }
0xb3: {  	[dreg:$0x0] =	wrdreg $0x60  }
0xb4: {  	[dreg:$0x2] =	wrdreg s16  }
0xb5: {  	[dreg:$0x3] =	wrdreg s24  }
0xb6: {  	[dreg:$0x4] =	wrdreg $0xD  }
0xb7: {  	_ =	task.clear_ibuf [dreg:s7], $0x5FFFF;
	_ =	strace $0x90000046  }
0xb8: {  	s29 =	simm.s32 $0xD;
	_ =	strace $0x80000048  }
0xb9: {  	_ =	swait.ge [sflag:s29], $0x1  }
0xba: {  	[sflag:s29] =	ssyncadd.s32 $0xFFFFFFFF  }
0xbb: {  	_ =	strace $0x90000048  }
0xbc: {  	_ =	sfence  }
0xbd: {  	s30 =	sld [smem:$0x0];
	_ =	sdelay $0x2  }
0xbe: {  	s31 =	sshll.u32 s1, $0xD;
	s1 =	sshrl.u32 s1, $0x2  }
0xbf: {  	s3 =	sand.u32 $0x4000, s31;
	s1 =	sadd.s32 s1, s30  }
0xc0: {  	s0 =	sor.u32 s3, s0;
	s1 =	sshll.u32 s1, $0x11  }
0xc1: {  	s0 =	sor.u32 s1, s0  }
0xc2: {  	s0 =	sadd.s32 $0x8F2B, s0  }
0xc3: {  	[sflag:s0] =	ssyncadd.remote.s32 $0x1  }
0xc4: {  	_ =	sfence.sel $0xFFFF  }
0xc5: {  	[dreg:$0x0] =	wrdreg $0xFFFFFFFF;
	(pc) =	sbr.abs _section_cstart, $3  }
0xc6: {  	[dreg:$0x1] =	wrdreg $0xFFFFFFFF  }
0xc7: {  	_ =	task.clear_ibuf [dreg:s7], $0x2FFFF;
	_ =	strace $0x9FFFFFFF  }
0xc8: {  	(tm) =	ssettm $0x7FFFFFFF  }
0xc9: {  	_ =	shalt  }
tec
execute0_lowered:
.L_overlay_start_1:
0x0: {  	(tag) =	ssettag $0x1  }
0x1: {  	s1 =	rddreg [dreg:$0x0]  }
0x2: {  	s5 =	rddreg [dreg:$0x1];
	s2 =	simm.s32 $0x0  }
0x3: {  	s6 =	srdreg.scid;
	s0 =	stileid.u32;
	s16 =	simm.s32 $0x8100  }
0x4: {  	s17 =	simm.s32 $0x1;
	s18 =	simm.s32 $0x3;
	s19 =	simm.s32 $0x6  }
0x5: {  	s20 =	simm.s32 $0x0;
	[smem:$0x7FF] =	sst s2;
	s4 =	sadd.s32 $0xD200, s5  }
0x6: {  	s9 =	sadd.s32 $0x5200, s5;
	s10 =	sand.u32 $0x1, s6;
	s23 =	sshll.u32 s0, $0x1  }
0x7: {  	s11 =	sadd.s32 $0x34400, s5;
	s12 =	sadd.s32 $0x12E400, s5;
	s14 =	sshll.u32 s0, $0x5  }
0x8: {  	s30 =	sshll.u32 s0, $0xC;
	p0 =	sgt.u32 s0, $0x9;
	_ =	strace $0x80000047  }
0x9: {  	s7 =	ssub.s32 $0x2, s10;
	s6 =	sor.u32 s10, s23;
	s14 =	sadd.s32 s14, s9  }
0xa: {  	s15 =	sshll.u32 s10, $0x4;
	s31 =	sshll.u32 s10, $0xB;
	s24 =	sshrl.u32 s7, $0x1  }
0xb: {  	s8 =	sshll.u32 s6, $0x7;
	s25 =	sshll.u32 s6, $0x4;
	s29 =	sadd.s32 s15, s14  }
0xc: {  	s14 =	simm.s32 $0x80;
	s15 =	simm.s32 $0x100;
	s13 =	ssub.s32 s7, s24  }
0xd: {  	s26 =	sor.u32 $0xF000, s8;
	s3 =	sadd.s32 s9, s25;
	s10 =	sadd.s32 $0x400, s29  }
0xe: {  	[dreg:$0x3] =	wrdreg s3;
	s28 =	sshrl.u32 s26, $0x3;
	s8 =	sshll.u32 s26, $0x4  }
0xf: {  	s6 =	sadd.s32 s9, s28;
	s7 =	sadd.s32 s11, s8;
	s8 =	sadd.s32 s12, s8  }
0x10: {  	s9 =	smax.u32 s13, $0x1;
	s11 =	sadd.s32 s30, s11;
	s12 =	sadd.s32 s30, s12  }
0x11: {  	s13 =	simm.s32 $0x5;
	s11 =	sadd.s32 s31, s11;
	s12 =	sadd.s32 s31, s12  }
.LBB2_1:
0x12: {  	s0 =	rddreg [dreg:$0x3]  }
0x13: {  	[tilespmem:s2], [sflag:$0x5] =	stream.linear.gather [hbm4b:s0+s2], $0x80, $0x38;
	[tilespmem:$0x10100] =	vst v63  }
0x14: {  	_ =	swait.ge [sflag:s13], $0x80  }
0x15: {  	[sflag:s13] =	ssyncset.done $0x0  }
0x16: {  	p2 =	por $0x0, $0x0;
	[sflag:s13] =	ssyncadd.s32 $0xFFFFFF80  }
0x17: {  	[tilespmem:s15], [sflag:$0x1] =	stream.indirect.gather [hbm4b:s1+s14], $0x80, s2, s14, $0xb8;
	[tilespmem:$0x10100] =	vst v63  }
0x18: {  	s21 =	sadd.s32 @!p2 $0xFFFFFE00, s10  }
0x19: {  	[tilespmem:s16], [sflag:$0x3] =	stream.indirect.gather [hbm4b:s4+s14], $0x80, s2, s14, $0xb8;
	[tilespmem:$0x10100] =	vst v63  }
0x1a: {  	s22 =	simm.s32 @!p2 $0x0;
	s23 =	simm.s32 @!p2 $0x80;
	s24 =	simm.s32 @!p2 $0x6  }
0x1b: {  	[tilespmem:s23], [sflag:$0x6] =	stream.linear.gather @!p2 [hbm4b:s21+s22], $0x80, $0x38;
	[tilespmem:$0x10100] =	vst v63  }
0x1c: {  	_ =	swait.ge @!p2 [sflag:s24], $0x80  }
0x1d: {  	[sflag:s24] =	ssyncset.done @!p2 $0x0  }
0x1e: {  	p1 =	por p2, p2;
	s21 =	simm.s32 @!p2 $0x4100;
	[sflag:s24] =	ssyncadd.s32 @!p2 $0xFFFFFF80  }
0x1f: {  	[tilespmem:s21], [sflag:$0x2] =	stream.indirect.gather @!p1 [hbm4b:s1+s23], $0x80, s23, s23, $0xb8;
	[tilespmem:$0x10100] =	vst v63  }
0x20: {  	s25 =	simm.s32 @!p2 $0xC100  }
0x21: {  	[tilespmem:s25], [sflag:$0x4] =	stream.indirect.gather @!p1 [hbm4b:s4+s23], $0x80, s23, s23, $0xb8;
	[tilespmem:$0x10100] =	vst v63  }
0x22: {  	_ =	swait.ge [sflag:s17], $0x4000  }
0x23: {  	[sflag:s17] =	ssyncset.done $0x0  }
0x24: {  	[sflag:s17] =	ssyncadd.s32 $0xFFFFC000  }
0x25: {  	_ =	swait.ge [sflag:s18], $0x4000  }
0x26: {  	[sflag:s18] =	ssyncset.done $0x0  }
0x27: {  	s30 =	sadd.s32 $0x0, s11;
	[sflag:s18] =	ssyncadd.s32 $0xFFFFC000  }
0x28: {  	[hbm4b:s30+s2] =	stream.linear.scatter [tilespmem:s15], [sflag:$0x6], $0x4000, $0x38;
	[tilespmem:$0x10100] =	vst v63  }
0x29: {  	_ =	swait.ge [sflag:s19], $0x4000  }
0x2a: {  	[sflag:s19] =	ssyncset.done $0x0  }
0x2b: {  	s31 =	sadd.s32 $0x0, s12;
	[sflag:s19] =	ssyncadd.s32 $0xFFFFC000  }
0x2c: {  	[hbm4b:s31+s2] =	stream.linear.scatter [tilespmem:s16], [sflag:$0x6], $0x4000, $0x38;
	[tilespmem:$0x10100] =	vst v63  }
0x2d: {  	_ =	swait.ge [sflag:s19], $0x4000  }
0x2e: {  	p2 =	por $0x0, $0x0;
	[sflag:s19] =	ssyncset.done $0x0  }
0x2f: {  	s26 =	simm.s32 @!p2 $0x6;
	s23 =	simm.s32 @!p2 $0x0;
	[sflag:s19] =	ssyncadd.s32 $0xFFFFC000  }
0x30: {  	[tilespmem:s23], [sflag:$0x6] =	stream.linear.gather @!p2 [hbm4b:s10+s23], $0x80, $0x38;
	[tilespmem:$0x10100] =	vst v63  }
0x31: {  	_ =	swait.ge @!p2 [sflag:s26], $0x80  }
0x32: {  	[sflag:s26] =	ssyncset.done @!p2 $0x0  }
0x33: {  	s28 =	simm.s32 @!p2 $0x80;
	s29 =	simm.s32 @!p2 $0x100;
	[sflag:s26] =	ssyncadd.s32 @!p2 $0xFFFFFF80  }
0x34: {  	[tilespmem:s29], [sflag:$0x1] =	stream.indirect.gather @!p2 [hbm4b:s1+s28], $0x80, s23, s28, $0xb8;
	[tilespmem:$0x10100] =	vst v63  }
0x35: {  	s26 =	simm.s32 @!p2 $0x8100;
	s29 =	simm.s32 @!p1 $0x2  }
0x36: {  	[tilespmem:s26], [sflag:$0x3] =	stream.indirect.gather @!p2 [hbm4b:s4+s28], $0x80, s23, s28, $0xb8;
	[tilespmem:$0x10100] =	vst v63  }
0x37: {  	_ =	swait.ge @!p1 [sflag:s29], $0x4000  }
0x38: {  	[sflag:s29] =	ssyncset.done @!p1 $0x0  }
0x39: {  	s23 =	simm.s32 @!p1 $0x4;
	[sflag:s29] =	ssyncadd.s32 @!p1 $0xFFFFC000  }
0x3a: {  	_ =	swait.ge @!p1 [sflag:s23], $0x4000  }
0x3b: {  	s26 =	sadd.s32 @!p1 $0x0, s11;
	[sflag:s23] =	ssyncset.done @!p1 $0x0  }
0x3c: {  	s26 =	sadd.s32 @!p1 $0x10000, s26;
	[sflag:s23] =	ssyncadd.s32 @!p1 $0xFFFFC000  }
0x3d: {  	[hbm4b:s26+s22] =	stream.linear.scatter @!p1 [tilespmem:s21], [sflag:$0x6], $0x4000, $0x38;
	[tilespmem:$0x10100] =	vst v63  }
0x3e: {  	p3 =	por $0x0, $0x0;
	s28 =	simm.s32 @!p1 $0x5;
	_ =	swait.ge @!p1 [sflag:s24], $0x4000  }
0x3f: {  	s23 =	sadd.s32 @!p1 $0x0, s12;
	s21 =	simm.s32 $0x20000;
	[sflag:s24] =	ssyncset.done @!p1 $0x0  }
0x40: {  	s23 =	sadd.s32 @!p1 $0x10000, s23;
	[sflag:s24] =	ssyncadd.s32 @!p1 $0xFFFFC000;
	s24 =	simm.s32 $0x3  }
0x41: {  	[hbm4b:s23+s22] =	stream.linear.scatter @!p1 [tilespmem:s25], [sflag:$0x5], $0x4000, $0x38;
	[tilespmem:$0x10100] =	vst v63  }
0x42: {  	s23 =	simm.s32 $0x40000;
	s22 =	sadd.s32 $0x400, s10;
	_ =	swait.ge @!p1 [sflag:s28], $0x4000  }
.LBB2_2:
0x43: {  	s29 =	sadd.s32 @!p3 $0xFFFFFE00, s22;
	s25 =	simm.s32 @!p3 $0x0;
	[sflag:s28] =	ssyncset.done @!p1 $0x0  }
0x44: {  	s31 =	simm.s32 @!p3 $0x80;
	s26 =	simm.s32 @!p3 $0x6;
	[sflag:s28] =	ssyncadd.s32 @!p1 $0xFFFFC000  }
0x45: {  	[tilespmem:s31], [sflag:$0x6] =	stream.linear.gather @!p3 [hbm4b:s29+s25], $0x80, $0x38;
	[tilespmem:$0x10100] =	vst v63  }
0x46: {  	s28 =	smov.u32 s23;
	s23 =	sadd.s32 $0x20000, s23;
	_ =	swait.ge @!p3 [sflag:s26], $0x80  }
0x47: {  	s30 =	simm.s32 @!p3 $0x4100;
	p2 =	sne.s32 s23, $0x100000;
	[sflag:s26] =	ssyncset.done @!p3 $0x0  }
0x48: {  	p1 =	por p3, p3;
	s29 =	simm.s32 @!p3 $0xC100;
	[sflag:s26] =	ssyncadd.s32 @!p3 $0xFFFFFF80  }
0x49: {  	[tilespmem:s30], [sflag:$0x2] =	stream.indirect.gather @!p1 [hbm4b:s1+s31], $0x80, s31, s31, $0xb8;
	[tilespmem:$0x10100] =	vst v63  }
0x4a: {  	_ = 	snop  }
0x4b: {  	[tilespmem:s29], [sflag:$0x4] =	stream.indirect.gather @!p1 [hbm4b:s4+s31], $0x80, s31, s31, $0xb8;
	[tilespmem:$0x10100] =	vst v63  }
0x4c: {  	_ =	swait.ge [sflag:s17], $0x4000  }
0x4d: {  	[sflag:s17] =	ssyncset.done $0x0  }
0x4e: {  	[sflag:s17] =	ssyncadd.s32 $0xFFFFC000  }
0x4f: {  	_ =	swait.ge [sflag:s18], $0x4000  }
0x50: {  	s31 =	sadd.s32 s21, s11;
	[sflag:s18] =	ssyncset.done $0x0  }
0x51: {  	[sflag:s18] =	ssyncadd.s32 $0xFFFFC000  }
0x52: {  	[hbm4b:s31+s2] =	stream.linear.scatter [tilespmem:s15], [sflag:$0x6], $0x4000, $0x38;
	[tilespmem:$0x10100] =	vst v63  }
0x53: {  	_ =	swait.ge [sflag:s19], $0x4000  }
0x54: {  	s31 =	sadd.s32 s21, s12;
	[sflag:s19] =	ssyncset.done $0x0  }
0x55: {  	[sflag:s19] =	ssyncadd.s32 $0xFFFFC000  }
0x56: {  	[hbm4b:s31+s2] =	stream.linear.scatter [tilespmem:s16], [sflag:$0x6], $0x4000, $0x38;
	[tilespmem:$0x10100] =	vst v63  }
0x57: {  	p3 =	seq.s32 s21, $0xE0000;
	_ =	swait.ge [sflag:s19], $0x4000  }
0x58: {  	s31 =	simm.s32 @!p3 $0x0;
	[sflag:s19] =	ssyncset.done $0x0  }
0x59: {  	s0 =	simm.s32 @!p3 $0x6;
	[sflag:s19] =	ssyncadd.s32 $0xFFFFC000  }
0x5a: {  	[tilespmem:s31], [sflag:$0x6] =	stream.linear.gather @!p3 [hbm4b:s22+s31], $0x80, $0x38;
	[tilespmem:$0x10100] =	vst v63  }
0x5b: {  	_ =	swait.ge @!p3 [sflag:s0], $0x80  }
0x5c: {  	s3 =	simm.s32 @!p3 $0x80;
	s5 =	simm.s32 @!p3 $0x100;
	[sflag:s0] =	ssyncset.done @!p3 $0x0  }
0x5d: {  	[sflag:s0] =	ssyncadd.s32 @!p3 $0xFFFFFF80;
	s0 =	simm.s32 @!p3 $0x8100  }
0x5e: {  	[tilespmem:s5], [sflag:$0x1] =	stream.indirect.gather @!p3 [hbm4b:s1+s3], $0x80, s31, s3, $0xb8;
	[tilespmem:$0x10100] =	vst v63  }
0x5f: {  	s5 =	simm.s32 @!p1 $0x2  }
0x60: {  	[tilespmem:s0], [sflag:$0x3] =	stream.indirect.gather @!p3 [hbm4b:s4+s3], $0x80, s31, s3, $0xb8;
	[tilespmem:$0x10100] =	vst v63  }
0x61: {  	_ =	swait.ge @!p1 [sflag:s5], $0x4000  }
0x62: {  	s0 =	simm.s32 @!p1 $0x4;
	[sflag:s5] =	ssyncset.done @!p1 $0x0  }
0x63: {  	[sflag:s5] =	ssyncadd.s32 @!p1 $0xFFFFC000  }
0x64: {  	s3 =	sadd.s32 @!p1 s21, s11;
	_ =	swait.ge @!p1 [sflag:s0], $0x4000  }
0x65: {  	s3 =	sadd.s32 @!p1 $0x10000, s3;
	[sflag:s0] =	ssyncset.done @!p1 $0x0  }
0x66: {  	[sflag:s0] =	ssyncadd.s32 @!p1 $0xFFFFC000  }
0x67: {  	[hbm4b:s3+s25] =	stream.linear.scatter @!p1 [tilespmem:s30], [sflag:$0x6], $0x4000, $0x38;
	[tilespmem:$0x10100] =	vst v63  }
.Ltmp0:
0x68: {  	s0 =	sadd.s32 @!p1 s21, s12;
	_ =	swait.ge @!p1 [sflag:s26], $0x4000;
	(pc) =	sbr.rel @p2 .LBB2_2-.Ltmp0, $4  }
0x69: {  	s21 =	smov.u32 s28;
	s0 =	sadd.s32 @!p1 $0x10000, s0;
	[sflag:s26] =	ssyncset.done @!p1 $0x0  }
0x6a: {  	s24 =	sadd.s32 $0x2, s24;
	s28 =	simm.s32 @!p1 $0x5;
	[sflag:s26] =	ssyncadd.s32 @!p1 $0xFFFFC000  }
0x6b: {  	[hbm4b:s0+s25] =	stream.linear.scatter @!p1 [tilespmem:s29], [sflag:$0x5], $0x4000, $0x38;
	[tilespmem:$0x10100] =	vst v63  }
0x6c: {  	s22 =	sadd.s32 $0x400, s22;
	p3 =	sgt.u32 s24, $0xE;
	_ =	swait.ge @!p1 [sflag:s28], $0x4000  }
0x6d: {  	s0 =	sadd.s32 @!p3 $0xFFFFFE00, s22;
	s3 =	simm.s32 @!p3 $0x0;
	[sflag:s28] =	ssyncset.done @!p1 $0x0  }
0x6e: {  	s5 =	simm.s32 @!p3 $0x80;
	s23 =	simm.s32 @!p3 $0x6;
	[sflag:s28] =	ssyncadd.s32 @!p1 $0xFFFFC000  }
0x6f: {  	[tilespmem:s5], [sflag:$0x6] =	stream.linear.gather @!p3 [hbm4b:s0+s3], $0x80, $0x38;
	[tilespmem:$0x10100] =	vst v63  }
0x70: {  	_ =	swait.ge @!p3 [sflag:s23], $0x80  }
0x71: {  	[sflag:s23] =	ssyncset.done @!p3 $0x0  }
0x72: {  	p1 =	por p3, p3;
	s0 =	simm.s32 @!p3 $0x4100;
	[sflag:s23] =	ssyncadd.s32 @!p3 $0xFFFFFF80  }
0x73: {  	[tilespmem:s0], [sflag:$0x2] =	stream.indirect.gather @!p1 [hbm4b:s1+s5], $0x80, s5, s5, $0xb8;
	[tilespmem:$0x10100] =	vst v63  }
0x74: {  	s24 =	simm.s32 @!p3 $0xC100  }
0x75: {  	[tilespmem:s24], [sflag:$0x4] =	stream.indirect.gather @!p1 [hbm4b:s4+s5], $0x80, s5, s5, $0xb8;
	[tilespmem:$0x10100] =	vst v63  }
0x76: {  	_ =	swait.ge [sflag:s17], $0x4000  }
0x77: {  	[sflag:s17] =	ssyncset.done $0x0  }
0x78: {  	[sflag:s17] =	ssyncadd.s32 $0xFFFFC000  }
0x79: {  	_ =	swait.ge [sflag:s18], $0x4000  }
0x7a: {  	[sflag:s18] =	ssyncset.done $0x0  }
0x7b: {  	s30 =	sadd.s32 s21, s11;
	[sflag:s18] =	ssyncadd.s32 $0xFFFFC000  }
0x7c: {  	[hbm4b:s30+s2] =	stream.linear.scatter [tilespmem:s15], [sflag:$0x6], $0x4000, $0x38;
	[tilespmem:$0x10100] =	vst v63  }
0x7d: {  	_ =	swait.ge [sflag:s19], $0x4000  }
0x7e: {  	[sflag:s19] =	ssyncset.done $0x0  }
0x7f: {  	s31 =	sadd.s32 s21, s12;
	[sflag:s19] =	ssyncadd.s32 $0xFFFFC000  }
0x80: {  	[hbm4b:s31+s2] =	stream.linear.scatter [tilespmem:s16], [sflag:$0x6], $0x4000, $0x38;
	[tilespmem:$0x10100] =	vst v63  }
0x81: {  	_ =	swait.ge [sflag:s19], $0x4000  }
0x82: {  	p2 =	seq.s32 s21, $0xE0000;
	[sflag:s19] =	ssyncset.done $0x0  }
0x83: {  	s25 =	simm.s32 @!p2 $0x6;
	s5 =	simm.s32 @!p2 $0x0;
	[sflag:s19] =	ssyncadd.s32 $0xFFFFC000  }
0x84: {  	[tilespmem:s5], [sflag:$0x6] =	stream.linear.gather @!p2 [hbm4b:s22+s5], $0x80, $0x38;
	[tilespmem:$0x10100] =	vst v63  }
0x85: {  	_ =	swait.ge @!p2 [sflag:s25], $0x80  }
0x86: {  	[sflag:s25] =	ssyncset.done @!p2 $0x0  }
0x87: {  	s26 =	simm.s32 @!p2 $0x100;
	s22 =	simm.s32 @!p2 $0x80;
	[sflag:s25] =	ssyncadd.s32 @!p2 $0xFFFFFF80  }
0x88: {  	[tilespmem:s26], [sflag:$0x1] =	stream.indirect.gather @!p2 [hbm4b:s1+s22], $0x80, s5, s22, $0xb8;
	[tilespmem:$0x10100] =	vst v63  }
0x89: {  	s25 =	simm.s32 @!p2 $0x8100;
	s26 =	simm.s32 @!p1 $0x2  }
0x8a: {  	[tilespmem:s25], [sflag:$0x3] =	stream.indirect.gather @!p2 [hbm4b:s4+s22], $0x80, s5, s22, $0xb8;
	[tilespmem:$0x10100] =	vst v63  }
0x8b: {  	_ =	swait.ge @!p1 [sflag:s26], $0x4000  }
0x8c: {  	[sflag:s26] =	ssyncset.done @!p1 $0x0  }
0x8d: {  	s5 =	simm.s32 @!p1 $0x4;
	[sflag:s26] =	ssyncadd.s32 @!p1 $0xFFFFC000  }
0x8e: {  	_ =	swait.ge @!p1 [sflag:s5], $0x4000  }
0x8f: {  	s22 =	sadd.s32 @!p1 s21, s11;
	[sflag:s5] =	ssyncset.done @!p1 $0x0  }
0x90: {  	s22 =	sadd.s32 @!p1 $0x10000, s22;
	[sflag:s5] =	ssyncadd.s32 @!p1 $0xFFFFC000  }
0x91: {  	[hbm4b:s22+s3] =	stream.linear.scatter @!p1 [tilespmem:s0], [sflag:$0x6], $0x4000, $0x38;
	[tilespmem:$0x10100] =	vst v63  }
0x92: {  	_ =	swait.ge @!p1 [sflag:s23], $0x4000  }
0x93: {  	s0 =	sadd.s32 @!p1 s21, s12;
	[sflag:s23] =	ssyncset.done @!p1 $0x0  }
0x94: {  	s5 =	simm.s32 @!p1 $0x5;
	s0 =	sadd.s32 @!p1 $0x10000, s0;
	[sflag:s23] =	ssyncadd.s32 @!p1 $0xFFFFC000  }
0x95: {  	[hbm4b:s0+s3] =	stream.linear.scatter @!p1 [tilespmem:s24], [sflag:$0x5], $0x4000, $0x38;
	[tilespmem:$0x10100] =	vst v63  }
0x96: {  	_ =	swait.ge @!p1 [sflag:s5], $0x4000  }
0x97: {  	[sflag:s5] =	ssyncset.done @!p1 $0x0  }
0x98: {  	s0 =	simm.s32 @!p0 $0x0;
	s3 =	simm.s32 @!p0 $0x5;
	[sflag:s5] =	ssyncadd.s32 @!p1 $0xFFFFC000  }
0x99: {  	[tilespmem:s0], [sflag:$0x5] =	stream.linear.gather @!p0 [hbm4b:s6+s0], $0x80, $0x38;
	[tilespmem:$0x10100] =	vst v63  }
0x9a: {  	_ =	swait.ge @!p0 [sflag:s3], $0x80  }
0x9b: {  	[sflag:s3] =	ssyncset.done @!p0 $0x0  }
0x9c: {  	s21 =	simm.s32 @!p0 $0x100;
	s5 =	simm.s32 @!p0 $0x80;
	[sflag:s3] =	ssyncadd.s32 @!p0 $0xFFFFFF80  }
0x9d: {  	[tilespmem:s21], [sflag:$0x1] =	stream.indirect.gather @!p0 [hbm4b:s1+s5], $0x80, s0, s5, $0xb8;
	[tilespmem:$0x10100] =	vst v63  }
0x9e: {  	s22 =	simm.s32 @!p0 $0x8100  }
0x9f: {  	[tilespmem:s22], [sflag:$0x3] =	stream.indirect.gather @!p0 [hbm4b:s4+s5], $0x80, s0, s5, $0xb8;
	[tilespmem:$0x10100] =	vst v63  }
0xa0: {  	s5 =	simm.s32 @!p0 $0x1  }
0xa1: {  	_ =	swait.ge @!p0 [sflag:s5], $0x4000  }
0xa2: {  	[sflag:s5] =	ssyncset.done @!p0 $0x0  }
0xa3: {  	[sflag:s5] =	ssyncadd.s32 @!p0 $0xFFFFC000;
	s5 =	simm.s32 @!p0 $0x3  }
0xa4: {  	_ =	swait.ge @!p0 [sflag:s5], $0x4000  }
0xa5: {  	[sflag:s5] =	ssyncset.done @!p0 $0x0  }
0xa6: {  	[sflag:s5] =	ssyncadd.s32 @!p0 $0xFFFFC000  }
0xa7: {  	[hbm4b:s7+s0] =	stream.linear.scatter @!p0 [tilespmem:s21], [sflag:$0x5], $0x4000, $0x38;
	[tilespmem:$0x10100] =	vst v63  }
0xa8: {  	s20 =	sadd.s32 $0x1, s20;
	_ =	swait.ge @!p0 [sflag:s3], $0x4000  }
0xa9: {  	p1 =	sne.s32 s20, s9;
	[sflag:s3] =	ssyncset.done @!p0 $0x0  }
.Ltmp1:
0xaa: {  	[sflag:s3] =	ssyncadd.s32 @!p0 $0xFFFFC000;
	(pc) =	sbr.rel @p1 .LBB2_1-.Ltmp1, $4  }
0xab: {  	[hbm4b:s8+s0] =	stream.linear.scatter @!p0 [tilespmem:s22], [sflag:$0x5], $0x4000, $0x38;
	[tilespmem:$0x10100] =	vst v63  }
0xac: {  	_ =	swait.ge @!p0 [sflag:s3], $0x4000  }
0xad: {  	[sflag:s3] =	ssyncset.done @!p0 $0x0  }
0xae: {  	[sflag:s3] =	ssyncadd.s32 @!p0 $0xFFFFC000  }
0xaf: {  	_ =	sfence.sel $0x180000  }
0xb0: {  	[bflag:$0x0] =	sbarrier.arrive $0xFFFF  }
0xb1: {  	_ =	strace $0x90000047  }
0xb2: {  	s0 =	stileid.u32;
	[bflag:$0x2] =	sbarrier.arrive $0xFFFF  }
0xb3: {  	p0 =	sne.s32 s0, $0x0;
	s0 =	rddreg [dreg:$0x2]  }
0xb4: {  	s0 =	sadd.s32 @!p0 $0x100000, s0  }
0xb5: {  	[sflag:s0] =	ssyncadd.tile.s32 @!p0 $0x1;
	_ =	shalt  }
.Lfunc_end2:
_tile_overlayer_lowered:
.L_overlay_start_2:
0xb6: {  	(tag) =	ssettag $0x2  }
0xb7: {  	s0 =	rddreg [dreg:$0x0];
	s2 =	stileid.u32  }
0xb8: {  	s1 =	rddreg [dreg:$0x1];
	p0 =	sne.s32 s2, $0x0  }
0xb9: {  	s3 =	rddreg [dreg:$0x2];
	[bflag:$0x3] =	sbarrier.arrive $0xFFFF;
	s2 =	simm.s32 @!p0 $0x1C05  }
0xba: {  	[timem:s3], [sflag:s2] =	dma.local @!p0 [hbm:s0], s1  }
0xbb: {  	s0 =	simm.s32 @!p0 $0x5  }
0xbc: {  	_ =	swait.ge @!p0 [sflag:s0], s1  }
0xbd: {  	s1 =	ssub.s32 @!p0 $0x0, s1;
	[sflag:s0] =	ssyncset.done @!p0 $0x0  }
0xbe: {  	[sflag:s0] =	ssyncadd.s32 @!p0 s1  }
0xbf: {  	[bflag:$0x3] =	sbarrier.arrive $0xFFFF  }
0xc0: {  	_ =	shalt  }

</sc_bundles>
